<compile_context>
chip_gen: v7x
topology: tpu7x:2x2x1
jax: 0.10.2.dev20260603
libtpu: 0.0.44.dev20260713+nightly
codegen_flags: <defaults>
</compile_context>

<pallas_src>
import functools
import numpy as np
import jax
import jax.numpy as jnp
from jax import lax
from jax.experimental import pallas as pl
from jax.experimental.pallas import tpu as pltpu
from jax.experimental.pallas import tpu_sc as plsc

N = 4096; A = 14; D = 256; P = 64; K = 32; AUG = 8; H = 8; DH = 32; DEPTH = 2
NA = 5 + AUG
FEAT = NA * 3 + NA * 16 + NA + 2 + 21
BIG = 1e9
GEO = 128
NK = N * K



def _ln(x):
    m = jnp.mean(x, -1, keepdims=True)
    v = jnp.var(x, -1, keepdims=True)
    return (x - m) * lax.rsqrt(v + 1e-5)


def _frames_cols(X, Y, Z):
    nx, ny, nz = X[:, 0:1], Y[:, 0:1], Z[:, 0:1]
    cax, cay, caz = X[:, 1:2], Y[:, 1:2], Z[:, 1:2]
    cx, cy, cz = X[:, 2:3], Y[:, 2:3], Z[:, 2:3]
    e1x, e1y, e1z = cx - cax, cy - cay, cz - caz
    n1 = jnp.sqrt(e1x * e1x + e1y * e1y + e1z * e1z)
    e1x, e1y, e1z = e1x / (n1 + 1e-8), e1y / (n1 + 1e-8), e1z / (n1 + 1e-8)
    ux, uy, uz = nx - cax, ny - cay, nz - caz
    dot = ux * e1x + uy * e1y + uz * e1z
    ux, uy, uz = ux - dot * e1x, uy - dot * e1y, uz - dot * e1z
    n2 = jnp.sqrt(ux * ux + uy * uy + uz * uz)
    e2x, e2y, e2z = ux / (n2 + 1e-8), uy / (n2 + 1e-8), uz / (n2 + 1e-8)
    e3x = e1y * e2z - e1z * e2y
    e3y = e1z * e2x - e1x * e2z
    e3z = e1x * e2y - e1y * e2x
    r = ((e1x, e2x, e3x), (e1y, e2y, e3y), (e1z, e2z, e3z))
    t = (cax, cay, caz)
    dX, dY, dZ = X - cax, Y - cay, Z - caz
    lp = tuple(dX * r[0][k] + dY * r[1][k] + dZ * r[2][k] for k in range(3))
    return r, t, lp


def _rbf_cols(dd, dmin, dmax, nb):
    c = np.linspace(dmin, dmax, nb)
    s = (dmax - dmin) / nb
    return jnp.concatenate(
        [jnp.exp(-((dd - float(cj)) ** 2) / (2 * s * s)) for cj in c], axis=1)


def _perm_feats():
    p = []
    for k in range(3):
        for a in range(NA):
            p.append(a * 3 + k)
    for j in range(16):
        for a in range(NA):
            p.append(3 * NA + a * 16 + j)
    p.extend(range(3 * NA + 16 * NA, FEAT))
    return np.array(p)


def _perm_lp():
    return np.array([a * 3 + k for k in range(3) for a in range(NA)])


def _perm_cm(na, nc):
    return np.array([a * nc + j for j in range(nc) for a in range(na)])


_S = np.zeros((D, H), np.float32)
for _h in range(H):
    _S[_h * DH:(_h + 1) * DH, _h] = 1.0


def _prep_params(params):
    pf = _perm_feats()
    plp = _perm_lp()
    pcm = _perm_cm(NA, 16)
    out = {
        'w_augT': params['w_aug'].T,
        'wl1p': params['wl1'][pf],
        'wl2': params['wl2'],
        'blocks': []
    }
    for bp in params['blocks']:
        wcat = jnp.concatenate([
            bp['w_rp'], bp['w_d'][pcm], bp['w_dir'][plp], bp['w_rot'],
            bp['w_pv'][plp]], axis=0)
        out['blocks'].append({
            'wcatT': wcat.T, 'pm1T': bp['pm1'].T, 'pb1T': bp['pb1'][:, None],
            'pm2T': bp['pm2'].T, 'pb2T': bp['pb2'][:, None],
            'wbT': bp['wb'].T,
            'wq': bp['wq'], 'wkv': jnp.concatenate([bp['wk'], bp['wv']], 1),
            'wo': bp['wo'], 'wp1p': bp['wp1'][plp], 'wp2': bp['wp2'],
            'wu': bp['wu'], 'wg': bp['wg'], 'wout': bp['wout']})
    return out



BLK_P = 512


def _pro_body(X, Y, Z, ist, hot, aam, chain, w_augT, wl1p, wl2,
              local_o, lp_o, geo_o):
    X, Y, Z = X[...], Y[...], Z[...]
    r, t, lp = _frames_cols(X, Y, Z)
    w_augT_ = w_augT[...]
    aug = tuple(jnp.dot(lp[d], w_augT_, preferred_element_type=jnp.float32)
                for d in range(3))
    nrm = jnp.mean(jnp.sqrt(aug[0] ** 2 + aug[1] ** 2 + aug[2] ** 2),
                   axis=-1, keepdims=True)
    auga = tuple(aug[d] / (nrm + 1e-8) for d in range(3))
    lp2 = tuple(jnp.concatenate([lp[d][:, :5], auga[d]], axis=1)
                for d in range(3))
    pos2 = tuple(t[d] + sum(r[d][k] * lp2[k] for k in range(3))
                 for d in range(3))
    r2, t2, lpl = _frames_cols(*pos2)
    dist = jnp.sqrt(lpl[0] ** 2 + lpl[1] ** 2 + lpl[2] ** 2 + 1e-8)
    aam_ = aam[...]
    oh_aa = (lax.broadcasted_iota(jnp.int32, (aam_.shape[0], 21), 1)
             == aam_).astype(jnp.float32)
    feats = jnp.concatenate(
        [lpl[0] / (dist + 1e-8), lpl[1] / (dist + 1e-8),
         lpl[2] / (dist + 1e-8), _rbf_cols(dist, 0.0, 22.0, 16),
         jnp.log(dist + 1.0), ist[...], hot[...], oh_aa], axis=1)
    h = jax.nn.gelu(jnp.dot(feats, wl1p[...],
                            preferred_element_type=jnp.float32))
    local_o[...] = _ln(jnp.dot(h, wl2[...],
                               preferred_element_type=jnp.float32))
    lp_o[...] = jnp.concatenate(lpl, axis=1)
    r2f = jnp.concatenate([r2[d][k] for d in range(3) for k in range(3)],
                          axis=1)
    zpad = jnp.zeros((X.shape[0], GEO - (3 * NA + 9 + 1)), jnp.float32)
    geo_o[...] = jnp.concatenate(list(pos2) + [r2f, chain[...], zpad], axis=1)


def _run_prologue(X, Y, Z, ist, hot, aam, chain, w_augT, wl1p, wl2):
    grid = (N // BLK_P,)
    row = lambda i: (i, 0)
    full = lambda i: (0, 0)
    return pl.pallas_call(
        _pro_body,
        grid=grid,
        in_specs=[
            pl.BlockSpec((BLK_P, A), row), pl.BlockSpec((BLK_P, A), row),
            pl.BlockSpec((BLK_P, A), row), pl.BlockSpec((BLK_P, 1), row),
            pl.BlockSpec((BLK_P, 1), row), pl.BlockSpec((BLK_P, 1), row),
            pl.BlockSpec((BLK_P, 1), row),
            pl.BlockSpec((A, AUG), full), pl.BlockSpec((FEAT, 4 * D), full),
            pl.BlockSpec((4 * D, D), full),
        ],
        out_specs=[
            pl.BlockSpec((BLK_P, D), row), pl.BlockSpec((BLK_P, 3 * NA), row),
            pl.BlockSpec((BLK_P, GEO), row),
        ],
        out_shape=[
            jax.ShapeDtypeStruct((N, D), jnp.float32),
            jax.ShapeDtypeStruct((N, 3 * NA), jnp.float32),
            jax.ShapeDtypeStruct((N, GEO), jnp.float32),
        ],
    )(X, Y, Z, ist, hot, aam, chain, w_augT, wl1p, wl2)



BLK_K = 256


def _knn_body(cxc, cyc, czc, batc, istc, cxr, cyr, czr, batr, istr,
              nb_o, nbs_o):
    cx, cy, cz = cxc[...], cyc[...], czc[...]
    sqc = cx * cx + cy * cy + cz * cz
    rx, ry, rz = cxr[...], cyr[...], czr[...]
    sqr = rx * rx + ry * ry + rz * rz
    d2 = sqc + sqr - 2.0 * (cx * rx + cy * ry + cz * rz)
    d2 = jnp.maximum(d2, 0.0)
    keep = (batc[...] == batr[...]) & ~((istc[...] == 1) & (istr[...] == 0))
    d = jnp.where(keep, d2, BIG)
    iota = lax.broadcasted_iota(jnp.int32, d.shape, 1)
    cols = []
    for _ in range(K):
        m = jnp.min(d, axis=1, keepdims=True)
        amin = jnp.min(jnp.where(d == m, iota, N), axis=1, keepdims=True)
        cols.append(jnp.where(m < BIG / 2, amin, -1))
        d = jnp.where(iota == amin, BIG, d)
    nb = jnp.concatenate(cols, axis=1)
    nb_o[...] = nb
    nbs_o[...] = jnp.maximum(nb, 0)


def _run_knn(cxc, cyc, czc, batc, istc, cxr, cyr, czr, batr, istr):
    grid = (N // BLK_K,)
    col = lambda i: (i, 0)
    full = lambda i: (0, 0)
    return pl.pallas_call(
        _knn_body,
        grid=grid,
        in_specs=[pl.BlockSpec((BLK_K, 1), col)] * 5
        + [pl.BlockSpec((1, N), full)] * 5,
        out_specs=[pl.BlockSpec((BLK_K, K), col)] * 2,
        out_shape=[jax.ShapeDtypeStruct((N, K), jnp.int32)] * 2,
    )(cxc, cyc, czc, batc, istc, cxr, cyr, czr, batr, istr)



def _sc_gather(table, idx):
    V, Dt = table.shape
    B = idx.shape[0]
    NW = 32
    per_w = B // NW
    SC_CH = min(128, 32768 // Dt)
    chunks = per_w // SC_CH
    mesh = plsc.VectorSubcoreMesh(core_axis_name="c", subcore_axis_name="s")

    @functools.partial(
        pl.kernel, mesh=mesh,
        out_type=jax.ShapeDtypeStruct((B, Dt), jnp.float32),
        scratch_types=[
            pltpu.VMEM((SC_CH,), jnp.int32),
            pltpu.VMEM((SC_CH,), jnp.int32),
            pltpu.VMEM((SC_CH, Dt), jnp.float32),
            pltpu.VMEM((SC_CH, Dt), jnp.float32),
            pltpu.SemaphoreType.DMA,
            pltpu.SemaphoreType.DMA,
        ],
    )
    def k(table_hbm, idx_hbm, out_hbm, idx0, idx1, rows0, rows1, sem0, sem1):
        wid = lax.axis_index("s") * 2 + lax.axis_index("c")
        base = wid * per_w
        idx_b = (idx0, idx1)
        rows_b = (rows0, rows1)
        sem_b = (sem0, sem1)

        pltpu.sync_copy(idx_hbm.at[pl.ds(base, SC_CH)], idx0)
        pltpu.async_copy(table_hbm.at[idx0], rows0, sem0)

        def step(c, b, nb_):
            @pl.when(c + 1 < chunks)
            def _():
                off_n = base + (c + 1) * SC_CH
                pltpu.sync_copy(idx_hbm.at[pl.ds(off_n, SC_CH)], idx_b[nb_])
                pltpu.async_copy(table_hbm.at[idx_b[nb_]], rows_b[nb_],
                                 sem_b[nb_])
            pltpu.make_async_copy(table_hbm.at[idx_b[b]], rows_b[b],
                                  sem_b[b]).wait()
            pltpu.sync_copy(rows_b[b], out_hbm.at[pl.ds(base + c * SC_CH,
                                                        SC_CH)])

        def body(g, carry):
            step(2 * g, 0, 1)
            step(2 * g + 1, 1, 0)
            return carry

        lax.fori_loop(0, chunks // 2, body, 0)

    return k(table, idx)



PNODE = 128
PBLK = PNODE * K
GSLIM = 3 * NA + 9 + 1
F360 = 65 + 16 * NA + 3 * NA + 9 + 3 * NA


def _pair_body(geoT, geoT_nb, nbfT, wcatT, pm1T, pb1T, pm2T, pb2T, wbT,
               biasT_o):
    pid = pl.program_id(0)
    lane = lax.broadcasted_iota(jnp.int32, (PNODE, PBLK), 1)
    rowi = lax.broadcasted_iota(jnp.int32, (PNODE, PBLK), 0)
    E = (rowi == lane // K).astype(jnp.float32)
    gs = jnp.dot(geoT[...], E, preferred_element_type=jnp.float32)
    gn = geoT_nb[...]
    m_idx = nbfT[...]
    n_idx = (pid * PNODE
             + lax.broadcasted_iota(jnp.int32, (1, PBLK), 1) // K)
    rel = jnp.clip(jnp.maximum(m_idx, 0) - n_idx, -32, 32) + 32
    same = (gn[48:49, :] == gs[48:49, :]).astype(jnp.float32)
    oh = (lax.broadcasted_iota(jnp.int32, (65, PBLK), 0)
          == rel).astype(jnp.float32) * same
    sg = [gs[d * NA:(d + 1) * NA, :] for d in range(3)]
    ng = [gn[d * NA:(d + 1) * NA, :] for d in range(3)]
    sR = [[gs[3 * NA + d * 3 + e:3 * NA + d * 3 + e + 1, :] for e in range(3)]
          for d in range(3)]
    nR = [[gn[3 * NA + d * 3 + f:3 * NA + d * 3 + f + 1, :] for f in range(3)]
          for d in range(3)]
    diff = [sg[d] - ng[d][4:5, :] for d in range(3)]
    dd = jnp.sqrt(diff[0] ** 2 + diff[1] ** 2 + diff[2] ** 2 + 1e-8)
    c = np.linspace(0.0, 22.0, 16)
    s2 = 2 * (22.0 / 16) ** 2
    rbf = jnp.concatenate(
        [jnp.exp(-((dd - float(cj)) ** 2) / s2) for cj in c], axis=0)
    dirs = jnp.concatenate(
        [sum(diff[d] * sR[d][e] for d in range(3)) / (dd + 1e-8)
         for e in range(3)], axis=0)
    rrel = jnp.concatenate(
        [sum(sR[d][e] * nR[d][f] for d in range(3))
         for e in range(3) for f in range(3)], axis=0)
    st = [sg[d][1:2, :] for d in range(3)]
    pv = jnp.concatenate(
        [sum((ng[d] - st[d]) * sR[d][e] for d in range(3)) for e in range(3)],
        axis=0)
    f360 = jnp.concatenate([oh, rbf, dirs, rrel, pv], axis=0)
    pair = jnp.dot(wcatT[...], f360, preferred_element_type=jnp.float32)
    mu = jnp.mean(pair, axis=0, keepdims=True)
    va = jnp.var(pair, axis=0, keepdims=True)
    pair = (pair - mu) * lax.rsqrt(va + 1e-5)
    h = jax.nn.gelu(jnp.dot(pm1T[...], pair,
                            preferred_element_type=jnp.float32) + pb1T[...])
    pair = jnp.dot(pm2T[...], h, preferred_element_type=jnp.float32) + pb2T[...]
    bias = jnp.dot(wbT[...], pair, preferred_element_type=jnp.float32)
    biasT_o[...] = jnp.where(m_idx >= 0, bias, -1e9)


def _run_pair(geoT, geoT_nb, nbfT, bp):
    grid = (NK // PBLK,)
    full = lambda i: (0, 0)
    colb = lambda i: (0, i)
    return pl.pallas_call(
        _pair_body,
        grid=grid,
        in_specs=[
            pl.BlockSpec((GSLIM, PNODE), colb),
            pl.BlockSpec((GSLIM, PBLK), colb),
            pl.BlockSpec((1, PBLK), colb),
            pl.BlockSpec((P, F360), full),
            pl.BlockSpec((2 * P, P), full), pl.BlockSpec((2 * P, 1), full),
            pl.BlockSpec((P, 2 * P), full), pl.BlockSpec((P, 1), full),
            pl.BlockSpec((H, P), full),
        ],
        out_specs=pl.BlockSpec((H, PBLK), colb),
        out_shape=jax.ShapeDtypeStruct((H, NK), jnp.float32),
    )(geoT, geoT_nb, nbfT, bp['wcatT'], bp['pm1T'], bp['pb1T'], bp['pm2T'],
      bp['pb2T'], bp['wbT'])



BLK_A = 128


def _attn_body(final, local, incr, kvn, bias, lpf, wq, wo, wp1p, wp2, wu,
               wg, wout, smat, local_o, incr_o):
    loc = local[...]
    q = jnp.dot(loc, wq[...], preferred_element_type=jnp.float32)
    kvn_ = kvn[...]
    kn3 = kvn_[:, :D].reshape(BLK_A, K, D)
    vn3 = kvn_[:, D:].reshape(BLK_A, K, D)
    prod = (q[:, None, :] * kn3).reshape(BLK_A * K, D)
    sm = smat[...]
    logits = (jnp.dot(prod, sm, preferred_element_type=jnp.float32)
              .reshape(BLK_A, K, H) / np.sqrt(DH)
              + bias[...].reshape(BLK_A, K, H))
    mx = jnp.max(logits, axis=1, keepdims=True)
    e = jnp.exp(logits - mx)
    a = e / jnp.sum(e, axis=1, keepdims=True)
    arep = jnp.dot(a.reshape(BLK_A * K, H), sm.T,
                   preferred_element_type=jnp.float32).reshape(BLK_A, K, D)
    o = jnp.sum(arep * vn3, axis=1)
    up = jnp.dot(o, wo[...], preferred_element_type=jnp.float32)
    inc = incr[...] + up
    loc = _ln(loc + up)
    l2 = loc + jnp.dot(
        jax.nn.gelu(jnp.dot(lpf[...], wp1p[...],
                            preferred_element_type=jnp.float32)),
        wp2[...], preferred_element_type=jnp.float32)
    lu = jnp.dot(l2, wu[...], preferred_element_type=jnp.float32)
    lg = jax.nn.gelu(jnp.dot(l2, wg[...], preferred_element_type=jnp.float32))
    up2 = jnp.dot(lg * lu, wout[...], preferred_element_type=jnp.float32)
    inc = inc + up2
    loc = _ln(loc + up2)
    if final:
        loc = loc + _ln(inc)
    local_o[...] = loc
    incr_o[...] = inc


def _run_attn(local, incr, kvn, bias, lpf, bp, final):
    grid = (N // BLK_A,)
    row = lambda i: (i, 0)
    full = lambda i: (0, 0)
    return pl.pallas_call(
        functools.partial(_attn_body, final),
        grid=grid,
        in_specs=[
            pl.BlockSpec((BLK_A, D), row), pl.BlockSpec((BLK_A, D), row),
            pl.BlockSpec((BLK_A * K, 2 * D), row),
            pl.BlockSpec((BLK_A * K, H), row),
            pl.BlockSpec((BLK_A, 3 * NA), row),
            pl.BlockSpec((D, D), full), pl.BlockSpec((D, D), full),
            pl.BlockSpec((3 * NA, 2 * D), full), pl.BlockSpec((2 * D, D), full),
            pl.BlockSpec((D, 2 * D), full), pl.BlockSpec((D, 2 * D), full),
            pl.BlockSpec((2 * D, D), full), pl.BlockSpec((D, H), full),
        ],
        out_specs=[pl.BlockSpec((BLK_A, D), row)] * 2,
        out_shape=[jax.ShapeDtypeStruct((N, D), jnp.float32)] * 2,
    )(local, incr, kvn, bias, lpf, bp['wq'], bp['wo'], bp['wp1p'],
      bp['wp2'], bp['wu'], bp['wg'], bp['wout'], jnp.asarray(_S))



BLK_M = 512


def _kv_body(local, wkv, kv_o):
    kv_o[...] = jnp.dot(local[...], wkv[...],
                        preferred_element_type=jnp.float32)


def _run_kv(local, wkv):
    return pl.pallas_call(
        _kv_body,
        grid=(N // BLK_M,),
        in_specs=[pl.BlockSpec((BLK_M, D), lambda i: (i, 0)),
                  pl.BlockSpec((D, 2 * D), lambda i: (0, 0))],
        out_specs=pl.BlockSpec((BLK_M, 2 * D), lambda i: (i, 0)),
        out_shape=jax.ShapeDtypeStruct((N, 2 * D), jnp.float32),
    )(local, wkv)



def kernel(pos, residue_index, chain_index, batch_index, mask, is_target,
           hotspots, aa_gt, params):
    del residue_index, mask
    pp = _prep_params(params)
    X = pos[:, :, 0]
    Y = pos[:, :, 1]
    Z = pos[:, :, 2]
    is_t = is_target.astype(jnp.int32)[:, None]
    aam = jnp.where(is_target, aa_gt, 20).astype(jnp.int32)[:, None]
    chain_f = chain_index.astype(jnp.float32)[:, None]
    local, lp_flat, geo = _run_prologue(
        X, Y, Z, is_t.astype(jnp.float32),
        hotspots.astype(jnp.float32)[:, None], aam, chain_f,
        pp['w_augT'], pp['wl1p'], pp['wl2'])
    cx = geo[:, 4:5]
    cy = geo[:, NA + 4:NA + 5]
    cz = geo[:, 2 * NA + 4:2 * NA + 5]
    bat = batch_index.astype(jnp.int32)[:, None]
    nb, nbs = _run_knn(cx, cy, cz, bat, is_t,
                       cx.reshape(1, N), cy.reshape(1, N), cz.reshape(1, N),
                       bat.reshape(1, N), is_t.reshape(1, N))
    nbs_flat = nbs.reshape(NK)
    nbfT = nb.reshape(1, NK)
    geo_nb = _sc_gather(geo, nbs_flat)
    geoT = geo[:, :GSLIM].T
    geoT_nb = geo_nb[:, :GSLIM].T
    incremental = local
    for i, bp in enumerate(pp['blocks']):
        kv = _run_kv(local, bp['wkv'])
        kvn = _sc_gather(kv, nbs_flat)
        biasT = _run_pair(geoT, geoT_nb, nbfT, bp)
        bias = biasT.T
        local, incremental = _run_attn(
            local, incremental, kvn, bias, lp_flat, bp,
            final=(i == DEPTH - 1))
    return local

# --- scband reference (transcript-rebuilt; emitter-appended) ---
"""Pipeline reference for scband-encoder-4063039062793 (READ-ONLY COPY).

The authoritative reference and input builder live on the scoring server;
editing this copy changes nothing except your own understanding.
"""

import jax, jax.numpy as jnp
import numpy as np

N = 4096; A = 14; D = 256; P = 64; K = 32; AUG = 8; H = 8; DH = 32; FACTOR = 2; DEPTH = 2
NA = 5 + AUG
FEAT = NA * 3 + NA * 16 + NA + 2 + 21

def _ln(x):
    m = jnp.mean(x, -1, keepdims=True)
    v = jnp.var(x, -1, keepdims=True)
    return (x - m) * jax.lax.rsqrt(v + 1e-5)

def _frames(pos):
    n, ca, c = pos[:, 0], pos[:, 1], pos[:, 2]
    e1 = c - ca
    e1 = e1 / (jnp.linalg.norm(e1, axis=-1, keepdims=True) + 1e-8)
    u = n - ca
    u = u - jnp.sum(u * e1, -1, keepdims=True) * e1
    e2 = u / (jnp.linalg.norm(u, axis=-1, keepdims=True) + 1e-8)
    e3 = jnp.cross(e1, e2)
    R = jnp.stack([e1, e2, e3], axis=-1)
    t = ca
    local = jnp.einsum('nad,ndk->nak', pos - t[:, None], R)
    return R, t, local

def _rbf(d, dmin, dmax, nb):
    c = jnp.linspace(dmin, dmax, nb)
    s = (dmax - dmin) / nb
    return jnp.exp(-((d[..., None] - c) ** 2) / (2 * s * s))

def _knn(x, batch, is_target, mask, k):
    x = jax.lax.stop_gradient(x)
    sq = jnp.sum(x ** 2, -1)
    d2 = sq[:, None] + sq[None, :] - 2.0 * (x @ x.T)
    d = jnp.sqrt(jnp.maximum(d2, 0.0))
    big = 1e9
    same = batch[:, None] == batch[None, :]
    d = jnp.where(same, d, big)
    tb = is_target[:, None] & (~is_target[None, :])
    d = jnp.where(tb, big, d)
    m2 = mask[:, None] & mask[None, :]
    d = jnp.where(m2, d, big)
    vals, idx = jax.lax.top_k(-d, k)
    nb = jnp.where(vals > -big / 2, idx, -1)
    return nb

def _pair(positions, R, t, nb, resi, chain, mask, bp):
    nbs = jnp.maximum(nb, 0)
    valid = nb >= 0
    rel = jnp.clip(resi[nbs] - resi[:, None], -32, 32) + 32
    oh = jax.nn.one_hot(rel, 65)
    oh = oh * (chain[nbs] == chain[:, None])[..., None].astype(oh.dtype)
    pair = oh @ bp['w_rp']
    pj = positions[nbs]
    ca_j = pj[:, :, 4]
    diff = positions[:, None, :, :] - ca_j[:, :, None, :]
    dd = jnp.sqrt(jnp.sum(diff ** 2, -1) + 1e-8)
    pair = pair + _rbf(dd, 0.0, 22.0, 16).reshape(dd.shape[0], dd.shape[1], -1) @ bp['w_d']
    dirs = jnp.einsum('nkad,nde->nkae', diff, R) / (dd[..., None] + 1e-8)
    pair = pair + dirs.reshape(dirs.shape[0], dirs.shape[1], -1) @ bp['w_dir']
    rrel = jnp.einsum('nde,nkdf->nkef', R, R[nbs])
    pair = pair + rrel.reshape(rrel.shape[0], rrel.shape[1], 9) @ bp['w_rot']
    pv = jnp.einsum('nkad,nde->nkae', pj - t[:, None, None, :], R)
    pair = pair + pv.reshape(pv.shape[0], pv.shape[1], -1) @ bp['w_pv']
    pair = _ln(pair)
    pair = jax.nn.gelu(pair @ bp['pm1'] + bp['pb1']) @ bp['pm2'] + bp['pb2']
    pmask = mask[:, None] & mask[nbs] & valid
    return pair, pmask

def _attn(local, pair, pmask, nb, bp):
    nbs = jnp.maximum(nb, 0)
    q = (local @ bp['wq']).reshape(-1, H, DH)
    k = (local @ bp['wk']).reshape(-1, H, DH)
    v = (local @ bp['wv']).reshape(-1, H, DH)
    kn = k[nbs]
    vn = v[nbs]
    logits = jnp.einsum('nhd,nkhd->nhk', q, kn) / np.sqrt(DH)
    logits = logits + jnp.transpose(pair @ bp['wb'], (0, 2, 1))
    logits = jnp.where(pmask[:, None, :], logits, -1e9)
    a = jax.nn.softmax(logits, -1)
    o = jnp.einsum('nhk,nkhd->nhd', a, vn).reshape(local.shape[0], -1)
    return o @ bp['wo']

def _update(local, lp_flat, bp):
    l = local + jax.nn.gelu(lp_flat @ bp['wp1']) @ bp['wp2']
    lu = l @ bp['wu']
    lg = jax.nn.gelu(l @ bp['wg'])
    return (lg * lu) @ bp['wout']

def _forward(pos, params, resi, chain, batch, mask, is_target, hotspots, aa):
    mask = mask.astype(bool)
    is_target = is_target.astype(bool)
    R, t, lp = _frames(pos)
    aug = jnp.einsum('ka,nad->nkd', params['w_aug'], lp)
    nrm = jnp.mean(jnp.linalg.norm(aug, axis=-1), axis=-1, keepdims=True)
    aug = aug / (nrm[..., None] + 1e-8)
    lp2 = jnp.concatenate([lp[:, :5], aug], axis=1)
    positions = t[:, None] + jnp.einsum('ndk,nak->nad', R, lp2)
    nb = _knn(positions[:, 4], batch, is_target, mask, K)
    R2, t2, lpl = _frames(positions)
    dist = jnp.sqrt(jnp.sum(lpl ** 2, -1) + 1e-8)
    aam = jnp.where(is_target, aa, 20)
    feats = jnp.concatenate([
        (lpl / (dist[..., None] + 1e-8)).reshape(lpl.shape[0], -1),
        _rbf(dist, 0.0, 22.0, 16).reshape(lpl.shape[0], -1),
        jnp.log(dist + 1.0),
        is_target[:, None].astype(jnp.float32),
        hotspots[:, None].astype(jnp.float32),
        jax.nn.one_hot(aam, 21)], axis=-1)
    local = jax.nn.gelu(feats @ params['wl1']) @ params['wl2']
    local = _ln(local)
    lp_flat = lpl.reshape(lpl.shape[0], -1)
    incremental = local
    for bp in params['blocks']:
        pair, pmask = _pair(positions, R2, t2, nb, resi, chain, mask, bp)
        up = _attn(local, pair, pmask, nb, bp)
        incremental = incremental + up
        local = _ln(local + up)
        up = _update(local, lp_flat, bp)
        incremental = incremental + up
        local = _ln(local + up)
    local = local + _ln(incremental)
    return local

def _make_params(key):
    def p(i, s):
        return jax.random.normal(jax.random.fold_in(key, i), s, dtype=jnp.float32) * 0.02
    blocks = []
    for b in range(DEPTH):
        o = 1000 * (b + 1)
        blocks.append({
            'w_rp': p(o + 0, (65, P)), 'w_d': p(o + 1, (NA * 16, P)), 'w_dir': p(o + 2, (NA * 3, P)),
            'w_rot': p(o + 3, (9, P)), 'w_pv': p(o + 4, (NA * 3, P)),
            'pm1': p(o + 5, (P, 2 * P)), 'pb1': jnp.zeros((2 * P,), jnp.float32),
            'pm2': p(o + 6, (2 * P, P)), 'pb2': jnp.zeros((P,), jnp.float32),
            'wq': p(o + 7, (D, H * DH)), 'wk': p(o + 8, (D, H * DH)), 'wv': p(o + 9, (D, H * DH)),
            'wb': p(o + 10, (P, H)), 'wo': p(o + 11, (H * DH, D)),
            'wp1': p(o + 12, (NA * 3, 2 * D)), 'wp2': p(o + 13, (2 * D, D)),
            'wu': p(o + 14, (D, D * FACTOR)), 'wg': p(o + 15, (D, D * FACTOR)), 'wout': p(o + 16, (D * FACTOR, D))})
    return {'w_aug': p(1, (AUG, A)), 'wl1': p(2, (FEAT, 4 * D)), 'wl2': p(3, (4 * D, D)), 'blocks': blocks}

def setup_inputs(seed: int = 0):
    key = jax.random.key(seed)
    ks = jax.random.split(key, 10)
    pos = jax.random.normal(ks[0], (N, A, 3), dtype=jnp.float32) * 3.0
    residue_index = jnp.arange(N, dtype=jnp.int32)
    chain_index = jnp.sort(jax.random.randint(ks[1], (N,), 0, 8)).astype(jnp.int32)
    batch_index = jnp.sort(jax.random.randint(ks[2], (N,), 0, 8)).astype(jnp.int32)
    mask = jnp.ones((N,), dtype=bool)
    is_target = jax.random.randint(ks[3], (N,), 0, 2).astype(bool)
    hotspots = jax.random.randint(ks[4], (N,), 0, 2).astype(bool)
    aa_gt = jax.random.randint(ks[5], (N,), 0, 20).astype(jnp.int32)
    params = _make_params(ks[6])
    return {'pos': pos, 'residue_index': residue_index, 'chain_index': chain_index, 'batch_index': batch_index, 'mask': mask, 'is_target': is_target, 'hotspots': hotspots, 'aa_gt': aa_gt, 'params': params}

def reference(pos, residue_index, chain_index, batch_index, mask, is_target, hotspots, aa_gt, params):
    return _forward(pos, params, residue_index, chain_index, batch_index, mask, is_target, hotspots, aa_gt)

if __name__ == "__main__":
    import jax
    _d = setup_inputs()
    print(jax.jit(kernel)(*tuple(_d.values())))

</pallas_src>

<mosaic_0001>
#map = affine_map<(d0, d1) -> (0, 0)>
#map1 = affine_map<(d0, d1) -> (0)>
module attributes {stable_mosaic.version = 14 : i64} {
  func.func @k(%arg0: i32, %arg1: i32, %arg2: memref<4096x128xf32, #tpu.memory_space<hbm>>, %arg3: memref<131072xi32, #tpu.memory_space<hbm>>, %arg4: memref<131072x128xf32, #tpu.memory_space<hbm>>, %arg5: memref<128xi32, #tpu.memory_space<vmem>>, %arg6: memref<128xi32, #tpu.memory_space<vmem>>, %arg7: memref<128x128xf32, #tpu.memory_space<vmem>>, %arg8: memref<128x128xf32, #tpu.memory_space<vmem>>, %arg9: memref<!tpu.dma_semaphore, #tpu.memory_space<semaphore_mem>>, %arg10: memref<!tpu.dma_semaphore, #tpu.memory_space<semaphore_mem>>) attributes {dimension_semantics = [#tpu.dimension_semantics<core_parallel>, #tpu.dimension_semantics<subcore_parallel>], iteration_bounds = array<i64: 2, 16>, scalar_prefetch = 0 : i64, scratch_operands = 6 : i64, tpu.core_type = #tpu.core_type<sc_vector_subcore>, window_params = [{transform_indices = #map}, {transform_indices = #map1}, {transform_indices = #map}]} {
    %mul3A = arith.constant 2 : i32
    %mul3A_0 = arith.muli %arg1, %mul3A : i32
    %add3A = arith.addi %mul3A_0, %arg0 : i32
    %mul3A_1 = arith.constant 4096 : i32
    %mul3A_2 = arith.muli %add3A, %mul3A_1 : i32
    "tpu.region"() ({
      %run_scoped3A = tpu.sem_alloc : memref<!tpu.dma_semaphore, #tpu.memory_space<semaphore_mem>>
      %dma_start3A_10 = tpu.memref_slice %arg3[%mul3A_2] : memref<131072xi32, #tpu.memory_space<hbm>> -> memref<128xi32, #tpu.memory_space<hbm>>
      %dma_start3A_11 = tpu.memref_slice %arg3[%mul3A_2] : memref<131072xi32, #tpu.memory_space<hbm>> -> memref<128xi32, #tpu.memory_space<hbm>>
      tpu.enqueue_dma source(%dma_start3A_11 : memref<128xi32, #tpu.memory_space<hbm>>) target(%arg5 : memref<128xi32, #tpu.memory_space<vmem>>) target_semaphore(%run_scoped3A : memref<!tpu.dma_semaphore, #tpu.memory_space<semaphore_mem>>)
      %dma_wait3A = tpu.memref_slice %arg3[%mul3A_2] : memref<131072xi32, #tpu.memory_space<hbm>> -> memref<128xi32, #tpu.memory_space<hbm>>
      %dma_wait3A_12 = tpu.memref_slice %arg3[%mul3A_2] : memref<131072xi32, #tpu.memory_space<hbm>> -> memref<128xi32, #tpu.memory_space<hbm>>
      tpu.wait_dma2 semaphore(%run_scoped3A : memref<!tpu.dma_semaphore, #tpu.memory_space<semaphore_mem>>) src(%dma_wait3A_12 : memref<128xi32, #tpu.memory_space<hbm>>) dst(%arg5 : memref<128xi32, #tpu.memory_space<vmem>>)
      tpu.yield
    }) : () -> ()
    %dma_start3A = arith.constant 0 : i32
    %dma_start3A_3 = arith.constant 0 : i32
    %dma_start3A_4 = tpu.memref_slice %arg2[%dma_start3A, %dma_start3A_3] : memref<4096x128xf32, #tpu.memory_space<hbm>> -> memref<4096x128xf32, #tpu.memory_space<hbm>>
    tpu.enqueue_indirect_dma source(%dma_start3A_4 : memref<4096x128xf32, #tpu.memory_space<hbm>>) target(%arg7 : memref<128x128xf32, #tpu.memory_space<vmem>>) offsets(%arg5 : memref<128xi32, #tpu.memory_space<vmem>>) semaphore(%arg9 : memref<!tpu.dma_semaphore, #tpu.memory_space<semaphore_mem>>)
    %scan3A = arith.constant 0 : i32
    %scan3A_5 = arith.constant 0 : i32
    %scan3A_6 = arith.constant 16 : i32
    %scan3A_7 = arith.addi %scan3A_5, %scan3A_6 : i32
    %scan3A_8 = arith.constant 1 : i32
    scf.for %scan3A_10 = %scan3A_5 to %scan3A_7 step %scan3A_8  : i32 {
      %mul3A_11 = arith.constant 2 : i32
      %mul3A_12 = arith.muli %mul3A_11, %scan3A_10 : i32
      %add3A_13 = arith.constant 1 : i32
      %add3A_14 = arith.addi %mul3A_12, %add3A_13 : i32
      %lt3A = arith.constant 32 : i32
      %lt3A_15 = arith.cmpi slt, %add3A_14, %lt3A : i32
      %convert_element_type3A = arith.extui %lt3A_15 : i1 to i32
      %cond3A = arith.constant 0 : i32
      %cond3A_16 = arith.cmpi ne, %convert_element_type3A, %cond3A : i32
      scf.if %cond3A_16 {
        %add3A_39 = arith.constant 1 : i32
        %add3A_40 = arith.addi %mul3A_12, %add3A_39 : i32
        %mul3A_41 = arith.constant 128 : i32
        %mul3A_42 = arith.muli %add3A_40, %mul3A_41 : i32
        %add3A_43 = arith.addi %mul3A_2, %mul3A_42 : i32
        "tpu.region"() ({
          %run_scoped3A = tpu.sem_alloc : memref<!tpu.dma_semaphore, #tpu.memory_space<semaphore_mem>>
          %dma_start3A_47 = tpu.memref_slice %arg3[%add3A_43] : memref<131072xi32, #tpu.memory_space<hbm>> -> memref<128xi32, #tpu.memory_space<hbm>>
          %dma_start3A_48 = tpu.memref_slice %arg3[%add3A_43] : memref<131072xi32, #tpu.memory_space<hbm>> -> memref<128xi32, #tpu.memory_space<hbm>>
          tpu.enqueue_dma source(%dma_start3A_48 : memref<128xi32, #tpu.memory_space<hbm>>) target(%arg6 : memref<128xi32, #tpu.memory_space<vmem>>) target_semaphore(%run_scoped3A : memref<!tpu.dma_semaphore, #tpu.memory_space<semaphore_mem>>)
          %dma_wait3A_49 = tpu.memref_slice %arg3[%add3A_43] : memref<131072xi32, #tpu.memory_space<hbm>> -> memref<128xi32, #tpu.memory_space<hbm>>
          %dma_wait3A_50 = tpu.memref_slice %arg3[%add3A_43] : memref<131072xi32, #tpu.memory_space<hbm>> -> memref<128xi32, #tpu.memory_space<hbm>>
          tpu.wait_dma2 semaphore(%run_scoped3A : memref<!tpu.dma_semaphore, #tpu.memory_space<semaphore_mem>>) src(%dma_wait3A_50 : memref<128xi32, #tpu.memory_space<hbm>>) dst(%arg6 : memref<128xi32, #tpu.memory_space<vmem>>)
          tpu.yield
        }) : () -> ()
        %dma_start3A_44 = arith.constant 0 : i32
        %dma_start3A_45 = arith.constant 0 : i32
        %dma_start3A_46 = tpu.memref_slice %arg2[%dma_start3A_44, %dma_start3A_45] : memref<4096x128xf32, #tpu.memory_space<hbm>> -> memref<4096x128xf32, #tpu.memory_space<hbm>>
        tpu.enqueue_indirect_dma source(%dma_start3A_46 : memref<4096x128xf32, #tpu.memory_space<hbm>>) target(%arg8 : memref<128x128xf32, #tpu.memory_space<vmem>>) offsets(%arg6 : memref<128xi32, #tpu.memory_space<vmem>>) semaphore(%arg10 : memref<!tpu.dma_semaphore, #tpu.memory_space<semaphore_mem>>)
      } else {
      }
      %dma_wait3A = arith.constant 0 : i32
      %dma_wait3A_17 = arith.constant 0 : i32
      %dma_wait3A_18 = tpu.memref_slice %arg2[%dma_wait3A, %dma_wait3A_17] : memref<4096x128xf32, #tpu.memory_space<hbm>> -> memref<4096x128xf32, #tpu.memory_space<hbm>>
      tpu.wait_indirect_dma semaphore(%arg9 : memref<!tpu.dma_semaphore, #tpu.memory_space<semaphore_mem>>) src(%dma_wait3A_18 : memref<4096x128xf32, #tpu.memory_space<hbm>>) dst(%arg7 : memref<128x128xf32, #tpu.memory_space<vmem>>)
      %mul3A_19 = arith.constant 128 : i32
      %mul3A_20 = arith.muli %mul3A_12, %mul3A_19 : i32
      %add3A_21 = arith.addi %mul3A_2, %mul3A_20 : i32
      "tpu.region"() ({
        %run_scoped3A = tpu.sem_alloc : memref<!tpu.dma_semaphore, #tpu.memory_space<semaphore_mem>>
        %dma_start3A_39 = arith.constant 0 : i32
        %dma_start3A_40 = tpu.memref_slice %arg4[%add3A_21, %dma_start3A_39] : memref<131072x128xf32, #tpu.memory_space<hbm>> -> memref<128x128xf32, #tpu.memory_space<hbm>>
        %dma_start3A_41 = arith.constant 0 : i32
        %dma_start3A_42 = tpu.memref_slice %arg4[%add3A_21, %dma_start3A_41] : memref<131072x128xf32, #tpu.memory_space<hbm>> -> memref<128x128xf32, #tpu.memory_space<hbm>>
        tpu.enqueue_dma source(%arg7 : memref<128x128xf32, #tpu.memory_space<vmem>>) target(%dma_start3A_42 : memref<128x128xf32, #tpu.memory_space<hbm>>) target_semaphore(%run_scoped3A : memref<!tpu.dma_semaphore, #tpu.memory_space<semaphore_mem>>)
        %dma_wait3A_43 = arith.constant 0 : i32
        %dma_wait3A_44 = tpu.memref_slice %arg4[%add3A_21, %dma_wait3A_43] : memref<131072x128xf32, #tpu.memory_space<hbm>> -> memref<128x128xf32, #tpu.memory_space<hbm>>
        %dma_wait3A_45 = arith.constant 0 : i32
        %dma_wait3A_46 = tpu.memref_slice %arg4[%add3A_21, %dma_wait3A_45] : memref<131072x128xf32, #tpu.memory_space<hbm>> -> memref<128x128xf32, #tpu.memory_space<hbm>>
        tpu.wait_dma2 semaphore(%run_scoped3A : memref<!tpu.dma_semaphore, #tpu.memory_space<semaphore_mem>>) src(%arg7 : memref<128x128xf32, #tpu.memory_space<vmem>>) dst(%dma_wait3A_46 : memref<128x128xf32, #tpu.memory_space<hbm>>)
        tpu.yield
      }) : () -> ()
      %mul3A_22 = arith.constant 2 : i32
      %mul3A_23 = arith.muli %mul3A_22, %scan3A_10 : i32
      %add3A_24 = arith.constant 1 : i32
      %add3A_25 = arith.addi %mul3A_23, %add3A_24 : i32
      %add3A_26 = arith.constant 1 : i32
      %add3A_27 = arith.addi %add3A_25, %add3A_26 : i32
      %lt3A_28 = arith.constant 32 : i32
      %lt3A_29 = arith.cmpi slt, %add3A_27, %lt3A_28 : i32
      %convert_element_type3A_30 = arith.extui %lt3A_29 : i1 to i32
      %cond3A_31 = arith.constant 0 : i32
      %cond3A_32 = arith.cmpi ne, %convert_element_type3A_30, %cond3A_31 : i32
      scf.if %cond3A_32 {
        %add3A_39 = arith.constant 1 : i32
        %add3A_40 = arith.addi %add3A_25, %add3A_39 : i32
        %mul3A_41 = arith.constant 128 : i32
        %mul3A_42 = arith.muli %add3A_40, %mul3A_41 : i32
        %add3A_43 = arith.addi %mul3A_2, %mul3A_42 : i32
        "tpu.region"() ({
          %run_scoped3A = tpu.sem_alloc : memref<!tpu.dma_semaphore, #tpu.memory_space<semaphore_mem>>
          %dma_start3A_47 = tpu.memref_slice %arg3[%add3A_43] : memref<131072xi32, #tpu.memory_space<hbm>> -> memref<128xi32, #tpu.memory_space<hbm>>
          %dma_start3A_48 = tpu.memref_slice %arg3[%add3A_43] : memref<131072xi32, #tpu.memory_space<hbm>> -> memref<128xi32, #tpu.memory_space<hbm>>
          tpu.enqueue_dma source(%dma_start3A_48 : memref<128xi32, #tpu.memory_space<hbm>>) target(%arg5 : memref<128xi32, #tpu.memory_space<vmem>>) target_semaphore(%run_scoped3A : memref<!tpu.dma_semaphore, #tpu.memory_space<semaphore_mem>>)
          %dma_wait3A_49 = tpu.memref_slice %arg3[%add3A_43] : memref<131072xi32, #tpu.memory_space<hbm>> -> memref<128xi32, #tpu.memory_space<hbm>>
          %dma_wait3A_50 = tpu.memref_slice %arg3[%add3A_43] : memref<131072xi32, #tpu.memory_space<hbm>> -> memref<128xi32, #tpu.memory_space<hbm>>
          tpu.wait_dma2 semaphore(%run_scoped3A : memref<!tpu.dma_semaphore, #tpu.memory_space<semaphore_mem>>) src(%dma_wait3A_50 : memref<128xi32, #tpu.memory_space<hbm>>) dst(%arg5 : memref<128xi32, #tpu.memory_space<vmem>>)
          tpu.yield
        }) : () -> ()
        %dma_start3A_44 = arith.constant 0 : i32
        %dma_start3A_45 = arith.constant 0 : i32
        %dma_start3A_46 = tpu.memref_slice %arg2[%dma_start3A_44, %dma_start3A_45] : memref<4096x128xf32, #tpu.memory_space<hbm>> -> memref<4096x128xf32, #tpu.memory_space<hbm>>
        tpu.enqueue_indirect_dma source(%dma_start3A_46 : memref<4096x128xf32, #tpu.memory_space<hbm>>) target(%arg7 : memref<128x128xf32, #tpu.memory_space<vmem>>) offsets(%arg5 : memref<128xi32, #tpu.memory_space<vmem>>) semaphore(%arg9 : memref<!tpu.dma_semaphore, #tpu.memory_space<semaphore_mem>>)
      } else {
      }
      %dma_wait3A_33 = arith.constant 0 : i32
      %dma_wait3A_34 = arith.constant 0 : i32
      %dma_wait3A_35 = tpu.memref_slice %arg2[%dma_wait3A_33, %dma_wait3A_34] : memref<4096x128xf32, #tpu.memory_space<hbm>> -> memref<4096x128xf32, #tpu.memory_space<hbm>>
      tpu.wait_indirect_dma semaphore(%arg10 : memref<!tpu.dma_semaphore, #tpu.memory_space<semaphore_mem>>) src(%dma_wait3A_35 : memref<4096x128xf32, #tpu.memory_space<hbm>>) dst(%arg8 : memref<128x128xf32, #tpu.memory_space<vmem>>)
      %mul3A_36 = arith.constant 128 : i32
      %mul3A_37 = arith.muli %add3A_25, %mul3A_36 : i32
      %add3A_38 = arith.addi %mul3A_2, %mul3A_37 : i32
      "tpu.region"() ({
        %run_scoped3A = tpu.sem_alloc : memref<!tpu.dma_semaphore, #tpu.memory_space<semaphore_mem>>
        %dma_start3A_39 = arith.constant 0 : i32
        %dma_start3A_40 = tpu.memref_slice %arg4[%add3A_38, %dma_start3A_39] : memref<131072x128xf32, #tpu.memory_space<hbm>> -> memref<128x128xf32, #tpu.memory_space<hbm>>
        %dma_start3A_41 = arith.constant 0 : i32
        %dma_start3A_42 = tpu.memref_slice %arg4[%add3A_38, %dma_start3A_41] : memref<131072x128xf32, #tpu.memory_space<hbm>> -> memref<128x128xf32, #tpu.memory_space<hbm>>
        tpu.enqueue_dma source(%arg8 : memref<128x128xf32, #tpu.memory_space<vmem>>) target(%dma_start3A_42 : memref<128x128xf32, #tpu.memory_space<hbm>>) target_semaphore(%run_scoped3A : memref<!tpu.dma_semaphore, #tpu.memory_space<semaphore_mem>>)
        %dma_wait3A_43 = arith.constant 0 : i32
        %dma_wait3A_44 = tpu.memref_slice %arg4[%add3A_38, %dma_wait3A_43] : memref<131072x128xf32, #tpu.memory_space<hbm>> -> memref<128x128xf32, #tpu.memory_space<hbm>>
        %dma_wait3A_45 = arith.constant 0 : i32
        %dma_wait3A_46 = tpu.memref_slice %arg4[%add3A_38, %dma_wait3A_45] : memref<131072x128xf32, #tpu.memory_space<hbm>> -> memref<128x128xf32, #tpu.memory_space<hbm>>
        tpu.wait_dma2 semaphore(%run_scoped3A : memref<!tpu.dma_semaphore, #tpu.memory_space<semaphore_mem>>) src(%arg8 : memref<128x128xf32, #tpu.memory_space<vmem>>) dst(%dma_wait3A_46 : memref<128x128xf32, #tpu.memory_space<hbm>>)
        tpu.yield
      }) : () -> ()
    }
    %scan3A_9 = arith.constant 16 : i32
    return
  }
}

#map = affine_map<(d0, d1) -> (0, 0)>
#map1 = affine_map<(d0, d1) -> (0)>
module attributes {stable_mosaic.version = 14 : i64} {
  func.func @k(%arg0: i32, %arg1: i32, %arg2: memref<4096x512xf32, #tpu.memory_space<hbm>>, %arg3: memref<131072xi32, #tpu.memory_space<hbm>>, %arg4: memref<131072x512xf32, #tpu.memory_space<hbm>>, %arg5: memref<64xi32, #tpu.memory_space<vmem>>, %arg6: memref<64xi32, #tpu.memory_space<vmem>>, %arg7: memref<64x512xf32, #tpu.memory_space<vmem>>, %arg8: memref<64x512xf32, #tpu.memory_space<vmem>>, %arg9: memref<!tpu.dma_semaphore, #tpu.memory_space<semaphore_mem>>, %arg10: memref<!tpu.dma_semaphore, #tpu.memory_space<semaphore_mem>>) attributes {dimension_semantics = [#tpu.dimension_semantics<core_parallel>, #tpu.dimension_semantics<subcore_parallel>], iteration_bounds = array<i64: 2, 16>, scalar_prefetch = 0 : i64, scratch_operands = 6 : i64, tpu.core_type = #tpu.core_type<sc_vector_subcore>, window_params = [{transform_indices = #map}, {transform_indices = #map1}, {transform_indices = #map}]} {
    %mul3A = arith.constant 2 : i32
    %mul3A_0 = arith.muli %arg1, %mul3A : i32
    %add3A = arith.addi %mul3A_0, %arg0 : i32
    %mul3A_1 = arith.constant 4096 : i32
    %mul3A_2 = arith.muli %add3A, %mul3A_1 : i32
    "tpu.region"() ({
      %run_scoped3A = tpu.sem_alloc : memref<!tpu.dma_semaphore, #tpu.memory_space<semaphore_mem>>
      %dma_start3A_10 = tpu.memref_slice %arg3[%mul3A_2] : memref<131072xi32, #tpu.memory_space<hbm>> -> memref<64xi32, #tpu.memory_space<hbm>>
      %dma_start3A_11 = tpu.memref_slice %arg3[%mul3A_2] : memref<131072xi32, #tpu.memory_space<hbm>> -> memref<64xi32, #tpu.memory_space<hbm>>
      tpu.enqueue_dma source(%dma_start3A_11 : memref<64xi32, #tpu.memory_space<hbm>>) target(%arg5 : memref<64xi32, #tpu.memory_space<vmem>>) target_semaphore(%run_scoped3A : memref<!tpu.dma_semaphore, #tpu.memory_space<semaphore_mem>>)
      %dma_wait3A = tpu.memref_slice %arg3[%mul3A_2] : memref<131072xi32, #tpu.memory_space<hbm>> -> memref<64xi32, #tpu.memory_space<hbm>>
      %dma_wait3A_12 = tpu.memref_slice %arg3[%mul3A_2] : memref<131072xi32, #tpu.memory_space<hbm>> -> memref<64xi32, #tpu.memory_space<hbm>>
      tpu.wait_dma2 semaphore(%run_scoped3A : memref<!tpu.dma_semaphore, #tpu.memory_space<semaphore_mem>>) src(%dma_wait3A_12 : memref<64xi32, #tpu.memory_space<hbm>>) dst(%arg5 : memref<64xi32, #tpu.memory_space<vmem>>)
      tpu.yield
    }) : () -> ()
    %dma_start3A = arith.constant 0 : i32
    %dma_start3A_3 = arith.constant 0 : i32
    %dma_start3A_4 = tpu.memref_slice %arg2[%dma_start3A, %dma_start3A_3] : memref<4096x512xf32, #tpu.memory_space<hbm>> -> memref<4096x512xf32, #tpu.memory_space<hbm>>
    tpu.enqueue_indirect_dma source(%dma_start3A_4 : memref<4096x512xf32, #tpu.memory_space<hbm>>) target(%arg7 : memref<64x512xf32, #tpu.memory_space<vmem>>) offsets(%arg5 : memref<64xi32, #tpu.memory_space<vmem>>) semaphore(%arg9 : memref<!tpu.dma_semaphore, #tpu.memory_space<semaphore_mem>>)
    %scan3A = arith.constant 0 : i32
    %scan3A_5 = arith.constant 0 : i32
    %scan3A_6 = arith.constant 32 : i32
    %scan3A_7 = arith.addi %scan3A_5, %scan3A_6 : i32
    %scan3A_8 = arith.constant 1 : i32
    scf.for %scan3A_10 = %scan3A_5 to %scan3A_7 step %scan3A_8  : i32 {
      %mul3A_11 = arith.constant 2 : i32
      %mul3A_12 = arith.muli %mul3A_11, %scan3A_10 : i32
      %add3A_13 = arith.constant 1 : i32
      %add3A_14 = arith.addi %mul3A_12, %add3A_13 : i32
      %lt3A = arith.constant 64 : i32
      %lt3A_15 = arith.cmpi slt, %add3A_14, %lt3A : i32
      %convert_element_type3A = arith.extui %lt3A_15 : i1 to i32
      %cond3A = arith.constant 0 : i32
      %cond3A_16 = arith.cmpi ne, %convert_element_type3A, %cond3A : i32
      scf.if %cond3A_16 {
        %add3A_39 = arith.constant 1 : i32
        %add3A_40 = arith.addi %mul3A_12, %add3A_39 : i32
        %mul3A_41 = arith.constant 64 : i32
        %mul3A_42 = arith.muli %add3A_40, %mul3A_41 : i32
        %add3A_43 = arith.addi %mul3A_2, %mul3A_42 : i32
        "tpu.region"() ({
          %run_scoped3A = tpu.sem_alloc : memref<!tpu.dma_semaphore, #tpu.memory_space<semaphore_mem>>
          %dma_start3A_47 = tpu.memref_slice %arg3[%add3A_43] : memref<131072xi32, #tpu.memory_space<hbm>> -> memref<64xi32, #tpu.memory_space<hbm>>
          %dma_start3A_48 = tpu.memref_slice %arg3[%add3A_43] : memref<131072xi32, #tpu.memory_space<hbm>> -> memref<64xi32, #tpu.memory_space<hbm>>
          tpu.enqueue_dma source(%dma_start3A_48 : memref<64xi32, #tpu.memory_space<hbm>>) target(%arg6 : memref<64xi32, #tpu.memory_space<vmem>>) target_semaphore(%run_scoped3A : memref<!tpu.dma_semaphore, #tpu.memory_space<semaphore_mem>>)
          %dma_wait3A_49 = tpu.memref_slice %arg3[%add3A_43] : memref<131072xi32, #tpu.memory_space<hbm>> -> memref<64xi32, #tpu.memory_space<hbm>>
          %dma_wait3A_50 = tpu.memref_slice %arg3[%add3A_43] : memref<131072xi32, #tpu.memory_space<hbm>> -> memref<64xi32, #tpu.memory_space<hbm>>
          tpu.wait_dma2 semaphore(%run_scoped3A : memref<!tpu.dma_semaphore, #tpu.memory_space<semaphore_mem>>) src(%dma_wait3A_50 : memref<64xi32, #tpu.memory_space<hbm>>) dst(%arg6 : memref<64xi32, #tpu.memory_space<vmem>>)
          tpu.yield
        }) : () -> ()
        %dma_start3A_44 = arith.constant 0 : i32
        %dma_start3A_45 = arith.constant 0 : i32
        %dma_start3A_46 = tpu.memref_slice %arg2[%dma_start3A_44, %dma_start3A_45] : memref<4096x512xf32, #tpu.memory_space<hbm>> -> memref<4096x512xf32, #tpu.memory_space<hbm>>
        tpu.enqueue_indirect_dma source(%dma_start3A_46 : memref<4096x512xf32, #tpu.memory_space<hbm>>) target(%arg8 : memref<64x512xf32, #tpu.memory_space<vmem>>) offsets(%arg6 : memref<64xi32, #tpu.memory_space<vmem>>) semaphore(%arg10 : memref<!tpu.dma_semaphore, #tpu.memory_space<semaphore_mem>>)
      } else {
      }
      %dma_wait3A = arith.constant 0 : i32
      %dma_wait3A_17 = arith.constant 0 : i32
      %dma_wait3A_18 = tpu.memref_slice %arg2[%dma_wait3A, %dma_wait3A_17] : memref<4096x512xf32, #tpu.memory_space<hbm>> -> memref<4096x512xf32, #tpu.memory_space<hbm>>
      tpu.wait_indirect_dma semaphore(%arg9 : memref<!tpu.dma_semaphore, #tpu.memory_space<semaphore_mem>>) src(%dma_wait3A_18 : memref<4096x512xf32, #tpu.memory_space<hbm>>) dst(%arg7 : memref<64x512xf32, #tpu.memory_space<vmem>>)
      %mul3A_19 = arith.constant 64 : i32
      %mul3A_20 = arith.muli %mul3A_12, %mul3A_19 : i32
      %add3A_21 = arith.addi %mul3A_2, %mul3A_20 : i32
      "tpu.region"() ({
        %run_scoped3A = tpu.sem_alloc : memref<!tpu.dma_semaphore, #tpu.memory_space<semaphore_mem>>
        %dma_start3A_39 = arith.constant 0 : i32
        %dma_start3A_40 = tpu.memref_slice %arg4[%add3A_21, %dma_start3A_39] : memref<131072x512xf32, #tpu.memory_space<hbm>> -> memref<64x512xf32, #tpu.memory_space<hbm>>
        %dma_start3A_41 = arith.constant 0 : i32
        %dma_start3A_42 = tpu.memref_slice %arg4[%add3A_21, %dma_start3A_41] : memref<131072x512xf32, #tpu.memory_space<hbm>> -> memref<64x512xf32, #tpu.memory_space<hbm>>
        tpu.enqueue_dma source(%arg7 : memref<64x512xf32, #tpu.memory_space<vmem>>) target(%dma_start3A_42 : memref<64x512xf32, #tpu.memory_space<hbm>>) target_semaphore(%run_scoped3A : memref<!tpu.dma_semaphore, #tpu.memory_space<semaphore_mem>>)
        %dma_wait3A_43 = arith.constant 0 : i32
        %dma_wait3A_44 = tpu.memref_slice %arg4[%add3A_21, %dma_wait3A_43] : memref<131072x512xf32, #tpu.memory_space<hbm>> -> memref<64x512xf32, #tpu.memory_space<hbm>>
        %dma_wait3A_45 = arith.constant 0 : i32
        %dma_wait3A_46 = tpu.memref_slice %arg4[%add3A_21, %dma_wait3A_45] : memref<131072x512xf32, #tpu.memory_space<hbm>> -> memref<64x512xf32, #tpu.memory_space<hbm>>
        tpu.wait_dma2 semaphore(%run_scoped3A : memref<!tpu.dma_semaphore, #tpu.memory_space<semaphore_mem>>) src(%arg7 : memref<64x512xf32, #tpu.memory_space<vmem>>) dst(%dma_wait3A_46 : memref<64x512xf32, #tpu.memory_space<hbm>>)
        tpu.yield
      }) : () -> ()
      %mul3A_22 = arith.constant 2 : i32
      %mul3A_23 = arith.muli %mul3A_22, %scan3A_10 : i32
      %add3A_24 = arith.constant 1 : i32
      %add3A_25 = arith.addi %mul3A_23, %add3A_24 : i32
      %add3A_26 = arith.constant 1 : i32
      %add3A_27 = arith.addi %add3A_25, %add3A_26 : i32
      %lt3A_28 = arith.constant 64 : i32
      %lt3A_29 = arith.cmpi slt, %add3A_27, %lt3A_28 : i32
      %convert_element_type3A_30 = arith.extui %lt3A_29 : i1 to i32
      %cond3A_31 = arith.constant 0 : i32
      %cond3A_32 = arith.cmpi ne, %convert_element_type3A_30, %cond3A_31 : i32
      scf.if %cond3A_32 {
        %add3A_39 = arith.constant 1 : i32
        %add3A_40 = arith.addi %add3A_25, %add3A_39 : i32
        %mul3A_41 = arith.constant 64 : i32
        %mul3A_42 = arith.muli %add3A_40, %mul3A_41 : i32
        %add3A_43 = arith.addi %mul3A_2, %mul3A_42 : i32
        "tpu.region"() ({
          %run_scoped3A = tpu.sem_alloc : memref<!tpu.dma_semaphore, #tpu.memory_space<semaphore_mem>>
          %dma_start3A_47 = tpu.memref_slice %arg3[%add3A_43] : memref<131072xi32, #tpu.memory_space<hbm>> -> memref<64xi32, #tpu.memory_space<hbm>>
          %dma_start3A_48 = tpu.memref_slice %arg3[%add3A_43] : memref<131072xi32, #tpu.memory_space<hbm>> -> memref<64xi32, #tpu.memory_space<hbm>>
          tpu.enqueue_dma source(%dma_start3A_48 : memref<64xi32, #tpu.memory_space<hbm>>) target(%arg5 : memref<64xi32, #tpu.memory_space<vmem>>) target_semaphore(%run_scoped3A : memref<!tpu.dma_semaphore, #tpu.memory_space<semaphore_mem>>)
          %dma_wait3A_49 = tpu.memref_slice %arg3[%add3A_43] : memref<131072xi32, #tpu.memory_space<hbm>> -> memref<64xi32, #tpu.memory_space<hbm>>
          %dma_wait3A_50 = tpu.memref_slice %arg3[%add3A_43] : memref<131072xi32, #tpu.memory_space<hbm>> -> memref<64xi32, #tpu.memory_space<hbm>>
          tpu.wait_dma2 semaphore(%run_scoped3A : memref<!tpu.dma_semaphore, #tpu.memory_space<semaphore_mem>>) src(%dma_wait3A_50 : memref<64xi32, #tpu.memory_space<hbm>>) dst(%arg5 : memref<64xi32, #tpu.memory_space<vmem>>)
          tpu.yield
        }) : () -> ()
        %dma_start3A_44 = arith.constant 0 : i32
        %dma_start3A_45 = arith.constant 0 : i32
        %dma_start3A_46 = tpu.memref_slice %arg2[%dma_start3A_44, %dma_start3A_45] : memref<4096x512xf32, #tpu.memory_space<hbm>> -> memref<4096x512xf32, #tpu.memory_space<hbm>>
        tpu.enqueue_indirect_dma source(%dma_start3A_46 : memref<4096x512xf32, #tpu.memory_space<hbm>>) target(%arg7 : memref<64x512xf32, #tpu.memory_space<vmem>>) offsets(%arg5 : memref<64xi32, #tpu.memory_space<vmem>>) semaphore(%arg9 : memref<!tpu.dma_semaphore, #tpu.memory_space<semaphore_mem>>)
      } else {
      }
      %dma_wait3A_33 = arith.constant 0 : i32
      %dma_wait3A_34 = arith.constant 0 : i32
      %dma_wait3A_35 = tpu.memref_slice %arg2[%dma_wait3A_33, %dma_wait3A_34] : memref<4096x512xf32, #tpu.memory_space<hbm>> -> memref<4096x512xf32, #tpu.memory_space<hbm>>
      tpu.wait_indirect_dma semaphore(%arg10 : memref<!tpu.dma_semaphore, #tpu.memory_space<semaphore_mem>>) src(%dma_wait3A_35 : memref<4096x512xf32, #tpu.memory_space<hbm>>) dst(%arg8 : memref<64x512xf32, #tpu.memory_space<vmem>>)
      %mul3A_36 = arith.constant 64 : i32
      %mul3A_37 = arith.muli %add3A_25, %mul3A_36 : i32
      %add3A_38 = arith.addi %mul3A_2, %mul3A_37 : i32
      "tpu.region"() ({
        %run_scoped3A = tpu.sem_alloc : memref<!tpu.dma_semaphore, #tpu.memory_space<semaphore_mem>>
        %dma_start3A_39 = arith.constant 0 : i32
        %dma_start3A_40 = tpu.memref_slice %arg4[%add3A_38, %dma_start3A_39] : memref<131072x512xf32, #tpu.memory_space<hbm>> -> memref<64x512xf32, #tpu.memory_space<hbm>>
        %dma_start3A_41 = arith.constant 0 : i32
        %dma_start3A_42 = tpu.memref_slice %arg4[%add3A_38, %dma_start3A_41] : memref<131072x512xf32, #tpu.memory_space<hbm>> -> memref<64x512xf32, #tpu.memory_space<hbm>>
        tpu.enqueue_dma source(%arg8 : memref<64x512xf32, #tpu.memory_space<vmem>>) target(%dma_start3A_42 : memref<64x512xf32, #tpu.memory_space<hbm>>) target_semaphore(%run_scoped3A : memref<!tpu.dma_semaphore, #tpu.memory_space<semaphore_mem>>)
        %dma_wait3A_43 = arith.constant 0 : i32
        %dma_wait3A_44 = tpu.memref_slice %arg4[%add3A_38, %dma_wait3A_43] : memref<131072x512xf32, #tpu.memory_space<hbm>> -> memref<64x512xf32, #tpu.memory_space<hbm>>
        %dma_wait3A_45 = arith.constant 0 : i32
        %dma_wait3A_46 = tpu.memref_slice %arg4[%add3A_38, %dma_wait3A_45] : memref<131072x512xf32, #tpu.memory_space<hbm>> -> memref<64x512xf32, #tpu.memory_space<hbm>>
        tpu.wait_dma2 semaphore(%run_scoped3A : memref<!tpu.dma_semaphore, #tpu.memory_space<semaphore_mem>>) src(%arg8 : memref<64x512xf32, #tpu.memory_space<vmem>>) dst(%dma_wait3A_46 : memref<64x512xf32, #tpu.memory_space<hbm>>)
        tpu.yield
      }) : () -> ()
    }
    %scan3A_9 = arith.constant 32 : i32
    return
  }
}

#map = affine_map<(d0, d1) -> (0, 0)>
#map1 = affine_map<(d0, d1) -> (0)>
module attributes {stable_mosaic.version = 14 : i64} {
  func.func @k(%arg0: i32, %arg1: i32, %arg2: memref<4096x512xf32, #tpu.memory_space<hbm>>, %arg3: memref<131072xi32, #tpu.memory_space<hbm>>, %arg4: memref<131072x512xf32, #tpu.memory_space<hbm>>, %arg5: memref<64xi32, #tpu.memory_space<vmem>>, %arg6: memref<64xi32, #tpu.memory_space<vmem>>, %arg7: memref<64x512xf32, #tpu.memory_space<vmem>>, %arg8: memref<64x512xf32, #tpu.memory_space<vmem>>, %arg9: memref<!tpu.dma_semaphore, #tpu.memory_space<semaphore_mem>>, %arg10: memref<!tpu.dma_semaphore, #tpu.memory_space<semaphore_mem>>) attributes {dimension_semantics = [#tpu.dimension_semantics<core_parallel>, #tpu.dimension_semantics<subcore_parallel>], iteration_bounds = array<i64: 2, 16>, scalar_prefetch = 0 : i64, scratch_operands = 6 : i64, tpu.core_type = #tpu.core_type<sc_vector_subcore>, window_params = [{transform_indices = #map}, {transform_indices = #map1}, {transform_indices = #map}]} {
    %mul3A = arith.constant 2 : i32
    %mul3A_0 = arith.muli %arg1, %mul3A : i32
    %add3A = arith.addi %mul3A_0, %arg0 : i32
    %mul3A_1 = arith.constant 4096 : i32
    %mul3A_2 = arith.muli %add3A, %mul3A_1 : i32
    "tpu.region"() ({
      %run_scoped3A = tpu.sem_alloc : memref<!tpu.dma_semaphore, #tpu.memory_space<semaphore_mem>>
      %dma_start3A_10 = tpu.memref_slice %arg3[%mul3A_2] : memref<131072xi32, #tpu.memory_space<hbm>> -> memref<64xi32, #tpu.memory_space<hbm>>
      %dma_start3A_11 = tpu.memref_slice %arg3[%mul3A_2] : memref<131072xi32, #tpu.memory_space<hbm>> -> memref<64xi32, #tpu.memory_space<hbm>>
      tpu.enqueue_dma source(%dma_start3A_11 : memref<64xi32, #tpu.memory_space<hbm>>) target(%arg5 : memref<64xi32, #tpu.memory_space<vmem>>) target_semaphore(%run_scoped3A : memref<!tpu.dma_semaphore, #tpu.memory_space<semaphore_mem>>)
      %dma_wait3A = tpu.memref_slice %arg3[%mul3A_2] : memref<131072xi32, #tpu.memory_space<hbm>> -> memref<64xi32, #tpu.memory_space<hbm>>
      %dma_wait3A_12 = tpu.memref_slice %arg3[%mul3A_2] : memref<131072xi32, #tpu.memory_space<hbm>> -> memref<64xi32, #tpu.memory_space<hbm>>
      tpu.wait_dma2 semaphore(%run_scoped3A : memref<!tpu.dma_semaphore, #tpu.memory_space<semaphore_mem>>) src(%dma_wait3A_12 : memref<64xi32, #tpu.memory_space<hbm>>) dst(%arg5 : memref<64xi32, #tpu.memory_space<vmem>>)
      tpu.yield
    }) : () -> ()
    %dma_start3A = arith.constant 0 : i32
    %dma_start3A_3 = arith.constant 0 : i32
    %dma_start3A_4 = tpu.memref_slice %arg2[%dma_start3A, %dma_start3A_3] : memref<4096x512xf32, #tpu.memory_space<hbm>> -> memref<4096x512xf32, #tpu.memory_space<hbm>>
    tpu.enqueue_indirect_dma source(%dma_start3A_4 : memref<4096x512xf32, #tpu.memory_space<hbm>>) target(%arg7 : memref<64x512xf32, #tpu.memory_space<vmem>>) offsets(%arg5 : memref<64xi32, #tpu.memory_space<vmem>>) semaphore(%arg9 : memref<!tpu.dma_semaphore, #tpu.memory_space<semaphore_mem>>)
    %scan3A = arith.constant 0 : i32
    %scan3A_5 = arith.constant 0 : i32
    %scan3A_6 = arith.constant 32 : i32
    %scan3A_7 = arith.addi %scan3A_5, %scan3A_6 : i32
    %scan3A_8 = arith.constant 1 : i32
    scf.for %scan3A_10 = %scan3A_5 to %scan3A_7 step %scan3A_8  : i32 {
      %mul3A_11 = arith.constant 2 : i32
      %mul3A_12 = arith.muli %mul3A_11, %scan3A_10 : i32
      %add3A_13 = arith.constant 1 : i32
      %add3A_14 = arith.addi %mul3A_12, %add3A_13 : i32
      %lt3A = arith.constant 64 : i32
      %lt3A_15 = arith.cmpi slt, %add3A_14, %lt3A : i32
      %convert_element_type3A = arith.extui %lt3A_15 : i1 to i32
      %cond3A = arith.constant 0 : i32
      %cond3A_16 = arith.cmpi ne, %convert_element_type3A, %cond3A : i32
      scf.if %cond3A_16 {
        %add3A_39 = arith.constant 1 : i32
        %add3A_40 = arith.addi %mul3A_12, %add3A_39 : i32
        %mul3A_41 = arith.constant 64 : i32
        %mul3A_42 = arith.muli %add3A_40, %mul3A_41 : i32
        %add3A_43 = arith.addi %mul3A_2, %mul3A_42 : i32
        "tpu.region"() ({
          %run_scoped3A = tpu.sem_alloc : memref<!tpu.dma_semaphore, #tpu.memory_space<semaphore_mem>>
          %dma_start3A_47 = tpu.memref_slice %arg3[%add3A_43] : memref<131072xi32, #tpu.memory_space<hbm>> -> memref<64xi32, #tpu.memory_space<hbm>>
          %dma_start3A_48 = tpu.memref_slice %arg3[%add3A_43] : memref<131072xi32, #tpu.memory_space<hbm>> -> memref<64xi32, #tpu.memory_space<hbm>>
          tpu.enqueue_dma source(%dma_start3A_48 : memref<64xi32, #tpu.memory_space<hbm>>) target(%arg6 : memref<64xi32, #tpu.memory_space<vmem>>) target_semaphore(%run_scoped3A : memref<!tpu.dma_semaphore, #tpu.memory_space<semaphore_mem>>)
          %dma_wait3A_49 = tpu.memref_slice %arg3[%add3A_43] : memref<131072xi32, #tpu.memory_space<hbm>> -> memref<64xi32, #tpu.memory_space<hbm>>
          %dma_wait3A_50 = tpu.memref_slice %arg3[%add3A_43] : memref<131072xi32, #tpu.memory_space<hbm>> -> memref<64xi32, #tpu.memory_space<hbm>>
          tpu.wait_dma2 semaphore(%run_scoped3A : memref<!tpu.dma_semaphore, #tpu.memory_space<semaphore_mem>>) src(%dma_wait3A_50 : memref<64xi32, #tpu.memory_space<hbm>>) dst(%arg6 : memref<64xi32, #tpu.memory_space<vmem>>)
          tpu.yield
        }) : () -> ()
        %dma_start3A_44 = arith.constant 0 : i32
        %dma_start3A_45 = arith.constant 0 : i32
        %dma_start3A_46 = tpu.memref_slice %arg2[%dma_start3A_44, %dma_start3A_45] : memref<4096x512xf32, #tpu.memory_space<hbm>> -> memref<4096x512xf32, #tpu.memory_space<hbm>>
        tpu.enqueue_indirect_dma source(%dma_start3A_46 : memref<4096x512xf32, #tpu.memory_space<hbm>>) target(%arg8 : memref<64x512xf32, #tpu.memory_space<vmem>>) offsets(%arg6 : memref<64xi32, #tpu.memory_space<vmem>>) semaphore(%arg10 : memref<!tpu.dma_semaphore, #tpu.memory_space<semaphore_mem>>)
      } else {
      }
      %dma_wait3A = arith.constant 0 : i32
      %dma_wait3A_17 = arith.constant 0 : i32
      %dma_wait3A_18 = tpu.memref_slice %arg2[%dma_wait3A, %dma_wait3A_17] : memref<4096x512xf32, #tpu.memory_space<hbm>> -> memref<4096x512xf32, #tpu.memory_space<hbm>>
      tpu.wait_indirect_dma semaphore(%arg9 : memref<!tpu.dma_semaphore, #tpu.memory_space<semaphore_mem>>) src(%dma_wait3A_18 : memref<4096x512xf32, #tpu.memory_space<hbm>>) dst(%arg7 : memref<64x512xf32, #tpu.memory_space<vmem>>)
      %mul3A_19 = arith.constant 64 : i32
      %mul3A_20 = arith.muli %mul3A_12, %mul3A_19 : i32
      %add3A_21 = arith.addi %mul3A_2, %mul3A_20 : i32
      "tpu.region"() ({
        %run_scoped3A = tpu.sem_alloc : memref<!tpu.dma_semaphore, #tpu.memory_space<semaphore_mem>>
        %dma_start3A_39 = arith.constant 0 : i32
        %dma_start3A_40 = tpu.memref_slice %arg4[%add3A_21, %dma_start3A_39] : memref<131072x512xf32, #tpu.memory_space<hbm>> -> memref<64x512xf32, #tpu.memory_space<hbm>>
        %dma_start3A_41 = arith.constant 0 : i32
        %dma_start3A_42 = tpu.memref_slice %arg4[%add3A_21, %dma_start3A_41] : memref<131072x512xf32, #tpu.memory_space<hbm>> -> memref<64x512xf32, #tpu.memory_space<hbm>>
        tpu.enqueue_dma source(%arg7 : memref<64x512xf32, #tpu.memory_space<vmem>>) target(%dma_start3A_42 : memref<64x512xf32, #tpu.memory_space<hbm>>) target_semaphore(%run_scoped3A : memref<!tpu.dma_semaphore, #tpu.memory_space<semaphore_mem>>)
        %dma_wait3A_43 = arith.constant 0 : i32
        %dma_wait3A_44 = tpu.memref_slice %arg4[%add3A_21, %dma_wait3A_43] : memref<131072x512xf32, #tpu.memory_space<hbm>> -> memref<64x512xf32, #tpu.memory_space<hbm>>
        %dma_wait3A_45 = arith.constant 0 : i32
        %dma_wait3A_46 = tpu.memref_slice %arg4[%add3A_21, %dma_wait3A_45] : memref<131072x512xf32, #tpu.memory_space<hbm>> -> memref<64x512xf32, #tpu.memory_space<hbm>>
        tpu.wait_dma2 semaphore(%run_scoped3A : memref<!tpu.dma_semaphore, #tpu.memory_space<semaphore_mem>>) src(%arg7 : memref<64x512xf32, #tpu.memory_space<vmem>>) dst(%dma_wait3A_46 : memref<64x512xf32, #tpu.memory_space<hbm>>)
        tpu.yield
      }) : () -> ()
      %mul3A_22 = arith.constant 2 : i32
      %mul3A_23 = arith.muli %mul3A_22, %scan3A_10 : i32
      %add3A_24 = arith.constant 1 : i32
      %add3A_25 = arith.addi %mul3A_23, %add3A_24 : i32
      %add3A_26 = arith.constant 1 : i32
      %add3A_27 = arith.addi %add3A_25, %add3A_26 : i32
      %lt3A_28 = arith.constant 64 : i32
      %lt3A_29 = arith.cmpi slt, %add3A_27, %lt3A_28 : i32
      %convert_element_type3A_30 = arith.extui %lt3A_29 : i1 to i32
      %cond3A_31 = arith.constant 0 : i32
      %cond3A_32 = arith.cmpi ne, %convert_element_type3A_30, %cond3A_31 : i32
      scf.if %cond3A_32 {
        %add3A_39 = arith.constant 1 : i32
        %add3A_40 = arith.addi %add3A_25, %add3A_39 : i32
        %mul3A_41 = arith.constant 64 : i32
        %mul3A_42 = arith.muli %add3A_40, %mul3A_41 : i32
        %add3A_43 = arith.addi %mul3A_2, %mul3A_42 : i32
        "tpu.region"() ({
          %run_scoped3A = tpu.sem_alloc : memref<!tpu.dma_semaphore, #tpu.memory_space<semaphore_mem>>
          %dma_start3A_47 = tpu.memref_slice %arg3[%add3A_43] : memref<131072xi32, #tpu.memory_space<hbm>> -> memref<64xi32, #tpu.memory_space<hbm>>
          %dma_start3A_48 = tpu.memref_slice %arg3[%add3A_43] : memref<131072xi32, #tpu.memory_space<hbm>> -> memref<64xi32, #tpu.memory_space<hbm>>
          tpu.enqueue_dma source(%dma_start3A_48 : memref<64xi32, #tpu.memory_space<hbm>>) target(%arg5 : memref<64xi32, #tpu.memory_space<vmem>>) target_semaphore(%run_scoped3A : memref<!tpu.dma_semaphore, #tpu.memory_space<semaphore_mem>>)
          %dma_wait3A_49 = tpu.memref_slice %arg3[%add3A_43] : memref<131072xi32, #tpu.memory_space<hbm>> -> memref<64xi32, #tpu.memory_space<hbm>>
          %dma_wait3A_50 = tpu.memref_slice %arg3[%add3A_43] : memref<131072xi32, #tpu.memory_space<hbm>> -> memref<64xi32, #tpu.memory_space<hbm>>
          tpu.wait_dma2 semaphore(%run_scoped3A : memref<!tpu.dma_semaphore, #tpu.memory_space<semaphore_mem>>) src(%dma_wait3A_50 : memref<64xi32, #tpu.memory_space<hbm>>) dst(%arg5 : memref<64xi32, #tpu.memory_space<vmem>>)
          tpu.yield
        }) : () -> ()
        %dma_start3A_44 = arith.constant 0 : i32
        %dma_start3A_45 = arith.constant 0 : i32
        %dma_start3A_46 = tpu.memref_slice %arg2[%dma_start3A_44, %dma_start3A_45] : memref<4096x512xf32, #tpu.memory_space<hbm>> -> memref<4096x512xf32, #tpu.memory_space<hbm>>
        tpu.enqueue_indirect_dma source(%dma_start3A_46 : memref<4096x512xf32, #tpu.memory_space<hbm>>) target(%arg7 : memref<64x512xf32, #tpu.memory_space<vmem>>) offsets(%arg5 : memref<64xi32, #tpu.memory_space<vmem>>) semaphore(%arg9 : memref<!tpu.dma_semaphore, #tpu.memory_space<semaphore_mem>>)
      } else {
      }
      %dma_wait3A_33 = arith.constant 0 : i32
      %dma_wait3A_34 = arith.constant 0 : i32
      %dma_wait3A_35 = tpu.memref_slice %arg2[%dma_wait3A_33, %dma_wait3A_34] : memref<4096x512xf32, #tpu.memory_space<hbm>> -> memref<4096x512xf32, #tpu.memory_space<hbm>>
      tpu.wait_indirect_dma semaphore(%arg10 : memref<!tpu.dma_semaphore, #tpu.memory_space<semaphore_mem>>) src(%dma_wait3A_35 : memref<4096x512xf32, #tpu.memory_space<hbm>>) dst(%arg8 : memref<64x512xf32, #tpu.memory_space<vmem>>)
      %mul3A_36 = arith.constant 64 : i32
      %mul3A_37 = arith.muli %add3A_25, %mul3A_36 : i32
      %add3A_38 = arith.addi %mul3A_2, %mul3A_37 : i32
      "tpu.region"() ({
        %run_scoped3A = tpu.sem_alloc : memref<!tpu.dma_semaphore, #tpu.memory_space<semaphore_mem>>
        %dma_start3A_39 = arith.constant 0 : i32
        %dma_start3A_40 = tpu.memref_slice %arg4[%add3A_38, %dma_start3A_39] : memref<131072x512xf32, #tpu.memory_space<hbm>> -> memref<64x512xf32, #tpu.memory_space<hbm>>
        %dma_start3A_41 = arith.constant 0 : i32
        %dma_start3A_42 = tpu.memref_slice %arg4[%add3A_38, %dma_start3A_41] : memref<131072x512xf32, #tpu.memory_space<hbm>> -> memref<64x512xf32, #tpu.memory_space<hbm>>
        tpu.enqueue_dma source(%arg8 : memref<64x512xf32, #tpu.memory_space<vmem>>) target(%dma_start3A_42 : memref<64x512xf32, #tpu.memory_space<hbm>>) target_semaphore(%run_scoped3A : memref<!tpu.dma_semaphore, #tpu.memory_space<semaphore_mem>>)
        %dma_wait3A_43 = arith.constant 0 : i32
        %dma_wait3A_44 = tpu.memref_slice %arg4[%add3A_38, %dma_wait3A_43] : memref<131072x512xf32, #tpu.memory_space<hbm>> -> memref<64x512xf32, #tpu.memory_space<hbm>>
        %dma_wait3A_45 = arith.constant 0 : i32
        %dma_wait3A_46 = tpu.memref_slice %arg4[%add3A_38, %dma_wait3A_45] : memref<131072x512xf32, #tpu.memory_space<hbm>> -> memref<64x512xf32, #tpu.memory_space<hbm>>
        tpu.wait_dma2 semaphore(%run_scoped3A : memref<!tpu.dma_semaphore, #tpu.memory_space<semaphore_mem>>) src(%arg8 : memref<64x512xf32, #tpu.memory_space<vmem>>) dst(%dma_wait3A_46 : memref<64x512xf32, #tpu.memory_space<hbm>>)
        tpu.yield
      }) : () -> ()
    }
    %scan3A_9 = arith.constant 32 : i32
    return
  }
}

module attributes {stable_mosaic.version = 14 : i64} {
  func.func @_pro_body(%arg0: i32, %arg1: memref<512x14xf32, #tpu.memory_space<vmem>>, %arg2: memref<512x14xf32, #tpu.memory_space<vmem>>, %arg3: memref<512x14xf32, #tpu.memory_space<vmem>>, %arg4: memref<512x1xf32, #tpu.memory_space<vmem>>, %arg5: memref<512x1xf32, #tpu.memory_space<vmem>>, %arg6: memref<512x1xi32, #tpu.memory_space<vmem>>, %arg7: memref<512x1xf32, #tpu.memory_space<vmem>>, %arg8: memref<14x8xf32, #tpu.memory_space<vmem>>, %arg9: memref<283x1024xf32, #tpu.memory_space<vmem>>, %arg10: memref<1024x256xf32, #tpu.memory_space<vmem>>, %arg11: memref<512x256xf32, #tpu.memory_space<vmem>>, %arg12: memref<512x39xf32, #tpu.memory_space<vmem>>, %arg13: memref<512x128xf32, #tpu.memory_space<vmem>>) attributes {dimension_semantics = [#tpu.dimension_semantics<arbitrary>], iteration_bounds = array<i64: 8>, scalar_prefetch = 0 : i64, scratch_operands = 0 : i64, tpu.core_type = #tpu.core_type<tc>, window_params = [{transform_indices = @transform_0, window_bounds = array<i64: 512, 14>}, {transform_indices = @transform_1, window_bounds = array<i64: 512, 14>}, {transform_indices = @transform_2, window_bounds = array<i64: 512, 14>}, {transform_indices = @transform_3, window_bounds = array<i64: 512, 1>}, {transform_indices = @transform_4, window_bounds = array<i64: 512, 1>}, {transform_indices = @transform_5, window_bounds = array<i64: 512, 1>}, {transform_indices = @transform_6, window_bounds = array<i64: 512, 1>}, {pipeline_mode = #tpu.pipeline_mode<synchronous>, transform_indices = @transform_7, window_bounds = array<i64: 14, 8>}, {pipeline_mode = #tpu.pipeline_mode<synchronous>, transform_indices = @transform_8, window_bounds = array<i64: 283, 1024>}, {pipeline_mode = #tpu.pipeline_mode<synchronous>, transform_indices = @transform_9, window_bounds = array<i64: 1024, 256>}, {transform_indices = @transform_10, window_bounds = array<i64: 512, 256>}, {transform_indices = @transform_11, window_bounds = array<i64: 512, 39>}, {transform_indices = @transform_12, window_bounds = array<i64: 512, 128>}]} {
    %get3A = arith.constant 0 : index
    %get3A_0 = arith.constant 0 : index
    %get3A_1 = vector.load %arg1[%get3A, %get3A_0] : memref<512x14xf32, #tpu.memory_space<vmem>>, vector<512x14xf32>
    %get3A_2 = arith.constant 0 : index
    %get3A_3 = arith.constant 0 : index
    %get3A_4 = vector.load %arg2[%get3A_2, %get3A_3] : memref<512x14xf32, #tpu.memory_space<vmem>>, vector<512x14xf32>
    %get3A_5 = arith.constant 0 : index
    %get3A_6 = arith.constant 0 : index
    %get3A_7 = vector.load %arg3[%get3A_5, %get3A_6] : memref<512x14xf32, #tpu.memory_space<vmem>>, vector<512x14xf32>
    %slice3A = vector.extract_strided_slice %get3A_1 {offsets = [0, 0], sizes = [512, 1], strides = [1, 1]} : vector<512x14xf32> to vector<512x1xf32>
    %slice3A_8 = vector.extract_strided_slice %get3A_4 {offsets = [0, 0], sizes = [512, 1], strides = [1, 1]} : vector<512x14xf32> to vector<512x1xf32>
    %slice3A_9 = vector.extract_strided_slice %get3A_7 {offsets = [0, 0], sizes = [512, 1], strides = [1, 1]} : vector<512x14xf32> to vector<512x1xf32>
    %slice3A_10 = vector.extract_strided_slice %get3A_1 {offsets = [0, 1], sizes = [512, 1], strides = [1, 1]} : vector<512x14xf32> to vector<512x1xf32>
    %slice3A_11 = vector.extract_strided_slice %get3A_4 {offsets = [0, 1], sizes = [512, 1], strides = [1, 1]} : vector<512x14xf32> to vector<512x1xf32>
    %slice3A_12 = vector.extract_strided_slice %get3A_7 {offsets = [0, 1], sizes = [512, 1], strides = [1, 1]} : vector<512x14xf32> to vector<512x1xf32>
    %slice3A_13 = vector.extract_strided_slice %get3A_1 {offsets = [0, 2], sizes = [512, 1], strides = [1, 1]} : vector<512x14xf32> to vector<512x1xf32>
    %slice3A_14 = vector.extract_strided_slice %get3A_4 {offsets = [0, 2], sizes = [512, 1], strides = [1, 1]} : vector<512x14xf32> to vector<512x1xf32>
    %slice3A_15 = vector.extract_strided_slice %get3A_7 {offsets = [0, 2], sizes = [512, 1], strides = [1, 1]} : vector<512x14xf32> to vector<512x1xf32>
    %sub3A = arith.subf %slice3A_13, %slice3A_10 : vector<512x1xf32>
    %sub3A_16 = arith.subf %slice3A_14, %slice3A_11 : vector<512x1xf32>
    %sub3A_17 = arith.subf %slice3A_15, %slice3A_12 : vector<512x1xf32>
    %mul3A = arith.mulf %sub3A, %sub3A : vector<512x1xf32>
    %mul3A_18 = arith.mulf %sub3A_16, %sub3A_16 : vector<512x1xf32>
    %add3A = arith.addf %mul3A, %mul3A_18 : vector<512x1xf32>
    %mul3A_19 = arith.mulf %sub3A_17, %sub3A_17 : vector<512x1xf32>
    %add3A_20 = arith.addf %add3A, %mul3A_19 : vector<512x1xf32>
    %sqrt3A = math.sqrt %add3A_20 : vector<512x1xf32>
    %add3A_21 = arith.constant 9.99999993E-9 : f32
    %add3A_22 = vector.broadcast %add3A_21 : f32 to vector<512x1xf32>
    %add3A_23 = arith.addf %sqrt3A, %add3A_22 : vector<512x1xf32>
    %div3A = arith.divf %sub3A, %add3A_23 : vector<512x1xf32>
    %add3A_24 = arith.constant 9.99999993E-9 : f32
    %add3A_25 = vector.broadcast %add3A_24 : f32 to vector<512x1xf32>
    %add3A_26 = arith.addf %sqrt3A, %add3A_25 : vector<512x1xf32>
    %div3A_27 = arith.divf %sub3A_16, %add3A_26 : vector<512x1xf32>
    %add3A_28 = arith.constant 9.99999993E-9 : f32
    %add3A_29 = vector.broadcast %add3A_28 : f32 to vector<512x1xf32>
    %add3A_30 = arith.addf %sqrt3A, %add3A_29 : vector<512x1xf32>
    %div3A_31 = arith.divf %sub3A_17, %add3A_30 : vector<512x1xf32>
    %sub3A_32 = arith.subf %slice3A, %slice3A_10 : vector<512x1xf32>
    %sub3A_33 = arith.subf %slice3A_8, %slice3A_11 : vector<512x1xf32>
    %sub3A_34 = arith.subf %slice3A_9, %slice3A_12 : vector<512x1xf32>
    %mul3A_35 = arith.mulf %sub3A_32, %div3A : vector<512x1xf32>
    %mul3A_36 = arith.mulf %sub3A_33, %div3A_27 : vector<512x1xf32>
    %add3A_37 = arith.addf %mul3A_35, %mul3A_36 : vector<512x1xf32>
    %mul3A_38 = arith.mulf %sub3A_34, %div3A_31 : vector<512x1xf32>
    %add3A_39 = arith.addf %add3A_37, %mul3A_38 : vector<512x1xf32>
    %mul3A_40 = arith.mulf %add3A_39, %div3A : vector<512x1xf32>
    %sub3A_41 = arith.subf %sub3A_32, %mul3A_40 : vector<512x1xf32>
    %mul3A_42 = arith.mulf %add3A_39, %div3A_27 : vector<512x1xf32>
    %sub3A_43 = arith.subf %sub3A_33, %mul3A_42 : vector<512x1xf32>
    %mul3A_44 = arith.mulf %add3A_39, %div3A_31 : vector<512x1xf32>
    %sub3A_45 = arith.subf %sub3A_34, %mul3A_44 : vector<512x1xf32>
    %mul3A_46 = arith.mulf %sub3A_41, %sub3A_41 : vector<512x1xf32>
    %mul3A_47 = arith.mulf %sub3A_43, %sub3A_43 : vector<512x1xf32>
    %add3A_48 = arith.addf %mul3A_46, %mul3A_47 : vector<512x1xf32>
    %mul3A_49 = arith.mulf %sub3A_45, %sub3A_45 : vector<512x1xf32>
    %add3A_50 = arith.addf %add3A_48, %mul3A_49 : vector<512x1xf32>
    %sqrt3A_51 = math.sqrt %add3A_50 : vector<512x1xf32>
    %add3A_52 = arith.constant 9.99999993E-9 : f32
    %add3A_53 = vector.broadcast %add3A_52 : f32 to vector<512x1xf32>
    %add3A_54 = arith.addf %sqrt3A_51, %add3A_53 : vector<512x1xf32>
    %div3A_55 = arith.divf %sub3A_41, %add3A_54 : vector<512x1xf32>
    %add3A_56 = arith.constant 9.99999993E-9 : f32
    %add3A_57 = vector.broadcast %add3A_56 : f32 to vector<512x1xf32>
    %add3A_58 = arith.addf %sqrt3A_51, %add3A_57 : vector<512x1xf32>
    %div3A_59 = arith.divf %sub3A_43, %add3A_58 : vector<512x1xf32>
    %add3A_60 = arith.constant 9.99999993E-9 : f32
    %add3A_61 = vector.broadcast %add3A_60 : f32 to vector<512x1xf32>
    %add3A_62 = arith.addf %sqrt3A_51, %add3A_61 : vector<512x1xf32>
    %div3A_63 = arith.divf %sub3A_45, %add3A_62 : vector<512x1xf32>
    %mul3A_64 = arith.mulf %div3A_27, %div3A_63 : vector<512x1xf32>
    %mul3A_65 = arith.mulf %div3A_31, %div3A_59 : vector<512x1xf32>
    %sub3A_66 = arith.subf %mul3A_64, %mul3A_65 : vector<512x1xf32>
    %mul3A_67 = arith.mulf %div3A_31, %div3A_55 : vector<512x1xf32>
    %mul3A_68 = arith.mulf %div3A, %div3A_63 : vector<512x1xf32>
    %sub3A_69 = arith.subf %mul3A_67, %mul3A_68 : vector<512x1xf32>
    %mul3A_70 = arith.mulf %div3A, %div3A_59 : vector<512x1xf32>
    %mul3A_71 = arith.mulf %div3A_27, %div3A_55 : vector<512x1xf32>
    %sub3A_72 = arith.subf %mul3A_70, %mul3A_71 : vector<512x1xf32>
    %sub3A_73 = vector.broadcast %slice3A_10 : vector<512x1xf32> to vector<512x14xf32>
    %sub3A_74 = arith.subf %get3A_1, %sub3A_73 : vector<512x14xf32>
    %sub3A_75 = vector.broadcast %slice3A_11 : vector<512x1xf32> to vector<512x14xf32>
    %sub3A_76 = arith.subf %get3A_4, %sub3A_75 : vector<512x14xf32>
    %sub3A_77 = vector.broadcast %slice3A_12 : vector<512x1xf32> to vector<512x14xf32>
    %sub3A_78 = arith.subf %get3A_7, %sub3A_77 : vector<512x14xf32>
    %mul3A_79 = vector.broadcast %div3A : vector<512x1xf32> to vector<512x14xf32>
    %mul3A_80 = arith.mulf %sub3A_74, %mul3A_79 : vector<512x14xf32>
    %mul3A_81 = vector.broadcast %div3A_27 : vector<512x1xf32> to vector<512x14xf32>
    %mul3A_82 = arith.mulf %sub3A_76, %mul3A_81 : vector<512x14xf32>
    %add3A_83 = arith.addf %mul3A_80, %mul3A_82 : vector<512x14xf32>
    %mul3A_84 = vector.broadcast %div3A_31 : vector<512x1xf32> to vector<512x14xf32>
    %mul3A_85 = arith.mulf %sub3A_78, %mul3A_84 : vector<512x14xf32>
    %add3A_86 = arith.addf %add3A_83, %mul3A_85 : vector<512x14xf32>
    %mul3A_87 = vector.broadcast %div3A_55 : vector<512x1xf32> to vector<512x14xf32>
    %mul3A_88 = arith.mulf %sub3A_74, %mul3A_87 : vector<512x14xf32>
    %mul3A_89 = vector.broadcast %div3A_59 : vector<512x1xf32> to vector<512x14xf32>
    %mul3A_90 = arith.mulf %sub3A_76, %mul3A_89 : vector<512x14xf32>
    %add3A_91 = arith.addf %mul3A_88, %mul3A_90 : vector<512x14xf32>
    %mul3A_92 = vector.broadcast %div3A_63 : vector<512x1xf32> to vector<512x14xf32>
    %mul3A_93 = arith.mulf %sub3A_78, %mul3A_92 : vector<512x14xf32>
    %add3A_94 = arith.addf %add3A_91, %mul3A_93 : vector<512x14xf32>
    %mul3A_95 = vector.broadcast %sub3A_66 : vector<512x1xf32> to vector<512x14xf32>
    %mul3A_96 = arith.mulf %sub3A_74, %mul3A_95 : vector<512x14xf32>
    %mul3A_97 = vector.broadcast %sub3A_69 : vector<512x1xf32> to vector<512x14xf32>
    %mul3A_98 = arith.mulf %sub3A_76, %mul3A_97 : vector<512x14xf32>
    %add3A_99 = arith.addf %mul3A_96, %mul3A_98 : vector<512x14xf32>
    %mul3A_100 = vector.broadcast %sub3A_72 : vector<512x1xf32> to vector<512x14xf32>
    %mul3A_101 = arith.mulf %sub3A_78, %mul3A_100 : vector<512x14xf32>
    %add3A_102 = arith.addf %add3A_99, %mul3A_101 : vector<512x14xf32>
    %get3A_103 = arith.constant 0 : index
    %get3A_104 = arith.constant 0 : index
    %get3A_105 = vector.load %arg8[%get3A_103, %get3A_104] : memref<14x8xf32, #tpu.memory_space<vmem>>, vector<14x8xf32>
    %dot_general3A = arith.constant dense<0.000000e+00> : vector<512x8xf32>
    %dot_general3A_106 = tpu.matmul %add3A_86, %get3A_105, %dot_general3A {dimension_numbers = #tpu.dot_dimension_numbers<[1], [0], [0], [1], [0, 0, 1, 1], [], []>, transpose_lhs_hint = false} : vector<512x14xf32>, vector<14x8xf32>, vector<512x8xf32> -> vector<512x8xf32>
    %dot_general3A_107 = arith.constant dense<0.000000e+00> : vector<512x8xf32>
    %dot_general3A_108 = tpu.matmul %add3A_94, %get3A_105, %dot_general3A_107 {dimension_numbers = #tpu.dot_dimension_numbers<[1], [0], [0], [1], [0, 0, 1, 1], [], []>, transpose_lhs_hint = false} : vector<512x14xf32>, vector<14x8xf32>, vector<512x8xf32> -> vector<512x8xf32>
    %dot_general3A_109 = arith.constant dense<0.000000e+00> : vector<512x8xf32>
    %dot_general3A_110 = tpu.matmul %add3A_102, %get3A_105, %dot_general3A_109 {dimension_numbers = #tpu.dot_dimension_numbers<[1], [0], [0], [1], [0, 0, 1, 1], [], []>, transpose_lhs_hint = false} : vector<512x14xf32>, vector<14x8xf32>, vector<512x8xf32> -> vector<512x8xf32>
    %integer_pow3A = arith.mulf %dot_general3A_106, %dot_general3A_106 : vector<512x8xf32>
    %integer_pow3A_111 = arith.mulf %dot_general3A_108, %dot_general3A_108 : vector<512x8xf32>
    %add3A_112 = arith.addf %integer_pow3A, %integer_pow3A_111 : vector<512x8xf32>
    %integer_pow3A_113 = arith.mulf %dot_general3A_110, %dot_general3A_110 : vector<512x8xf32>
    %add3A_114 = arith.addf %add3A_112, %integer_pow3A_113 : vector<512x8xf32>
    %sqrt3A_115 = math.sqrt %add3A_114 : vector<512x8xf32>
    %reduce_sum3A = arith.constant dense<0.000000e+00> : vector<512xf32>
    %reduce_sum3A_116 = vector.multi_reduction <add>, %sqrt3A_115, %reduce_sum3A [1] : vector<512x8xf32> to vector<512xf32>
    %broadcast_in_dim3A = vector.shape_cast %reduce_sum3A_116 : vector<512xf32> to vector<512x1xf32>
    %div3A_117 = arith.constant 8.000000e+00 : f32
    %div3A_118 = vector.broadcast %div3A_117 : f32 to vector<512x1xf32>
    %div3A_119 = arith.divf %broadcast_in_dim3A, %div3A_118 : vector<512x1xf32>
    %add3A_120 = arith.constant 9.99999993E-9 : f32
    %add3A_121 = vector.broadcast %add3A_120 : f32 to vector<512x1xf32>
    %add3A_122 = arith.addf %div3A_119, %add3A_121 : vector<512x1xf32>
    %div3A_123 = vector.broadcast %add3A_122 : vector<512x1xf32> to vector<512x8xf32>
    %div3A_124 = arith.divf %dot_general3A_106, %div3A_123 : vector<512x8xf32>
    %add3A_125 = arith.constant 9.99999993E-9 : f32
    %add3A_126 = vector.broadcast %add3A_125 : f32 to vector<512x1xf32>
    %add3A_127 = arith.addf %div3A_119, %add3A_126 : vector<512x1xf32>
    %div3A_128 = vector.broadcast %add3A_127 : vector<512x1xf32> to vector<512x8xf32>
    %div3A_129 = arith.divf %dot_general3A_108, %div3A_128 : vector<512x8xf32>
    %add3A_130 = arith.constant 9.99999993E-9 : f32
    %add3A_131 = vector.broadcast %add3A_130 : f32 to vector<512x1xf32>
    %add3A_132 = arith.addf %div3A_119, %add3A_131 : vector<512x1xf32>
    %div3A_133 = vector.broadcast %add3A_132 : vector<512x1xf32> to vector<512x8xf32>
    %div3A_134 = arith.divf %dot_general3A_110, %div3A_133 : vector<512x8xf32>
    %slice3A_135 = vector.extract_strided_slice %add3A_86 {offsets = [0, 0], sizes = [512, 5], strides = [1, 1]} : vector<512x14xf32> to vector<512x5xf32>
    %concatenate3A = tpu.concatenate %slice3A_135, %div3A_124 in 1 : vector<512x5xf32>, vector<512x8xf32> -> vector<512x13xf32>
    %slice3A_136 = vector.extract_strided_slice %add3A_94 {offsets = [0, 0], sizes = [512, 5], strides = [1, 1]} : vector<512x14xf32> to vector<512x5xf32>
    %concatenate3A_137 = tpu.concatenate %slice3A_136, %div3A_129 in 1 : vector<512x5xf32>, vector<512x8xf32> -> vector<512x13xf32>
    %slice3A_138 = vector.extract_strided_slice %add3A_102 {offsets = [0, 0], sizes = [512, 5], strides = [1, 1]} : vector<512x14xf32> to vector<512x5xf32>
    %concatenate3A_139 = tpu.concatenate %slice3A_138, %div3A_134 in 1 : vector<512x5xf32>, vector<512x8xf32> -> vector<512x13xf32>
    %mul3A_140 = vector.broadcast %div3A : vector<512x1xf32> to vector<512x13xf32>
    %mul3A_141 = arith.mulf %mul3A_140, %concatenate3A : vector<512x13xf32>
    %add3A_142 = arith.constant 0.000000e+00 : f32
    %add3A_143 = vector.broadcast %add3A_142 : f32 to vector<512x13xf32>
    %add3A_144 = arith.addf %add3A_143, %mul3A_141 : vector<512x13xf32>
    %mul3A_145 = vector.broadcast %div3A_55 : vector<512x1xf32> to vector<512x13xf32>
    %mul3A_146 = arith.mulf %mul3A_145, %concatenate3A_137 : vector<512x13xf32>
    %add3A_147 = arith.addf %add3A_144, %mul3A_146 : vector<512x13xf32>
    %mul3A_148 = vector.broadcast %sub3A_66 : vector<512x1xf32> to vector<512x13xf32>
    %mul3A_149 = arith.mulf %mul3A_148, %concatenate3A_139 : vector<512x13xf32>
    %add3A_150 = arith.addf %add3A_147, %mul3A_149 : vector<512x13xf32>
    %add3A_151 = vector.broadcast %slice3A_10 : vector<512x1xf32> to vector<512x13xf32>
    %add3A_152 = arith.addf %add3A_151, %add3A_150 : vector<512x13xf32>
    %mul3A_153 = vector.broadcast %div3A_27 : vector<512x1xf32> to vector<512x13xf32>
    %mul3A_154 = arith.mulf %mul3A_153, %concatenate3A : vector<512x13xf32>
    %add3A_155 = arith.constant 0.000000e+00 : f32
    %add3A_156 = vector.broadcast %add3A_155 : f32 to vector<512x13xf32>
    %add3A_157 = arith.addf %add3A_156, %mul3A_154 : vector<512x13xf32>
    %mul3A_158 = vector.broadcast %div3A_59 : vector<512x1xf32> to vector<512x13xf32>
    %mul3A_159 = arith.mulf %mul3A_158, %concatenate3A_137 : vector<512x13xf32>
    %add3A_160 = arith.addf %add3A_157, %mul3A_159 : vector<512x13xf32>
    %mul3A_161 = vector.broadcast %sub3A_69 : vector<512x1xf32> to vector<512x13xf32>
    %mul3A_162 = arith.mulf %mul3A_161, %concatenate3A_139 : vector<512x13xf32>
    %add3A_163 = arith.addf %add3A_160, %mul3A_162 : vector<512x13xf32>
    %add3A_164 = vector.broadcast %slice3A_11 : vector<512x1xf32> to vector<512x13xf32>
    %add3A_165 = arith.addf %add3A_164, %add3A_163 : vector<512x13xf32>
    %mul3A_166 = vector.broadcast %div3A_31 : vector<512x1xf32> to vector<512x13xf32>
    %mul3A_167 = arith.mulf %mul3A_166, %concatenate3A : vector<512x13xf32>
    %add3A_168 = arith.constant 0.000000e+00 : f32
    %add3A_169 = vector.broadcast %add3A_168 : f32 to vector<512x13xf32>
    %add3A_170 = arith.addf %add3A_169, %mul3A_167 : vector<512x13xf32>
    %mul3A_171 = vector.broadcast %div3A_63 : vector<512x1xf32> to vector<512x13xf32>
    %mul3A_172 = arith.mulf %mul3A_171, %concatenate3A_137 : vector<512x13xf32>
    %add3A_173 = arith.addf %add3A_170, %mul3A_172 : vector<512x13xf32>
    %mul3A_174 = vector.broadcast %sub3A_72 : vector<512x1xf32> to vector<512x13xf32>
    %mul3A_175 = arith.mulf %mul3A_174, %concatenate3A_139 : vector<512x13xf32>
    %add3A_176 = arith.addf %add3A_173, %mul3A_175 : vector<512x13xf32>
    %add3A_177 = vector.broadcast %slice3A_12 : vector<512x1xf32> to vector<512x13xf32>
    %add3A_178 = arith.addf %add3A_177, %add3A_176 : vector<512x13xf32>
    %slice3A_179 = vector.extract_strided_slice %add3A_152 {offsets = [0, 0], sizes = [512, 1], strides = [1, 1]} : vector<512x13xf32> to vector<512x1xf32>
    %slice3A_180 = vector.extract_strided_slice %add3A_165 {offsets = [0, 0], sizes = [512, 1], strides = [1, 1]} : vector<512x13xf32> to vector<512x1xf32>
    %slice3A_181 = vector.extract_strided_slice %add3A_178 {offsets = [0, 0], sizes = [512, 1], strides = [1, 1]} : vector<512x13xf32> to vector<512x1xf32>
    %slice3A_182 = vector.extract_strided_slice %add3A_152 {offsets = [0, 1], sizes = [512, 1], strides = [1, 1]} : vector<512x13xf32> to vector<512x1xf32>
    %slice3A_183 = vector.extract_strided_slice %add3A_165 {offsets = [0, 1], sizes = [512, 1], strides = [1, 1]} : vector<512x13xf32> to vector<512x1xf32>
    %slice3A_184 = vector.extract_strided_slice %add3A_178 {offsets = [0, 1], sizes = [512, 1], strides = [1, 1]} : vector<512x13xf32> to vector<512x1xf32>
    %slice3A_185 = vector.extract_strided_slice %add3A_152 {offsets = [0, 2], sizes = [512, 1], strides = [1, 1]} : vector<512x13xf32> to vector<512x1xf32>
    %slice3A_186 = vector.extract_strided_slice %add3A_165 {offsets = [0, 2], sizes = [512, 1], strides = [1, 1]} : vector<512x13xf32> to vector<512x1xf32>
    %slice3A_187 = vector.extract_strided_slice %add3A_178 {offsets = [0, 2], sizes = [512, 1], strides = [1, 1]} : vector<512x13xf32> to vector<512x1xf32>
    %sub3A_188 = arith.subf %slice3A_185, %slice3A_182 : vector<512x1xf32>
    %sub3A_189 = arith.subf %slice3A_186, %slice3A_183 : vector<512x1xf32>
    %sub3A_190 = arith.subf %slice3A_187, %slice3A_184 : vector<512x1xf32>
    %mul3A_191 = arith.mulf %sub3A_188, %sub3A_188 : vector<512x1xf32>
    %mul3A_192 = arith.mulf %sub3A_189, %sub3A_189 : vector<512x1xf32>
    %add3A_193 = arith.addf %mul3A_191, %mul3A_192 : vector<512x1xf32>
    %mul3A_194 = arith.mulf %sub3A_190, %sub3A_190 : vector<512x1xf32>
    %add3A_195 = arith.addf %add3A_193, %mul3A_194 : vector<512x1xf32>
    %sqrt3A_196 = math.sqrt %add3A_195 : vector<512x1xf32>
    %add3A_197 = arith.constant 9.99999993E-9 : f32
    %add3A_198 = vector.broadcast %add3A_197 : f32 to vector<512x1xf32>
    %add3A_199 = arith.addf %sqrt3A_196, %add3A_198 : vector<512x1xf32>
    %div3A_200 = arith.divf %sub3A_188, %add3A_199 : vector<512x1xf32>
    %add3A_201 = arith.constant 9.99999993E-9 : f32
    %add3A_202 = vector.broadcast %add3A_201 : f32 to vector<512x1xf32>
    %add3A_203 = arith.addf %sqrt3A_196, %add3A_202 : vector<512x1xf32>
    %div3A_204 = arith.divf %sub3A_189, %add3A_203 : vector<512x1xf32>
    %add3A_205 = arith.constant 9.99999993E-9 : f32
    %add3A_206 = vector.broadcast %add3A_205 : f32 to vector<512x1xf32>
    %add3A_207 = arith.addf %sqrt3A_196, %add3A_206 : vector<512x1xf32>
    %div3A_208 = arith.divf %sub3A_190, %add3A_207 : vector<512x1xf32>
    %sub3A_209 = arith.subf %slice3A_179, %slice3A_182 : vector<512x1xf32>
    %sub3A_210 = arith.subf %slice3A_180, %slice3A_183 : vector<512x1xf32>
    %sub3A_211 = arith.subf %slice3A_181, %slice3A_184 : vector<512x1xf32>
    %mul3A_212 = arith.mulf %sub3A_209, %div3A_200 : vector<512x1xf32>
    %mul3A_213 = arith.mulf %sub3A_210, %div3A_204 : vector<512x1xf32>
    %add3A_214 = arith.addf %mul3A_212, %mul3A_213 : vector<512x1xf32>
    %mul3A_215 = arith.mulf %sub3A_211, %div3A_208 : vector<512x1xf32>
    %add3A_216 = arith.addf %add3A_214, %mul3A_215 : vector<512x1xf32>
    %mul3A_217 = arith.mulf %add3A_216, %div3A_200 : vector<512x1xf32>
    %sub3A_218 = arith.subf %sub3A_209, %mul3A_217 : vector<512x1xf32>
    %mul3A_219 = arith.mulf %add3A_216, %div3A_204 : vector<512x1xf32>
    %sub3A_220 = arith.subf %sub3A_210, %mul3A_219 : vector<512x1xf32>
    %mul3A_221 = arith.mulf %add3A_216, %div3A_208 : vector<512x1xf32>
    %sub3A_222 = arith.subf %sub3A_211, %mul3A_221 : vector<512x1xf32>
    %mul3A_223 = arith.mulf %sub3A_218, %sub3A_218 : vector<512x1xf32>
    %mul3A_224 = arith.mulf %sub3A_220, %sub3A_220 : vector<512x1xf32>
    %add3A_225 = arith.addf %mul3A_223, %mul3A_224 : vector<512x1xf32>
    %mul3A_226 = arith.mulf %sub3A_222, %sub3A_222 : vector<512x1xf32>
    %add3A_227 = arith.addf %add3A_225, %mul3A_226 : vector<512x1xf32>
    %sqrt3A_228 = math.sqrt %add3A_227 : vector<512x1xf32>
    %add3A_229 = arith.constant 9.99999993E-9 : f32
    %add3A_230 = vector.broadcast %add3A_229 : f32 to vector<512x1xf32>
    %add3A_231 = arith.addf %sqrt3A_228, %add3A_230 : vector<512x1xf32>
    %div3A_232 = arith.divf %sub3A_218, %add3A_231 : vector<512x1xf32>
    %add3A_233 = arith.constant 9.99999993E-9 : f32
    %add3A_234 = vector.broadcast %add3A_233 : f32 to vector<512x1xf32>
    %add3A_235 = arith.addf %sqrt3A_228, %add3A_234 : vector<512x1xf32>
    %div3A_236 = arith.divf %sub3A_220, %add3A_235 : vector<512x1xf32>
    %add3A_237 = arith.constant 9.99999993E-9 : f32
    %add3A_238 = vector.broadcast %add3A_237 : f32 to vector<512x1xf32>
    %add3A_239 = arith.addf %sqrt3A_228, %add3A_238 : vector<512x1xf32>
    %div3A_240 = arith.divf %sub3A_222, %add3A_239 : vector<512x1xf32>
    %mul3A_241 = arith.mulf %div3A_204, %div3A_240 : vector<512x1xf32>
    %mul3A_242 = arith.mulf %div3A_208, %div3A_236 : vector<512x1xf32>
    %sub3A_243 = arith.subf %mul3A_241, %mul3A_242 : vector<512x1xf32>
    %mul3A_244 = arith.mulf %div3A_208, %div3A_232 : vector<512x1xf32>
    %mul3A_245 = arith.mulf %div3A_200, %div3A_240 : vector<512x1xf32>
    %sub3A_246 = arith.subf %mul3A_244, %mul3A_245 : vector<512x1xf32>
    %mul3A_247 = arith.mulf %div3A_200, %div3A_236 : vector<512x1xf32>
    %mul3A_248 = arith.mulf %div3A_204, %div3A_232 : vector<512x1xf32>
    %sub3A_249 = arith.subf %mul3A_247, %mul3A_248 : vector<512x1xf32>
    %sub3A_250 = vector.broadcast %slice3A_182 : vector<512x1xf32> to vector<512x13xf32>
    %sub3A_251 = arith.subf %add3A_152, %sub3A_250 : vector<512x13xf32>
    %sub3A_252 = vector.broadcast %slice3A_183 : vector<512x1xf32> to vector<512x13xf32>
    %sub3A_253 = arith.subf %add3A_165, %sub3A_252 : vector<512x13xf32>
    %sub3A_254 = vector.broadcast %slice3A_184 : vector<512x1xf32> to vector<512x13xf32>
    %sub3A_255 = arith.subf %add3A_178, %sub3A_254 : vector<512x13xf32>
    %mul3A_256 = vector.broadcast %div3A_200 : vector<512x1xf32> to vector<512x13xf32>
    %mul3A_257 = arith.mulf %sub3A_251, %mul3A_256 : vector<512x13xf32>
    %mul3A_258 = vector.broadcast %div3A_204 : vector<512x1xf32> to vector<512x13xf32>
    %mul3A_259 = arith.mulf %sub3A_253, %mul3A_258 : vector<512x13xf32>
    %add3A_260 = arith.addf %mul3A_257, %mul3A_259 : vector<512x13xf32>
    %mul3A_261 = vector.broadcast %div3A_208 : vector<512x1xf32> to vector<512x13xf32>
    %mul3A_262 = arith.mulf %sub3A_255, %mul3A_261 : vector<512x13xf32>
    %add3A_263 = arith.addf %add3A_260, %mul3A_262 : vector<512x13xf32>
    %mul3A_264 = vector.broadcast %div3A_232 : vector<512x1xf32> to vector<512x13xf32>
    %mul3A_265 = arith.mulf %sub3A_251, %mul3A_264 : vector<512x13xf32>
    %mul3A_266 = vector.broadcast %div3A_236 : vector<512x1xf32> to vector<512x13xf32>
    %mul3A_267 = arith.mulf %sub3A_253, %mul3A_266 : vector<512x13xf32>
    %add3A_268 = arith.addf %mul3A_265, %mul3A_267 : vector<512x13xf32>
    %mul3A_269 = vector.broadcast %div3A_240 : vector<512x1xf32> to vector<512x13xf32>
    %mul3A_270 = arith.mulf %sub3A_255, %mul3A_269 : vector<512x13xf32>
    %add3A_271 = arith.addf %add3A_268, %mul3A_270 : vector<512x13xf32>
    %mul3A_272 = vector.broadcast %sub3A_243 : vector<512x1xf32> to vector<512x13xf32>
    %mul3A_273 = arith.mulf %sub3A_251, %mul3A_272 : vector<512x13xf32>
    %mul3A_274 = vector.broadcast %sub3A_246 : vector<512x1xf32> to vector<512x13xf32>
    %mul3A_275 = arith.mulf %sub3A_253, %mul3A_274 : vector<512x13xf32>
    %add3A_276 = arith.addf %mul3A_273, %mul3A_275 : vector<512x13xf32>
    %mul3A_277 = vector.broadcast %sub3A_249 : vector<512x1xf32> to vector<512x13xf32>
    %mul3A_278 = arith.mulf %sub3A_255, %mul3A_277 : vector<512x13xf32>
    %add3A_279 = arith.addf %add3A_276, %mul3A_278 : vector<512x13xf32>
    %integer_pow3A_280 = arith.mulf %add3A_263, %add3A_263 : vector<512x13xf32>
    %integer_pow3A_281 = arith.mulf %add3A_271, %add3A_271 : vector<512x13xf32>
    %add3A_282 = arith.addf %integer_pow3A_280, %integer_pow3A_281 : vector<512x13xf32>
    %integer_pow3A_283 = arith.mulf %add3A_279, %add3A_279 : vector<512x13xf32>
    %add3A_284 = arith.addf %add3A_282, %integer_pow3A_283 : vector<512x13xf32>
    %add3A_285 = arith.constant 9.99999993E-9 : f32
    %add3A_286 = vector.broadcast %add3A_285 : f32 to vector<512x13xf32>
    %add3A_287 = arith.addf %add3A_284, %add3A_286 : vector<512x13xf32>
    %sqrt3A_288 = math.sqrt %add3A_287 : vector<512x13xf32>
    %get3A_289 = arith.constant 0 : index
    %get3A_290 = arith.constant 0 : index
    %get3A_291 = vector.load %arg6[%get3A_289, %get3A_290] : memref<512x1xi32, #tpu.memory_space<vmem>>, vector<512x1xi32>
    %iota3A = tpu.iota {dimensions = array<i32: 1>} : vector<512x21xi32>
    %eq3A = vector.broadcast %get3A_291 : vector<512x1xi32> to vector<512x21xi32>
    %eq3A_292 = arith.cmpi eq, %iota3A, %eq3A : vector<512x21xi32>
    %convert_element_type3A = arith.extui %eq3A_292 : vector<512x21xi1> to vector<512x21xi32>
    %convert_element_type3A_293 = arith.sitofp %convert_element_type3A : vector<512x21xi32> to vector<512x21xf32>
    %add3A_294 = arith.constant 9.99999993E-9 : f32
    %add3A_295 = vector.broadcast %add3A_294 : f32 to vector<512x13xf32>
    %add3A_296 = arith.addf %sqrt3A_288, %add3A_295 : vector<512x13xf32>
    %div3A_297 = arith.divf %add3A_263, %add3A_296 : vector<512x13xf32>
    %add3A_298 = arith.constant 9.99999993E-9 : f32
    %add3A_299 = vector.broadcast %add3A_298 : f32 to vector<512x13xf32>
    %add3A_300 = arith.addf %sqrt3A_288, %add3A_299 : vector<512x13xf32>
    %div3A_301 = arith.divf %add3A_271, %add3A_300 : vector<512x13xf32>
    %add3A_302 = arith.constant 9.99999993E-9 : f32
    %add3A_303 = vector.broadcast %add3A_302 : f32 to vector<512x13xf32>
    %add3A_304 = arith.addf %sqrt3A_288, %add3A_303 : vector<512x13xf32>
    %div3A_305 = arith.divf %add3A_279, %add3A_304 : vector<512x13xf32>
    %sub3A_306 = arith.constant 0.000000e+00 : f32
    %sub3A_307 = vector.broadcast %sub3A_306 : f32 to vector<512x13xf32>
    %sub3A_308 = arith.subf %sqrt3A_288, %sub3A_307 : vector<512x13xf32>
    %integer_pow3A_309 = arith.mulf %sub3A_308, %sub3A_308 : vector<512x13xf32>
    %neg3A = arith.constant 0.000000e+00 : f32
    %neg3A_310 = vector.broadcast %neg3A : f32 to vector<512x13xf32>
    %neg3A_311 = arith.subf %neg3A_310, %integer_pow3A_309 : vector<512x13xf32>
    %div3A_312 = arith.constant 3.781250e+00 : f32
    %div3A_313 = vector.broadcast %div3A_312 : f32 to vector<512x13xf32>
    %div3A_314 = arith.divf %neg3A_311, %div3A_313 : vector<512x13xf32>
    %exp3A = math.exp %div3A_314 : vector<512x13xf32>
    %sub3A_315 = arith.constant 1.4666667 : f32
    %sub3A_316 = vector.broadcast %sub3A_315 : f32 to vector<512x13xf32>
    %sub3A_317 = arith.subf %sqrt3A_288, %sub3A_316 : vector<512x13xf32>
    %integer_pow3A_318 = arith.mulf %sub3A_317, %sub3A_317 : vector<512x13xf32>
    %neg3A_319 = arith.constant 0.000000e+00 : f32
    %neg3A_320 = vector.broadcast %neg3A_319 : f32 to vector<512x13xf32>
    %neg3A_321 = arith.subf %neg3A_320, %integer_pow3A_318 : vector<512x13xf32>
    %div3A_322 = arith.constant 3.781250e+00 : f32
    %div3A_323 = vector.broadcast %div3A_322 : f32 to vector<512x13xf32>
    %div3A_324 = arith.divf %neg3A_321, %div3A_323 : vector<512x13xf32>
    %exp3A_325 = math.exp %div3A_324 : vector<512x13xf32>
    %sub3A_326 = arith.constant 2.9333334 : f32
    %sub3A_327 = vector.broadcast %sub3A_326 : f32 to vector<512x13xf32>
    %sub3A_328 = arith.subf %sqrt3A_288, %sub3A_327 : vector<512x13xf32>
    %integer_pow3A_329 = arith.mulf %sub3A_328, %sub3A_328 : vector<512x13xf32>
    %neg3A_330 = arith.constant 0.000000e+00 : f32
    %neg3A_331 = vector.broadcast %neg3A_330 : f32 to vector<512x13xf32>
    %neg3A_332 = arith.subf %neg3A_331, %integer_pow3A_329 : vector<512x13xf32>
    %div3A_333 = arith.constant 3.781250e+00 : f32
    %div3A_334 = vector.broadcast %div3A_333 : f32 to vector<512x13xf32>
    %div3A_335 = arith.divf %neg3A_332, %div3A_334 : vector<512x13xf32>
    %exp3A_336 = math.exp %div3A_335 : vector<512x13xf32>
    %sub3A_337 = arith.constant 4.400000e+00 : f32
    %sub3A_338 = vector.broadcast %sub3A_337 : f32 to vector<512x13xf32>
    %sub3A_339 = arith.subf %sqrt3A_288, %sub3A_338 : vector<512x13xf32>
    %integer_pow3A_340 = arith.mulf %sub3A_339, %sub3A_339 : vector<512x13xf32>
    %neg3A_341 = arith.constant 0.000000e+00 : f32
    %neg3A_342 = vector.broadcast %neg3A_341 : f32 to vector<512x13xf32>
    %neg3A_343 = arith.subf %neg3A_342, %integer_pow3A_340 : vector<512x13xf32>
    %div3A_344 = arith.constant 3.781250e+00 : f32
    %div3A_345 = vector.broadcast %div3A_344 : f32 to vector<512x13xf32>
    %div3A_346 = arith.divf %neg3A_343, %div3A_345 : vector<512x13xf32>
    %exp3A_347 = math.exp %div3A_346 : vector<512x13xf32>
    %sub3A_348 = arith.constant 5.86666679 : f32
    %sub3A_349 = vector.broadcast %sub3A_348 : f32 to vector<512x13xf32>
    %sub3A_350 = arith.subf %sqrt3A_288, %sub3A_349 : vector<512x13xf32>
    %integer_pow3A_351 = arith.mulf %sub3A_350, %sub3A_350 : vector<512x13xf32>
    %neg3A_352 = arith.constant 0.000000e+00 : f32
    %neg3A_353 = vector.broadcast %neg3A_352 : f32 to vector<512x13xf32>
    %neg3A_354 = arith.subf %neg3A_353, %integer_pow3A_351 : vector<512x13xf32>
    %div3A_355 = arith.constant 3.781250e+00 : f32
    %div3A_356 = vector.broadcast %div3A_355 : f32 to vector<512x13xf32>
    %div3A_357 = arith.divf %neg3A_354, %div3A_356 : vector<512x13xf32>
    %exp3A_358 = math.exp %div3A_357 : vector<512x13xf32>
    %sub3A_359 = arith.constant 7.33333349 : f32
    %sub3A_360 = vector.broadcast %sub3A_359 : f32 to vector<512x13xf32>
    %sub3A_361 = arith.subf %sqrt3A_288, %sub3A_360 : vector<512x13xf32>
    %integer_pow3A_362 = arith.mulf %sub3A_361, %sub3A_361 : vector<512x13xf32>
    %neg3A_363 = arith.constant 0.000000e+00 : f32
    %neg3A_364 = vector.broadcast %neg3A_363 : f32 to vector<512x13xf32>
    %neg3A_365 = arith.subf %neg3A_364, %integer_pow3A_362 : vector<512x13xf32>
    %div3A_366 = arith.constant 3.781250e+00 : f32
    %div3A_367 = vector.broadcast %div3A_366 : f32 to vector<512x13xf32>
    %div3A_368 = arith.divf %neg3A_365, %div3A_367 : vector<512x13xf32>
    %exp3A_369 = math.exp %div3A_368 : vector<512x13xf32>
    %sub3A_370 = arith.constant 8.800000e+00 : f32
    %sub3A_371 = vector.broadcast %sub3A_370 : f32 to vector<512x13xf32>
    %sub3A_372 = arith.subf %sqrt3A_288, %sub3A_371 : vector<512x13xf32>
    %integer_pow3A_373 = arith.mulf %sub3A_372, %sub3A_372 : vector<512x13xf32>
    %neg3A_374 = arith.constant 0.000000e+00 : f32
    %neg3A_375 = vector.broadcast %neg3A_374 : f32 to vector<512x13xf32>
    %neg3A_376 = arith.subf %neg3A_375, %integer_pow3A_373 : vector<512x13xf32>
    %div3A_377 = arith.constant 3.781250e+00 : f32
    %div3A_378 = vector.broadcast %div3A_377 : f32 to vector<512x13xf32>
    %div3A_379 = arith.divf %neg3A_376, %div3A_378 : vector<512x13xf32>
    %exp3A_380 = math.exp %div3A_379 : vector<512x13xf32>
    %sub3A_381 = arith.constant 10.2666664 : f32
    %sub3A_382 = vector.broadcast %sub3A_381 : f32 to vector<512x13xf32>
    %sub3A_383 = arith.subf %sqrt3A_288, %sub3A_382 : vector<512x13xf32>
    %integer_pow3A_384 = arith.mulf %sub3A_383, %sub3A_383 : vector<512x13xf32>
    %neg3A_385 = arith.constant 0.000000e+00 : f32
    %neg3A_386 = vector.broadcast %neg3A_385 : f32 to vector<512x13xf32>
    %neg3A_387 = arith.subf %neg3A_386, %integer_pow3A_384 : vector<512x13xf32>
    %div3A_388 = arith.constant 3.781250e+00 : f32
    %div3A_389 = vector.broadcast %div3A_388 : f32 to vector<512x13xf32>
    %div3A_390 = arith.divf %neg3A_387, %div3A_389 : vector<512x13xf32>
    %exp3A_391 = math.exp %div3A_390 : vector<512x13xf32>
    %sub3A_392 = arith.constant 11.7333336 : f32
    %sub3A_393 = vector.broadcast %sub3A_392 : f32 to vector<512x13xf32>
    %sub3A_394 = arith.subf %sqrt3A_288, %sub3A_393 : vector<512x13xf32>
    %integer_pow3A_395 = arith.mulf %sub3A_394, %sub3A_394 : vector<512x13xf32>
    %neg3A_396 = arith.constant 0.000000e+00 : f32
    %neg3A_397 = vector.broadcast %neg3A_396 : f32 to vector<512x13xf32>
    %neg3A_398 = arith.subf %neg3A_397, %integer_pow3A_395 : vector<512x13xf32>
    %div3A_399 = arith.constant 3.781250e+00 : f32
    %div3A_400 = vector.broadcast %div3A_399 : f32 to vector<512x13xf32>
    %div3A_401 = arith.divf %neg3A_398, %div3A_400 : vector<512x13xf32>
    %exp3A_402 = math.exp %div3A_401 : vector<512x13xf32>
    %sub3A_403 = arith.constant 1.320000e+01 : f32
    %sub3A_404 = vector.broadcast %sub3A_403 : f32 to vector<512x13xf32>
    %sub3A_405 = arith.subf %sqrt3A_288, %sub3A_404 : vector<512x13xf32>
    %integer_pow3A_406 = arith.mulf %sub3A_405, %sub3A_405 : vector<512x13xf32>
    %neg3A_407 = arith.constant 0.000000e+00 : f32
    %neg3A_408 = vector.broadcast %neg3A_407 : f32 to vector<512x13xf32>
    %neg3A_409 = arith.subf %neg3A_408, %integer_pow3A_406 : vector<512x13xf32>
    %div3A_410 = arith.constant 3.781250e+00 : f32
    %div3A_411 = vector.broadcast %div3A_410 : f32 to vector<512x13xf32>
    %div3A_412 = arith.divf %neg3A_409, %div3A_411 : vector<512x13xf32>
    %exp3A_413 = math.exp %div3A_412 : vector<512x13xf32>
    %sub3A_414 = arith.constant 14.666667 : f32
    %sub3A_415 = vector.broadcast %sub3A_414 : f32 to vector<512x13xf32>
    %sub3A_416 = arith.subf %sqrt3A_288, %sub3A_415 : vector<512x13xf32>
    %integer_pow3A_417 = arith.mulf %sub3A_416, %sub3A_416 : vector<512x13xf32>
    %neg3A_418 = arith.constant 0.000000e+00 : f32
    %neg3A_419 = vector.broadcast %neg3A_418 : f32 to vector<512x13xf32>
    %neg3A_420 = arith.subf %neg3A_419, %integer_pow3A_417 : vector<512x13xf32>
    %div3A_421 = arith.constant 3.781250e+00 : f32
    %div3A_422 = vector.broadcast %div3A_421 : f32 to vector<512x13xf32>
    %div3A_423 = arith.divf %neg3A_420, %div3A_422 : vector<512x13xf32>
    %exp3A_424 = math.exp %div3A_423 : vector<512x13xf32>
    %sub3A_425 = arith.constant 16.1333332 : f32
    %sub3A_426 = vector.broadcast %sub3A_425 : f32 to vector<512x13xf32>
    %sub3A_427 = arith.subf %sqrt3A_288, %sub3A_426 : vector<512x13xf32>
    %integer_pow3A_428 = arith.mulf %sub3A_427, %sub3A_427 : vector<512x13xf32>
    %neg3A_429 = arith.constant 0.000000e+00 : f32
    %neg3A_430 = vector.broadcast %neg3A_429 : f32 to vector<512x13xf32>
    %neg3A_431 = arith.subf %neg3A_430, %integer_pow3A_428 : vector<512x13xf32>
    %div3A_432 = arith.constant 3.781250e+00 : f32
    %div3A_433 = vector.broadcast %div3A_432 : f32 to vector<512x13xf32>
    %div3A_434 = arith.divf %neg3A_431, %div3A_433 : vector<512x13xf32>
    %exp3A_435 = math.exp %div3A_434 : vector<512x13xf32>
    %sub3A_436 = arith.constant 1.760000e+01 : f32
    %sub3A_437 = vector.broadcast %sub3A_436 : f32 to vector<512x13xf32>
    %sub3A_438 = arith.subf %sqrt3A_288, %sub3A_437 : vector<512x13xf32>
    %integer_pow3A_439 = arith.mulf %sub3A_438, %sub3A_438 : vector<512x13xf32>
    %neg3A_440 = arith.constant 0.000000e+00 : f32
    %neg3A_441 = vector.broadcast %neg3A_440 : f32 to vector<512x13xf32>
    %neg3A_442 = arith.subf %neg3A_441, %integer_pow3A_439 : vector<512x13xf32>
    %div3A_443 = arith.constant 3.781250e+00 : f32
    %div3A_444 = vector.broadcast %div3A_443 : f32 to vector<512x13xf32>
    %div3A_445 = arith.divf %neg3A_442, %div3A_444 : vector<512x13xf32>
    %exp3A_446 = math.exp %div3A_445 : vector<512x13xf32>
    %sub3A_447 = arith.constant 19.0666676 : f32
    %sub3A_448 = vector.broadcast %sub3A_447 : f32 to vector<512x13xf32>
    %sub3A_449 = arith.subf %sqrt3A_288, %sub3A_448 : vector<512x13xf32>
    %integer_pow3A_450 = arith.mulf %sub3A_449, %sub3A_449 : vector<512x13xf32>
    %neg3A_451 = arith.constant 0.000000e+00 : f32
    %neg3A_452 = vector.broadcast %neg3A_451 : f32 to vector<512x13xf32>
    %neg3A_453 = arith.subf %neg3A_452, %integer_pow3A_450 : vector<512x13xf32>
    %div3A_454 = arith.constant 3.781250e+00 : f32
    %div3A_455 = vector.broadcast %div3A_454 : f32 to vector<512x13xf32>
    %div3A_456 = arith.divf %neg3A_453, %div3A_455 : vector<512x13xf32>
    %exp3A_457 = math.exp %div3A_456 : vector<512x13xf32>
    %sub3A_458 = arith.constant 20.5333328 : f32
    %sub3A_459 = vector.broadcast %sub3A_458 : f32 to vector<512x13xf32>
    %sub3A_460 = arith.subf %sqrt3A_288, %sub3A_459 : vector<512x13xf32>
    %integer_pow3A_461 = arith.mulf %sub3A_460, %sub3A_460 : vector<512x13xf32>
    %neg3A_462 = arith.constant 0.000000e+00 : f32
    %neg3A_463 = vector.broadcast %neg3A_462 : f32 to vector<512x13xf32>
    %neg3A_464 = arith.subf %neg3A_463, %integer_pow3A_461 : vector<512x13xf32>
    %div3A_465 = arith.constant 3.781250e+00 : f32
    %div3A_466 = vector.broadcast %div3A_465 : f32 to vector<512x13xf32>
    %div3A_467 = arith.divf %neg3A_464, %div3A_466 : vector<512x13xf32>
    %exp3A_468 = math.exp %div3A_467 : vector<512x13xf32>
    %sub3A_469 = arith.constant 2.200000e+01 : f32
    %sub3A_470 = vector.broadcast %sub3A_469 : f32 to vector<512x13xf32>
    %sub3A_471 = arith.subf %sqrt3A_288, %sub3A_470 : vector<512x13xf32>
    %integer_pow3A_472 = arith.mulf %sub3A_471, %sub3A_471 : vector<512x13xf32>
    %neg3A_473 = arith.constant 0.000000e+00 : f32
    %neg3A_474 = vector.broadcast %neg3A_473 : f32 to vector<512x13xf32>
    %neg3A_475 = arith.subf %neg3A_474, %integer_pow3A_472 : vector<512x13xf32>
    %div3A_476 = arith.constant 3.781250e+00 : f32
    %div3A_477 = vector.broadcast %div3A_476 : f32 to vector<512x13xf32>
    %div3A_478 = arith.divf %neg3A_475, %div3A_477 : vector<512x13xf32>
    %exp3A_479 = math.exp %div3A_478 : vector<512x13xf32>
    %concatenate3A_480 = tpu.concatenate %exp3A, %exp3A_325, %exp3A_336, %exp3A_347, %exp3A_358, %exp3A_369, %exp3A_380, %exp3A_391, %exp3A_402, %exp3A_413, %exp3A_424, %exp3A_435, %exp3A_446, %exp3A_457, %exp3A_468, %exp3A_479 in 1 : vector<512x13xf32>, vector<512x13xf32>, vector<512x13xf32>, vector<512x13xf32>, vector<512x13xf32>, vector<512x13xf32>, vector<512x13xf32>, vector<512x13xf32>, vector<512x13xf32>, vector<512x13xf32>, vector<512x13xf32>, vector<512x13xf32>, vector<512x13xf32>, vector<512x13xf32>, vector<512x13xf32>, vector<512x13xf32> -> vector<512x208xf32>
    %add3A_481 = arith.constant 1.000000e+00 : f32
    %add3A_482 = vector.broadcast %add3A_481 : f32 to vector<512x13xf32>
    %add3A_483 = arith.addf %sqrt3A_288, %add3A_482 : vector<512x13xf32>
    %log3A = math.log %add3A_483 : vector<512x13xf32>
    %get3A_484 = arith.constant 0 : index
    %get3A_485 = arith.constant 0 : index
    %get3A_486 = vector.load %arg4[%get3A_484, %get3A_485] : memref<512x1xf32, #tpu.memory_space<vmem>>, vector<512x1xf32>
    %get3A_487 = arith.constant 0 : index
    %get3A_488 = arith.constant 0 : index
    %get3A_489 = vector.load %arg5[%get3A_487, %get3A_488] : memref<512x1xf32, #tpu.memory_space<vmem>>, vector<512x1xf32>
    %concatenate3A_490 = tpu.concatenate %div3A_297, %div3A_301, %div3A_305, %concatenate3A_480, %log3A, %get3A_486, %get3A_489, %convert_element_type3A_293 in 1 : vector<512x13xf32>, vector<512x13xf32>, vector<512x13xf32>, vector<512x208xf32>, vector<512x13xf32>, vector<512x1xf32>, vector<512x1xf32>, vector<512x21xf32> -> vector<512x283xf32>
    %get3A_491 = arith.constant 0 : index
    %get3A_492 = arith.constant 0 : index
    %get3A_493 = vector.load %arg9[%get3A_491, %get3A_492] : memref<283x1024xf32, #tpu.memory_space<vmem>>, vector<283x1024xf32>
    %dot_general3A_494 = arith.constant dense<0.000000e+00> : vector<512x1024xf32>
    %dot_general3A_495 = tpu.matmul %concatenate3A_490, %get3A_493, %dot_general3A_494 {dimension_numbers = #tpu.dot_dimension_numbers<[1], [0], [0], [1], [0, 0, 1, 1], [], []>, transpose_lhs_hint = false} : vector<512x283xf32>, vector<283x1024xf32>, vector<512x1024xf32> -> vector<512x1024xf32>
    %integer_pow3A_496 = arith.mulf %dot_general3A_495, %dot_general3A_495 : vector<512x1024xf32>
    %integer_pow3A_497 = arith.mulf %dot_general3A_495, %integer_pow3A_496 : vector<512x1024xf32>
    %mul3A_498 = arith.constant 4.471500e-02 : f32
    %mul3A_499 = vector.broadcast %mul3A_498 : f32 to vector<512x1024xf32>
    %mul3A_500 = arith.mulf %mul3A_499, %integer_pow3A_497 : vector<512x1024xf32>
    %add3A_501 = arith.addf %dot_general3A_495, %mul3A_500 : vector<512x1024xf32>
    %mul3A_502 = arith.constant 0.797884583 : f32
    %mul3A_503 = vector.broadcast %mul3A_502 : f32 to vector<512x1024xf32>
    %mul3A_504 = arith.mulf %mul3A_503, %add3A_501 : vector<512x1024xf32>
    %tanh3A = math.tanh %mul3A_504 : vector<512x1024xf32>
    %add3A_505 = arith.constant 1.000000e+00 : f32
    %add3A_506 = vector.broadcast %add3A_505 : f32 to vector<512x1024xf32>
    %add3A_507 = arith.addf %add3A_506, %tanh3A : vector<512x1024xf32>
    %mul3A_508 = arith.constant 5.000000e-01 : f32
    %mul3A_509 = vector.broadcast %mul3A_508 : f32 to vector<512x1024xf32>
    %mul3A_510 = arith.mulf %mul3A_509, %add3A_507 : vector<512x1024xf32>
    %mul3A_511 = arith.mulf %dot_general3A_495, %mul3A_510 : vector<512x1024xf32>
    %get3A_512 = arith.constant 0 : index
    %get3A_513 = arith.constant 0 : index
    %get3A_514 = vector.load %arg10[%get3A_512, %get3A_513] : memref<1024x256xf32, #tpu.memory_space<vmem>>, vector<1024x256xf32>
    %dot_general3A_515 = arith.constant dense<0.000000e+00> : vector<512x256xf32>
    %dot_general3A_516 = tpu.matmul %mul3A_511, %get3A_514, %dot_general3A_515 {dimension_numbers = #tpu.dot_dimension_numbers<[1], [0], [0], [1], [0, 0, 1, 1], [], []>, transpose_lhs_hint = false} : vector<512x1024xf32>, vector<1024x256xf32>, vector<512x256xf32> -> vector<512x256xf32>
    %reduce_sum3A_517 = arith.constant dense<0.000000e+00> : vector<512xf32>
    %reduce_sum3A_518 = vector.multi_reduction <add>, %dot_general3A_516, %reduce_sum3A_517 [1] : vector<512x256xf32> to vector<512xf32>
    %broadcast_in_dim3A_519 = vector.shape_cast %reduce_sum3A_518 : vector<512xf32> to vector<512x1xf32>
    %div3A_520 = arith.constant 2.560000e+02 : f32
    %div3A_521 = vector.broadcast %div3A_520 : f32 to vector<512x1xf32>
    %div3A_522 = arith.divf %broadcast_in_dim3A_519, %div3A_521 : vector<512x1xf32>
    %jit3A = arith.constant 0 : i32
    %reduce_sum3A_523 = arith.constant dense<0.000000e+00> : vector<512xf32>
    %reduce_sum3A_524 = vector.multi_reduction <add>, %dot_general3A_516, %reduce_sum3A_523 [1] : vector<512x256xf32> to vector<512xf32>
    %broadcast_in_dim3A_525 = vector.shape_cast %reduce_sum3A_524 : vector<512xf32> to vector<512x1xf32>
    %div3A_526 = arith.constant 2.560000e+02 : f32
    %div3A_527 = vector.broadcast %div3A_526 : f32 to vector<512x1xf32>
    %div3A_528 = arith.divf %broadcast_in_dim3A_525, %div3A_527 : vector<512x1xf32>
    %sub3A_529 = vector.broadcast %div3A_528 : vector<512x1xf32> to vector<512x256xf32>
    %sub3A_530 = arith.subf %dot_general3A_516, %sub3A_529 : vector<512x256xf32>
    %square3A = arith.mulf %sub3A_530, %sub3A_530 : vector<512x256xf32>
    %convert_element_type3A_531 = arith.sitofp %jit3A : i32 to f32
    %sub3A_532 = arith.constant 2.560000e+02 : f32
    %sub3A_533 = arith.subf %sub3A_532, %convert_element_type3A_531 : f32
    %reduce_sum3A_534 = arith.constant dense<0.000000e+00> : vector<512xf32>
    %reduce_sum3A_535 = vector.multi_reduction <add>, %square3A, %reduce_sum3A_534 [1] : vector<512x256xf32> to vector<512xf32>
    %broadcast_in_dim3A_536 = vector.shape_cast %reduce_sum3A_535 : vector<512xf32> to vector<512x1xf32>
    %div3A_537 = vector.broadcast %sub3A_533 : f32 to vector<512x1xf32>
    %div3A_538 = arith.divf %broadcast_in_dim3A_536, %div3A_537 : vector<512x1xf32>
    %gt3A = arith.constant 0.000000e+00 : f32
    %gt3A_539 = arith.cmpf ogt, %sub3A_533, %gt3A : f32
    %jit3A_540 = arith.constant 0x7FC00000 : f32
    %broadcast_in_dim3A_541 = vector.broadcast %jit3A_540 : f32 to vector<512x1xf32>
    %select_n3A = arith.select %gt3A_539, %div3A_538, %broadcast_in_dim3A_541 : vector<512x1xf32>
    %sub3A_542 = vector.broadcast %div3A_522 : vector<512x1xf32> to vector<512x256xf32>
    %sub3A_543 = arith.subf %dot_general3A_516, %sub3A_542 : vector<512x256xf32>
    %add3A_544 = arith.constant 9.99999974E-6 : f32
    %add3A_545 = vector.broadcast %add3A_544 : f32 to vector<512x1xf32>
    %add3A_546 = arith.addf %select_n3A, %add3A_545 : vector<512x1xf32>
    %rsqrt3A = math.rsqrt %add3A_546 : vector<512x1xf32>
    %mul3A_547 = vector.broadcast %rsqrt3A : vector<512x1xf32> to vector<512x256xf32>
    %mul3A_548 = arith.mulf %sub3A_543, %mul3A_547 : vector<512x256xf32>
    %swap3A = arith.constant 0 : index
    %swap3A_549 = arith.constant 0 : index
    %swap3A_550 = vector.load %arg11[%swap3A, %swap3A_549] : memref<512x256xf32, #tpu.memory_space<vmem>>, vector<512x256xf32>
    tpu.vector_store %arg11[%swap3A, %swap3A_549], %mul3A_548 {strides = array<i32>} : memref<512x256xf32, #tpu.memory_space<vmem>>, vector<512x256xf32>,
    %concatenate3A_551 = tpu.concatenate %add3A_263, %add3A_271, %add3A_279 in 1 : vector<512x13xf32>, vector<512x13xf32>, vector<512x13xf32> -> vector<512x39xf32>
    %swap3A_552 = arith.constant 0 : index
    %swap3A_553 = arith.constant 0 : index
    %swap3A_554 = vector.load %arg12[%swap3A_552, %swap3A_553] : memref<512x39xf32, #tpu.memory_space<vmem>>, vector<512x39xf32>
    tpu.vector_store %arg12[%swap3A_552, %swap3A_553], %concatenate3A_551 {strides = array<i32>} : memref<512x39xf32, #tpu.memory_space<vmem>>, vector<512x39xf32>,
    %concatenate3A_555 = tpu.concatenate %div3A_200, %div3A_232, %sub3A_243, %div3A_204, %div3A_236, %sub3A_246, %div3A_208, %div3A_240, %sub3A_249 in 1 : vector<512x1xf32>, vector<512x1xf32>, vector<512x1xf32>, vector<512x1xf32>, vector<512x1xf32>, vector<512x1xf32>, vector<512x1xf32>, vector<512x1xf32>, vector<512x1xf32> -> vector<512x9xf32>
    %broadcast_in_dim3A_556 = arith.constant 0.000000e+00 : f32
    %broadcast_in_dim3A_557 = vector.broadcast %broadcast_in_dim3A_556 : f32 to vector<512x79xf32>
    %get3A_558 = arith.constant 0 : index
    %get3A_559 = arith.constant 0 : index
    %get3A_560 = vector.load %arg7[%get3A_558, %get3A_559] : memref<512x1xf32, #tpu.memory_space<vmem>>, vector<512x1xf32>
    %concatenate3A_561 = tpu.concatenate %add3A_152, %add3A_165, %add3A_178, %concatenate3A_555, %get3A_560, %broadcast_in_dim3A_557 in 1 : vector<512x13xf32>, vector<512x13xf32>, vector<512x13xf32>, vector<512x9xf32>, vector<512x1xf32>, vector<512x79xf32> -> vector<512x128xf32>
    %swap3A_562 = arith.constant 0 : index
    %swap3A_563 = arith.constant 0 : index
    %swap3A_564 = vector.load %arg13[%swap3A_562, %swap3A_563] : memref<512x128xf32, #tpu.memory_space<vmem>>, vector<512x128xf32>
    tpu.vector_store %arg13[%swap3A_562, %swap3A_563], %concatenate3A_561 {strides = array<i32>} : memref<512x128xf32, #tpu.memory_space<vmem>>, vector<512x128xf32>,
    return
  }
  func.func @transform_0(%arg0: i32) -> (i32, i32) {
    %c0_i32 = arith.constant 0 : i32
    %c0_i32_0 = arith.constant 0 : i32
    return %arg0, %c0_i32 : i32, i32
  }
  func.func @transform_1(%arg0: i32) -> (i32, i32) {
    %c0_i32 = arith.constant 0 : i32
    %c0_i32_0 = arith.constant 0 : i32
    return %arg0, %c0_i32 : i32, i32
  }
  func.func @transform_2(%arg0: i32) -> (i32, i32) {
    %c0_i32 = arith.constant 0 : i32
    %c0_i32_0 = arith.constant 0 : i32
    return %arg0, %c0_i32 : i32, i32
  }
  func.func @transform_3(%arg0: i32) -> (i32, i32) {
    %c0_i32 = arith.constant 0 : i32
    %c0_i32_0 = arith.constant 0 : i32
    return %arg0, %c0_i32 : i32, i32
  }
  func.func @transform_4(%arg0: i32) -> (i32, i32) {
    %c0_i32 = arith.constant 0 : i32
    %c0_i32_0 = arith.constant 0 : i32
    return %arg0, %c0_i32 : i32, i32
  }
  func.func @transform_5(%arg0: i32) -> (i32, i32) {
    %c0_i32 = arith.constant 0 : i32
    %c0_i32_0 = arith.constant 0 : i32
    return %arg0, %c0_i32 : i32, i32
  }
  func.func @transform_6(%arg0: i32) -> (i32, i32) {
    %c0_i32 = arith.constant 0 : i32
    %c0_i32_0 = arith.constant 0 : i32
    return %arg0, %c0_i32 : i32, i32
  }
  func.func @transform_7(%arg0: i32) -> (i32, i32) {
    %c0_i32 = arith.constant 0 : i32
    %c0_i32_0 = arith.constant 0 : i32
    %c0_i32_1 = arith.constant 0 : i32
    return %c0_i32, %c0_i32_0 : i32, i32
  }
  func.func @transform_8(%arg0: i32) -> (i32, i32) {
    %c0_i32 = arith.constant 0 : i32
    %c0_i32_0 = arith.constant 0 : i32
    %c0_i32_1 = arith.constant 0 : i32
    return %c0_i32, %c0_i32_0 : i32, i32
  }
  func.func @transform_9(%arg0: i32) -> (i32, i32) {
    %c0_i32 = arith.constant 0 : i32
    %c0_i32_0 = arith.constant 0 : i32
    %c0_i32_1 = arith.constant 0 : i32
    return %c0_i32, %c0_i32_0 : i32, i32
  }
  func.func @transform_10(%arg0: i32) -> (i32, i32) {
    %c0_i32 = arith.constant 0 : i32
    %c0_i32_0 = arith.constant 0 : i32
    return %arg0, %c0_i32 : i32, i32
  }
  func.func @transform_11(%arg0: i32) -> (i32, i32) {
    %c0_i32 = arith.constant 0 : i32
    %c0_i32_0 = arith.constant 0 : i32
    return %arg0, %c0_i32 : i32, i32
  }
  func.func @transform_12(%arg0: i32) -> (i32, i32) {
    %c0_i32 = arith.constant 0 : i32
    %c0_i32_0 = arith.constant 0 : i32
    return %arg0, %c0_i32 : i32, i32
  }
}

module attributes {stable_mosaic.version = 14 : i64} {
  func.func @_knn_body(%arg0: i32, %arg1: memref<256x1xf32, #tpu.memory_space<vmem>>, %arg2: memref<256x1xf32, #tpu.memory_space<vmem>>, %arg3: memref<256x1xf32, #tpu.memory_space<vmem>>, %arg4: memref<256x1xi32, #tpu.memory_space<vmem>>, %arg5: memref<256x1xi32, #tpu.memory_space<vmem>>, %arg6: memref<1x4096xf32, #tpu.memory_space<vmem>>, %arg7: memref<1x4096xf32, #tpu.memory_space<vmem>>, %arg8: memref<1x4096xf32, #tpu.memory_space<vmem>>, %arg9: memref<1x4096xi32, #tpu.memory_space<vmem>>, %arg10: memref<1x4096xi32, #tpu.memory_space<vmem>>, %arg11: memref<256x32xi32, #tpu.memory_space<vmem>>, %arg12: memref<256x32xi32, #tpu.memory_space<vmem>>) attributes {dimension_semantics = [#tpu.dimension_semantics<arbitrary>], iteration_bounds = array<i64: 16>, scalar_prefetch = 0 : i64, scratch_operands = 0 : i64, tpu.core_type = #tpu.core_type<tc>, window_params = [{transform_indices = @transform_0, window_bounds = array<i64: 256, 1>}, {transform_indices = @transform_1, window_bounds = array<i64: 256, 1>}, {transform_indices = @transform_2, window_bounds = array<i64: 256, 1>}, {transform_indices = @transform_3, window_bounds = array<i64: 256, 1>}, {transform_indices = @transform_4, window_bounds = array<i64: 256, 1>}, {pipeline_mode = #tpu.pipeline_mode<synchronous>, transform_indices = @transform_5, window_bounds = array<i64: 1, 4096>}, {pipeline_mode = #tpu.pipeline_mode<synchronous>, transform_indices = @transform_6, window_bounds = array<i64: 1, 4096>}, {pipeline_mode = #tpu.pipeline_mode<synchronous>, transform_indices = @transform_7, window_bounds = array<i64: 1, 4096>}, {pipeline_mode = #tpu.pipeline_mode<synchronous>, transform_indices = @transform_8, window_bounds = array<i64: 1, 4096>}, {pipeline_mode = #tpu.pipeline_mode<synchronous>, transform_indices = @transform_9, window_bounds = array<i64: 1, 4096>}, {transform_indices = @transform_10, window_bounds = array<i64: 256, 32>}, {transform_indices = @transform_11, window_bounds = array<i64: 256, 32>}]} {
    %get3A = arith.constant 0 : index
    %get3A_0 = arith.constant 0 : index
    %get3A_1 = vector.load %arg1[%get3A, %get3A_0] : memref<256x1xf32, #tpu.memory_space<vmem>>, vector<256x1xf32>
    %get3A_2 = arith.constant 0 : index
    %get3A_3 = arith.constant 0 : index
    %get3A_4 = vector.load %arg2[%get3A_2, %get3A_3] : memref<256x1xf32, #tpu.memory_space<vmem>>, vector<256x1xf32>
    %get3A_5 = arith.constant 0 : index
    %get3A_6 = arith.constant 0 : index
    %get3A_7 = vector.load %arg3[%get3A_5, %get3A_6] : memref<256x1xf32, #tpu.memory_space<vmem>>, vector<256x1xf32>
    %mul3A = arith.mulf %get3A_1, %get3A_1 : vector<256x1xf32>
    %mul3A_8 = arith.mulf %get3A_4, %get3A_4 : vector<256x1xf32>
    %add3A = arith.addf %mul3A, %mul3A_8 : vector<256x1xf32>
    %mul3A_9 = arith.mulf %get3A_7, %get3A_7 : vector<256x1xf32>
    %add3A_10 = arith.addf %add3A, %mul3A_9 : vector<256x1xf32>
    %get3A_11 = arith.constant 0 : index
    %get3A_12 = arith.constant 0 : index
    %get3A_13 = vector.load %arg6[%get3A_11, %get3A_12] : memref<1x4096xf32, #tpu.memory_space<vmem>>, vector<1x4096xf32>
    %get3A_14 = arith.constant 0 : index
    %get3A_15 = arith.constant 0 : index
    %get3A_16 = vector.load %arg7[%get3A_14, %get3A_15] : memref<1x4096xf32, #tpu.memory_space<vmem>>, vector<1x4096xf32>
    %get3A_17 = arith.constant 0 : index
    %get3A_18 = arith.constant 0 : index
    %get3A_19 = vector.load %arg8[%get3A_17, %get3A_18] : memref<1x4096xf32, #tpu.memory_space<vmem>>, vector<1x4096xf32>
    %mul3A_20 = arith.mulf %get3A_13, %get3A_13 : vector<1x4096xf32>
    %mul3A_21 = arith.mulf %get3A_16, %get3A_16 : vector<1x4096xf32>
    %add3A_22 = arith.addf %mul3A_20, %mul3A_21 : vector<1x4096xf32>
    %mul3A_23 = arith.mulf %get3A_19, %get3A_19 : vector<1x4096xf32>
    %add3A_24 = arith.addf %add3A_22, %mul3A_23 : vector<1x4096xf32>
    %add3A_25 = vector.broadcast %add3A_10 : vector<256x1xf32> to vector<256x4096xf32>
    %add3A_26 = vector.broadcast %add3A_24 : vector<1x4096xf32> to vector<256x4096xf32>
    %add3A_27 = arith.addf %add3A_25, %add3A_26 : vector<256x4096xf32>
    %mul3A_28 = vector.broadcast %get3A_1 : vector<256x1xf32> to vector<256x4096xf32>
    %mul3A_29 = vector.broadcast %get3A_13 : vector<1x4096xf32> to vector<256x4096xf32>
    %mul3A_30 = arith.mulf %mul3A_28, %mul3A_29 : vector<256x4096xf32>
    %mul3A_31 = vector.broadcast %get3A_4 : vector<256x1xf32> to vector<256x4096xf32>
    %mul3A_32 = vector.broadcast %get3A_16 : vector<1x4096xf32> to vector<256x4096xf32>
    %mul3A_33 = arith.mulf %mul3A_31, %mul3A_32 : vector<256x4096xf32>
    %add3A_34 = arith.addf %mul3A_30, %mul3A_33 : vector<256x4096xf32>
    %mul3A_35 = vector.broadcast %get3A_7 : vector<256x1xf32> to vector<256x4096xf32>
    %mul3A_36 = vector.broadcast %get3A_19 : vector<1x4096xf32> to vector<256x4096xf32>
    %mul3A_37 = arith.mulf %mul3A_35, %mul3A_36 : vector<256x4096xf32>
    %add3A_38 = arith.addf %add3A_34, %mul3A_37 : vector<256x4096xf32>
    %mul3A_39 = arith.constant 2.000000e+00 : f32
    %mul3A_40 = vector.broadcast %mul3A_39 : f32 to vector<256x4096xf32>
    %mul3A_41 = arith.mulf %mul3A_40, %add3A_38 : vector<256x4096xf32>
    %sub3A = arith.subf %add3A_27, %mul3A_41 : vector<256x4096xf32>
    %max3A = arith.constant 0.000000e+00 : f32
    %max3A_42 = vector.broadcast %max3A : f32 to vector<256x4096xf32>
    %max3A_43 = arith.maximumf %sub3A, %max3A_42 : vector<256x4096xf32>
    %get3A_44 = arith.constant 0 : index
    %get3A_45 = arith.constant 0 : index
    %get3A_46 = vector.load %arg4[%get3A_44, %get3A_45] : memref<256x1xi32, #tpu.memory_space<vmem>>, vector<256x1xi32>
    %get3A_47 = arith.constant 0 : index
    %get3A_48 = arith.constant 0 : index
    %get3A_49 = vector.load %arg9[%get3A_47, %get3A_48] : memref<1x4096xi32, #tpu.memory_space<vmem>>, vector<1x4096xi32>
    %eq3A = vector.broadcast %get3A_46 : vector<256x1xi32> to vector<256x4096xi32>
    %eq3A_50 = vector.broadcast %get3A_49 : vector<1x4096xi32> to vector<256x4096xi32>
    %eq3A_51 = arith.cmpi eq, %eq3A, %eq3A_50 : vector<256x4096xi32>
    %get3A_52 = arith.constant 0 : index
    %get3A_53 = arith.constant 0 : index
    %get3A_54 = vector.load %arg5[%get3A_52, %get3A_53] : memref<256x1xi32, #tpu.memory_space<vmem>>, vector<256x1xi32>
    %eq3A_55 = arith.constant 1 : i32
    %eq3A_56 = vector.broadcast %eq3A_55 : i32 to vector<256x1xi32>
    %eq3A_57 = arith.cmpi eq, %get3A_54, %eq3A_56 : vector<256x1xi32>
    %get3A_58 = arith.constant 0 : index
    %get3A_59 = arith.constant 0 : index
    %get3A_60 = vector.load %arg10[%get3A_58, %get3A_59] : memref<1x4096xi32, #tpu.memory_space<vmem>>, vector<1x4096xi32>
    %eq3A_61 = arith.constant 0 : i32
    %eq3A_62 = vector.broadcast %eq3A_61 : i32 to vector<1x4096xi32>
    %eq3A_63 = arith.cmpi eq, %get3A_60, %eq3A_62 : vector<1x4096xi32>
    %and3A = vector.broadcast %eq3A_57 : vector<256x1xi1> to vector<256x4096xi1>
    %and3A_64 = vector.broadcast %eq3A_63 : vector<1x4096xi1> to vector<256x4096xi1>
    %and3A_65 = arith.andi %and3A, %and3A_64 : vector<256x4096xi1>
    %not3A = arith.constant dense<true> : vector<256x4096xi1>
    %not3A_66 = arith.xori %and3A_65, %not3A : vector<256x4096xi1>
    %and3A_67 = arith.andi %eq3A_51, %not3A_66 : vector<256x4096xi1>
    %jit3A = arith.constant 1.000000e+09 : f32
    %broadcast_in_dim3A = vector.broadcast %jit3A : f32 to vector<256x4096xf32>
    %select_n3A = arith.select %and3A_67, %max3A_43, %broadcast_in_dim3A : vector<256x4096xi1>, vector<256x4096xf32>
    %iota3A = tpu.iota {dimensions = array<i32: 1>} : vector<256x4096xi32>
    %reduce_min3A = arith.constant dense<0x7F800000> : vector<256xf32>
    %reduce_min3A_68 = vector.multi_reduction <minimumf>, %select_n3A, %reduce_min3A [1] : vector<256x4096xf32> to vector<256xf32>
    %broadcast_in_dim3A_69 = vector.shape_cast %reduce_min3A_68 : vector<256xf32> to vector<256x1xf32>
    %eq3A_70 = vector.broadcast %broadcast_in_dim3A_69 : vector<256x1xf32> to vector<256x4096xf32>
    %eq3A_71 = arith.cmpf oeq, %select_n3A, %eq3A_70 : vector<256x4096xf32>
    %jit3A_72 = arith.constant 4096 : i32
    %broadcast_in_dim3A_73 = vector.broadcast %jit3A_72 : i32 to vector<256x4096xi32>
    %select_n3A_74 = arith.select %eq3A_71, %iota3A, %broadcast_in_dim3A_73 : vector<256x4096xi1>, vector<256x4096xi32>
    %reduce_min3A_75 = arith.constant dense<2147483647> : vector<256xi32>
    %reduce_min3A_76 = vector.multi_reduction <minsi>, %select_n3A_74, %reduce_min3A_75 [1] : vector<256x4096xi32> to vector<256xi32>
    %broadcast_in_dim3A_77 = vector.shape_cast %reduce_min3A_76 : vector<256xi32> to vector<256x1xi32>
    %lt3A = arith.constant 5.000000e+08 : f32
    %lt3A_78 = vector.broadcast %lt3A : f32 to vector<256x1xf32>
    %lt3A_79 = arith.cmpf olt, %broadcast_in_dim3A_69, %lt3A_78 : vector<256x1xf32>
    %jit3A_80 = arith.constant -1 : i32
    %broadcast_in_dim3A_81 = vector.broadcast %jit3A_80 : i32 to vector<256x1xi32>
    %select_n3A_82 = arith.select %lt3A_79, %broadcast_in_dim3A_77, %broadcast_in_dim3A_81 : vector<256x1xi1>, vector<256x1xi32>
    %eq3A_83 = vector.broadcast %broadcast_in_dim3A_77 : vector<256x1xi32> to vector<256x4096xi32>
    %eq3A_84 = arith.cmpi eq, %iota3A, %eq3A_83 : vector<256x4096xi32>
    %jit3A_85 = arith.constant 1.000000e+09 : f32
    %broadcast_in_dim3A_86 = vector.broadcast %jit3A_85 : f32 to vector<256x4096xf32>
    %select_n3A_87 = arith.select %eq3A_84, %broadcast_in_dim3A_86, %select_n3A : vector<256x4096xi1>, vector<256x4096xf32>
    %reduce_min3A_88 = arith.constant dense<0x7F800000> : vector<256xf32>
    %reduce_min3A_89 = vector.multi_reduction <minimumf>, %select_n3A_87, %reduce_min3A_88 [1] : vector<256x4096xf32> to vector<256xf32>
    %broadcast_in_dim3A_90 = vector.shape_cast %reduce_min3A_89 : vector<256xf32> to vector<256x1xf32>
    %eq3A_91 = vector.broadcast %broadcast_in_dim3A_90 : vector<256x1xf32> to vector<256x4096xf32>
    %eq3A_92 = arith.cmpf oeq, %select_n3A_87, %eq3A_91 : vector<256x4096xf32>
    %jit3A_93 = arith.constant 4096 : i32
    %broadcast_in_dim3A_94 = vector.broadcast %jit3A_93 : i32 to vector<256x4096xi32>
    %select_n3A_95 = arith.select %eq3A_92, %iota3A, %broadcast_in_dim3A_94 : vector<256x4096xi1>, vector<256x4096xi32>
    %reduce_min3A_96 = arith.constant dense<2147483647> : vector<256xi32>
    %reduce_min3A_97 = vector.multi_reduction <minsi>, %select_n3A_95, %reduce_min3A_96 [1] : vector<256x4096xi32> to vector<256xi32>
    %broadcast_in_dim3A_98 = vector.shape_cast %reduce_min3A_97 : vector<256xi32> to vector<256x1xi32>
    %lt3A_99 = arith.constant 5.000000e+08 : f32
    %lt3A_100 = vector.broadcast %lt3A_99 : f32 to vector<256x1xf32>
    %lt3A_101 = arith.cmpf olt, %broadcast_in_dim3A_90, %lt3A_100 : vector<256x1xf32>
    %jit3A_102 = arith.constant -1 : i32
    %broadcast_in_dim3A_103 = vector.broadcast %jit3A_102 : i32 to vector<256x1xi32>
    %select_n3A_104 = arith.select %lt3A_101, %broadcast_in_dim3A_98, %broadcast_in_dim3A_103 : vector<256x1xi1>, vector<256x1xi32>
    %eq3A_105 = vector.broadcast %broadcast_in_dim3A_98 : vector<256x1xi32> to vector<256x4096xi32>
    %eq3A_106 = arith.cmpi eq, %iota3A, %eq3A_105 : vector<256x4096xi32>
    %jit3A_107 = arith.constant 1.000000e+09 : f32
    %broadcast_in_dim3A_108 = vector.broadcast %jit3A_107 : f32 to vector<256x4096xf32>
    %select_n3A_109 = arith.select %eq3A_106, %broadcast_in_dim3A_108, %select_n3A_87 : vector<256x4096xi1>, vector<256x4096xf32>
    %reduce_min3A_110 = arith.constant dense<0x7F800000> : vector<256xf32>
    %reduce_min3A_111 = vector.multi_reduction <minimumf>, %select_n3A_109, %reduce_min3A_110 [1] : vector<256x4096xf32> to vector<256xf32>
    %broadcast_in_dim3A_112 = vector.shape_cast %reduce_min3A_111 : vector<256xf32> to vector<256x1xf32>
    %eq3A_113 = vector.broadcast %broadcast_in_dim3A_112 : vector<256x1xf32> to vector<256x4096xf32>
    %eq3A_114 = arith.cmpf oeq, %select_n3A_109, %eq3A_113 : vector<256x4096xf32>
    %jit3A_115 = arith.constant 4096 : i32
    %broadcast_in_dim3A_116 = vector.broadcast %jit3A_115 : i32 to vector<256x4096xi32>
    %select_n3A_117 = arith.select %eq3A_114, %iota3A, %broadcast_in_dim3A_116 : vector<256x4096xi1>, vector<256x4096xi32>
    %reduce_min3A_118 = arith.constant dense<2147483647> : vector<256xi32>
    %reduce_min3A_119 = vector.multi_reduction <minsi>, %select_n3A_117, %reduce_min3A_118 [1] : vector<256x4096xi32> to vector<256xi32>
    %broadcast_in_dim3A_120 = vector.shape_cast %reduce_min3A_119 : vector<256xi32> to vector<256x1xi32>
    %lt3A_121 = arith.constant 5.000000e+08 : f32
    %lt3A_122 = vector.broadcast %lt3A_121 : f32 to vector<256x1xf32>
    %lt3A_123 = arith.cmpf olt, %broadcast_in_dim3A_112, %lt3A_122 : vector<256x1xf32>
    %jit3A_124 = arith.constant -1 : i32
    %broadcast_in_dim3A_125 = vector.broadcast %jit3A_124 : i32 to vector<256x1xi32>
    %select_n3A_126 = arith.select %lt3A_123, %broadcast_in_dim3A_120, %broadcast_in_dim3A_125 : vector<256x1xi1>, vector<256x1xi32>
    %eq3A_127 = vector.broadcast %broadcast_in_dim3A_120 : vector<256x1xi32> to vector<256x4096xi32>
    %eq3A_128 = arith.cmpi eq, %iota3A, %eq3A_127 : vector<256x4096xi32>
    %jit3A_129 = arith.constant 1.000000e+09 : f32
    %broadcast_in_dim3A_130 = vector.broadcast %jit3A_129 : f32 to vector<256x4096xf32>
    %select_n3A_131 = arith.select %eq3A_128, %broadcast_in_dim3A_130, %select_n3A_109 : vector<256x4096xi1>, vector<256x4096xf32>
    %reduce_min3A_132 = arith.constant dense<0x7F800000> : vector<256xf32>
    %reduce_min3A_133 = vector.multi_reduction <minimumf>, %select_n3A_131, %reduce_min3A_132 [1] : vector<256x4096xf32> to vector<256xf32>
    %broadcast_in_dim3A_134 = vector.shape_cast %reduce_min3A_133 : vector<256xf32> to vector<256x1xf32>
    %eq3A_135 = vector.broadcast %broadcast_in_dim3A_134 : vector<256x1xf32> to vector<256x4096xf32>
    %eq3A_136 = arith.cmpf oeq, %select_n3A_131, %eq3A_135 : vector<256x4096xf32>
    %jit3A_137 = arith.constant 4096 : i32
    %broadcast_in_dim3A_138 = vector.broadcast %jit3A_137 : i32 to vector<256x4096xi32>
    %select_n3A_139 = arith.select %eq3A_136, %iota3A, %broadcast_in_dim3A_138 : vector<256x4096xi1>, vector<256x4096xi32>
    %reduce_min3A_140 = arith.constant dense<2147483647> : vector<256xi32>
    %reduce_min3A_141 = vector.multi_reduction <minsi>, %select_n3A_139, %reduce_min3A_140 [1] : vector<256x4096xi32> to vector<256xi32>
    %broadcast_in_dim3A_142 = vector.shape_cast %reduce_min3A_141 : vector<256xi32> to vector<256x1xi32>
    %lt3A_143 = arith.constant 5.000000e+08 : f32
    %lt3A_144 = vector.broadcast %lt3A_143 : f32 to vector<256x1xf32>
    %lt3A_145 = arith.cmpf olt, %broadcast_in_dim3A_134, %lt3A_144 : vector<256x1xf32>
    %jit3A_146 = arith.constant -1 : i32
    %broadcast_in_dim3A_147 = vector.broadcast %jit3A_146 : i32 to vector<256x1xi32>
    %select_n3A_148 = arith.select %lt3A_145, %broadcast_in_dim3A_142, %broadcast_in_dim3A_147 : vector<256x1xi1>, vector<256x1xi32>
    %eq3A_149 = vector.broadcast %broadcast_in_dim3A_142 : vector<256x1xi32> to vector<256x4096xi32>
    %eq3A_150 = arith.cmpi eq, %iota3A, %eq3A_149 : vector<256x4096xi32>
    %jit3A_151 = arith.constant 1.000000e+09 : f32
    %broadcast_in_dim3A_152 = vector.broadcast %jit3A_151 : f32 to vector<256x4096xf32>
    %select_n3A_153 = arith.select %eq3A_150, %broadcast_in_dim3A_152, %select_n3A_131 : vector<256x4096xi1>, vector<256x4096xf32>
    %reduce_min3A_154 = arith.constant dense<0x7F800000> : vector<256xf32>
    %reduce_min3A_155 = vector.multi_reduction <minimumf>, %select_n3A_153, %reduce_min3A_154 [1] : vector<256x4096xf32> to vector<256xf32>
    %broadcast_in_dim3A_156 = vector.shape_cast %reduce_min3A_155 : vector<256xf32> to vector<256x1xf32>
    %eq3A_157 = vector.broadcast %broadcast_in_dim3A_156 : vector<256x1xf32> to vector<256x4096xf32>
    %eq3A_158 = arith.cmpf oeq, %select_n3A_153, %eq3A_157 : vector<256x4096xf32>
    %jit3A_159 = arith.constant 4096 : i32
    %broadcast_in_dim3A_160 = vector.broadcast %jit3A_159 : i32 to vector<256x4096xi32>
    %select_n3A_161 = arith.select %eq3A_158, %iota3A, %broadcast_in_dim3A_160 : vector<256x4096xi1>, vector<256x4096xi32>
    %reduce_min3A_162 = arith.constant dense<2147483647> : vector<256xi32>
    %reduce_min3A_163 = vector.multi_reduction <minsi>, %select_n3A_161, %reduce_min3A_162 [1] : vector<256x4096xi32> to vector<256xi32>
    %broadcast_in_dim3A_164 = vector.shape_cast %reduce_min3A_163 : vector<256xi32> to vector<256x1xi32>
    %lt3A_165 = arith.constant 5.000000e+08 : f32
    %lt3A_166 = vector.broadcast %lt3A_165 : f32 to vector<256x1xf32>
    %lt3A_167 = arith.cmpf olt, %broadcast_in_dim3A_156, %lt3A_166 : vector<256x1xf32>
    %jit3A_168 = arith.constant -1 : i32
    %broadcast_in_dim3A_169 = vector.broadcast %jit3A_168 : i32 to vector<256x1xi32>
    %select_n3A_170 = arith.select %lt3A_167, %broadcast_in_dim3A_164, %broadcast_in_dim3A_169 : vector<256x1xi1>, vector<256x1xi32>
    %eq3A_171 = vector.broadcast %broadcast_in_dim3A_164 : vector<256x1xi32> to vector<256x4096xi32>
    %eq3A_172 = arith.cmpi eq, %iota3A, %eq3A_171 : vector<256x4096xi32>
    %jit3A_173 = arith.constant 1.000000e+09 : f32
    %broadcast_in_dim3A_174 = vector.broadcast %jit3A_173 : f32 to vector<256x4096xf32>
    %select_n3A_175 = arith.select %eq3A_172, %broadcast_in_dim3A_174, %select_n3A_153 : vector<256x4096xi1>, vector<256x4096xf32>
    %reduce_min3A_176 = arith.constant dense<0x7F800000> : vector<256xf32>
    %reduce_min3A_177 = vector.multi_reduction <minimumf>, %select_n3A_175, %reduce_min3A_176 [1] : vector<256x4096xf32> to vector<256xf32>
    %broadcast_in_dim3A_178 = vector.shape_cast %reduce_min3A_177 : vector<256xf32> to vector<256x1xf32>
    %eq3A_179 = vector.broadcast %broadcast_in_dim3A_178 : vector<256x1xf32> to vector<256x4096xf32>
    %eq3A_180 = arith.cmpf oeq, %select_n3A_175, %eq3A_179 : vector<256x4096xf32>
    %jit3A_181 = arith.constant 4096 : i32
    %broadcast_in_dim3A_182 = vector.broadcast %jit3A_181 : i32 to vector<256x4096xi32>
    %select_n3A_183 = arith.select %eq3A_180, %iota3A, %broadcast_in_dim3A_182 : vector<256x4096xi1>, vector<256x4096xi32>
    %reduce_min3A_184 = arith.constant dense<2147483647> : vector<256xi32>
    %reduce_min3A_185 = vector.multi_reduction <minsi>, %select_n3A_183, %reduce_min3A_184 [1] : vector<256x4096xi32> to vector<256xi32>
    %broadcast_in_dim3A_186 = vector.shape_cast %reduce_min3A_185 : vector<256xi32> to vector<256x1xi32>
    %lt3A_187 = arith.constant 5.000000e+08 : f32
    %lt3A_188 = vector.broadcast %lt3A_187 : f32 to vector<256x1xf32>
    %lt3A_189 = arith.cmpf olt, %broadcast_in_dim3A_178, %lt3A_188 : vector<256x1xf32>
    %jit3A_190 = arith.constant -1 : i32
    %broadcast_in_dim3A_191 = vector.broadcast %jit3A_190 : i32 to vector<256x1xi32>
    %select_n3A_192 = arith.select %lt3A_189, %broadcast_in_dim3A_186, %broadcast_in_dim3A_191 : vector<256x1xi1>, vector<256x1xi32>
    %eq3A_193 = vector.broadcast %broadcast_in_dim3A_186 : vector<256x1xi32> to vector<256x4096xi32>
    %eq3A_194 = arith.cmpi eq, %iota3A, %eq3A_193 : vector<256x4096xi32>
    %jit3A_195 = arith.constant 1.000000e+09 : f32
    %broadcast_in_dim3A_196 = vector.broadcast %jit3A_195 : f32 to vector<256x4096xf32>
    %select_n3A_197 = arith.select %eq3A_194, %broadcast_in_dim3A_196, %select_n3A_175 : vector<256x4096xi1>, vector<256x4096xf32>
    %reduce_min3A_198 = arith.constant dense<0x7F800000> : vector<256xf32>
    %reduce_min3A_199 = vector.multi_reduction <minimumf>, %select_n3A_197, %reduce_min3A_198 [1] : vector<256x4096xf32> to vector<256xf32>
    %broadcast_in_dim3A_200 = vector.shape_cast %reduce_min3A_199 : vector<256xf32> to vector<256x1xf32>
    %eq3A_201 = vector.broadcast %broadcast_in_dim3A_200 : vector<256x1xf32> to vector<256x4096xf32>
    %eq3A_202 = arith.cmpf oeq, %select_n3A_197, %eq3A_201 : vector<256x4096xf32>
    %jit3A_203 = arith.constant 4096 : i32
    %broadcast_in_dim3A_204 = vector.broadcast %jit3A_203 : i32 to vector<256x4096xi32>
    %select_n3A_205 = arith.select %eq3A_202, %iota3A, %broadcast_in_dim3A_204 : vector<256x4096xi1>, vector<256x4096xi32>
    %reduce_min3A_206 = arith.constant dense<2147483647> : vector<256xi32>
    %reduce_min3A_207 = vector.multi_reduction <minsi>, %select_n3A_205, %reduce_min3A_206 [1] : vector<256x4096xi32> to vector<256xi32>
    %broadcast_in_dim3A_208 = vector.shape_cast %reduce_min3A_207 : vector<256xi32> to vector<256x1xi32>
    %lt3A_209 = arith.constant 5.000000e+08 : f32
    %lt3A_210 = vector.broadcast %lt3A_209 : f32 to vector<256x1xf32>
    %lt3A_211 = arith.cmpf olt, %broadcast_in_dim3A_200, %lt3A_210 : vector<256x1xf32>
    %jit3A_212 = arith.constant -1 : i32
    %broadcast_in_dim3A_213 = vector.broadcast %jit3A_212 : i32 to vector<256x1xi32>
    %select_n3A_214 = arith.select %lt3A_211, %broadcast_in_dim3A_208, %broadcast_in_dim3A_213 : vector<256x1xi1>, vector<256x1xi32>
    %eq3A_215 = vector.broadcast %broadcast_in_dim3A_208 : vector<256x1xi32> to vector<256x4096xi32>
    %eq3A_216 = arith.cmpi eq, %iota3A, %eq3A_215 : vector<256x4096xi32>
    %jit3A_217 = arith.constant 1.000000e+09 : f32
    %broadcast_in_dim3A_218 = vector.broadcast %jit3A_217 : f32 to vector<256x4096xf32>
    %select_n3A_219 = arith.select %eq3A_216, %broadcast_in_dim3A_218, %select_n3A_197 : vector<256x4096xi1>, vector<256x4096xf32>
    %reduce_min3A_220 = arith.constant dense<0x7F800000> : vector<256xf32>
    %reduce_min3A_221 = vector.multi_reduction <minimumf>, %select_n3A_219, %reduce_min3A_220 [1] : vector<256x4096xf32> to vector<256xf32>
    %broadcast_in_dim3A_222 = vector.shape_cast %reduce_min3A_221 : vector<256xf32> to vector<256x1xf32>
    %eq3A_223 = vector.broadcast %broadcast_in_dim3A_222 : vector<256x1xf32> to vector<256x4096xf32>
    %eq3A_224 = arith.cmpf oeq, %select_n3A_219, %eq3A_223 : vector<256x4096xf32>
    %jit3A_225 = arith.constant 4096 : i32
    %broadcast_in_dim3A_226 = vector.broadcast %jit3A_225 : i32 to vector<256x4096xi32>
    %select_n3A_227 = arith.select %eq3A_224, %iota3A, %broadcast_in_dim3A_226 : vector<256x4096xi1>, vector<256x4096xi32>
    %reduce_min3A_228 = arith.constant dense<2147483647> : vector<256xi32>
    %reduce_min3A_229 = vector.multi_reduction <minsi>, %select_n3A_227, %reduce_min3A_228 [1] : vector<256x4096xi32> to vector<256xi32>
    %broadcast_in_dim3A_230 = vector.shape_cast %reduce_min3A_229 : vector<256xi32> to vector<256x1xi32>
    %lt3A_231 = arith.constant 5.000000e+08 : f32
    %lt3A_232 = vector.broadcast %lt3A_231 : f32 to vector<256x1xf32>
    %lt3A_233 = arith.cmpf olt, %broadcast_in_dim3A_222, %lt3A_232 : vector<256x1xf32>
    %jit3A_234 = arith.constant -1 : i32
    %broadcast_in_dim3A_235 = vector.broadcast %jit3A_234 : i32 to vector<256x1xi32>
    %select_n3A_236 = arith.select %lt3A_233, %broadcast_in_dim3A_230, %broadcast_in_dim3A_235 : vector<256x1xi1>, vector<256x1xi32>
    %eq3A_237 = vector.broadcast %broadcast_in_dim3A_230 : vector<256x1xi32> to vector<256x4096xi32>
    %eq3A_238 = arith.cmpi eq, %iota3A, %eq3A_237 : vector<256x4096xi32>
    %jit3A_239 = arith.constant 1.000000e+09 : f32
    %broadcast_in_dim3A_240 = vector.broadcast %jit3A_239 : f32 to vector<256x4096xf32>
    %select_n3A_241 = arith.select %eq3A_238, %broadcast_in_dim3A_240, %select_n3A_219 : vector<256x4096xi1>, vector<256x4096xf32>
    %reduce_min3A_242 = arith.constant dense<0x7F800000> : vector<256xf32>
    %reduce_min3A_243 = vector.multi_reduction <minimumf>, %select_n3A_241, %reduce_min3A_242 [1] : vector<256x4096xf32> to vector<256xf32>
    %broadcast_in_dim3A_244 = vector.shape_cast %reduce_min3A_243 : vector<256xf32> to vector<256x1xf32>
    %eq3A_245 = vector.broadcast %broadcast_in_dim3A_244 : vector<256x1xf32> to vector<256x4096xf32>
    %eq3A_246 = arith.cmpf oeq, %select_n3A_241, %eq3A_245 : vector<256x4096xf32>
    %jit3A_247 = arith.constant 4096 : i32
    %broadcast_in_dim3A_248 = vector.broadcast %jit3A_247 : i32 to vector<256x4096xi32>
    %select_n3A_249 = arith.select %eq3A_246, %iota3A, %broadcast_in_dim3A_248 : vector<256x4096xi1>, vector<256x4096xi32>
    %reduce_min3A_250 = arith.constant dense<2147483647> : vector<256xi32>
    %reduce_min3A_251 = vector.multi_reduction <minsi>, %select_n3A_249, %reduce_min3A_250 [1] : vector<256x4096xi32> to vector<256xi32>
    %broadcast_in_dim3A_252 = vector.shape_cast %reduce_min3A_251 : vector<256xi32> to vector<256x1xi32>
    %lt3A_253 = arith.constant 5.000000e+08 : f32
    %lt3A_254 = vector.broadcast %lt3A_253 : f32 to vector<256x1xf32>
    %lt3A_255 = arith.cmpf olt, %broadcast_in_dim3A_244, %lt3A_254 : vector<256x1xf32>
    %jit3A_256 = arith.constant -1 : i32
    %broadcast_in_dim3A_257 = vector.broadcast %jit3A_256 : i32 to vector<256x1xi32>
    %select_n3A_258 = arith.select %lt3A_255, %broadcast_in_dim3A_252, %broadcast_in_dim3A_257 : vector<256x1xi1>, vector<256x1xi32>
    %eq3A_259 = vector.broadcast %broadcast_in_dim3A_252 : vector<256x1xi32> to vector<256x4096xi32>
    %eq3A_260 = arith.cmpi eq, %iota3A, %eq3A_259 : vector<256x4096xi32>
    %jit3A_261 = arith.constant 1.000000e+09 : f32
    %broadcast_in_dim3A_262 = vector.broadcast %jit3A_261 : f32 to vector<256x4096xf32>
    %select_n3A_263 = arith.select %eq3A_260, %broadcast_in_dim3A_262, %select_n3A_241 : vector<256x4096xi1>, vector<256x4096xf32>
    %reduce_min3A_264 = arith.constant dense<0x7F800000> : vector<256xf32>
    %reduce_min3A_265 = vector.multi_reduction <minimumf>, %select_n3A_263, %reduce_min3A_264 [1] : vector<256x4096xf32> to vector<256xf32>
    %broadcast_in_dim3A_266 = vector.shape_cast %reduce_min3A_265 : vector<256xf32> to vector<256x1xf32>
    %eq3A_267 = vector.broadcast %broadcast_in_dim3A_266 : vector<256x1xf32> to vector<256x4096xf32>
    %eq3A_268 = arith.cmpf oeq, %select_n3A_263, %eq3A_267 : vector<256x4096xf32>
    %jit3A_269 = arith.constant 4096 : i32
    %broadcast_in_dim3A_270 = vector.broadcast %jit3A_269 : i32 to vector<256x4096xi32>
    %select_n3A_271 = arith.select %eq3A_268, %iota3A, %broadcast_in_dim3A_270 : vector<256x4096xi1>, vector<256x4096xi32>
    %reduce_min3A_272 = arith.constant dense<2147483647> : vector<256xi32>
    %reduce_min3A_273 = vector.multi_reduction <minsi>, %select_n3A_271, %reduce_min3A_272 [1] : vector<256x4096xi32> to vector<256xi32>
    %broadcast_in_dim3A_274 = vector.shape_cast %reduce_min3A_273 : vector<256xi32> to vector<256x1xi32>
    %lt3A_275 = arith.constant 5.000000e+08 : f32
    %lt3A_276 = vector.broadcast %lt3A_275 : f32 to vector<256x1xf32>
    %lt3A_277 = arith.cmpf olt, %broadcast_in_dim3A_266, %lt3A_276 : vector<256x1xf32>
    %jit3A_278 = arith.constant -1 : i32
    %broadcast_in_dim3A_279 = vector.broadcast %jit3A_278 : i32 to vector<256x1xi32>
    %select_n3A_280 = arith.select %lt3A_277, %broadcast_in_dim3A_274, %broadcast_in_dim3A_279 : vector<256x1xi1>, vector<256x1xi32>
    %eq3A_281 = vector.broadcast %broadcast_in_dim3A_274 : vector<256x1xi32> to vector<256x4096xi32>
    %eq3A_282 = arith.cmpi eq, %iota3A, %eq3A_281 : vector<256x4096xi32>
    %jit3A_283 = arith.constant 1.000000e+09 : f32
    %broadcast_in_dim3A_284 = vector.broadcast %jit3A_283 : f32 to vector<256x4096xf32>
    %select_n3A_285 = arith.select %eq3A_282, %broadcast_in_dim3A_284, %select_n3A_263 : vector<256x4096xi1>, vector<256x4096xf32>
    %reduce_min3A_286 = arith.constant dense<0x7F800000> : vector<256xf32>
    %reduce_min3A_287 = vector.multi_reduction <minimumf>, %select_n3A_285, %reduce_min3A_286 [1] : vector<256x4096xf32> to vector<256xf32>
    %broadcast_in_dim3A_288 = vector.shape_cast %reduce_min3A_287 : vector<256xf32> to vector<256x1xf32>
    %eq3A_289 = vector.broadcast %broadcast_in_dim3A_288 : vector<256x1xf32> to vector<256x4096xf32>
    %eq3A_290 = arith.cmpf oeq, %select_n3A_285, %eq3A_289 : vector<256x4096xf32>
    %jit3A_291 = arith.constant 4096 : i32
    %broadcast_in_dim3A_292 = vector.broadcast %jit3A_291 : i32 to vector<256x4096xi32>
    %select_n3A_293 = arith.select %eq3A_290, %iota3A, %broadcast_in_dim3A_292 : vector<256x4096xi1>, vector<256x4096xi32>
    %reduce_min3A_294 = arith.constant dense<2147483647> : vector<256xi32>
    %reduce_min3A_295 = vector.multi_reduction <minsi>, %select_n3A_293, %reduce_min3A_294 [1] : vector<256x4096xi32> to vector<256xi32>
    %broadcast_in_dim3A_296 = vector.shape_cast %reduce_min3A_295 : vector<256xi32> to vector<256x1xi32>
    %lt3A_297 = arith.constant 5.000000e+08 : f32
    %lt3A_298 = vector.broadcast %lt3A_297 : f32 to vector<256x1xf32>
    %lt3A_299 = arith.cmpf olt, %broadcast_in_dim3A_288, %lt3A_298 : vector<256x1xf32>
    %jit3A_300 = arith.constant -1 : i32
    %broadcast_in_dim3A_301 = vector.broadcast %jit3A_300 : i32 to vector<256x1xi32>
    %select_n3A_302 = arith.select %lt3A_299, %broadcast_in_dim3A_296, %broadcast_in_dim3A_301 : vector<256x1xi1>, vector<256x1xi32>
    %eq3A_303 = vector.broadcast %broadcast_in_dim3A_296 : vector<256x1xi32> to vector<256x4096xi32>
    %eq3A_304 = arith.cmpi eq, %iota3A, %eq3A_303 : vector<256x4096xi32>
    %jit3A_305 = arith.constant 1.000000e+09 : f32
    %broadcast_in_dim3A_306 = vector.broadcast %jit3A_305 : f32 to vector<256x4096xf32>
    %select_n3A_307 = arith.select %eq3A_304, %broadcast_in_dim3A_306, %select_n3A_285 : vector<256x4096xi1>, vector<256x4096xf32>
    %reduce_min3A_308 = arith.constant dense<0x7F800000> : vector<256xf32>
    %reduce_min3A_309 = vector.multi_reduction <minimumf>, %select_n3A_307, %reduce_min3A_308 [1] : vector<256x4096xf32> to vector<256xf32>
    %broadcast_in_dim3A_310 = vector.shape_cast %reduce_min3A_309 : vector<256xf32> to vector<256x1xf32>
    %eq3A_311 = vector.broadcast %broadcast_in_dim3A_310 : vector<256x1xf32> to vector<256x4096xf32>
    %eq3A_312 = arith.cmpf oeq, %select_n3A_307, %eq3A_311 : vector<256x4096xf32>
    %jit3A_313 = arith.constant 4096 : i32
    %broadcast_in_dim3A_314 = vector.broadcast %jit3A_313 : i32 to vector<256x4096xi32>
    %select_n3A_315 = arith.select %eq3A_312, %iota3A, %broadcast_in_dim3A_314 : vector<256x4096xi1>, vector<256x4096xi32>
    %reduce_min3A_316 = arith.constant dense<2147483647> : vector<256xi32>
    %reduce_min3A_317 = vector.multi_reduction <minsi>, %select_n3A_315, %reduce_min3A_316 [1] : vector<256x4096xi32> to vector<256xi32>
    %broadcast_in_dim3A_318 = vector.shape_cast %reduce_min3A_317 : vector<256xi32> to vector<256x1xi32>
    %lt3A_319 = arith.constant 5.000000e+08 : f32
    %lt3A_320 = vector.broadcast %lt3A_319 : f32 to vector<256x1xf32>
    %lt3A_321 = arith.cmpf olt, %broadcast_in_dim3A_310, %lt3A_320 : vector<256x1xf32>
    %jit3A_322 = arith.constant -1 : i32
    %broadcast_in_dim3A_323 = vector.broadcast %jit3A_322 : i32 to vector<256x1xi32>
    %select_n3A_324 = arith.select %lt3A_321, %broadcast_in_dim3A_318, %broadcast_in_dim3A_323 : vector<256x1xi1>, vector<256x1xi32>
    %eq3A_325 = vector.broadcast %broadcast_in_dim3A_318 : vector<256x1xi32> to vector<256x4096xi32>
    %eq3A_326 = arith.cmpi eq, %iota3A, %eq3A_325 : vector<256x4096xi32>
    %jit3A_327 = arith.constant 1.000000e+09 : f32
    %broadcast_in_dim3A_328 = vector.broadcast %jit3A_327 : f32 to vector<256x4096xf32>
    %select_n3A_329 = arith.select %eq3A_326, %broadcast_in_dim3A_328, %select_n3A_307 : vector<256x4096xi1>, vector<256x4096xf32>
    %reduce_min3A_330 = arith.constant dense<0x7F800000> : vector<256xf32>
    %reduce_min3A_331 = vector.multi_reduction <minimumf>, %select_n3A_329, %reduce_min3A_330 [1] : vector<256x4096xf32> to vector<256xf32>
    %broadcast_in_dim3A_332 = vector.shape_cast %reduce_min3A_331 : vector<256xf32> to vector<256x1xf32>
    %eq3A_333 = vector.broadcast %broadcast_in_dim3A_332 : vector<256x1xf32> to vector<256x4096xf32>
    %eq3A_334 = arith.cmpf oeq, %select_n3A_329, %eq3A_333 : vector<256x4096xf32>
    %jit3A_335 = arith.constant 4096 : i32
    %broadcast_in_dim3A_336 = vector.broadcast %jit3A_335 : i32 to vector<256x4096xi32>
    %select_n3A_337 = arith.select %eq3A_334, %iota3A, %broadcast_in_dim3A_336 : vector<256x4096xi1>, vector<256x4096xi32>
    %reduce_min3A_338 = arith.constant dense<2147483647> : vector<256xi32>
    %reduce_min3A_339 = vector.multi_reduction <minsi>, %select_n3A_337, %reduce_min3A_338 [1] : vector<256x4096xi32> to vector<256xi32>
    %broadcast_in_dim3A_340 = vector.shape_cast %reduce_min3A_339 : vector<256xi32> to vector<256x1xi32>
    %lt3A_341 = arith.constant 5.000000e+08 : f32
    %lt3A_342 = vector.broadcast %lt3A_341 : f32 to vector<256x1xf32>
    %lt3A_343 = arith.cmpf olt, %broadcast_in_dim3A_332, %lt3A_342 : vector<256x1xf32>
    %jit3A_344 = arith.constant -1 : i32
    %broadcast_in_dim3A_345 = vector.broadcast %jit3A_344 : i32 to vector<256x1xi32>
    %select_n3A_346 = arith.select %lt3A_343, %broadcast_in_dim3A_340, %broadcast_in_dim3A_345 : vector<256x1xi1>, vector<256x1xi32>
    %eq3A_347 = vector.broadcast %broadcast_in_dim3A_340 : vector<256x1xi32> to vector<256x4096xi32>
    %eq3A_348 = arith.cmpi eq, %iota3A, %eq3A_347 : vector<256x4096xi32>
    %jit3A_349 = arith.constant 1.000000e+09 : f32
    %broadcast_in_dim3A_350 = vector.broadcast %jit3A_349 : f32 to vector<256x4096xf32>
    %select_n3A_351 = arith.select %eq3A_348, %broadcast_in_dim3A_350, %select_n3A_329 : vector<256x4096xi1>, vector<256x4096xf32>
    %reduce_min3A_352 = arith.constant dense<0x7F800000> : vector<256xf32>
    %reduce_min3A_353 = vector.multi_reduction <minimumf>, %select_n3A_351, %reduce_min3A_352 [1] : vector<256x4096xf32> to vector<256xf32>
    %broadcast_in_dim3A_354 = vector.shape_cast %reduce_min3A_353 : vector<256xf32> to vector<256x1xf32>
    %eq3A_355 = vector.broadcast %broadcast_in_dim3A_354 : vector<256x1xf32> to vector<256x4096xf32>
    %eq3A_356 = arith.cmpf oeq, %select_n3A_351, %eq3A_355 : vector<256x4096xf32>
    %jit3A_357 = arith.constant 4096 : i32
    %broadcast_in_dim3A_358 = vector.broadcast %jit3A_357 : i32 to vector<256x4096xi32>
    %select_n3A_359 = arith.select %eq3A_356, %iota3A, %broadcast_in_dim3A_358 : vector<256x4096xi1>, vector<256x4096xi32>
    %reduce_min3A_360 = arith.constant dense<2147483647> : vector<256xi32>
    %reduce_min3A_361 = vector.multi_reduction <minsi>, %select_n3A_359, %reduce_min3A_360 [1] : vector<256x4096xi32> to vector<256xi32>
    %broadcast_in_dim3A_362 = vector.shape_cast %reduce_min3A_361 : vector<256xi32> to vector<256x1xi32>
    %lt3A_363 = arith.constant 5.000000e+08 : f32
    %lt3A_364 = vector.broadcast %lt3A_363 : f32 to vector<256x1xf32>
    %lt3A_365 = arith.cmpf olt, %broadcast_in_dim3A_354, %lt3A_364 : vector<256x1xf32>
    %jit3A_366 = arith.constant -1 : i32
    %broadcast_in_dim3A_367 = vector.broadcast %jit3A_366 : i32 to vector<256x1xi32>
    %select_n3A_368 = arith.select %lt3A_365, %broadcast_in_dim3A_362, %broadcast_in_dim3A_367 : vector<256x1xi1>, vector<256x1xi32>
    %eq3A_369 = vector.broadcast %broadcast_in_dim3A_362 : vector<256x1xi32> to vector<256x4096xi32>
    %eq3A_370 = arith.cmpi eq, %iota3A, %eq3A_369 : vector<256x4096xi32>
    %jit3A_371 = arith.constant 1.000000e+09 : f32
    %broadcast_in_dim3A_372 = vector.broadcast %jit3A_371 : f32 to vector<256x4096xf32>
    %select_n3A_373 = arith.select %eq3A_370, %broadcast_in_dim3A_372, %select_n3A_351 : vector<256x4096xi1>, vector<256x4096xf32>
    %reduce_min3A_374 = arith.constant dense<0x7F800000> : vector<256xf32>
    %reduce_min3A_375 = vector.multi_reduction <minimumf>, %select_n3A_373, %reduce_min3A_374 [1] : vector<256x4096xf32> to vector<256xf32>
    %broadcast_in_dim3A_376 = vector.shape_cast %reduce_min3A_375 : vector<256xf32> to vector<256x1xf32>
    %eq3A_377 = vector.broadcast %broadcast_in_dim3A_376 : vector<256x1xf32> to vector<256x4096xf32>
    %eq3A_378 = arith.cmpf oeq, %select_n3A_373, %eq3A_377 : vector<256x4096xf32>
    %jit3A_379 = arith.constant 4096 : i32
    %broadcast_in_dim3A_380 = vector.broadcast %jit3A_379 : i32 to vector<256x4096xi32>
    %select_n3A_381 = arith.select %eq3A_378, %iota3A, %broadcast_in_dim3A_380 : vector<256x4096xi1>, vector<256x4096xi32>
    %reduce_min3A_382 = arith.constant dense<2147483647> : vector<256xi32>
    %reduce_min3A_383 = vector.multi_reduction <minsi>, %select_n3A_381, %reduce_min3A_382 [1] : vector<256x4096xi32> to vector<256xi32>
    %broadcast_in_dim3A_384 = vector.shape_cast %reduce_min3A_383 : vector<256xi32> to vector<256x1xi32>
    %lt3A_385 = arith.constant 5.000000e+08 : f32
    %lt3A_386 = vector.broadcast %lt3A_385 : f32 to vector<256x1xf32>
    %lt3A_387 = arith.cmpf olt, %broadcast_in_dim3A_376, %lt3A_386 : vector<256x1xf32>
    %jit3A_388 = arith.constant -1 : i32
    %broadcast_in_dim3A_389 = vector.broadcast %jit3A_388 : i32 to vector<256x1xi32>
    %select_n3A_390 = arith.select %lt3A_387, %broadcast_in_dim3A_384, %broadcast_in_dim3A_389 : vector<256x1xi1>, vector<256x1xi32>
    %eq3A_391 = vector.broadcast %broadcast_in_dim3A_384 : vector<256x1xi32> to vector<256x4096xi32>
    %eq3A_392 = arith.cmpi eq, %iota3A, %eq3A_391 : vector<256x4096xi32>
    %jit3A_393 = arith.constant 1.000000e+09 : f32
    %broadcast_in_dim3A_394 = vector.broadcast %jit3A_393 : f32 to vector<256x4096xf32>
    %select_n3A_395 = arith.select %eq3A_392, %broadcast_in_dim3A_394, %select_n3A_373 : vector<256x4096xi1>, vector<256x4096xf32>
    %reduce_min3A_396 = arith.constant dense<0x7F800000> : vector<256xf32>
    %reduce_min3A_397 = vector.multi_reduction <minimumf>, %select_n3A_395, %reduce_min3A_396 [1] : vector<256x4096xf32> to vector<256xf32>
    %broadcast_in_dim3A_398 = vector.shape_cast %reduce_min3A_397 : vector<256xf32> to vector<256x1xf32>
    %eq3A_399 = vector.broadcast %broadcast_in_dim3A_398 : vector<256x1xf32> to vector<256x4096xf32>
    %eq3A_400 = arith.cmpf oeq, %select_n3A_395, %eq3A_399 : vector<256x4096xf32>
    %jit3A_401 = arith.constant 4096 : i32
    %broadcast_in_dim3A_402 = vector.broadcast %jit3A_401 : i32 to vector<256x4096xi32>
    %select_n3A_403 = arith.select %eq3A_400, %iota3A, %broadcast_in_dim3A_402 : vector<256x4096xi1>, vector<256x4096xi32>
    %reduce_min3A_404 = arith.constant dense<2147483647> : vector<256xi32>
    %reduce_min3A_405 = vector.multi_reduction <minsi>, %select_n3A_403, %reduce_min3A_404 [1] : vector<256x4096xi32> to vector<256xi32>
    %broadcast_in_dim3A_406 = vector.shape_cast %reduce_min3A_405 : vector<256xi32> to vector<256x1xi32>
    %lt3A_407 = arith.constant 5.000000e+08 : f32
    %lt3A_408 = vector.broadcast %lt3A_407 : f32 to vector<256x1xf32>
    %lt3A_409 = arith.cmpf olt, %broadcast_in_dim3A_398, %lt3A_408 : vector<256x1xf32>
    %jit3A_410 = arith.constant -1 : i32
    %broadcast_in_dim3A_411 = vector.broadcast %jit3A_410 : i32 to vector<256x1xi32>
    %select_n3A_412 = arith.select %lt3A_409, %broadcast_in_dim3A_406, %broadcast_in_dim3A_411 : vector<256x1xi1>, vector<256x1xi32>
    %eq3A_413 = vector.broadcast %broadcast_in_dim3A_406 : vector<256x1xi32> to vector<256x4096xi32>
    %eq3A_414 = arith.cmpi eq, %iota3A, %eq3A_413 : vector<256x4096xi32>
    %jit3A_415 = arith.constant 1.000000e+09 : f32
    %broadcast_in_dim3A_416 = vector.broadcast %jit3A_415 : f32 to vector<256x4096xf32>
    %select_n3A_417 = arith.select %eq3A_414, %broadcast_in_dim3A_416, %select_n3A_395 : vector<256x4096xi1>, vector<256x4096xf32>
    %reduce_min3A_418 = arith.constant dense<0x7F800000> : vector<256xf32>
    %reduce_min3A_419 = vector.multi_reduction <minimumf>, %select_n3A_417, %reduce_min3A_418 [1] : vector<256x4096xf32> to vector<256xf32>
    %broadcast_in_dim3A_420 = vector.shape_cast %reduce_min3A_419 : vector<256xf32> to vector<256x1xf32>
    %eq3A_421 = vector.broadcast %broadcast_in_dim3A_420 : vector<256x1xf32> to vector<256x4096xf32>
    %eq3A_422 = arith.cmpf oeq, %select_n3A_417, %eq3A_421 : vector<256x4096xf32>
    %jit3A_423 = arith.constant 4096 : i32
    %broadcast_in_dim3A_424 = vector.broadcast %jit3A_423 : i32 to vector<256x4096xi32>
    %select_n3A_425 = arith.select %eq3A_422, %iota3A, %broadcast_in_dim3A_424 : vector<256x4096xi1>, vector<256x4096xi32>
    %reduce_min3A_426 = arith.constant dense<2147483647> : vector<256xi32>
    %reduce_min3A_427 = vector.multi_reduction <minsi>, %select_n3A_425, %reduce_min3A_426 [1] : vector<256x4096xi32> to vector<256xi32>
    %broadcast_in_dim3A_428 = vector.shape_cast %reduce_min3A_427 : vector<256xi32> to vector<256x1xi32>
    %lt3A_429 = arith.constant 5.000000e+08 : f32
    %lt3A_430 = vector.broadcast %lt3A_429 : f32 to vector<256x1xf32>
    %lt3A_431 = arith.cmpf olt, %broadcast_in_dim3A_420, %lt3A_430 : vector<256x1xf32>
    %jit3A_432 = arith.constant -1 : i32
    %broadcast_in_dim3A_433 = vector.broadcast %jit3A_432 : i32 to vector<256x1xi32>
    %select_n3A_434 = arith.select %lt3A_431, %broadcast_in_dim3A_428, %broadcast_in_dim3A_433 : vector<256x1xi1>, vector<256x1xi32>
    %eq3A_435 = vector.broadcast %broadcast_in_dim3A_428 : vector<256x1xi32> to vector<256x4096xi32>
    %eq3A_436 = arith.cmpi eq, %iota3A, %eq3A_435 : vector<256x4096xi32>
    %jit3A_437 = arith.constant 1.000000e+09 : f32
    %broadcast_in_dim3A_438 = vector.broadcast %jit3A_437 : f32 to vector<256x4096xf32>
    %select_n3A_439 = arith.select %eq3A_436, %broadcast_in_dim3A_438, %select_n3A_417 : vector<256x4096xi1>, vector<256x4096xf32>
    %reduce_min3A_440 = arith.constant dense<0x7F800000> : vector<256xf32>
    %reduce_min3A_441 = vector.multi_reduction <minimumf>, %select_n3A_439, %reduce_min3A_440 [1] : vector<256x4096xf32> to vector<256xf32>
    %broadcast_in_dim3A_442 = vector.shape_cast %reduce_min3A_441 : vector<256xf32> to vector<256x1xf32>
    %eq3A_443 = vector.broadcast %broadcast_in_dim3A_442 : vector<256x1xf32> to vector<256x4096xf32>
    %eq3A_444 = arith.cmpf oeq, %select_n3A_439, %eq3A_443 : vector<256x4096xf32>
    %jit3A_445 = arith.constant 4096 : i32
    %broadcast_in_dim3A_446 = vector.broadcast %jit3A_445 : i32 to vector<256x4096xi32>
    %select_n3A_447 = arith.select %eq3A_444, %iota3A, %broadcast_in_dim3A_446 : vector<256x4096xi1>, vector<256x4096xi32>
    %reduce_min3A_448 = arith.constant dense<2147483647> : vector<256xi32>
    %reduce_min3A_449 = vector.multi_reduction <minsi>, %select_n3A_447, %reduce_min3A_448 [1] : vector<256x4096xi32> to vector<256xi32>
    %broadcast_in_dim3A_450 = vector.shape_cast %reduce_min3A_449 : vector<256xi32> to vector<256x1xi32>
    %lt3A_451 = arith.constant 5.000000e+08 : f32
    %lt3A_452 = vector.broadcast %lt3A_451 : f32 to vector<256x1xf32>
    %lt3A_453 = arith.cmpf olt, %broadcast_in_dim3A_442, %lt3A_452 : vector<256x1xf32>
    %jit3A_454 = arith.constant -1 : i32
    %broadcast_in_dim3A_455 = vector.broadcast %jit3A_454 : i32 to vector<256x1xi32>
    %select_n3A_456 = arith.select %lt3A_453, %broadcast_in_dim3A_450, %broadcast_in_dim3A_455 : vector<256x1xi1>, vector<256x1xi32>
    %eq3A_457 = vector.broadcast %broadcast_in_dim3A_450 : vector<256x1xi32> to vector<256x4096xi32>
    %eq3A_458 = arith.cmpi eq, %iota3A, %eq3A_457 : vector<256x4096xi32>
    %jit3A_459 = arith.constant 1.000000e+09 : f32
    %broadcast_in_dim3A_460 = vector.broadcast %jit3A_459 : f32 to vector<256x4096xf32>
    %select_n3A_461 = arith.select %eq3A_458, %broadcast_in_dim3A_460, %select_n3A_439 : vector<256x4096xi1>, vector<256x4096xf32>
    %reduce_min3A_462 = arith.constant dense<0x7F800000> : vector<256xf32>
    %reduce_min3A_463 = vector.multi_reduction <minimumf>, %select_n3A_461, %reduce_min3A_462 [1] : vector<256x4096xf32> to vector<256xf32>
    %broadcast_in_dim3A_464 = vector.shape_cast %reduce_min3A_463 : vector<256xf32> to vector<256x1xf32>
    %eq3A_465 = vector.broadcast %broadcast_in_dim3A_464 : vector<256x1xf32> to vector<256x4096xf32>
    %eq3A_466 = arith.cmpf oeq, %select_n3A_461, %eq3A_465 : vector<256x4096xf32>
    %jit3A_467 = arith.constant 4096 : i32
    %broadcast_in_dim3A_468 = vector.broadcast %jit3A_467 : i32 to vector<256x4096xi32>
    %select_n3A_469 = arith.select %eq3A_466, %iota3A, %broadcast_in_dim3A_468 : vector<256x4096xi1>, vector<256x4096xi32>
    %reduce_min3A_470 = arith.constant dense<2147483647> : vector<256xi32>
    %reduce_min3A_471 = vector.multi_reduction <minsi>, %select_n3A_469, %reduce_min3A_470 [1] : vector<256x4096xi32> to vector<256xi32>
    %broadcast_in_dim3A_472 = vector.shape_cast %reduce_min3A_471 : vector<256xi32> to vector<256x1xi32>
    %lt3A_473 = arith.constant 5.000000e+08 : f32
    %lt3A_474 = vector.broadcast %lt3A_473 : f32 to vector<256x1xf32>
    %lt3A_475 = arith.cmpf olt, %broadcast_in_dim3A_464, %lt3A_474 : vector<256x1xf32>
    %jit3A_476 = arith.constant -1 : i32
    %broadcast_in_dim3A_477 = vector.broadcast %jit3A_476 : i32 to vector<256x1xi32>
    %select_n3A_478 = arith.select %lt3A_475, %broadcast_in_dim3A_472, %broadcast_in_dim3A_477 : vector<256x1xi1>, vector<256x1xi32>
    %eq3A_479 = vector.broadcast %broadcast_in_dim3A_472 : vector<256x1xi32> to vector<256x4096xi32>
    %eq3A_480 = arith.cmpi eq, %iota3A, %eq3A_479 : vector<256x4096xi32>
    %jit3A_481 = arith.constant 1.000000e+09 : f32
    %broadcast_in_dim3A_482 = vector.broadcast %jit3A_481 : f32 to vector<256x4096xf32>
    %select_n3A_483 = arith.select %eq3A_480, %broadcast_in_dim3A_482, %select_n3A_461 : vector<256x4096xi1>, vector<256x4096xf32>
    %reduce_min3A_484 = arith.constant dense<0x7F800000> : vector<256xf32>
    %reduce_min3A_485 = vector.multi_reduction <minimumf>, %select_n3A_483, %reduce_min3A_484 [1] : vector<256x4096xf32> to vector<256xf32>
    %broadcast_in_dim3A_486 = vector.shape_cast %reduce_min3A_485 : vector<256xf32> to vector<256x1xf32>
    %eq3A_487 = vector.broadcast %broadcast_in_dim3A_486 : vector<256x1xf32> to vector<256x4096xf32>
    %eq3A_488 = arith.cmpf oeq, %select_n3A_483, %eq3A_487 : vector<256x4096xf32>
    %jit3A_489 = arith.constant 4096 : i32
    %broadcast_in_dim3A_490 = vector.broadcast %jit3A_489 : i32 to vector<256x4096xi32>
    %select_n3A_491 = arith.select %eq3A_488, %iota3A, %broadcast_in_dim3A_490 : vector<256x4096xi1>, vector<256x4096xi32>
    %reduce_min3A_492 = arith.constant dense<2147483647> : vector<256xi32>
    %reduce_min3A_493 = vector.multi_reduction <minsi>, %select_n3A_491, %reduce_min3A_492 [1] : vector<256x4096xi32> to vector<256xi32>
    %broadcast_in_dim3A_494 = vector.shape_cast %reduce_min3A_493 : vector<256xi32> to vector<256x1xi32>
    %lt3A_495 = arith.constant 5.000000e+08 : f32
    %lt3A_496 = vector.broadcast %lt3A_495 : f32 to vector<256x1xf32>
    %lt3A_497 = arith.cmpf olt, %broadcast_in_dim3A_486, %lt3A_496 : vector<256x1xf32>
    %jit3A_498 = arith.constant -1 : i32
    %broadcast_in_dim3A_499 = vector.broadcast %jit3A_498 : i32 to vector<256x1xi32>
    %select_n3A_500 = arith.select %lt3A_497, %broadcast_in_dim3A_494, %broadcast_in_dim3A_499 : vector<256x1xi1>, vector<256x1xi32>
    %eq3A_501 = vector.broadcast %broadcast_in_dim3A_494 : vector<256x1xi32> to vector<256x4096xi32>
    %eq3A_502 = arith.cmpi eq, %iota3A, %eq3A_501 : vector<256x4096xi32>
    %jit3A_503 = arith.constant 1.000000e+09 : f32
    %broadcast_in_dim3A_504 = vector.broadcast %jit3A_503 : f32 to vector<256x4096xf32>
    %select_n3A_505 = arith.select %eq3A_502, %broadcast_in_dim3A_504, %select_n3A_483 : vector<256x4096xi1>, vector<256x4096xf32>
    %reduce_min3A_506 = arith.constant dense<0x7F800000> : vector<256xf32>
    %reduce_min3A_507 = vector.multi_reduction <minimumf>, %select_n3A_505, %reduce_min3A_506 [1] : vector<256x4096xf32> to vector<256xf32>
    %broadcast_in_dim3A_508 = vector.shape_cast %reduce_min3A_507 : vector<256xf32> to vector<256x1xf32>
    %eq3A_509 = vector.broadcast %broadcast_in_dim3A_508 : vector<256x1xf32> to vector<256x4096xf32>
    %eq3A_510 = arith.cmpf oeq, %select_n3A_505, %eq3A_509 : vector<256x4096xf32>
    %jit3A_511 = arith.constant 4096 : i32
    %broadcast_in_dim3A_512 = vector.broadcast %jit3A_511 : i32 to vector<256x4096xi32>
    %select_n3A_513 = arith.select %eq3A_510, %iota3A, %broadcast_in_dim3A_512 : vector<256x4096xi1>, vector<256x4096xi32>
    %reduce_min3A_514 = arith.constant dense<2147483647> : vector<256xi32>
    %reduce_min3A_515 = vector.multi_reduction <minsi>, %select_n3A_513, %reduce_min3A_514 [1] : vector<256x4096xi32> to vector<256xi32>
    %broadcast_in_dim3A_516 = vector.shape_cast %reduce_min3A_515 : vector<256xi32> to vector<256x1xi32>
    %lt3A_517 = arith.constant 5.000000e+08 : f32
    %lt3A_518 = vector.broadcast %lt3A_517 : f32 to vector<256x1xf32>
    %lt3A_519 = arith.cmpf olt, %broadcast_in_dim3A_508, %lt3A_518 : vector<256x1xf32>
    %jit3A_520 = arith.constant -1 : i32
    %broadcast_in_dim3A_521 = vector.broadcast %jit3A_520 : i32 to vector<256x1xi32>
    %select_n3A_522 = arith.select %lt3A_519, %broadcast_in_dim3A_516, %broadcast_in_dim3A_521 : vector<256x1xi1>, vector<256x1xi32>
    %eq3A_523 = vector.broadcast %broadcast_in_dim3A_516 : vector<256x1xi32> to vector<256x4096xi32>
    %eq3A_524 = arith.cmpi eq, %iota3A, %eq3A_523 : vector<256x4096xi32>
    %jit3A_525 = arith.constant 1.000000e+09 : f32
    %broadcast_in_dim3A_526 = vector.broadcast %jit3A_525 : f32 to vector<256x4096xf32>
    %select_n3A_527 = arith.select %eq3A_524, %broadcast_in_dim3A_526, %select_n3A_505 : vector<256x4096xi1>, vector<256x4096xf32>
    %reduce_min3A_528 = arith.constant dense<0x7F800000> : vector<256xf32>
    %reduce_min3A_529 = vector.multi_reduction <minimumf>, %select_n3A_527, %reduce_min3A_528 [1] : vector<256x4096xf32> to vector<256xf32>
    %broadcast_in_dim3A_530 = vector.shape_cast %reduce_min3A_529 : vector<256xf32> to vector<256x1xf32>
    %eq3A_531 = vector.broadcast %broadcast_in_dim3A_530 : vector<256x1xf32> to vector<256x4096xf32>
    %eq3A_532 = arith.cmpf oeq, %select_n3A_527, %eq3A_531 : vector<256x4096xf32>
    %jit3A_533 = arith.constant 4096 : i32
    %broadcast_in_dim3A_534 = vector.broadcast %jit3A_533 : i32 to vector<256x4096xi32>
    %select_n3A_535 = arith.select %eq3A_532, %iota3A, %broadcast_in_dim3A_534 : vector<256x4096xi1>, vector<256x4096xi32>
    %reduce_min3A_536 = arith.constant dense<2147483647> : vector<256xi32>
    %reduce_min3A_537 = vector.multi_reduction <minsi>, %select_n3A_535, %reduce_min3A_536 [1] : vector<256x4096xi32> to vector<256xi32>
    %broadcast_in_dim3A_538 = vector.shape_cast %reduce_min3A_537 : vector<256xi32> to vector<256x1xi32>
    %lt3A_539 = arith.constant 5.000000e+08 : f32
    %lt3A_540 = vector.broadcast %lt3A_539 : f32 to vector<256x1xf32>
    %lt3A_541 = arith.cmpf olt, %broadcast_in_dim3A_530, %lt3A_540 : vector<256x1xf32>
    %jit3A_542 = arith.constant -1 : i32
    %broadcast_in_dim3A_543 = vector.broadcast %jit3A_542 : i32 to vector<256x1xi32>
    %select_n3A_544 = arith.select %lt3A_541, %broadcast_in_dim3A_538, %broadcast_in_dim3A_543 : vector<256x1xi1>, vector<256x1xi32>
    %eq3A_545 = vector.broadcast %broadcast_in_dim3A_538 : vector<256x1xi32> to vector<256x4096xi32>
    %eq3A_546 = arith.cmpi eq, %iota3A, %eq3A_545 : vector<256x4096xi32>
    %jit3A_547 = arith.constant 1.000000e+09 : f32
    %broadcast_in_dim3A_548 = vector.broadcast %jit3A_547 : f32 to vector<256x4096xf32>
    %select_n3A_549 = arith.select %eq3A_546, %broadcast_in_dim3A_548, %select_n3A_527 : vector<256x4096xi1>, vector<256x4096xf32>
    %reduce_min3A_550 = arith.constant dense<0x7F800000> : vector<256xf32>
    %reduce_min3A_551 = vector.multi_reduction <minimumf>, %select_n3A_549, %reduce_min3A_550 [1] : vector<256x4096xf32> to vector<256xf32>
    %broadcast_in_dim3A_552 = vector.shape_cast %reduce_min3A_551 : vector<256xf32> to vector<256x1xf32>
    %eq3A_553 = vector.broadcast %broadcast_in_dim3A_552 : vector<256x1xf32> to vector<256x4096xf32>
    %eq3A_554 = arith.cmpf oeq, %select_n3A_549, %eq3A_553 : vector<256x4096xf32>
    %jit3A_555 = arith.constant 4096 : i32
    %broadcast_in_dim3A_556 = vector.broadcast %jit3A_555 : i32 to vector<256x4096xi32>
    %select_n3A_557 = arith.select %eq3A_554, %iota3A, %broadcast_in_dim3A_556 : vector<256x4096xi1>, vector<256x4096xi32>
    %reduce_min3A_558 = arith.constant dense<2147483647> : vector<256xi32>
    %reduce_min3A_559 = vector.multi_reduction <minsi>, %select_n3A_557, %reduce_min3A_558 [1] : vector<256x4096xi32> to vector<256xi32>
    %broadcast_in_dim3A_560 = vector.shape_cast %reduce_min3A_559 : vector<256xi32> to vector<256x1xi32>
    %lt3A_561 = arith.constant 5.000000e+08 : f32
    %lt3A_562 = vector.broadcast %lt3A_561 : f32 to vector<256x1xf32>
    %lt3A_563 = arith.cmpf olt, %broadcast_in_dim3A_552, %lt3A_562 : vector<256x1xf32>
    %jit3A_564 = arith.constant -1 : i32
    %broadcast_in_dim3A_565 = vector.broadcast %jit3A_564 : i32 to vector<256x1xi32>
    %select_n3A_566 = arith.select %lt3A_563, %broadcast_in_dim3A_560, %broadcast_in_dim3A_565 : vector<256x1xi1>, vector<256x1xi32>
    %eq3A_567 = vector.broadcast %broadcast_in_dim3A_560 : vector<256x1xi32> to vector<256x4096xi32>
    %eq3A_568 = arith.cmpi eq, %iota3A, %eq3A_567 : vector<256x4096xi32>
    %jit3A_569 = arith.constant 1.000000e+09 : f32
    %broadcast_in_dim3A_570 = vector.broadcast %jit3A_569 : f32 to vector<256x4096xf32>
    %select_n3A_571 = arith.select %eq3A_568, %broadcast_in_dim3A_570, %select_n3A_549 : vector<256x4096xi1>, vector<256x4096xf32>
    %reduce_min3A_572 = arith.constant dense<0x7F800000> : vector<256xf32>
    %reduce_min3A_573 = vector.multi_reduction <minimumf>, %select_n3A_571, %reduce_min3A_572 [1] : vector<256x4096xf32> to vector<256xf32>
    %broadcast_in_dim3A_574 = vector.shape_cast %reduce_min3A_573 : vector<256xf32> to vector<256x1xf32>
    %eq3A_575 = vector.broadcast %broadcast_in_dim3A_574 : vector<256x1xf32> to vector<256x4096xf32>
    %eq3A_576 = arith.cmpf oeq, %select_n3A_571, %eq3A_575 : vector<256x4096xf32>
    %jit3A_577 = arith.constant 4096 : i32
    %broadcast_in_dim3A_578 = vector.broadcast %jit3A_577 : i32 to vector<256x4096xi32>
    %select_n3A_579 = arith.select %eq3A_576, %iota3A, %broadcast_in_dim3A_578 : vector<256x4096xi1>, vector<256x4096xi32>
    %reduce_min3A_580 = arith.constant dense<2147483647> : vector<256xi32>
    %reduce_min3A_581 = vector.multi_reduction <minsi>, %select_n3A_579, %reduce_min3A_580 [1] : vector<256x4096xi32> to vector<256xi32>
    %broadcast_in_dim3A_582 = vector.shape_cast %reduce_min3A_581 : vector<256xi32> to vector<256x1xi32>
    %lt3A_583 = arith.constant 5.000000e+08 : f32
    %lt3A_584 = vector.broadcast %lt3A_583 : f32 to vector<256x1xf32>
    %lt3A_585 = arith.cmpf olt, %broadcast_in_dim3A_574, %lt3A_584 : vector<256x1xf32>
    %jit3A_586 = arith.constant -1 : i32
    %broadcast_in_dim3A_587 = vector.broadcast %jit3A_586 : i32 to vector<256x1xi32>
    %select_n3A_588 = arith.select %lt3A_585, %broadcast_in_dim3A_582, %broadcast_in_dim3A_587 : vector<256x1xi1>, vector<256x1xi32>
    %eq3A_589 = vector.broadcast %broadcast_in_dim3A_582 : vector<256x1xi32> to vector<256x4096xi32>
    %eq3A_590 = arith.cmpi eq, %iota3A, %eq3A_589 : vector<256x4096xi32>
    %jit3A_591 = arith.constant 1.000000e+09 : f32
    %broadcast_in_dim3A_592 = vector.broadcast %jit3A_591 : f32 to vector<256x4096xf32>
    %select_n3A_593 = arith.select %eq3A_590, %broadcast_in_dim3A_592, %select_n3A_571 : vector<256x4096xi1>, vector<256x4096xf32>
    %reduce_min3A_594 = arith.constant dense<0x7F800000> : vector<256xf32>
    %reduce_min3A_595 = vector.multi_reduction <minimumf>, %select_n3A_593, %reduce_min3A_594 [1] : vector<256x4096xf32> to vector<256xf32>
    %broadcast_in_dim3A_596 = vector.shape_cast %reduce_min3A_595 : vector<256xf32> to vector<256x1xf32>
    %eq3A_597 = vector.broadcast %broadcast_in_dim3A_596 : vector<256x1xf32> to vector<256x4096xf32>
    %eq3A_598 = arith.cmpf oeq, %select_n3A_593, %eq3A_597 : vector<256x4096xf32>
    %jit3A_599 = arith.constant 4096 : i32
    %broadcast_in_dim3A_600 = vector.broadcast %jit3A_599 : i32 to vector<256x4096xi32>
    %select_n3A_601 = arith.select %eq3A_598, %iota3A, %broadcast_in_dim3A_600 : vector<256x4096xi1>, vector<256x4096xi32>
    %reduce_min3A_602 = arith.constant dense<2147483647> : vector<256xi32>
    %reduce_min3A_603 = vector.multi_reduction <minsi>, %select_n3A_601, %reduce_min3A_602 [1] : vector<256x4096xi32> to vector<256xi32>
    %broadcast_in_dim3A_604 = vector.shape_cast %reduce_min3A_603 : vector<256xi32> to vector<256x1xi32>
    %lt3A_605 = arith.constant 5.000000e+08 : f32
    %lt3A_606 = vector.broadcast %lt3A_605 : f32 to vector<256x1xf32>
    %lt3A_607 = arith.cmpf olt, %broadcast_in_dim3A_596, %lt3A_606 : vector<256x1xf32>
    %jit3A_608 = arith.constant -1 : i32
    %broadcast_in_dim3A_609 = vector.broadcast %jit3A_608 : i32 to vector<256x1xi32>
    %select_n3A_610 = arith.select %lt3A_607, %broadcast_in_dim3A_604, %broadcast_in_dim3A_609 : vector<256x1xi1>, vector<256x1xi32>
    %eq3A_611 = vector.broadcast %broadcast_in_dim3A_604 : vector<256x1xi32> to vector<256x4096xi32>
    %eq3A_612 = arith.cmpi eq, %iota3A, %eq3A_611 : vector<256x4096xi32>
    %jit3A_613 = arith.constant 1.000000e+09 : f32
    %broadcast_in_dim3A_614 = vector.broadcast %jit3A_613 : f32 to vector<256x4096xf32>
    %select_n3A_615 = arith.select %eq3A_612, %broadcast_in_dim3A_614, %select_n3A_593 : vector<256x4096xi1>, vector<256x4096xf32>
    %reduce_min3A_616 = arith.constant dense<0x7F800000> : vector<256xf32>
    %reduce_min3A_617 = vector.multi_reduction <minimumf>, %select_n3A_615, %reduce_min3A_616 [1] : vector<256x4096xf32> to vector<256xf32>
    %broadcast_in_dim3A_618 = vector.shape_cast %reduce_min3A_617 : vector<256xf32> to vector<256x1xf32>
    %eq3A_619 = vector.broadcast %broadcast_in_dim3A_618 : vector<256x1xf32> to vector<256x4096xf32>
    %eq3A_620 = arith.cmpf oeq, %select_n3A_615, %eq3A_619 : vector<256x4096xf32>
    %jit3A_621 = arith.constant 4096 : i32
    %broadcast_in_dim3A_622 = vector.broadcast %jit3A_621 : i32 to vector<256x4096xi32>
    %select_n3A_623 = arith.select %eq3A_620, %iota3A, %broadcast_in_dim3A_622 : vector<256x4096xi1>, vector<256x4096xi32>
    %reduce_min3A_624 = arith.constant dense<2147483647> : vector<256xi32>
    %reduce_min3A_625 = vector.multi_reduction <minsi>, %select_n3A_623, %reduce_min3A_624 [1] : vector<256x4096xi32> to vector<256xi32>
    %broadcast_in_dim3A_626 = vector.shape_cast %reduce_min3A_625 : vector<256xi32> to vector<256x1xi32>
    %lt3A_627 = arith.constant 5.000000e+08 : f32
    %lt3A_628 = vector.broadcast %lt3A_627 : f32 to vector<256x1xf32>
    %lt3A_629 = arith.cmpf olt, %broadcast_in_dim3A_618, %lt3A_628 : vector<256x1xf32>
    %jit3A_630 = arith.constant -1 : i32
    %broadcast_in_dim3A_631 = vector.broadcast %jit3A_630 : i32 to vector<256x1xi32>
    %select_n3A_632 = arith.select %lt3A_629, %broadcast_in_dim3A_626, %broadcast_in_dim3A_631 : vector<256x1xi1>, vector<256x1xi32>
    %eq3A_633 = vector.broadcast %broadcast_in_dim3A_626 : vector<256x1xi32> to vector<256x4096xi32>
    %eq3A_634 = arith.cmpi eq, %iota3A, %eq3A_633 : vector<256x4096xi32>
    %jit3A_635 = arith.constant 1.000000e+09 : f32
    %broadcast_in_dim3A_636 = vector.broadcast %jit3A_635 : f32 to vector<256x4096xf32>
    %select_n3A_637 = arith.select %eq3A_634, %broadcast_in_dim3A_636, %select_n3A_615 : vector<256x4096xi1>, vector<256x4096xf32>
    %reduce_min3A_638 = arith.constant dense<0x7F800000> : vector<256xf32>
    %reduce_min3A_639 = vector.multi_reduction <minimumf>, %select_n3A_637, %reduce_min3A_638 [1] : vector<256x4096xf32> to vector<256xf32>
    %broadcast_in_dim3A_640 = vector.shape_cast %reduce_min3A_639 : vector<256xf32> to vector<256x1xf32>
    %eq3A_641 = vector.broadcast %broadcast_in_dim3A_640 : vector<256x1xf32> to vector<256x4096xf32>
    %eq3A_642 = arith.cmpf oeq, %select_n3A_637, %eq3A_641 : vector<256x4096xf32>
    %jit3A_643 = arith.constant 4096 : i32
    %broadcast_in_dim3A_644 = vector.broadcast %jit3A_643 : i32 to vector<256x4096xi32>
    %select_n3A_645 = arith.select %eq3A_642, %iota3A, %broadcast_in_dim3A_644 : vector<256x4096xi1>, vector<256x4096xi32>
    %reduce_min3A_646 = arith.constant dense<2147483647> : vector<256xi32>
    %reduce_min3A_647 = vector.multi_reduction <minsi>, %select_n3A_645, %reduce_min3A_646 [1] : vector<256x4096xi32> to vector<256xi32>
    %broadcast_in_dim3A_648 = vector.shape_cast %reduce_min3A_647 : vector<256xi32> to vector<256x1xi32>
    %lt3A_649 = arith.constant 5.000000e+08 : f32
    %lt3A_650 = vector.broadcast %lt3A_649 : f32 to vector<256x1xf32>
    %lt3A_651 = arith.cmpf olt, %broadcast_in_dim3A_640, %lt3A_650 : vector<256x1xf32>
    %jit3A_652 = arith.constant -1 : i32
    %broadcast_in_dim3A_653 = vector.broadcast %jit3A_652 : i32 to vector<256x1xi32>
    %select_n3A_654 = arith.select %lt3A_651, %broadcast_in_dim3A_648, %broadcast_in_dim3A_653 : vector<256x1xi1>, vector<256x1xi32>
    %eq3A_655 = vector.broadcast %broadcast_in_dim3A_648 : vector<256x1xi32> to vector<256x4096xi32>
    %eq3A_656 = arith.cmpi eq, %iota3A, %eq3A_655 : vector<256x4096xi32>
    %jit3A_657 = arith.constant 1.000000e+09 : f32
    %broadcast_in_dim3A_658 = vector.broadcast %jit3A_657 : f32 to vector<256x4096xf32>
    %select_n3A_659 = arith.select %eq3A_656, %broadcast_in_dim3A_658, %select_n3A_637 : vector<256x4096xi1>, vector<256x4096xf32>
    %reduce_min3A_660 = arith.constant dense<0x7F800000> : vector<256xf32>
    %reduce_min3A_661 = vector.multi_reduction <minimumf>, %select_n3A_659, %reduce_min3A_660 [1] : vector<256x4096xf32> to vector<256xf32>
    %broadcast_in_dim3A_662 = vector.shape_cast %reduce_min3A_661 : vector<256xf32> to vector<256x1xf32>
    %eq3A_663 = vector.broadcast %broadcast_in_dim3A_662 : vector<256x1xf32> to vector<256x4096xf32>
    %eq3A_664 = arith.cmpf oeq, %select_n3A_659, %eq3A_663 : vector<256x4096xf32>
    %jit3A_665 = arith.constant 4096 : i32
    %broadcast_in_dim3A_666 = vector.broadcast %jit3A_665 : i32 to vector<256x4096xi32>
    %select_n3A_667 = arith.select %eq3A_664, %iota3A, %broadcast_in_dim3A_666 : vector<256x4096xi1>, vector<256x4096xi32>
    %reduce_min3A_668 = arith.constant dense<2147483647> : vector<256xi32>
    %reduce_min3A_669 = vector.multi_reduction <minsi>, %select_n3A_667, %reduce_min3A_668 [1] : vector<256x4096xi32> to vector<256xi32>
    %broadcast_in_dim3A_670 = vector.shape_cast %reduce_min3A_669 : vector<256xi32> to vector<256x1xi32>
    %lt3A_671 = arith.constant 5.000000e+08 : f32
    %lt3A_672 = vector.broadcast %lt3A_671 : f32 to vector<256x1xf32>
    %lt3A_673 = arith.cmpf olt, %broadcast_in_dim3A_662, %lt3A_672 : vector<256x1xf32>
    %jit3A_674 = arith.constant -1 : i32
    %broadcast_in_dim3A_675 = vector.broadcast %jit3A_674 : i32 to vector<256x1xi32>
    %select_n3A_676 = arith.select %lt3A_673, %broadcast_in_dim3A_670, %broadcast_in_dim3A_675 : vector<256x1xi1>, vector<256x1xi32>
    %eq3A_677 = vector.broadcast %broadcast_in_dim3A_670 : vector<256x1xi32> to vector<256x4096xi32>
    %eq3A_678 = arith.cmpi eq, %iota3A, %eq3A_677 : vector<256x4096xi32>
    %jit3A_679 = arith.constant 1.000000e+09 : f32
    %broadcast_in_dim3A_680 = vector.broadcast %jit3A_679 : f32 to vector<256x4096xf32>
    %select_n3A_681 = arith.select %eq3A_678, %broadcast_in_dim3A_680, %select_n3A_659 : vector<256x4096xi1>, vector<256x4096xf32>
    %reduce_min3A_682 = arith.constant dense<0x7F800000> : vector<256xf32>
    %reduce_min3A_683 = vector.multi_reduction <minimumf>, %select_n3A_681, %reduce_min3A_682 [1] : vector<256x4096xf32> to vector<256xf32>
    %broadcast_in_dim3A_684 = vector.shape_cast %reduce_min3A_683 : vector<256xf32> to vector<256x1xf32>
    %eq3A_685 = vector.broadcast %broadcast_in_dim3A_684 : vector<256x1xf32> to vector<256x4096xf32>
    %eq3A_686 = arith.cmpf oeq, %select_n3A_681, %eq3A_685 : vector<256x4096xf32>
    %jit3A_687 = arith.constant 4096 : i32
    %broadcast_in_dim3A_688 = vector.broadcast %jit3A_687 : i32 to vector<256x4096xi32>
    %select_n3A_689 = arith.select %eq3A_686, %iota3A, %broadcast_in_dim3A_688 : vector<256x4096xi1>, vector<256x4096xi32>
    %reduce_min3A_690 = arith.constant dense<2147483647> : vector<256xi32>
    %reduce_min3A_691 = vector.multi_reduction <minsi>, %select_n3A_689, %reduce_min3A_690 [1] : vector<256x4096xi32> to vector<256xi32>
    %broadcast_in_dim3A_692 = vector.shape_cast %reduce_min3A_691 : vector<256xi32> to vector<256x1xi32>
    %lt3A_693 = arith.constant 5.000000e+08 : f32
    %lt3A_694 = vector.broadcast %lt3A_693 : f32 to vector<256x1xf32>
    %lt3A_695 = arith.cmpf olt, %broadcast_in_dim3A_684, %lt3A_694 : vector<256x1xf32>
    %jit3A_696 = arith.constant -1 : i32
    %broadcast_in_dim3A_697 = vector.broadcast %jit3A_696 : i32 to vector<256x1xi32>
    %select_n3A_698 = arith.select %lt3A_695, %broadcast_in_dim3A_692, %broadcast_in_dim3A_697 : vector<256x1xi1>, vector<256x1xi32>
    %eq3A_699 = vector.broadcast %broadcast_in_dim3A_692 : vector<256x1xi32> to vector<256x4096xi32>
    %eq3A_700 = arith.cmpi eq, %iota3A, %eq3A_699 : vector<256x4096xi32>
    %jit3A_701 = arith.constant 1.000000e+09 : f32
    %broadcast_in_dim3A_702 = vector.broadcast %jit3A_701 : f32 to vector<256x4096xf32>
    %select_n3A_703 = arith.select %eq3A_700, %broadcast_in_dim3A_702, %select_n3A_681 : vector<256x4096xi1>, vector<256x4096xf32>
    %reduce_min3A_704 = arith.constant dense<0x7F800000> : vector<256xf32>
    %reduce_min3A_705 = vector.multi_reduction <minimumf>, %select_n3A_703, %reduce_min3A_704 [1] : vector<256x4096xf32> to vector<256xf32>
    %broadcast_in_dim3A_706 = vector.shape_cast %reduce_min3A_705 : vector<256xf32> to vector<256x1xf32>
    %eq3A_707 = vector.broadcast %broadcast_in_dim3A_706 : vector<256x1xf32> to vector<256x4096xf32>
    %eq3A_708 = arith.cmpf oeq, %select_n3A_703, %eq3A_707 : vector<256x4096xf32>
    %jit3A_709 = arith.constant 4096 : i32
    %broadcast_in_dim3A_710 = vector.broadcast %jit3A_709 : i32 to vector<256x4096xi32>
    %select_n3A_711 = arith.select %eq3A_708, %iota3A, %broadcast_in_dim3A_710 : vector<256x4096xi1>, vector<256x4096xi32>
    %reduce_min3A_712 = arith.constant dense<2147483647> : vector<256xi32>
    %reduce_min3A_713 = vector.multi_reduction <minsi>, %select_n3A_711, %reduce_min3A_712 [1] : vector<256x4096xi32> to vector<256xi32>
    %broadcast_in_dim3A_714 = vector.shape_cast %reduce_min3A_713 : vector<256xi32> to vector<256x1xi32>
    %lt3A_715 = arith.constant 5.000000e+08 : f32
    %lt3A_716 = vector.broadcast %lt3A_715 : f32 to vector<256x1xf32>
    %lt3A_717 = arith.cmpf olt, %broadcast_in_dim3A_706, %lt3A_716 : vector<256x1xf32>
    %jit3A_718 = arith.constant -1 : i32
    %broadcast_in_dim3A_719 = vector.broadcast %jit3A_718 : i32 to vector<256x1xi32>
    %select_n3A_720 = arith.select %lt3A_717, %broadcast_in_dim3A_714, %broadcast_in_dim3A_719 : vector<256x1xi1>, vector<256x1xi32>
    %eq3A_721 = vector.broadcast %broadcast_in_dim3A_714 : vector<256x1xi32> to vector<256x4096xi32>
    %eq3A_722 = arith.cmpi eq, %iota3A, %eq3A_721 : vector<256x4096xi32>
    %jit3A_723 = arith.constant 1.000000e+09 : f32
    %broadcast_in_dim3A_724 = vector.broadcast %jit3A_723 : f32 to vector<256x4096xf32>
    %select_n3A_725 = arith.select %eq3A_722, %broadcast_in_dim3A_724, %select_n3A_703 : vector<256x4096xi1>, vector<256x4096xf32>
    %reduce_min3A_726 = arith.constant dense<0x7F800000> : vector<256xf32>
    %reduce_min3A_727 = vector.multi_reduction <minimumf>, %select_n3A_725, %reduce_min3A_726 [1] : vector<256x4096xf32> to vector<256xf32>
    %broadcast_in_dim3A_728 = vector.shape_cast %reduce_min3A_727 : vector<256xf32> to vector<256x1xf32>
    %eq3A_729 = vector.broadcast %broadcast_in_dim3A_728 : vector<256x1xf32> to vector<256x4096xf32>
    %eq3A_730 = arith.cmpf oeq, %select_n3A_725, %eq3A_729 : vector<256x4096xf32>
    %jit3A_731 = arith.constant 4096 : i32
    %broadcast_in_dim3A_732 = vector.broadcast %jit3A_731 : i32 to vector<256x4096xi32>
    %select_n3A_733 = arith.select %eq3A_730, %iota3A, %broadcast_in_dim3A_732 : vector<256x4096xi1>, vector<256x4096xi32>
    %reduce_min3A_734 = arith.constant dense<2147483647> : vector<256xi32>
    %reduce_min3A_735 = vector.multi_reduction <minsi>, %select_n3A_733, %reduce_min3A_734 [1] : vector<256x4096xi32> to vector<256xi32>
    %broadcast_in_dim3A_736 = vector.shape_cast %reduce_min3A_735 : vector<256xi32> to vector<256x1xi32>
    %lt3A_737 = arith.constant 5.000000e+08 : f32
    %lt3A_738 = vector.broadcast %lt3A_737 : f32 to vector<256x1xf32>
    %lt3A_739 = arith.cmpf olt, %broadcast_in_dim3A_728, %lt3A_738 : vector<256x1xf32>
    %jit3A_740 = arith.constant -1 : i32
    %broadcast_in_dim3A_741 = vector.broadcast %jit3A_740 : i32 to vector<256x1xi32>
    %select_n3A_742 = arith.select %lt3A_739, %broadcast_in_dim3A_736, %broadcast_in_dim3A_741 : vector<256x1xi1>, vector<256x1xi32>
    %eq3A_743 = vector.broadcast %broadcast_in_dim3A_736 : vector<256x1xi32> to vector<256x4096xi32>
    %eq3A_744 = arith.cmpi eq, %iota3A, %eq3A_743 : vector<256x4096xi32>
    %jit3A_745 = arith.constant 1.000000e+09 : f32
    %broadcast_in_dim3A_746 = vector.broadcast %jit3A_745 : f32 to vector<256x4096xf32>
    %select_n3A_747 = arith.select %eq3A_744, %broadcast_in_dim3A_746, %select_n3A_725 : vector<256x4096xi1>, vector<256x4096xf32>
    %reduce_min3A_748 = arith.constant dense<0x7F800000> : vector<256xf32>
    %reduce_min3A_749 = vector.multi_reduction <minimumf>, %select_n3A_747, %reduce_min3A_748 [1] : vector<256x4096xf32> to vector<256xf32>
    %broadcast_in_dim3A_750 = vector.shape_cast %reduce_min3A_749 : vector<256xf32> to vector<256x1xf32>
    %eq3A_751 = vector.broadcast %broadcast_in_dim3A_750 : vector<256x1xf32> to vector<256x4096xf32>
    %eq3A_752 = arith.cmpf oeq, %select_n3A_747, %eq3A_751 : vector<256x4096xf32>
    %jit3A_753 = arith.constant 4096 : i32
    %broadcast_in_dim3A_754 = vector.broadcast %jit3A_753 : i32 to vector<256x4096xi32>
    %select_n3A_755 = arith.select %eq3A_752, %iota3A, %broadcast_in_dim3A_754 : vector<256x4096xi1>, vector<256x4096xi32>
    %reduce_min3A_756 = arith.constant dense<2147483647> : vector<256xi32>
    %reduce_min3A_757 = vector.multi_reduction <minsi>, %select_n3A_755, %reduce_min3A_756 [1] : vector<256x4096xi32> to vector<256xi32>
    %broadcast_in_dim3A_758 = vector.shape_cast %reduce_min3A_757 : vector<256xi32> to vector<256x1xi32>
    %lt3A_759 = arith.constant 5.000000e+08 : f32
    %lt3A_760 = vector.broadcast %lt3A_759 : f32 to vector<256x1xf32>
    %lt3A_761 = arith.cmpf olt, %broadcast_in_dim3A_750, %lt3A_760 : vector<256x1xf32>
    %jit3A_762 = arith.constant -1 : i32
    %broadcast_in_dim3A_763 = vector.broadcast %jit3A_762 : i32 to vector<256x1xi32>
    %select_n3A_764 = arith.select %lt3A_761, %broadcast_in_dim3A_758, %broadcast_in_dim3A_763 : vector<256x1xi1>, vector<256x1xi32>
    %concatenate3A = tpu.concatenate %select_n3A_82, %select_n3A_104, %select_n3A_126, %select_n3A_148, %select_n3A_170, %select_n3A_192, %select_n3A_214, %select_n3A_236, %select_n3A_258, %select_n3A_280, %select_n3A_302, %select_n3A_324, %select_n3A_346, %select_n3A_368, %select_n3A_390, %select_n3A_412, %select_n3A_434, %select_n3A_456, %select_n3A_478, %select_n3A_500, %select_n3A_522, %select_n3A_544, %select_n3A_566, %select_n3A_588, %select_n3A_610, %select_n3A_632, %select_n3A_654, %select_n3A_676, %select_n3A_698, %select_n3A_720, %select_n3A_742, %select_n3A_764 in 1 : vector<256x1xi32>, vector<256x1xi32>, vector<256x1xi32>, vector<256x1xi32>, vector<256x1xi32>, vector<256x1xi32>, vector<256x1xi32>, vector<256x1xi32>, vector<256x1xi32>, vector<256x1xi32>, vector<256x1xi32>, vector<256x1xi32>, vector<256x1xi32>, vector<256x1xi32>, vector<256x1xi32>, vector<256x1xi32>, vector<256x1xi32>, vector<256x1xi32>, vector<256x1xi32>, vector<256x1xi32>, vector<256x1xi32>, vector<256x1xi32>, vector<256x1xi32>, vector<256x1xi32>, vector<256x1xi32>, vector<256x1xi32>, vector<256x1xi32>, vector<256x1xi32>, vector<256x1xi32>, vector<256x1xi32>, vector<256x1xi32>, vector<256x1xi32> -> vector<256x32xi32>
    %swap3A = arith.constant 0 : index
    %swap3A_765 = arith.constant 0 : index
    %swap3A_766 = vector.load %arg11[%swap3A, %swap3A_765] : memref<256x32xi32, #tpu.memory_space<vmem>>, vector<256x32xi32>
    tpu.vector_store %arg11[%swap3A, %swap3A_765], %concatenate3A {strides = array<i32>} : memref<256x32xi32, #tpu.memory_space<vmem>>, vector<256x32xi32>,
    %max3A_767 = arith.constant 0 : i32
    %max3A_768 = vector.broadcast %max3A_767 : i32 to vector<256x32xi32>
    %max3A_769 = arith.maxsi %concatenate3A, %max3A_768 : vector<256x32xi32>
    %swap3A_770 = arith.constant 0 : index
    %swap3A_771 = arith.constant 0 : index
    %swap3A_772 = vector.load %arg12[%swap3A_770, %swap3A_771] : memref<256x32xi32, #tpu.memory_space<vmem>>, vector<256x32xi32>
    tpu.vector_store %arg12[%swap3A_770, %swap3A_771], %max3A_769 {strides = array<i32>} : memref<256x32xi32, #tpu.memory_space<vmem>>, vector<256x32xi32>,
    return
  }
  func.func @transform_0(%arg0: i32) -> (i32, i32) {
    %c0_i32 = arith.constant 0 : i32
    %c0_i32_0 = arith.constant 0 : i32
    return %arg0, %c0_i32 : i32, i32
  }
  func.func @transform_1(%arg0: i32) -> (i32, i32) {
    %c0_i32 = arith.constant 0 : i32
    %c0_i32_0 = arith.constant 0 : i32
    return %arg0, %c0_i32 : i32, i32
  }
  func.func @transform_2(%arg0: i32) -> (i32, i32) {
    %c0_i32 = arith.constant 0 : i32
    %c0_i32_0 = arith.constant 0 : i32
    return %arg0, %c0_i32 : i32, i32
  }
  func.func @transform_3(%arg0: i32) -> (i32, i32) {
    %c0_i32 = arith.constant 0 : i32
    %c0_i32_0 = arith.constant 0 : i32
    return %arg0, %c0_i32 : i32, i32
  }
  func.func @transform_4(%arg0: i32) -> (i32, i32) {
    %c0_i32 = arith.constant 0 : i32
    %c0_i32_0 = arith.constant 0 : i32
    return %arg0, %c0_i32 : i32, i32
  }
  func.func @transform_5(%arg0: i32) -> (i32, i32) {
    %c0_i32 = arith.constant 0 : i32
    %c0_i32_0 = arith.constant 0 : i32
    %c0_i32_1 = arith.constant 0 : i32
    return %c0_i32, %c0_i32_0 : i32, i32
  }
  func.func @transform_6(%arg0: i32) -> (i32, i32) {
    %c0_i32 = arith.constant 0 : i32
    %c0_i32_0 = arith.constant 0 : i32
    %c0_i32_1 = arith.constant 0 : i32
    return %c0_i32, %c0_i32_0 : i32, i32
  }
  func.func @transform_7(%arg0: i32) -> (i32, i32) {
    %c0_i32 = arith.constant 0 : i32
    %c0_i32_0 = arith.constant 0 : i32
    %c0_i32_1 = arith.constant 0 : i32
    return %c0_i32, %c0_i32_0 : i32, i32
  }
  func.func @transform_8(%arg0: i32) -> (i32, i32) {
    %c0_i32 = arith.constant 0 : i32
    %c0_i32_0 = arith.constant 0 : i32
    %c0_i32_1 = arith.constant 0 : i32
    return %c0_i32, %c0_i32_0 : i32, i32
  }
  func.func @transform_9(%arg0: i32) -> (i32, i32) {
    %c0_i32 = arith.constant 0 : i32
    %c0_i32_0 = arith.constant 0 : i32
    %c0_i32_1 = arith.constant 0 : i32
    return %c0_i32, %c0_i32_0 : i32, i32
  }
  func.func @transform_10(%arg0: i32) -> (i32, i32) {
    %c0_i32 = arith.constant 0 : i32
    %c0_i32_0 = arith.constant 0 : i32
    return %arg0, %c0_i32 : i32, i32
  }
  func.func @transform_11(%arg0: i32) -> (i32, i32) {
    %c0_i32 = arith.constant 0 : i32
    %c0_i32_0 = arith.constant 0 : i32
    return %arg0, %c0_i32 : i32, i32
  }
}

module attributes {stable_mosaic.version = 14 : i64} {
  func.func @_kv_body(%arg0: i32, %arg1: memref<512x256xf32, #tpu.memory_space<vmem>>, %arg2: memref<256x512xf32, #tpu.memory_space<vmem>>, %arg3: memref<512x512xf32, #tpu.memory_space<vmem>>) attributes {dimension_semantics = [#tpu.dimension_semantics<arbitrary>], iteration_bounds = array<i64: 8>, scalar_prefetch = 0 : i64, scratch_operands = 0 : i64, tpu.core_type = #tpu.core_type<tc>, window_params = [{transform_indices = @transform_0, window_bounds = array<i64: 512, 256>}, {pipeline_mode = #tpu.pipeline_mode<synchronous>, transform_indices = @transform_1, window_bounds = array<i64: 256, 512>}, {transform_indices = @transform_2, window_bounds = array<i64: 512, 512>}]} {
    %get3A = arith.constant 0 : index
    %get3A_0 = arith.constant 0 : index
    %get3A_1 = vector.load %arg1[%get3A, %get3A_0] : memref<512x256xf32, #tpu.memory_space<vmem>>, vector<512x256xf32>
    %get3A_2 = arith.constant 0 : index
    %get3A_3 = arith.constant 0 : index
    %get3A_4 = vector.load %arg2[%get3A_2, %get3A_3] : memref<256x512xf32, #tpu.memory_space<vmem>>, vector<256x512xf32>
    %dot_general3A = arith.constant dense<0.000000e+00> : vector<512x512xf32>
    %dot_general3A_5 = tpu.matmul %get3A_1, %get3A_4, %dot_general3A {dimension_numbers = #tpu.dot_dimension_numbers<[1], [0], [0], [1], [0, 0, 1, 1], [], []>, transpose_lhs_hint = false} : vector<512x256xf32>, vector<256x512xf32>, vector<512x512xf32> -> vector<512x512xf32>
    %swap3A = arith.constant 0 : index
    %swap3A_6 = arith.constant 0 : index
    %swap3A_7 = vector.load %arg3[%swap3A, %swap3A_6] : memref<512x512xf32, #tpu.memory_space<vmem>>, vector<512x512xf32>
    tpu.vector_store %arg3[%swap3A, %swap3A_6], %dot_general3A_5 {strides = array<i32>} : memref<512x512xf32, #tpu.memory_space<vmem>>, vector<512x512xf32>,
    return
  }
  func.func @transform_0(%arg0: i32) -> (i32, i32) {
    %c0_i32 = arith.constant 0 : i32
    %c0_i32_0 = arith.constant 0 : i32
    return %arg0, %c0_i32 : i32, i32
  }
  func.func @transform_1(%arg0: i32) -> (i32, i32) {
    %c0_i32 = arith.constant 0 : i32
    %c0_i32_0 = arith.constant 0 : i32
    %c0_i32_1 = arith.constant 0 : i32
    return %c0_i32, %c0_i32_0 : i32, i32
  }
  func.func @transform_2(%arg0: i32) -> (i32, i32) {
    %c0_i32 = arith.constant 0 : i32
    %c0_i32_0 = arith.constant 0 : i32
    return %arg0, %c0_i32 : i32, i32
  }
}

module attributes {stable_mosaic.version = 14 : i64} {
  func.func @_pair_body(%arg0: i32, %arg1: memref<49x128xf32, #tpu.memory_space<vmem>>, %arg2: memref<49x4096xf32, #tpu.memory_space<vmem>>, %arg3: memref<1x4096xi32, #tpu.memory_space<vmem>>, %arg4: memref<64x360xf32, #tpu.memory_space<vmem>>, %arg5: memref<128x64xf32, #tpu.memory_space<vmem>>, %arg6: memref<128x1xf32, #tpu.memory_space<vmem>>, %arg7: memref<64x128xf32, #tpu.memory_space<vmem>>, %arg8: memref<64x1xf32, #tpu.memory_space<vmem>>, %arg9: memref<8x64xf32, #tpu.memory_space<vmem>>, %arg10: memref<8x4096xf32, #tpu.memory_space<vmem>>) attributes {dimension_semantics = [#tpu.dimension_semantics<arbitrary>], iteration_bounds = array<i64: 32>, scalar_prefetch = 0 : i64, scratch_operands = 0 : i64, tpu.core_type = #tpu.core_type<tc>, window_params = [{transform_indices = @transform_0, window_bounds = array<i64: 49, 128>}, {transform_indices = @transform_1, window_bounds = array<i64: 49, 4096>}, {transform_indices = @transform_2, window_bounds = array<i64: 1, 4096>}, {pipeline_mode = #tpu.pipeline_mode<synchronous>, transform_indices = @transform_3, window_bounds = array<i64: 64, 360>}, {pipeline_mode = #tpu.pipeline_mode<synchronous>, transform_indices = @transform_4, window_bounds = array<i64: 128, 64>}, {pipeline_mode = #tpu.pipeline_mode<synchronous>, transform_indices = @transform_5, window_bounds = array<i64: 128, 1>}, {pipeline_mode = #tpu.pipeline_mode<synchronous>, transform_indices = @transform_6, window_bounds = array<i64: 64, 128>}, {pipeline_mode = #tpu.pipeline_mode<synchronous>, transform_indices = @transform_7, window_bounds = array<i64: 64, 1>}, {pipeline_mode = #tpu.pipeline_mode<synchronous>, transform_indices = @transform_8, window_bounds = array<i64: 8, 64>}, {transform_indices = @transform_9, window_bounds = array<i64: 8, 4096>}]} {
    %iota3A = tpu.iota {dimensions = array<i32: 1>} : vector<128x4096xi32>
    %iota3A_0 = tpu.iota {dimensions = array<i32: 0>} : vector<128x4096xi32>
    %jit3A = arith.constant 32 : i32
    %div3A = vector.broadcast %jit3A : i32 to vector<128x4096xi32>
    %div3A_1 = arith.divsi %iota3A, %div3A : vector<128x4096xi32>
    %sign3A = arith.constant 0 : i32
    %sign3A_2 = vector.broadcast %sign3A : i32 to vector<128x4096xi32>
    %sign3A_3 = arith.cmpi sgt, %iota3A, %sign3A_2 : vector<128x4096xi32>
    %sign3A_4 = arith.extui %sign3A_3 : vector<128x4096xi1> to vector<128x4096xi32>
    %sign3A_5 = arith.constant 0 : i32
    %sign3A_6 = vector.broadcast %sign3A_5 : i32 to vector<128x4096xi32>
    %sign3A_7 = arith.cmpi slt, %iota3A, %sign3A_6 : vector<128x4096xi32>
    %sign3A_8 = arith.extui %sign3A_7 : vector<128x4096xi1> to vector<128x4096xi32>
    %sign3A_9 = arith.subi %sign3A_4, %sign3A_8 : vector<128x4096xi32>
    %sign3A_10 = arith.constant 0 : i32
    %sign3A_11 = arith.cmpi sgt, %jit3A, %sign3A_10 : i32
    %sign3A_12 = arith.extui %sign3A_11 : i1 to i32
    %sign3A_13 = arith.constant 0 : i32
    %sign3A_14 = arith.cmpi slt, %jit3A, %sign3A_13 : i32
    %sign3A_15 = arith.extui %sign3A_14 : i1 to i32
    %sign3A_16 = arith.subi %sign3A_12, %sign3A_15 : i32
    %ne3A = vector.broadcast %sign3A_16 : i32 to vector<128x4096xi32>
    %ne3A_17 = arith.cmpi ne, %sign3A_9, %ne3A : vector<128x4096xi32>
    %rem3A = vector.broadcast %jit3A : i32 to vector<128x4096xi32>
    %rem3A_18 = arith.remsi %iota3A, %rem3A : vector<128x4096xi32>
    %ne3A_19 = arith.constant 0 : i32
    %ne3A_20 = vector.broadcast %ne3A_19 : i32 to vector<128x4096xi32>
    %ne3A_21 = arith.cmpi ne, %rem3A_18, %ne3A_20 : vector<128x4096xi32>
    %and3A = arith.andi %ne3A_17, %ne3A_21 : vector<128x4096xi1>
    %sub3A = arith.constant 1 : i32
    %sub3A_22 = vector.broadcast %sub3A : i32 to vector<128x4096xi32>
    %sub3A_23 = arith.subi %div3A_1, %sub3A_22 : vector<128x4096xi32>
    %select_n3A = arith.select %and3A, %sub3A_23, %div3A_1 : vector<128x4096xi1>, vector<128x4096xi32>
    %eq3A = arith.cmpi eq, %iota3A_0, %select_n3A : vector<128x4096xi32>
    %convert_element_type3A = arith.extui %eq3A : vector<128x4096xi1> to vector<128x4096xi32>
    %convert_element_type3A_24 = arith.sitofp %convert_element_type3A : vector<128x4096xi32> to vector<128x4096xf32>
    %get3A = arith.constant 0 : index
    %get3A_25 = arith.constant 0 : index
    %get3A_26 = vector.load %arg1[%get3A, %get3A_25] : memref<49x128xf32, #tpu.memory_space<vmem>>, vector<49x128xf32>
    %dot_general3A = arith.constant dense<0.000000e+00> : vector<49x4096xf32>
    %dot_general3A_27 = tpu.matmul %get3A_26, %convert_element_type3A_24, %dot_general3A {dimension_numbers = #tpu.dot_dimension_numbers<[1], [0], [0], [1], [0, 0, 1, 1], [], []>, transpose_lhs_hint = false} : vector<49x128xf32>, vector<128x4096xf32>, vector<49x4096xf32> -> vector<49x4096xf32>
    %get3A_28 = arith.constant 0 : index
    %get3A_29 = arith.constant 0 : index
    %get3A_30 = vector.load %arg2[%get3A_28, %get3A_29] : memref<49x4096xf32, #tpu.memory_space<vmem>>, vector<49x4096xf32>
    %get3A_31 = arith.constant 0 : index
    %get3A_32 = arith.constant 0 : index
    %get3A_33 = vector.load %arg3[%get3A_31, %get3A_32] : memref<1x4096xi32, #tpu.memory_space<vmem>>, vector<1x4096xi32>
    %mul3A = arith.constant 128 : i32
    %mul3A_34 = arith.muli %arg0, %mul3A : i32
    %iota3A_35 = tpu.iota {dimensions = array<i32: 1>} : vector<1x4096xi32>
    %jit3A_36 = arith.constant 32 : i32
    %div3A_37 = vector.broadcast %jit3A_36 : i32 to vector<1x4096xi32>
    %div3A_38 = arith.divsi %iota3A_35, %div3A_37 : vector<1x4096xi32>
    %sign3A_39 = arith.constant 0 : i32
    %sign3A_40 = vector.broadcast %sign3A_39 : i32 to vector<1x4096xi32>
    %sign3A_41 = arith.cmpi sgt, %iota3A_35, %sign3A_40 : vector<1x4096xi32>
    %sign3A_42 = arith.extui %sign3A_41 : vector<1x4096xi1> to vector<1x4096xi32>
    %sign3A_43 = arith.constant 0 : i32
    %sign3A_44 = vector.broadcast %sign3A_43 : i32 to vector<1x4096xi32>
    %sign3A_45 = arith.cmpi slt, %iota3A_35, %sign3A_44 : vector<1x4096xi32>
    %sign3A_46 = arith.extui %sign3A_45 : vector<1x4096xi1> to vector<1x4096xi32>
    %sign3A_47 = arith.subi %sign3A_42, %sign3A_46 : vector<1x4096xi32>
    %sign3A_48 = arith.constant 0 : i32
    %sign3A_49 = arith.cmpi sgt, %jit3A_36, %sign3A_48 : i32
    %sign3A_50 = arith.extui %sign3A_49 : i1 to i32
    %sign3A_51 = arith.constant 0 : i32
    %sign3A_52 = arith.cmpi slt, %jit3A_36, %sign3A_51 : i32
    %sign3A_53 = arith.extui %sign3A_52 : i1 to i32
    %sign3A_54 = arith.subi %sign3A_50, %sign3A_53 : i32
    %ne3A_55 = vector.broadcast %sign3A_54 : i32 to vector<1x4096xi32>
    %ne3A_56 = arith.cmpi ne, %sign3A_47, %ne3A_55 : vector<1x4096xi32>
    %rem3A_57 = vector.broadcast %jit3A_36 : i32 to vector<1x4096xi32>
    %rem3A_58 = arith.remsi %iota3A_35, %rem3A_57 : vector<1x4096xi32>
    %ne3A_59 = arith.constant 0 : i32
    %ne3A_60 = vector.broadcast %ne3A_59 : i32 to vector<1x4096xi32>
    %ne3A_61 = arith.cmpi ne, %rem3A_58, %ne3A_60 : vector<1x4096xi32>
    %and3A_62 = arith.andi %ne3A_56, %ne3A_61 : vector<1x4096xi1>
    %sub3A_63 = arith.constant 1 : i32
    %sub3A_64 = vector.broadcast %sub3A_63 : i32 to vector<1x4096xi32>
    %sub3A_65 = arith.subi %div3A_38, %sub3A_64 : vector<1x4096xi32>
    %select_n3A_66 = arith.select %and3A_62, %sub3A_65, %div3A_38 : vector<1x4096xi1>, vector<1x4096xi32>
    %add3A = vector.broadcast %mul3A_34 : i32 to vector<1x4096xi32>
    %add3A_67 = arith.addi %add3A, %select_n3A_66 : vector<1x4096xi32>
    %max3A = arith.constant 0 : i32
    %max3A_68 = vector.broadcast %max3A : i32 to vector<1x4096xi32>
    %max3A_69 = arith.maxsi %get3A_33, %max3A_68 : vector<1x4096xi32>
    %sub3A_70 = arith.subi %max3A_69, %add3A_67 : vector<1x4096xi32>
    %jit3A_71 = arith.constant -32 : i32
    %jit3A_72 = arith.constant 32 : i32
    %max3A_73 = vector.broadcast %jit3A_71 : i32 to vector<1x4096xi32>
    %max3A_74 = arith.maxsi %max3A_73, %sub3A_70 : vector<1x4096xi32>
    %min3A = vector.broadcast %jit3A_72 : i32 to vector<1x4096xi32>
    %min3A_75 = arith.minsi %min3A, %max3A_74 : vector<1x4096xi32>
    %add3A_76 = arith.constant 32 : i32
    %add3A_77 = vector.broadcast %add3A_76 : i32 to vector<1x4096xi32>
    %add3A_78 = arith.addi %min3A_75, %add3A_77 : vector<1x4096xi32>
    %slice3A = vector.extract_strided_slice %get3A_30 {offsets = [48, 0], sizes = [1, 4096], strides = [1, 1]} : vector<49x4096xf32> to vector<1x4096xf32>
    %slice3A_79 = vector.extract_strided_slice %dot_general3A_27 {offsets = [48, 0], sizes = [1, 4096], strides = [1, 1]} : vector<49x4096xf32> to vector<1x4096xf32>
    %eq3A_80 = arith.cmpf oeq, %slice3A, %slice3A_79 : vector<1x4096xf32>
    %convert_element_type3A_81 = arith.extui %eq3A_80 : vector<1x4096xi1> to vector<1x4096xi32>
    %convert_element_type3A_82 = arith.sitofp %convert_element_type3A_81 : vector<1x4096xi32> to vector<1x4096xf32>
    %iota3A_83 = tpu.iota {dimensions = array<i32: 0>} : vector<65x4096xi32>
    %eq3A_84 = vector.broadcast %add3A_78 : vector<1x4096xi32> to vector<65x4096xi32>
    %eq3A_85 = arith.cmpi eq, %iota3A_83, %eq3A_84 : vector<65x4096xi32>
    %convert_element_type3A_86 = arith.extui %eq3A_85 : vector<65x4096xi1> to vector<65x4096xi32>
    %convert_element_type3A_87 = arith.sitofp %convert_element_type3A_86 : vector<65x4096xi32> to vector<65x4096xf32>
    %mul3A_88 = vector.broadcast %convert_element_type3A_82 : vector<1x4096xf32> to vector<65x4096xf32>
    %mul3A_89 = arith.mulf %convert_element_type3A_87, %mul3A_88 : vector<65x4096xf32>
    %slice3A_90 = vector.extract_strided_slice %dot_general3A_27 {offsets = [0, 0], sizes = [13, 4096], strides = [1, 1]} : vector<49x4096xf32> to vector<13x4096xf32>
    %slice3A_91 = vector.extract_strided_slice %dot_general3A_27 {offsets = [13, 0], sizes = [13, 4096], strides = [1, 1]} : vector<49x4096xf32> to vector<13x4096xf32>
    %slice3A_92 = vector.extract_strided_slice %dot_general3A_27 {offsets = [26, 0], sizes = [13, 4096], strides = [1, 1]} : vector<49x4096xf32> to vector<13x4096xf32>
    %slice3A_93 = vector.extract_strided_slice %get3A_30 {offsets = [0, 0], sizes = [13, 4096], strides = [1, 1]} : vector<49x4096xf32> to vector<13x4096xf32>
    %slice3A_94 = vector.extract_strided_slice %get3A_30 {offsets = [13, 0], sizes = [13, 4096], strides = [1, 1]} : vector<49x4096xf32> to vector<13x4096xf32>
    %slice3A_95 = vector.extract_strided_slice %get3A_30 {offsets = [26, 0], sizes = [13, 4096], strides = [1, 1]} : vector<49x4096xf32> to vector<13x4096xf32>
    %slice3A_96 = vector.extract_strided_slice %dot_general3A_27 {offsets = [39, 0], sizes = [1, 4096], strides = [1, 1]} : vector<49x4096xf32> to vector<1x4096xf32>
    %slice3A_97 = vector.extract_strided_slice %dot_general3A_27 {offsets = [40, 0], sizes = [1, 4096], strides = [1, 1]} : vector<49x4096xf32> to vector<1x4096xf32>
    %slice3A_98 = vector.extract_strided_slice %dot_general3A_27 {offsets = [41, 0], sizes = [1, 4096], strides = [1, 1]} : vector<49x4096xf32> to vector<1x4096xf32>
    %slice3A_99 = vector.extract_strided_slice %dot_general3A_27 {offsets = [42, 0], sizes = [1, 4096], strides = [1, 1]} : vector<49x4096xf32> to vector<1x4096xf32>
    %slice3A_100 = vector.extract_strided_slice %dot_general3A_27 {offsets = [43, 0], sizes = [1, 4096], strides = [1, 1]} : vector<49x4096xf32> to vector<1x4096xf32>
    %slice3A_101 = vector.extract_strided_slice %dot_general3A_27 {offsets = [44, 0], sizes = [1, 4096], strides = [1, 1]} : vector<49x4096xf32> to vector<1x4096xf32>
    %slice3A_102 = vector.extract_strided_slice %dot_general3A_27 {offsets = [45, 0], sizes = [1, 4096], strides = [1, 1]} : vector<49x4096xf32> to vector<1x4096xf32>
    %slice3A_103 = vector.extract_strided_slice %dot_general3A_27 {offsets = [46, 0], sizes = [1, 4096], strides = [1, 1]} : vector<49x4096xf32> to vector<1x4096xf32>
    %slice3A_104 = vector.extract_strided_slice %dot_general3A_27 {offsets = [47, 0], sizes = [1, 4096], strides = [1, 1]} : vector<49x4096xf32> to vector<1x4096xf32>
    %slice3A_105 = vector.extract_strided_slice %get3A_30 {offsets = [39, 0], sizes = [1, 4096], strides = [1, 1]} : vector<49x4096xf32> to vector<1x4096xf32>
    %slice3A_106 = vector.extract_strided_slice %get3A_30 {offsets = [40, 0], sizes = [1, 4096], strides = [1, 1]} : vector<49x4096xf32> to vector<1x4096xf32>
    %slice3A_107 = vector.extract_strided_slice %get3A_30 {offsets = [41, 0], sizes = [1, 4096], strides = [1, 1]} : vector<49x4096xf32> to vector<1x4096xf32>
    %slice3A_108 = vector.extract_strided_slice %get3A_30 {offsets = [42, 0], sizes = [1, 4096], strides = [1, 1]} : vector<49x4096xf32> to vector<1x4096xf32>
    %slice3A_109 = vector.extract_strided_slice %get3A_30 {offsets = [43, 0], sizes = [1, 4096], strides = [1, 1]} : vector<49x4096xf32> to vector<1x4096xf32>
    %slice3A_110 = vector.extract_strided_slice %get3A_30 {offsets = [44, 0], sizes = [1, 4096], strides = [1, 1]} : vector<49x4096xf32> to vector<1x4096xf32>
    %slice3A_111 = vector.extract_strided_slice %get3A_30 {offsets = [45, 0], sizes = [1, 4096], strides = [1, 1]} : vector<49x4096xf32> to vector<1x4096xf32>
    %slice3A_112 = vector.extract_strided_slice %get3A_30 {offsets = [46, 0], sizes = [1, 4096], strides = [1, 1]} : vector<49x4096xf32> to vector<1x4096xf32>
    %slice3A_113 = vector.extract_strided_slice %get3A_30 {offsets = [47, 0], sizes = [1, 4096], strides = [1, 1]} : vector<49x4096xf32> to vector<1x4096xf32>
    %slice3A_114 = vector.extract_strided_slice %slice3A_93 {offsets = [4, 0], sizes = [1, 4096], strides = [1, 1]} : vector<13x4096xf32> to vector<1x4096xf32>
    %sub3A_115 = vector.broadcast %slice3A_114 : vector<1x4096xf32> to vector<13x4096xf32>
    %sub3A_116 = arith.subf %slice3A_90, %sub3A_115 : vector<13x4096xf32>
    %slice3A_117 = vector.extract_strided_slice %slice3A_94 {offsets = [4, 0], sizes = [1, 4096], strides = [1, 1]} : vector<13x4096xf32> to vector<1x4096xf32>
    %sub3A_118 = vector.broadcast %slice3A_117 : vector<1x4096xf32> to vector<13x4096xf32>
    %sub3A_119 = arith.subf %slice3A_91, %sub3A_118 : vector<13x4096xf32>
    %slice3A_120 = vector.extract_strided_slice %slice3A_95 {offsets = [4, 0], sizes = [1, 4096], strides = [1, 1]} : vector<13x4096xf32> to vector<1x4096xf32>
    %sub3A_121 = vector.broadcast %slice3A_120 : vector<1x4096xf32> to vector<13x4096xf32>
    %sub3A_122 = arith.subf %slice3A_92, %sub3A_121 : vector<13x4096xf32>
    %integer_pow3A = arith.mulf %sub3A_116, %sub3A_116 : vector<13x4096xf32>
    %integer_pow3A_123 = arith.mulf %sub3A_119, %sub3A_119 : vector<13x4096xf32>
    %add3A_124 = arith.addf %integer_pow3A, %integer_pow3A_123 : vector<13x4096xf32>
    %integer_pow3A_125 = arith.mulf %sub3A_122, %sub3A_122 : vector<13x4096xf32>
    %add3A_126 = arith.addf %add3A_124, %integer_pow3A_125 : vector<13x4096xf32>
    %add3A_127 = arith.constant 9.99999993E-9 : f32
    %add3A_128 = vector.broadcast %add3A_127 : f32 to vector<13x4096xf32>
    %add3A_129 = arith.addf %add3A_126, %add3A_128 : vector<13x4096xf32>
    %sqrt3A = math.sqrt %add3A_129 : vector<13x4096xf32>
    %sub3A_130 = arith.constant 0.000000e+00 : f32
    %sub3A_131 = vector.broadcast %sub3A_130 : f32 to vector<13x4096xf32>
    %sub3A_132 = arith.subf %sqrt3A, %sub3A_131 : vector<13x4096xf32>
    %integer_pow3A_133 = arith.mulf %sub3A_132, %sub3A_132 : vector<13x4096xf32>
    %neg3A = arith.constant 0.000000e+00 : f32
    %neg3A_134 = vector.broadcast %neg3A : f32 to vector<13x4096xf32>
    %neg3A_135 = arith.subf %neg3A_134, %integer_pow3A_133 : vector<13x4096xf32>
    %div3A_136 = arith.constant 3.781250e+00 : f32
    %div3A_137 = vector.broadcast %div3A_136 : f32 to vector<13x4096xf32>
    %div3A_138 = arith.divf %neg3A_135, %div3A_137 : vector<13x4096xf32>
    %exp3A = math.exp %div3A_138 : vector<13x4096xf32>
    %sub3A_139 = arith.constant 1.4666667 : f32
    %sub3A_140 = vector.broadcast %sub3A_139 : f32 to vector<13x4096xf32>
    %sub3A_141 = arith.subf %sqrt3A, %sub3A_140 : vector<13x4096xf32>
    %integer_pow3A_142 = arith.mulf %sub3A_141, %sub3A_141 : vector<13x4096xf32>
    %neg3A_143 = arith.constant 0.000000e+00 : f32
    %neg3A_144 = vector.broadcast %neg3A_143 : f32 to vector<13x4096xf32>
    %neg3A_145 = arith.subf %neg3A_144, %integer_pow3A_142 : vector<13x4096xf32>
    %div3A_146 = arith.constant 3.781250e+00 : f32
    %div3A_147 = vector.broadcast %div3A_146 : f32 to vector<13x4096xf32>
    %div3A_148 = arith.divf %neg3A_145, %div3A_147 : vector<13x4096xf32>
    %exp3A_149 = math.exp %div3A_148 : vector<13x4096xf32>
    %sub3A_150 = arith.constant 2.9333334 : f32
    %sub3A_151 = vector.broadcast %sub3A_150 : f32 to vector<13x4096xf32>
    %sub3A_152 = arith.subf %sqrt3A, %sub3A_151 : vector<13x4096xf32>
    %integer_pow3A_153 = arith.mulf %sub3A_152, %sub3A_152 : vector<13x4096xf32>
    %neg3A_154 = arith.constant 0.000000e+00 : f32
    %neg3A_155 = vector.broadcast %neg3A_154 : f32 to vector<13x4096xf32>
    %neg3A_156 = arith.subf %neg3A_155, %integer_pow3A_153 : vector<13x4096xf32>
    %div3A_157 = arith.constant 3.781250e+00 : f32
    %div3A_158 = vector.broadcast %div3A_157 : f32 to vector<13x4096xf32>
    %div3A_159 = arith.divf %neg3A_156, %div3A_158 : vector<13x4096xf32>
    %exp3A_160 = math.exp %div3A_159 : vector<13x4096xf32>
    %sub3A_161 = arith.constant 4.400000e+00 : f32
    %sub3A_162 = vector.broadcast %sub3A_161 : f32 to vector<13x4096xf32>
    %sub3A_163 = arith.subf %sqrt3A, %sub3A_162 : vector<13x4096xf32>
    %integer_pow3A_164 = arith.mulf %sub3A_163, %sub3A_163 : vector<13x4096xf32>
    %neg3A_165 = arith.constant 0.000000e+00 : f32
    %neg3A_166 = vector.broadcast %neg3A_165 : f32 to vector<13x4096xf32>
    %neg3A_167 = arith.subf %neg3A_166, %integer_pow3A_164 : vector<13x4096xf32>
    %div3A_168 = arith.constant 3.781250e+00 : f32
    %div3A_169 = vector.broadcast %div3A_168 : f32 to vector<13x4096xf32>
    %div3A_170 = arith.divf %neg3A_167, %div3A_169 : vector<13x4096xf32>
    %exp3A_171 = math.exp %div3A_170 : vector<13x4096xf32>
    %sub3A_172 = arith.constant 5.86666679 : f32
    %sub3A_173 = vector.broadcast %sub3A_172 : f32 to vector<13x4096xf32>
    %sub3A_174 = arith.subf %sqrt3A, %sub3A_173 : vector<13x4096xf32>
    %integer_pow3A_175 = arith.mulf %sub3A_174, %sub3A_174 : vector<13x4096xf32>
    %neg3A_176 = arith.constant 0.000000e+00 : f32
    %neg3A_177 = vector.broadcast %neg3A_176 : f32 to vector<13x4096xf32>
    %neg3A_178 = arith.subf %neg3A_177, %integer_pow3A_175 : vector<13x4096xf32>
    %div3A_179 = arith.constant 3.781250e+00 : f32
    %div3A_180 = vector.broadcast %div3A_179 : f32 to vector<13x4096xf32>
    %div3A_181 = arith.divf %neg3A_178, %div3A_180 : vector<13x4096xf32>
    %exp3A_182 = math.exp %div3A_181 : vector<13x4096xf32>
    %sub3A_183 = arith.constant 7.33333349 : f32
    %sub3A_184 = vector.broadcast %sub3A_183 : f32 to vector<13x4096xf32>
    %sub3A_185 = arith.subf %sqrt3A, %sub3A_184 : vector<13x4096xf32>
    %integer_pow3A_186 = arith.mulf %sub3A_185, %sub3A_185 : vector<13x4096xf32>
    %neg3A_187 = arith.constant 0.000000e+00 : f32
    %neg3A_188 = vector.broadcast %neg3A_187 : f32 to vector<13x4096xf32>
    %neg3A_189 = arith.subf %neg3A_188, %integer_pow3A_186 : vector<13x4096xf32>
    %div3A_190 = arith.constant 3.781250e+00 : f32
    %div3A_191 = vector.broadcast %div3A_190 : f32 to vector<13x4096xf32>
    %div3A_192 = arith.divf %neg3A_189, %div3A_191 : vector<13x4096xf32>
    %exp3A_193 = math.exp %div3A_192 : vector<13x4096xf32>
    %sub3A_194 = arith.constant 8.800000e+00 : f32
    %sub3A_195 = vector.broadcast %sub3A_194 : f32 to vector<13x4096xf32>
    %sub3A_196 = arith.subf %sqrt3A, %sub3A_195 : vector<13x4096xf32>
    %integer_pow3A_197 = arith.mulf %sub3A_196, %sub3A_196 : vector<13x4096xf32>
    %neg3A_198 = arith.constant 0.000000e+00 : f32
    %neg3A_199 = vector.broadcast %neg3A_198 : f32 to vector<13x4096xf32>
    %neg3A_200 = arith.subf %neg3A_199, %integer_pow3A_197 : vector<13x4096xf32>
    %div3A_201 = arith.constant 3.781250e+00 : f32
    %div3A_202 = vector.broadcast %div3A_201 : f32 to vector<13x4096xf32>
    %div3A_203 = arith.divf %neg3A_200, %div3A_202 : vector<13x4096xf32>
    %exp3A_204 = math.exp %div3A_203 : vector<13x4096xf32>
    %sub3A_205 = arith.constant 10.2666664 : f32
    %sub3A_206 = vector.broadcast %sub3A_205 : f32 to vector<13x4096xf32>
    %sub3A_207 = arith.subf %sqrt3A, %sub3A_206 : vector<13x4096xf32>
    %integer_pow3A_208 = arith.mulf %sub3A_207, %sub3A_207 : vector<13x4096xf32>
    %neg3A_209 = arith.constant 0.000000e+00 : f32
    %neg3A_210 = vector.broadcast %neg3A_209 : f32 to vector<13x4096xf32>
    %neg3A_211 = arith.subf %neg3A_210, %integer_pow3A_208 : vector<13x4096xf32>
    %div3A_212 = arith.constant 3.781250e+00 : f32
    %div3A_213 = vector.broadcast %div3A_212 : f32 to vector<13x4096xf32>
    %div3A_214 = arith.divf %neg3A_211, %div3A_213 : vector<13x4096xf32>
    %exp3A_215 = math.exp %div3A_214 : vector<13x4096xf32>
    %sub3A_216 = arith.constant 11.7333336 : f32
    %sub3A_217 = vector.broadcast %sub3A_216 : f32 to vector<13x4096xf32>
    %sub3A_218 = arith.subf %sqrt3A, %sub3A_217 : vector<13x4096xf32>
    %integer_pow3A_219 = arith.mulf %sub3A_218, %sub3A_218 : vector<13x4096xf32>
    %neg3A_220 = arith.constant 0.000000e+00 : f32
    %neg3A_221 = vector.broadcast %neg3A_220 : f32 to vector<13x4096xf32>
    %neg3A_222 = arith.subf %neg3A_221, %integer_pow3A_219 : vector<13x4096xf32>
    %div3A_223 = arith.constant 3.781250e+00 : f32
    %div3A_224 = vector.broadcast %div3A_223 : f32 to vector<13x4096xf32>
    %div3A_225 = arith.divf %neg3A_222, %div3A_224 : vector<13x4096xf32>
    %exp3A_226 = math.exp %div3A_225 : vector<13x4096xf32>
    %sub3A_227 = arith.constant 1.320000e+01 : f32
    %sub3A_228 = vector.broadcast %sub3A_227 : f32 to vector<13x4096xf32>
    %sub3A_229 = arith.subf %sqrt3A, %sub3A_228 : vector<13x4096xf32>
    %integer_pow3A_230 = arith.mulf %sub3A_229, %sub3A_229 : vector<13x4096xf32>
    %neg3A_231 = arith.constant 0.000000e+00 : f32
    %neg3A_232 = vector.broadcast %neg3A_231 : f32 to vector<13x4096xf32>
    %neg3A_233 = arith.subf %neg3A_232, %integer_pow3A_230 : vector<13x4096xf32>
    %div3A_234 = arith.constant 3.781250e+00 : f32
    %div3A_235 = vector.broadcast %div3A_234 : f32 to vector<13x4096xf32>
    %div3A_236 = arith.divf %neg3A_233, %div3A_235 : vector<13x4096xf32>
    %exp3A_237 = math.exp %div3A_236 : vector<13x4096xf32>
    %sub3A_238 = arith.constant 14.666667 : f32
    %sub3A_239 = vector.broadcast %sub3A_238 : f32 to vector<13x4096xf32>
    %sub3A_240 = arith.subf %sqrt3A, %sub3A_239 : vector<13x4096xf32>
    %integer_pow3A_241 = arith.mulf %sub3A_240, %sub3A_240 : vector<13x4096xf32>
    %neg3A_242 = arith.constant 0.000000e+00 : f32
    %neg3A_243 = vector.broadcast %neg3A_242 : f32 to vector<13x4096xf32>
    %neg3A_244 = arith.subf %neg3A_243, %integer_pow3A_241 : vector<13x4096xf32>
    %div3A_245 = arith.constant 3.781250e+00 : f32
    %div3A_246 = vector.broadcast %div3A_245 : f32 to vector<13x4096xf32>
    %div3A_247 = arith.divf %neg3A_244, %div3A_246 : vector<13x4096xf32>
    %exp3A_248 = math.exp %div3A_247 : vector<13x4096xf32>
    %sub3A_249 = arith.constant 16.1333332 : f32
    %sub3A_250 = vector.broadcast %sub3A_249 : f32 to vector<13x4096xf32>
    %sub3A_251 = arith.subf %sqrt3A, %sub3A_250 : vector<13x4096xf32>
    %integer_pow3A_252 = arith.mulf %sub3A_251, %sub3A_251 : vector<13x4096xf32>
    %neg3A_253 = arith.constant 0.000000e+00 : f32
    %neg3A_254 = vector.broadcast %neg3A_253 : f32 to vector<13x4096xf32>
    %neg3A_255 = arith.subf %neg3A_254, %integer_pow3A_252 : vector<13x4096xf32>
    %div3A_256 = arith.constant 3.781250e+00 : f32
    %div3A_257 = vector.broadcast %div3A_256 : f32 to vector<13x4096xf32>
    %div3A_258 = arith.divf %neg3A_255, %div3A_257 : vector<13x4096xf32>
    %exp3A_259 = math.exp %div3A_258 : vector<13x4096xf32>
    %sub3A_260 = arith.constant 1.760000e+01 : f32
    %sub3A_261 = vector.broadcast %sub3A_260 : f32 to vector<13x4096xf32>
    %sub3A_262 = arith.subf %sqrt3A, %sub3A_261 : vector<13x4096xf32>
    %integer_pow3A_263 = arith.mulf %sub3A_262, %sub3A_262 : vector<13x4096xf32>
    %neg3A_264 = arith.constant 0.000000e+00 : f32
    %neg3A_265 = vector.broadcast %neg3A_264 : f32 to vector<13x4096xf32>
    %neg3A_266 = arith.subf %neg3A_265, %integer_pow3A_263 : vector<13x4096xf32>
    %div3A_267 = arith.constant 3.781250e+00 : f32
    %div3A_268 = vector.broadcast %div3A_267 : f32 to vector<13x4096xf32>
    %div3A_269 = arith.divf %neg3A_266, %div3A_268 : vector<13x4096xf32>
    %exp3A_270 = math.exp %div3A_269 : vector<13x4096xf32>
    %sub3A_271 = arith.constant 19.0666676 : f32
    %sub3A_272 = vector.broadcast %sub3A_271 : f32 to vector<13x4096xf32>
    %sub3A_273 = arith.subf %sqrt3A, %sub3A_272 : vector<13x4096xf32>
    %integer_pow3A_274 = arith.mulf %sub3A_273, %sub3A_273 : vector<13x4096xf32>
    %neg3A_275 = arith.constant 0.000000e+00 : f32
    %neg3A_276 = vector.broadcast %neg3A_275 : f32 to vector<13x4096xf32>
    %neg3A_277 = arith.subf %neg3A_276, %integer_pow3A_274 : vector<13x4096xf32>
    %div3A_278 = arith.constant 3.781250e+00 : f32
    %div3A_279 = vector.broadcast %div3A_278 : f32 to vector<13x4096xf32>
    %div3A_280 = arith.divf %neg3A_277, %div3A_279 : vector<13x4096xf32>
    %exp3A_281 = math.exp %div3A_280 : vector<13x4096xf32>
    %sub3A_282 = arith.constant 20.5333328 : f32
    %sub3A_283 = vector.broadcast %sub3A_282 : f32 to vector<13x4096xf32>
    %sub3A_284 = arith.subf %sqrt3A, %sub3A_283 : vector<13x4096xf32>
    %integer_pow3A_285 = arith.mulf %sub3A_284, %sub3A_284 : vector<13x4096xf32>
    %neg3A_286 = arith.constant 0.000000e+00 : f32
    %neg3A_287 = vector.broadcast %neg3A_286 : f32 to vector<13x4096xf32>
    %neg3A_288 = arith.subf %neg3A_287, %integer_pow3A_285 : vector<13x4096xf32>
    %div3A_289 = arith.constant 3.781250e+00 : f32
    %div3A_290 = vector.broadcast %div3A_289 : f32 to vector<13x4096xf32>
    %div3A_291 = arith.divf %neg3A_288, %div3A_290 : vector<13x4096xf32>
    %exp3A_292 = math.exp %div3A_291 : vector<13x4096xf32>
    %sub3A_293 = arith.constant 2.200000e+01 : f32
    %sub3A_294 = vector.broadcast %sub3A_293 : f32 to vector<13x4096xf32>
    %sub3A_295 = arith.subf %sqrt3A, %sub3A_294 : vector<13x4096xf32>
    %integer_pow3A_296 = arith.mulf %sub3A_295, %sub3A_295 : vector<13x4096xf32>
    %neg3A_297 = arith.constant 0.000000e+00 : f32
    %neg3A_298 = vector.broadcast %neg3A_297 : f32 to vector<13x4096xf32>
    %neg3A_299 = arith.subf %neg3A_298, %integer_pow3A_296 : vector<13x4096xf32>
    %div3A_300 = arith.constant 3.781250e+00 : f32
    %div3A_301 = vector.broadcast %div3A_300 : f32 to vector<13x4096xf32>
    %div3A_302 = arith.divf %neg3A_299, %div3A_301 : vector<13x4096xf32>
    %exp3A_303 = math.exp %div3A_302 : vector<13x4096xf32>
    %concatenate3A = tpu.concatenate %exp3A, %exp3A_149, %exp3A_160, %exp3A_171, %exp3A_182, %exp3A_193, %exp3A_204, %exp3A_215, %exp3A_226, %exp3A_237, %exp3A_248, %exp3A_259, %exp3A_270, %exp3A_281, %exp3A_292, %exp3A_303 in 0 : vector<13x4096xf32>, vector<13x4096xf32>, vector<13x4096xf32>, vector<13x4096xf32>, vector<13x4096xf32>, vector<13x4096xf32>, vector<13x4096xf32>, vector<13x4096xf32>, vector<13x4096xf32>, vector<13x4096xf32>, vector<13x4096xf32>, vector<13x4096xf32>, vector<13x4096xf32>, vector<13x4096xf32>, vector<13x4096xf32>, vector<13x4096xf32> -> vector<208x4096xf32>
    %mul3A_304 = vector.broadcast %slice3A_96 : vector<1x4096xf32> to vector<13x4096xf32>
    %mul3A_305 = arith.mulf %sub3A_116, %mul3A_304 : vector<13x4096xf32>
    %add3A_306 = arith.constant 0.000000e+00 : f32
    %add3A_307 = vector.broadcast %add3A_306 : f32 to vector<13x4096xf32>
    %add3A_308 = arith.addf %add3A_307, %mul3A_305 : vector<13x4096xf32>
    %mul3A_309 = vector.broadcast %slice3A_99 : vector<1x4096xf32> to vector<13x4096xf32>
    %mul3A_310 = arith.mulf %sub3A_119, %mul3A_309 : vector<13x4096xf32>
    %add3A_311 = arith.addf %add3A_308, %mul3A_310 : vector<13x4096xf32>
    %mul3A_312 = vector.broadcast %slice3A_102 : vector<1x4096xf32> to vector<13x4096xf32>
    %mul3A_313 = arith.mulf %sub3A_122, %mul3A_312 : vector<13x4096xf32>
    %add3A_314 = arith.addf %add3A_311, %mul3A_313 : vector<13x4096xf32>
    %add3A_315 = arith.constant 9.99999993E-9 : f32
    %add3A_316 = vector.broadcast %add3A_315 : f32 to vector<13x4096xf32>
    %add3A_317 = arith.addf %sqrt3A, %add3A_316 : vector<13x4096xf32>
    %div3A_318 = arith.divf %add3A_314, %add3A_317 : vector<13x4096xf32>
    %mul3A_319 = vector.broadcast %slice3A_97 : vector<1x4096xf32> to vector<13x4096xf32>
    %mul3A_320 = arith.mulf %sub3A_116, %mul3A_319 : vector<13x4096xf32>
    %add3A_321 = arith.constant 0.000000e+00 : f32
    %add3A_322 = vector.broadcast %add3A_321 : f32 to vector<13x4096xf32>
    %add3A_323 = arith.addf %add3A_322, %mul3A_320 : vector<13x4096xf32>
    %mul3A_324 = vector.broadcast %slice3A_100 : vector<1x4096xf32> to vector<13x4096xf32>
    %mul3A_325 = arith.mulf %sub3A_119, %mul3A_324 : vector<13x4096xf32>
    %add3A_326 = arith.addf %add3A_323, %mul3A_325 : vector<13x4096xf32>
    %mul3A_327 = vector.broadcast %slice3A_103 : vector<1x4096xf32> to vector<13x4096xf32>
    %mul3A_328 = arith.mulf %sub3A_122, %mul3A_327 : vector<13x4096xf32>
    %add3A_329 = arith.addf %add3A_326, %mul3A_328 : vector<13x4096xf32>
    %add3A_330 = arith.constant 9.99999993E-9 : f32
    %add3A_331 = vector.broadcast %add3A_330 : f32 to vector<13x4096xf32>
    %add3A_332 = arith.addf %sqrt3A, %add3A_331 : vector<13x4096xf32>
    %div3A_333 = arith.divf %add3A_329, %add3A_332 : vector<13x4096xf32>
    %mul3A_334 = vector.broadcast %slice3A_98 : vector<1x4096xf32> to vector<13x4096xf32>
    %mul3A_335 = arith.mulf %sub3A_116, %mul3A_334 : vector<13x4096xf32>
    %add3A_336 = arith.constant 0.000000e+00 : f32
    %add3A_337 = vector.broadcast %add3A_336 : f32 to vector<13x4096xf32>
    %add3A_338 = arith.addf %add3A_337, %mul3A_335 : vector<13x4096xf32>
    %mul3A_339 = vector.broadcast %slice3A_101 : vector<1x4096xf32> to vector<13x4096xf32>
    %mul3A_340 = arith.mulf %sub3A_119, %mul3A_339 : vector<13x4096xf32>
    %add3A_341 = arith.addf %add3A_338, %mul3A_340 : vector<13x4096xf32>
    %mul3A_342 = vector.broadcast %slice3A_104 : vector<1x4096xf32> to vector<13x4096xf32>
    %mul3A_343 = arith.mulf %sub3A_122, %mul3A_342 : vector<13x4096xf32>
    %add3A_344 = arith.addf %add3A_341, %mul3A_343 : vector<13x4096xf32>
    %add3A_345 = arith.constant 9.99999993E-9 : f32
    %add3A_346 = vector.broadcast %add3A_345 : f32 to vector<13x4096xf32>
    %add3A_347 = arith.addf %sqrt3A, %add3A_346 : vector<13x4096xf32>
    %div3A_348 = arith.divf %add3A_344, %add3A_347 : vector<13x4096xf32>
    %concatenate3A_349 = tpu.concatenate %div3A_318, %div3A_333, %div3A_348 in 0 : vector<13x4096xf32>, vector<13x4096xf32>, vector<13x4096xf32> -> vector<39x4096xf32>
    %mul3A_350 = arith.mulf %slice3A_96, %slice3A_105 : vector<1x4096xf32>
    %add3A_351 = arith.constant 0.000000e+00 : f32
    %add3A_352 = vector.broadcast %add3A_351 : f32 to vector<1x4096xf32>
    %add3A_353 = arith.addf %add3A_352, %mul3A_350 : vector<1x4096xf32>
    %mul3A_354 = arith.mulf %slice3A_99, %slice3A_108 : vector<1x4096xf32>
    %add3A_355 = arith.addf %add3A_353, %mul3A_354 : vector<1x4096xf32>
    %mul3A_356 = arith.mulf %slice3A_102, %slice3A_111 : vector<1x4096xf32>
    %add3A_357 = arith.addf %add3A_355, %mul3A_356 : vector<1x4096xf32>
    %mul3A_358 = arith.mulf %slice3A_96, %slice3A_106 : vector<1x4096xf32>
    %add3A_359 = arith.constant 0.000000e+00 : f32
    %add3A_360 = vector.broadcast %add3A_359 : f32 to vector<1x4096xf32>
    %add3A_361 = arith.addf %add3A_360, %mul3A_358 : vector<1x4096xf32>
    %mul3A_362 = arith.mulf %slice3A_99, %slice3A_109 : vector<1x4096xf32>
    %add3A_363 = arith.addf %add3A_361, %mul3A_362 : vector<1x4096xf32>
    %mul3A_364 = arith.mulf %slice3A_102, %slice3A_112 : vector<1x4096xf32>
    %add3A_365 = arith.addf %add3A_363, %mul3A_364 : vector<1x4096xf32>
    %mul3A_366 = arith.mulf %slice3A_96, %slice3A_107 : vector<1x4096xf32>
    %add3A_367 = arith.constant 0.000000e+00 : f32
    %add3A_368 = vector.broadcast %add3A_367 : f32 to vector<1x4096xf32>
    %add3A_369 = arith.addf %add3A_368, %mul3A_366 : vector<1x4096xf32>
    %mul3A_370 = arith.mulf %slice3A_99, %slice3A_110 : vector<1x4096xf32>
    %add3A_371 = arith.addf %add3A_369, %mul3A_370 : vector<1x4096xf32>
    %mul3A_372 = arith.mulf %slice3A_102, %slice3A_113 : vector<1x4096xf32>
    %add3A_373 = arith.addf %add3A_371, %mul3A_372 : vector<1x4096xf32>
    %mul3A_374 = arith.mulf %slice3A_97, %slice3A_105 : vector<1x4096xf32>
    %add3A_375 = arith.constant 0.000000e+00 : f32
    %add3A_376 = vector.broadcast %add3A_375 : f32 to vector<1x4096xf32>
    %add3A_377 = arith.addf %add3A_376, %mul3A_374 : vector<1x4096xf32>
    %mul3A_378 = arith.mulf %slice3A_100, %slice3A_108 : vector<1x4096xf32>
    %add3A_379 = arith.addf %add3A_377, %mul3A_378 : vector<1x4096xf32>
    %mul3A_380 = arith.mulf %slice3A_103, %slice3A_111 : vector<1x4096xf32>
    %add3A_381 = arith.addf %add3A_379, %mul3A_380 : vector<1x4096xf32>
    %mul3A_382 = arith.mulf %slice3A_97, %slice3A_106 : vector<1x4096xf32>
    %add3A_383 = arith.constant 0.000000e+00 : f32
    %add3A_384 = vector.broadcast %add3A_383 : f32 to vector<1x4096xf32>
    %add3A_385 = arith.addf %add3A_384, %mul3A_382 : vector<1x4096xf32>
    %mul3A_386 = arith.mulf %slice3A_100, %slice3A_109 : vector<1x4096xf32>
    %add3A_387 = arith.addf %add3A_385, %mul3A_386 : vector<1x4096xf32>
    %mul3A_388 = arith.mulf %slice3A_103, %slice3A_112 : vector<1x4096xf32>
    %add3A_389 = arith.addf %add3A_387, %mul3A_388 : vector<1x4096xf32>
    %mul3A_390 = arith.mulf %slice3A_97, %slice3A_107 : vector<1x4096xf32>
    %add3A_391 = arith.constant 0.000000e+00 : f32
    %add3A_392 = vector.broadcast %add3A_391 : f32 to vector<1x4096xf32>
    %add3A_393 = arith.addf %add3A_392, %mul3A_390 : vector<1x4096xf32>
    %mul3A_394 = arith.mulf %slice3A_100, %slice3A_110 : vector<1x4096xf32>
    %add3A_395 = arith.addf %add3A_393, %mul3A_394 : vector<1x4096xf32>
    %mul3A_396 = arith.mulf %slice3A_103, %slice3A_113 : vector<1x4096xf32>
    %add3A_397 = arith.addf %add3A_395, %mul3A_396 : vector<1x4096xf32>
    %mul3A_398 = arith.mulf %slice3A_98, %slice3A_105 : vector<1x4096xf32>
    %add3A_399 = arith.constant 0.000000e+00 : f32
    %add3A_400 = vector.broadcast %add3A_399 : f32 to vector<1x4096xf32>
    %add3A_401 = arith.addf %add3A_400, %mul3A_398 : vector<1x4096xf32>
    %mul3A_402 = arith.mulf %slice3A_101, %slice3A_108 : vector<1x4096xf32>
    %add3A_403 = arith.addf %add3A_401, %mul3A_402 : vector<1x4096xf32>
    %mul3A_404 = arith.mulf %slice3A_104, %slice3A_111 : vector<1x4096xf32>
    %add3A_405 = arith.addf %add3A_403, %mul3A_404 : vector<1x4096xf32>
    %mul3A_406 = arith.mulf %slice3A_98, %slice3A_106 : vector<1x4096xf32>
    %add3A_407 = arith.constant 0.000000e+00 : f32
    %add3A_408 = vector.broadcast %add3A_407 : f32 to vector<1x4096xf32>
    %add3A_409 = arith.addf %add3A_408, %mul3A_406 : vector<1x4096xf32>
    %mul3A_410 = arith.mulf %slice3A_101, %slice3A_109 : vector<1x4096xf32>
    %add3A_411 = arith.addf %add3A_409, %mul3A_410 : vector<1x4096xf32>
    %mul3A_412 = arith.mulf %slice3A_104, %slice3A_112 : vector<1x4096xf32>
    %add3A_413 = arith.addf %add3A_411, %mul3A_412 : vector<1x4096xf32>
    %mul3A_414 = arith.mulf %slice3A_98, %slice3A_107 : vector<1x4096xf32>
    %add3A_415 = arith.constant 0.000000e+00 : f32
    %add3A_416 = vector.broadcast %add3A_415 : f32 to vector<1x4096xf32>
    %add3A_417 = arith.addf %add3A_416, %mul3A_414 : vector<1x4096xf32>
    %mul3A_418 = arith.mulf %slice3A_101, %slice3A_110 : vector<1x4096xf32>
    %add3A_419 = arith.addf %add3A_417, %mul3A_418 : vector<1x4096xf32>
    %mul3A_420 = arith.mulf %slice3A_104, %slice3A_113 : vector<1x4096xf32>
    %add3A_421 = arith.addf %add3A_419, %mul3A_420 : vector<1x4096xf32>
    %concatenate3A_422 = tpu.concatenate %add3A_357, %add3A_365, %add3A_373, %add3A_381, %add3A_389, %add3A_397, %add3A_405, %add3A_413, %add3A_421 in 0 : vector<1x4096xf32>, vector<1x4096xf32>, vector<1x4096xf32>, vector<1x4096xf32>, vector<1x4096xf32>, vector<1x4096xf32>, vector<1x4096xf32>, vector<1x4096xf32>, vector<1x4096xf32> -> vector<9x4096xf32>
    %slice3A_423 = vector.extract_strided_slice %slice3A_90 {offsets = [1, 0], sizes = [1, 4096], strides = [1, 1]} : vector<13x4096xf32> to vector<1x4096xf32>
    %slice3A_424 = vector.extract_strided_slice %slice3A_91 {offsets = [1, 0], sizes = [1, 4096], strides = [1, 1]} : vector<13x4096xf32> to vector<1x4096xf32>
    %slice3A_425 = vector.extract_strided_slice %slice3A_92 {offsets = [1, 0], sizes = [1, 4096], strides = [1, 1]} : vector<13x4096xf32> to vector<1x4096xf32>
    %sub3A_426 = vector.broadcast %slice3A_423 : vector<1x4096xf32> to vector<13x4096xf32>
    %sub3A_427 = arith.subf %slice3A_93, %sub3A_426 : vector<13x4096xf32>
    %mul3A_428 = vector.broadcast %slice3A_96 : vector<1x4096xf32> to vector<13x4096xf32>
    %mul3A_429 = arith.mulf %sub3A_427, %mul3A_428 : vector<13x4096xf32>
    %add3A_430 = arith.constant 0.000000e+00 : f32
    %add3A_431 = vector.broadcast %add3A_430 : f32 to vector<13x4096xf32>
    %add3A_432 = arith.addf %add3A_431, %mul3A_429 : vector<13x4096xf32>
    %sub3A_433 = vector.broadcast %slice3A_424 : vector<1x4096xf32> to vector<13x4096xf32>
    %sub3A_434 = arith.subf %slice3A_94, %sub3A_433 : vector<13x4096xf32>
    %mul3A_435 = vector.broadcast %slice3A_99 : vector<1x4096xf32> to vector<13x4096xf32>
    %mul3A_436 = arith.mulf %sub3A_434, %mul3A_435 : vector<13x4096xf32>
    %add3A_437 = arith.addf %add3A_432, %mul3A_436 : vector<13x4096xf32>
    %sub3A_438 = vector.broadcast %slice3A_425 : vector<1x4096xf32> to vector<13x4096xf32>
    %sub3A_439 = arith.subf %slice3A_95, %sub3A_438 : vector<13x4096xf32>
    %mul3A_440 = vector.broadcast %slice3A_102 : vector<1x4096xf32> to vector<13x4096xf32>
    %mul3A_441 = arith.mulf %sub3A_439, %mul3A_440 : vector<13x4096xf32>
    %add3A_442 = arith.addf %add3A_437, %mul3A_441 : vector<13x4096xf32>
    %sub3A_443 = vector.broadcast %slice3A_423 : vector<1x4096xf32> to vector<13x4096xf32>
    %sub3A_444 = arith.subf %slice3A_93, %sub3A_443 : vector<13x4096xf32>
    %mul3A_445 = vector.broadcast %slice3A_97 : vector<1x4096xf32> to vector<13x4096xf32>
    %mul3A_446 = arith.mulf %sub3A_444, %mul3A_445 : vector<13x4096xf32>
    %add3A_447 = arith.constant 0.000000e+00 : f32
    %add3A_448 = vector.broadcast %add3A_447 : f32 to vector<13x4096xf32>
    %add3A_449 = arith.addf %add3A_448, %mul3A_446 : vector<13x4096xf32>
    %sub3A_450 = vector.broadcast %slice3A_424 : vector<1x4096xf32> to vector<13x4096xf32>
    %sub3A_451 = arith.subf %slice3A_94, %sub3A_450 : vector<13x4096xf32>
    %mul3A_452 = vector.broadcast %slice3A_100 : vector<1x4096xf32> to vector<13x4096xf32>
    %mul3A_453 = arith.mulf %sub3A_451, %mul3A_452 : vector<13x4096xf32>
    %add3A_454 = arith.addf %add3A_449, %mul3A_453 : vector<13x4096xf32>
    %sub3A_455 = vector.broadcast %slice3A_425 : vector<1x4096xf32> to vector<13x4096xf32>
    %sub3A_456 = arith.subf %slice3A_95, %sub3A_455 : vector<13x4096xf32>
    %mul3A_457 = vector.broadcast %slice3A_103 : vector<1x4096xf32> to vector<13x4096xf32>
    %mul3A_458 = arith.mulf %sub3A_456, %mul3A_457 : vector<13x4096xf32>
    %add3A_459 = arith.addf %add3A_454, %mul3A_458 : vector<13x4096xf32>
    %sub3A_460 = vector.broadcast %slice3A_423 : vector<1x4096xf32> to vector<13x4096xf32>
    %sub3A_461 = arith.subf %slice3A_93, %sub3A_460 : vector<13x4096xf32>
    %mul3A_462 = vector.broadcast %slice3A_98 : vector<1x4096xf32> to vector<13x4096xf32>
    %mul3A_463 = arith.mulf %sub3A_461, %mul3A_462 : vector<13x4096xf32>
    %add3A_464 = arith.constant 0.000000e+00 : f32
    %add3A_465 = vector.broadcast %add3A_464 : f32 to vector<13x4096xf32>
    %add3A_466 = arith.addf %add3A_465, %mul3A_463 : vector<13x4096xf32>
    %sub3A_467 = vector.broadcast %slice3A_424 : vector<1x4096xf32> to vector<13x4096xf32>
    %sub3A_468 = arith.subf %slice3A_94, %sub3A_467 : vector<13x4096xf32>
    %mul3A_469 = vector.broadcast %slice3A_101 : vector<1x4096xf32> to vector<13x4096xf32>
    %mul3A_470 = arith.mulf %sub3A_468, %mul3A_469 : vector<13x4096xf32>
    %add3A_471 = arith.addf %add3A_466, %mul3A_470 : vector<13x4096xf32>
    %sub3A_472 = vector.broadcast %slice3A_425 : vector<1x4096xf32> to vector<13x4096xf32>
    %sub3A_473 = arith.subf %slice3A_95, %sub3A_472 : vector<13x4096xf32>
    %mul3A_474 = vector.broadcast %slice3A_104 : vector<1x4096xf32> to vector<13x4096xf32>
    %mul3A_475 = arith.mulf %sub3A_473, %mul3A_474 : vector<13x4096xf32>
    %add3A_476 = arith.addf %add3A_471, %mul3A_475 : vector<13x4096xf32>
    %concatenate3A_477 = tpu.concatenate %add3A_442, %add3A_459, %add3A_476 in 0 : vector<13x4096xf32>, vector<13x4096xf32>, vector<13x4096xf32> -> vector<39x4096xf32>
    %concatenate3A_478 = tpu.concatenate %mul3A_89, %concatenate3A, %concatenate3A_349, %concatenate3A_422, %concatenate3A_477 in 0 : vector<65x4096xf32>, vector<208x4096xf32>, vector<39x4096xf32>, vector<9x4096xf32>, vector<39x4096xf32> -> vector<360x4096xf32>
    %get3A_479 = arith.constant 0 : index
    %get3A_480 = arith.constant 0 : index
    %get3A_481 = vector.load %arg4[%get3A_479, %get3A_480] : memref<64x360xf32, #tpu.memory_space<vmem>>, vector<64x360xf32>
    %dot_general3A_482 = arith.constant dense<0.000000e+00> : vector<64x4096xf32>
    %dot_general3A_483 = tpu.matmul %get3A_481, %concatenate3A_478, %dot_general3A_482 {dimension_numbers = #tpu.dot_dimension_numbers<[1], [0], [0], [1], [0, 0, 1, 1], [], []>, transpose_lhs_hint = false} : vector<64x360xf32>, vector<360x4096xf32>, vector<64x4096xf32> -> vector<64x4096xf32>
    %reduce_sum3A = arith.constant dense<0.000000e+00> : vector<4096xf32>
    %reduce_sum3A_484 = vector.multi_reduction <add>, %dot_general3A_483, %reduce_sum3A [0] : vector<64x4096xf32> to vector<4096xf32>
    %broadcast_in_dim3A = vector.shape_cast %reduce_sum3A_484 : vector<4096xf32> to vector<1x4096xf32>
    %div3A_485 = arith.constant 6.400000e+01 : f32
    %div3A_486 = vector.broadcast %div3A_485 : f32 to vector<1x4096xf32>
    %div3A_487 = arith.divf %broadcast_in_dim3A, %div3A_486 : vector<1x4096xf32>
    %jit3A_488 = arith.constant 0 : i32
    %reduce_sum3A_489 = arith.constant dense<0.000000e+00> : vector<4096xf32>
    %reduce_sum3A_490 = vector.multi_reduction <add>, %dot_general3A_483, %reduce_sum3A_489 [0] : vector<64x4096xf32> to vector<4096xf32>
    %broadcast_in_dim3A_491 = vector.shape_cast %reduce_sum3A_490 : vector<4096xf32> to vector<1x4096xf32>
    %div3A_492 = arith.constant 6.400000e+01 : f32
    %div3A_493 = vector.broadcast %div3A_492 : f32 to vector<1x4096xf32>
    %div3A_494 = arith.divf %broadcast_in_dim3A_491, %div3A_493 : vector<1x4096xf32>
    %sub3A_495 = vector.broadcast %div3A_494 : vector<1x4096xf32> to vector<64x4096xf32>
    %sub3A_496 = arith.subf %dot_general3A_483, %sub3A_495 : vector<64x4096xf32>
    %square3A = arith.mulf %sub3A_496, %sub3A_496 : vector<64x4096xf32>
    %convert_element_type3A_497 = arith.sitofp %jit3A_488 : i32 to f32
    %sub3A_498 = arith.constant 6.400000e+01 : f32
    %sub3A_499 = arith.subf %sub3A_498, %convert_element_type3A_497 : f32
    %reduce_sum3A_500 = arith.constant dense<0.000000e+00> : vector<4096xf32>
    %reduce_sum3A_501 = vector.multi_reduction <add>, %square3A, %reduce_sum3A_500 [0] : vector<64x4096xf32> to vector<4096xf32>
    %broadcast_in_dim3A_502 = vector.shape_cast %reduce_sum3A_501 : vector<4096xf32> to vector<1x4096xf32>
    %div3A_503 = vector.broadcast %sub3A_499 : f32 to vector<1x4096xf32>
    %div3A_504 = arith.divf %broadcast_in_dim3A_502, %div3A_503 : vector<1x4096xf32>
    %gt3A = arith.constant 0.000000e+00 : f32
    %gt3A_505 = arith.cmpf ogt, %sub3A_499, %gt3A : f32
    %jit3A_506 = arith.constant 0x7FC00000 : f32
    %broadcast_in_dim3A_507 = vector.broadcast %jit3A_506 : f32 to vector<1x4096xf32>
    %select_n3A_508 = arith.select %gt3A_505, %div3A_504, %broadcast_in_dim3A_507 : vector<1x4096xf32>
    %sub3A_509 = vector.broadcast %div3A_487 : vector<1x4096xf32> to vector<64x4096xf32>
    %sub3A_510 = arith.subf %dot_general3A_483, %sub3A_509 : vector<64x4096xf32>
    %add3A_511 = arith.constant 9.99999974E-6 : f32
    %add3A_512 = vector.broadcast %add3A_511 : f32 to vector<1x4096xf32>
    %add3A_513 = arith.addf %select_n3A_508, %add3A_512 : vector<1x4096xf32>
    %rsqrt3A = math.rsqrt %add3A_513 : vector<1x4096xf32>
    %mul3A_514 = vector.broadcast %rsqrt3A : vector<1x4096xf32> to vector<64x4096xf32>
    %mul3A_515 = arith.mulf %sub3A_510, %mul3A_514 : vector<64x4096xf32>
    %get3A_516 = arith.constant 0 : index
    %get3A_517 = arith.constant 0 : index
    %get3A_518 = vector.load %arg5[%get3A_516, %get3A_517] : memref<128x64xf32, #tpu.memory_space<vmem>>, vector<128x64xf32>
    %dot_general3A_519 = arith.constant dense<0.000000e+00> : vector<128x4096xf32>
    %dot_general3A_520 = tpu.matmul %get3A_518, %mul3A_515, %dot_general3A_519 {dimension_numbers = #tpu.dot_dimension_numbers<[1], [0], [0], [1], [0, 0, 1, 1], [], []>, transpose_lhs_hint = false} : vector<128x64xf32>, vector<64x4096xf32>, vector<128x4096xf32> -> vector<128x4096xf32>
    %get3A_521 = arith.constant 0 : index
    %get3A_522 = arith.constant 0 : index
    %get3A_523 = vector.load %arg6[%get3A_521, %get3A_522] : memref<128x1xf32, #tpu.memory_space<vmem>>, vector<128x1xf32>
    %add3A_524 = vector.broadcast %get3A_523 : vector<128x1xf32> to vector<128x4096xf32>
    %add3A_525 = arith.addf %dot_general3A_520, %add3A_524 : vector<128x4096xf32>
    %integer_pow3A_526 = arith.mulf %add3A_525, %add3A_525 : vector<128x4096xf32>
    %integer_pow3A_527 = arith.mulf %add3A_525, %integer_pow3A_526 : vector<128x4096xf32>
    %mul3A_528 = arith.constant 4.471500e-02 : f32
    %mul3A_529 = vector.broadcast %mul3A_528 : f32 to vector<128x4096xf32>
    %mul3A_530 = arith.mulf %mul3A_529, %integer_pow3A_527 : vector<128x4096xf32>
    %add3A_531 = arith.addf %add3A_525, %mul3A_530 : vector<128x4096xf32>
    %mul3A_532 = arith.constant 0.797884583 : f32
    %mul3A_533 = vector.broadcast %mul3A_532 : f32 to vector<128x4096xf32>
    %mul3A_534 = arith.mulf %mul3A_533, %add3A_531 : vector<128x4096xf32>
    %tanh3A = math.tanh %mul3A_534 : vector<128x4096xf32>
    %add3A_535 = arith.constant 1.000000e+00 : f32
    %add3A_536 = vector.broadcast %add3A_535 : f32 to vector<128x4096xf32>
    %add3A_537 = arith.addf %add3A_536, %tanh3A : vector<128x4096xf32>
    %mul3A_538 = arith.constant 5.000000e-01 : f32
    %mul3A_539 = vector.broadcast %mul3A_538 : f32 to vector<128x4096xf32>
    %mul3A_540 = arith.mulf %mul3A_539, %add3A_537 : vector<128x4096xf32>
    %mul3A_541 = arith.mulf %add3A_525, %mul3A_540 : vector<128x4096xf32>
    %get3A_542 = arith.constant 0 : index
    %get3A_543 = arith.constant 0 : index
    %get3A_544 = vector.load %arg7[%get3A_542, %get3A_543] : memref<64x128xf32, #tpu.memory_space<vmem>>, vector<64x128xf32>
    %dot_general3A_545 = arith.constant dense<0.000000e+00> : vector<64x4096xf32>
    %dot_general3A_546 = tpu.matmul %get3A_544, %mul3A_541, %dot_general3A_545 {dimension_numbers = #tpu.dot_dimension_numbers<[1], [0], [0], [1], [0, 0, 1, 1], [], []>, transpose_lhs_hint = false} : vector<64x128xf32>, vector<128x4096xf32>, vector<64x4096xf32> -> vector<64x4096xf32>
    %get3A_547 = arith.constant 0 : index
    %get3A_548 = arith.constant 0 : index
    %get3A_549 = vector.load %arg8[%get3A_547, %get3A_548] : memref<64x1xf32, #tpu.memory_space<vmem>>, vector<64x1xf32>
    %add3A_550 = vector.broadcast %get3A_549 : vector<64x1xf32> to vector<64x4096xf32>
    %add3A_551 = arith.addf %dot_general3A_546, %add3A_550 : vector<64x4096xf32>
    %get3A_552 = arith.constant 0 : index
    %get3A_553 = arith.constant 0 : index
    %get3A_554 = vector.load %arg9[%get3A_552, %get3A_553] : memref<8x64xf32, #tpu.memory_space<vmem>>, vector<8x64xf32>
    %dot_general3A_555 = arith.constant dense<0.000000e+00> : vector<8x4096xf32>
    %dot_general3A_556 = tpu.matmul %get3A_554, %add3A_551, %dot_general3A_555 {dimension_numbers = #tpu.dot_dimension_numbers<[1], [0], [0], [1], [0, 0, 1, 1], [], []>, transpose_lhs_hint = false} : vector<8x64xf32>, vector<64x4096xf32>, vector<8x4096xf32> -> vector<8x4096xf32>
    %ge3A = arith.constant 0 : i32
    %ge3A_557 = vector.broadcast %ge3A : i32 to vector<1x4096xi32>
    %ge3A_558 = arith.cmpi sge, %get3A_33, %ge3A_557 : vector<1x4096xi32>
    %jit3A_559 = arith.constant -1.000000e+09 : f32
    %broadcast_in_dim3A_560 = vector.shape_cast %ge3A_558 : vector<1x4096xi1> to vector<1x4096xi1>
    %broadcast_in_dim3A_561 = vector.broadcast %broadcast_in_dim3A_560 : vector<1x4096xi1> to vector<8x4096xi1>
    %broadcast_in_dim3A_562 = vector.broadcast %jit3A_559 : f32 to vector<8x4096xf32>
    %select_n3A_563 = arith.select %broadcast_in_dim3A_561, %dot_general3A_556, %broadcast_in_dim3A_562 : vector<8x4096xi1>, vector<8x4096xf32>
    %swap3A = arith.constant 0 : index
    %swap3A_564 = arith.constant 0 : index
    %swap3A_565 = vector.load %arg10[%swap3A, %swap3A_564] : memref<8x4096xf32, #tpu.memory_space<vmem>>, vector<8x4096xf32>
    tpu.vector_store %arg10[%swap3A, %swap3A_564], %select_n3A_563 {strides = array<i32>} : memref<8x4096xf32, #tpu.memory_space<vmem>>, vector<8x4096xf32>,
    return
  }
  func.func @transform_0(%arg0: i32) -> (i32, i32) {
    %c0_i32 = arith.constant 0 : i32
    %c0_i32_0 = arith.constant 0 : i32
    return %c0_i32, %arg0 : i32, i32
  }
  func.func @transform_1(%arg0: i32) -> (i32, i32) {
    %c0_i32 = arith.constant 0 : i32
    %c0_i32_0 = arith.constant 0 : i32
    return %c0_i32, %arg0 : i32, i32
  }
  func.func @transform_2(%arg0: i32) -> (i32, i32) {
    %c0_i32 = arith.constant 0 : i32
    %c0_i32_0 = arith.constant 0 : i32
    return %c0_i32, %arg0 : i32, i32
  }
  func.func @transform_3(%arg0: i32) -> (i32, i32) {
    %c0_i32 = arith.constant 0 : i32
    %c0_i32_0 = arith.constant 0 : i32
    %c0_i32_1 = arith.constant 0 : i32
    return %c0_i32, %c0_i32_0 : i32, i32
  }
  func.func @transform_4(%arg0: i32) -> (i32, i32) {
    %c0_i32 = arith.constant 0 : i32
    %c0_i32_0 = arith.constant 0 : i32
    %c0_i32_1 = arith.constant 0 : i32
    return %c0_i32, %c0_i32_0 : i32, i32
  }
  func.func @transform_5(%arg0: i32) -> (i32, i32) {
    %c0_i32 = arith.constant 0 : i32
    %c0_i32_0 = arith.constant 0 : i32
    %c0_i32_1 = arith.constant 0 : i32
    return %c0_i32, %c0_i32_0 : i32, i32
  }
  func.func @transform_6(%arg0: i32) -> (i32, i32) {
    %c0_i32 = arith.constant 0 : i32
    %c0_i32_0 = arith.constant 0 : i32
    %c0_i32_1 = arith.constant 0 : i32
    return %c0_i32, %c0_i32_0 : i32, i32
  }
  func.func @transform_7(%arg0: i32) -> (i32, i32) {
    %c0_i32 = arith.constant 0 : i32
    %c0_i32_0 = arith.constant 0 : i32
    %c0_i32_1 = arith.constant 0 : i32
    return %c0_i32, %c0_i32_0 : i32, i32
  }
  func.func @transform_8(%arg0: i32) -> (i32, i32) {
    %c0_i32 = arith.constant 0 : i32
    %c0_i32_0 = arith.constant 0 : i32
    %c0_i32_1 = arith.constant 0 : i32
    return %c0_i32, %c0_i32_0 : i32, i32
  }
  func.func @transform_9(%arg0: i32) -> (i32, i32) {
    %c0_i32 = arith.constant 0 : i32
    %c0_i32_0 = arith.constant 0 : i32
    return %c0_i32, %arg0 : i32, i32
  }
}

module attributes {stable_mosaic.version = 14 : i64} {
  func.func @_attn_body(%arg0: i32, %arg1: memref<128x256xf32, #tpu.memory_space<vmem>>, %arg2: memref<128x256xf32, #tpu.memory_space<vmem>>, %arg3: memref<4096x512xf32, #tpu.memory_space<vmem>>, %arg4: memref<4096x8xf32, #tpu.memory_space<vmem>>, %arg5: memref<128x39xf32, #tpu.memory_space<vmem>>, %arg6: memref<256x256xf32, #tpu.memory_space<vmem>>, %arg7: memref<256x256xf32, #tpu.memory_space<vmem>>, %arg8: memref<39x512xf32, #tpu.memory_space<vmem>>, %arg9: memref<512x256xf32, #tpu.memory_space<vmem>>, %arg10: memref<256x512xf32, #tpu.memory_space<vmem>>, %arg11: memref<256x512xf32, #tpu.memory_space<vmem>>, %arg12: memref<512x256xf32, #tpu.memory_space<vmem>>, %arg13: memref<256x8xf32, #tpu.memory_space<vmem>>, %arg14: memref<128x256xf32, #tpu.memory_space<vmem>>, %arg15: memref<128x256xf32, #tpu.memory_space<vmem>>) attributes {dimension_semantics = [#tpu.dimension_semantics<arbitrary>], iteration_bounds = array<i64: 32>, scalar_prefetch = 0 : i64, scratch_operands = 0 : i64, tpu.core_type = #tpu.core_type<tc>, window_params = [{transform_indices = @transform_0, window_bounds = array<i64: 128, 256>}, {transform_indices = @transform_1, window_bounds = array<i64: 128, 256>}, {transform_indices = @transform_2, window_bounds = array<i64: 4096, 512>}, {transform_indices = @transform_3, window_bounds = array<i64: 4096, 8>}, {transform_indices = @transform_4, window_bounds = array<i64: 128, 39>}, {pipeline_mode = #tpu.pipeline_mode<synchronous>, transform_indices = @transform_5, window_bounds = array<i64: 256, 256>}, {pipeline_mode = #tpu.pipeline_mode<synchronous>, transform_indices = @transform_6, window_bounds = array<i64: 256, 256>}, {pipeline_mode = #tpu.pipeline_mode<synchronous>, transform_indices = @transform_7, window_bounds = array<i64: 39, 512>}, {pipeline_mode = #tpu.pipeline_mode<synchronous>, transform_indices = @transform_8, window_bounds = array<i64: 512, 256>}, {pipeline_mode = #tpu.pipeline_mode<synchronous>, transform_indices = @transform_9, window_bounds = array<i64: 256, 512>}, {pipeline_mode = #tpu.pipeline_mode<synchronous>, transform_indices = @transform_10, window_bounds = array<i64: 256, 512>}, {pipeline_mode = #tpu.pipeline_mode<synchronous>, transform_indices = @transform_11, window_bounds = array<i64: 512, 256>}, {pipeline_mode = #tpu.pipeline_mode<synchronous>, transform_indices = @transform_12, window_bounds = array<i64: 256, 8>}, {transform_indices = @transform_13, window_bounds = array<i64: 128, 256>}, {transform_indices = @transform_14, window_bounds = array<i64: 128, 256>}]} {
    %get3A = arith.constant 0 : index
    %get3A_0 = arith.constant 0 : index
    %get3A_1 = vector.load %arg1[%get3A, %get3A_0] : memref<128x256xf32, #tpu.memory_space<vmem>>, vector<128x256xf32>
    %get3A_2 = arith.constant 0 : index
    %get3A_3 = arith.constant 0 : index
    %get3A_4 = vector.load %arg6[%get3A_2, %get3A_3] : memref<256x256xf32, #tpu.memory_space<vmem>>, vector<256x256xf32>
    %dot_general3A = arith.constant dense<0.000000e+00> : vector<128x256xf32>
    %dot_general3A_5 = tpu.matmul %get3A_1, %get3A_4, %dot_general3A {dimension_numbers = #tpu.dot_dimension_numbers<[1], [0], [0], [1], [0, 0, 1, 1], [], []>, transpose_lhs_hint = false} : vector<128x256xf32>, vector<256x256xf32>, vector<128x256xf32> -> vector<128x256xf32>
    %get3A_6 = arith.constant 0 : index
    %get3A_7 = arith.constant 0 : index
    %get3A_8 = vector.load %arg3[%get3A_6, %get3A_7] : memref<4096x512xf32, #tpu.memory_space<vmem>>, vector<4096x512xf32>
    %slice3A = vector.extract_strided_slice %get3A_8 {offsets = [0, 0], sizes = [4096, 256], strides = [1, 1]} : vector<4096x512xf32> to vector<4096x256xf32>
    %reshape3A = vector.shape_cast %slice3A : vector<4096x256xf32> to vector<128x32x256xf32>
    %slice3A_9 = vector.extract_strided_slice %get3A_8 {offsets = [0, 256], sizes = [4096, 256], strides = [1, 1]} : vector<4096x512xf32> to vector<4096x256xf32>
    %reshape3A_10 = vector.shape_cast %slice3A_9 : vector<4096x256xf32> to vector<128x32x256xf32>
    %broadcast_in_dim3A = vector.shape_cast %dot_general3A_5 : vector<128x256xf32> to vector<128x1x256xf32>
    %mul3A = vector.broadcast %broadcast_in_dim3A : vector<128x1x256xf32> to vector<128x32x256xf32>
    %mul3A_11 = arith.mulf %mul3A, %reshape3A : vector<128x32x256xf32>
    %reshape3A_12 = vector.shape_cast %mul3A_11 : vector<128x32x256xf32> to vector<4096x256xf32>
    %get3A_13 = arith.constant 0 : index
    %get3A_14 = arith.constant 0 : index
    %get3A_15 = vector.load %arg13[%get3A_13, %get3A_14] : memref<256x8xf32, #tpu.memory_space<vmem>>, vector<256x8xf32>
    %dot_general3A_16 = arith.constant dense<0.000000e+00> : vector<4096x8xf32>
    %dot_general3A_17 = tpu.matmul %reshape3A_12, %get3A_15, %dot_general3A_16 {dimension_numbers = #tpu.dot_dimension_numbers<[1], [0], [0], [1], [0, 0, 1, 1], [], []>, transpose_lhs_hint = false} : vector<4096x256xf32>, vector<256x8xf32>, vector<4096x8xf32> -> vector<4096x8xf32>
    %reshape3A_18 = vector.shape_cast %dot_general3A_17 : vector<4096x8xf32> to vector<128x32x8xf32>
    %div3A = arith.constant 5.65685415 : f32
    %div3A_19 = vector.broadcast %div3A : f32 to vector<128x32x8xf32>
    %div3A_20 = arith.divf %reshape3A_18, %div3A_19 : vector<128x32x8xf32>
    %get3A_21 = arith.constant 0 : index
    %get3A_22 = arith.constant 0 : index
    %get3A_23 = vector.load %arg4[%get3A_21, %get3A_22] : memref<4096x8xf32, #tpu.memory_space<vmem>>, vector<4096x8xf32>
    %reshape3A_24 = vector.shape_cast %get3A_23 : vector<4096x8xf32> to vector<128x32x8xf32>
    %add3A = arith.addf %div3A_20, %reshape3A_24 : vector<128x32x8xf32>
    %reduce_max3A = arith.constant dense<0xFF800000> : vector<128x8xf32>
    %reduce_max3A_25 = vector.multi_reduction <maximumf>, %add3A, %reduce_max3A [1] : vector<128x32x8xf32> to vector<128x8xf32>
    %broadcast_in_dim3A_26 = vector.shape_cast %reduce_max3A_25 : vector<128x8xf32> to vector<128x1x8xf32>
    %sub3A = vector.broadcast %broadcast_in_dim3A_26 : vector<128x1x8xf32> to vector<128x32x8xf32>
    %sub3A_27 = arith.subf %add3A, %sub3A : vector<128x32x8xf32>
    %exp3A = math.exp %sub3A_27 : vector<128x32x8xf32>
    %reduce_sum3A = arith.constant dense<0.000000e+00> : vector<128x8xf32>
    %reduce_sum3A_28 = vector.multi_reduction <add>, %exp3A, %reduce_sum3A [1] : vector<128x32x8xf32> to vector<128x8xf32>
    %broadcast_in_dim3A_29 = vector.shape_cast %reduce_sum3A_28 : vector<128x8xf32> to vector<128x1x8xf32>
    %div3A_30 = vector.broadcast %broadcast_in_dim3A_29 : vector<128x1x8xf32> to vector<128x32x8xf32>
    %div3A_31 = arith.divf %exp3A, %div3A_30 : vector<128x32x8xf32>
    %reshape3A_32 = vector.shape_cast %div3A_31 : vector<128x32x8xf32> to vector<4096x8xf32>
    %transpose3A = tpu.transpose %get3A_15, [1, 0] : vector<256x8xf32> -> vector<8x256xf32>
    %dot_general3A_33 = arith.constant dense<0.000000e+00> : vector<4096x256xf32>
    %dot_general3A_34 = tpu.matmul %reshape3A_32, %transpose3A, %dot_general3A_33 {dimension_numbers = #tpu.dot_dimension_numbers<[1], [0], [0], [1], [0, 0, 1, 1], [], []>, transpose_lhs_hint = false} : vector<4096x8xf32>, vector<8x256xf32>, vector<4096x256xf32> -> vector<4096x256xf32>
    %reshape3A_35 = vector.shape_cast %dot_general3A_34 : vector<4096x256xf32> to vector<128x32x256xf32>
    %mul3A_36 = arith.mulf %reshape3A_35, %reshape3A_10 : vector<128x32x256xf32>
    %reduce_sum3A_37 = arith.constant dense<0.000000e+00> : vector<128x256xf32>
    %reduce_sum3A_38 = vector.multi_reduction <add>, %mul3A_36, %reduce_sum3A_37 [1] : vector<128x32x256xf32> to vector<128x256xf32>
    %get3A_39 = arith.constant 0 : index
    %get3A_40 = arith.constant 0 : index
    %get3A_41 = vector.load %arg7[%get3A_39, %get3A_40] : memref<256x256xf32, #tpu.memory_space<vmem>>, vector<256x256xf32>
    %dot_general3A_42 = arith.constant dense<0.000000e+00> : vector<128x256xf32>
    %dot_general3A_43 = tpu.matmul %reduce_sum3A_38, %get3A_41, %dot_general3A_42 {dimension_numbers = #tpu.dot_dimension_numbers<[1], [0], [0], [1], [0, 0, 1, 1], [], []>, transpose_lhs_hint = false} : vector<128x256xf32>, vector<256x256xf32>, vector<128x256xf32> -> vector<128x256xf32>
    %get3A_44 = arith.constant 0 : index
    %get3A_45 = arith.constant 0 : index
    %get3A_46 = vector.load %arg2[%get3A_44, %get3A_45] : memref<128x256xf32, #tpu.memory_space<vmem>>, vector<128x256xf32>
    %add3A_47 = arith.addf %get3A_46, %dot_general3A_43 : vector<128x256xf32>
    %add3A_48 = arith.addf %get3A_1, %dot_general3A_43 : vector<128x256xf32>
    %reduce_sum3A_49 = arith.constant dense<0.000000e+00> : vector<128xf32>
    %reduce_sum3A_50 = vector.multi_reduction <add>, %add3A_48, %reduce_sum3A_49 [1] : vector<128x256xf32> to vector<128xf32>
    %broadcast_in_dim3A_51 = vector.shape_cast %reduce_sum3A_50 : vector<128xf32> to vector<128x1xf32>
    %div3A_52 = arith.constant 2.560000e+02 : f32
    %div3A_53 = vector.broadcast %div3A_52 : f32 to vector<128x1xf32>
    %div3A_54 = arith.divf %broadcast_in_dim3A_51, %div3A_53 : vector<128x1xf32>
    %jit3A = arith.constant 0 : i32
    %reduce_sum3A_55 = arith.constant dense<0.000000e+00> : vector<128xf32>
    %reduce_sum3A_56 = vector.multi_reduction <add>, %add3A_48, %reduce_sum3A_55 [1] : vector<128x256xf32> to vector<128xf32>
    %broadcast_in_dim3A_57 = vector.shape_cast %reduce_sum3A_56 : vector<128xf32> to vector<128x1xf32>
    %div3A_58 = arith.constant 2.560000e+02 : f32
    %div3A_59 = vector.broadcast %div3A_58 : f32 to vector<128x1xf32>
    %div3A_60 = arith.divf %broadcast_in_dim3A_57, %div3A_59 : vector<128x1xf32>
    %sub3A_61 = vector.broadcast %div3A_60 : vector<128x1xf32> to vector<128x256xf32>
    %sub3A_62 = arith.subf %add3A_48, %sub3A_61 : vector<128x256xf32>
    %square3A = arith.mulf %sub3A_62, %sub3A_62 : vector<128x256xf32>
    %convert_element_type3A = arith.sitofp %jit3A : i32 to f32
    %sub3A_63 = arith.constant 2.560000e+02 : f32
    %sub3A_64 = arith.subf %sub3A_63, %convert_element_type3A : f32
    %reduce_sum3A_65 = arith.constant dense<0.000000e+00> : vector<128xf32>
    %reduce_sum3A_66 = vector.multi_reduction <add>, %square3A, %reduce_sum3A_65 [1] : vector<128x256xf32> to vector<128xf32>
    %broadcast_in_dim3A_67 = vector.shape_cast %reduce_sum3A_66 : vector<128xf32> to vector<128x1xf32>
    %div3A_68 = vector.broadcast %sub3A_64 : f32 to vector<128x1xf32>
    %div3A_69 = arith.divf %broadcast_in_dim3A_67, %div3A_68 : vector<128x1xf32>
    %gt3A = arith.constant 0.000000e+00 : f32
    %gt3A_70 = arith.cmpf ogt, %sub3A_64, %gt3A : f32
    %jit3A_71 = arith.constant 0x7FC00000 : f32
    %broadcast_in_dim3A_72 = vector.broadcast %jit3A_71 : f32 to vector<128x1xf32>
    %select_n3A = arith.select %gt3A_70, %div3A_69, %broadcast_in_dim3A_72 : vector<128x1xf32>
    %sub3A_73 = vector.broadcast %div3A_54 : vector<128x1xf32> to vector<128x256xf32>
    %sub3A_74 = arith.subf %add3A_48, %sub3A_73 : vector<128x256xf32>
    %add3A_75 = arith.constant 9.99999974E-6 : f32
    %add3A_76 = vector.broadcast %add3A_75 : f32 to vector<128x1xf32>
    %add3A_77 = arith.addf %select_n3A, %add3A_76 : vector<128x1xf32>
    %rsqrt3A = math.rsqrt %add3A_77 : vector<128x1xf32>
    %mul3A_78 = vector.broadcast %rsqrt3A : vector<128x1xf32> to vector<128x256xf32>
    %mul3A_79 = arith.mulf %sub3A_74, %mul3A_78 : vector<128x256xf32>
    %get3A_80 = arith.constant 0 : index
    %get3A_81 = arith.constant 0 : index
    %get3A_82 = vector.load %arg5[%get3A_80, %get3A_81] : memref<128x39xf32, #tpu.memory_space<vmem>>, vector<128x39xf32>
    %get3A_83 = arith.constant 0 : index
    %get3A_84 = arith.constant 0 : index
    %get3A_85 = vector.load %arg8[%get3A_83, %get3A_84] : memref<39x512xf32, #tpu.memory_space<vmem>>, vector<39x512xf32>
    %dot_general3A_86 = arith.constant dense<0.000000e+00> : vector<128x512xf32>
    %dot_general3A_87 = tpu.matmul %get3A_82, %get3A_85, %dot_general3A_86 {dimension_numbers = #tpu.dot_dimension_numbers<[1], [0], [0], [1], [0, 0, 1, 1], [], []>, transpose_lhs_hint = false} : vector<128x39xf32>, vector<39x512xf32>, vector<128x512xf32> -> vector<128x512xf32>
    %integer_pow3A = arith.mulf %dot_general3A_87, %dot_general3A_87 : vector<128x512xf32>
    %integer_pow3A_88 = arith.mulf %dot_general3A_87, %integer_pow3A : vector<128x512xf32>
    %mul3A_89 = arith.constant 4.471500e-02 : f32
    %mul3A_90 = vector.broadcast %mul3A_89 : f32 to vector<128x512xf32>
    %mul3A_91 = arith.mulf %mul3A_90, %integer_pow3A_88 : vector<128x512xf32>
    %add3A_92 = arith.addf %dot_general3A_87, %mul3A_91 : vector<128x512xf32>
    %mul3A_93 = arith.constant 0.797884583 : f32
    %mul3A_94 = vector.broadcast %mul3A_93 : f32 to vector<128x512xf32>
    %mul3A_95 = arith.mulf %mul3A_94, %add3A_92 : vector<128x512xf32>
    %tanh3A = math.tanh %mul3A_95 : vector<128x512xf32>
    %add3A_96 = arith.constant 1.000000e+00 : f32
    %add3A_97 = vector.broadcast %add3A_96 : f32 to vector<128x512xf32>
    %add3A_98 = arith.addf %add3A_97, %tanh3A : vector<128x512xf32>
    %mul3A_99 = arith.constant 5.000000e-01 : f32
    %mul3A_100 = vector.broadcast %mul3A_99 : f32 to vector<128x512xf32>
    %mul3A_101 = arith.mulf %mul3A_100, %add3A_98 : vector<128x512xf32>
    %mul3A_102 = arith.mulf %dot_general3A_87, %mul3A_101 : vector<128x512xf32>
    %get3A_103 = arith.constant 0 : index
    %get3A_104 = arith.constant 0 : index
    %get3A_105 = vector.load %arg9[%get3A_103, %get3A_104] : memref<512x256xf32, #tpu.memory_space<vmem>>, vector<512x256xf32>
    %dot_general3A_106 = arith.constant dense<0.000000e+00> : vector<128x256xf32>
    %dot_general3A_107 = tpu.matmul %mul3A_102, %get3A_105, %dot_general3A_106 {dimension_numbers = #tpu.dot_dimension_numbers<[1], [0], [0], [1], [0, 0, 1, 1], [], []>, transpose_lhs_hint = false} : vector<128x512xf32>, vector<512x256xf32>, vector<128x256xf32> -> vector<128x256xf32>
    %add3A_108 = arith.addf %mul3A_79, %dot_general3A_107 : vector<128x256xf32>
    %get3A_109 = arith.constant 0 : index
    %get3A_110 = arith.constant 0 : index
    %get3A_111 = vector.load %arg10[%get3A_109, %get3A_110] : memref<256x512xf32, #tpu.memory_space<vmem>>, vector<256x512xf32>
    %dot_general3A_112 = arith.constant dense<0.000000e+00> : vector<128x512xf32>
    %dot_general3A_113 = tpu.matmul %add3A_108, %get3A_111, %dot_general3A_112 {dimension_numbers = #tpu.dot_dimension_numbers<[1], [0], [0], [1], [0, 0, 1, 1], [], []>, transpose_lhs_hint = false} : vector<128x256xf32>, vector<256x512xf32>, vector<128x512xf32> -> vector<128x512xf32>
    %get3A_114 = arith.constant 0 : index
    %get3A_115 = arith.constant 0 : index
    %get3A_116 = vector.load %arg11[%get3A_114, %get3A_115] : memref<256x512xf32, #tpu.memory_space<vmem>>, vector<256x512xf32>
    %dot_general3A_117 = arith.constant dense<0.000000e+00> : vector<128x512xf32>
    %dot_general3A_118 = tpu.matmul %add3A_108, %get3A_116, %dot_general3A_117 {dimension_numbers = #tpu.dot_dimension_numbers<[1], [0], [0], [1], [0, 0, 1, 1], [], []>, transpose_lhs_hint = false} : vector<128x256xf32>, vector<256x512xf32>, vector<128x512xf32> -> vector<128x512xf32>
    %integer_pow3A_119 = arith.mulf %dot_general3A_118, %dot_general3A_118 : vector<128x512xf32>
    %integer_pow3A_120 = arith.mulf %dot_general3A_118, %integer_pow3A_119 : vector<128x512xf32>
    %mul3A_121 = arith.constant 4.471500e-02 : f32
    %mul3A_122 = vector.broadcast %mul3A_121 : f32 to vector<128x512xf32>
    %mul3A_123 = arith.mulf %mul3A_122, %integer_pow3A_120 : vector<128x512xf32>
    %add3A_124 = arith.addf %dot_general3A_118, %mul3A_123 : vector<128x512xf32>
    %mul3A_125 = arith.constant 0.797884583 : f32
    %mul3A_126 = vector.broadcast %mul3A_125 : f32 to vector<128x512xf32>
    %mul3A_127 = arith.mulf %mul3A_126, %add3A_124 : vector<128x512xf32>
    %tanh3A_128 = math.tanh %mul3A_127 : vector<128x512xf32>
    %add3A_129 = arith.constant 1.000000e+00 : f32
    %add3A_130 = vector.broadcast %add3A_129 : f32 to vector<128x512xf32>
    %add3A_131 = arith.addf %add3A_130, %tanh3A_128 : vector<128x512xf32>
    %mul3A_132 = arith.constant 5.000000e-01 : f32
    %mul3A_133 = vector.broadcast %mul3A_132 : f32 to vector<128x512xf32>
    %mul3A_134 = arith.mulf %mul3A_133, %add3A_131 : vector<128x512xf32>
    %mul3A_135 = arith.mulf %dot_general3A_118, %mul3A_134 : vector<128x512xf32>
    %mul3A_136 = arith.mulf %mul3A_135, %dot_general3A_113 : vector<128x512xf32>
    %get3A_137 = arith.constant 0 : index
    %get3A_138 = arith.constant 0 : index
    %get3A_139 = vector.load %arg12[%get3A_137, %get3A_138] : memref<512x256xf32, #tpu.memory_space<vmem>>, vector<512x256xf32>
    %dot_general3A_140 = arith.constant dense<0.000000e+00> : vector<128x256xf32>
    %dot_general3A_141 = tpu.matmul %mul3A_136, %get3A_139, %dot_general3A_140 {dimension_numbers = #tpu.dot_dimension_numbers<[1], [0], [0], [1], [0, 0, 1, 1], [], []>, transpose_lhs_hint = false} : vector<128x512xf32>, vector<512x256xf32>, vector<128x256xf32> -> vector<128x256xf32>
    %add3A_142 = arith.addf %add3A_47, %dot_general3A_141 : vector<128x256xf32>
    %add3A_143 = arith.addf %mul3A_79, %dot_general3A_141 : vector<128x256xf32>
    %reduce_sum3A_144 = arith.constant dense<0.000000e+00> : vector<128xf32>
    %reduce_sum3A_145 = vector.multi_reduction <add>, %add3A_143, %reduce_sum3A_144 [1] : vector<128x256xf32> to vector<128xf32>
    %broadcast_in_dim3A_146 = vector.shape_cast %reduce_sum3A_145 : vector<128xf32> to vector<128x1xf32>
    %div3A_147 = arith.constant 2.560000e+02 : f32
    %div3A_148 = vector.broadcast %div3A_147 : f32 to vector<128x1xf32>
    %div3A_149 = arith.divf %broadcast_in_dim3A_146, %div3A_148 : vector<128x1xf32>
    %jit3A_150 = arith.constant 0 : i32
    %reduce_sum3A_151 = arith.constant dense<0.000000e+00> : vector<128xf32>
    %reduce_sum3A_152 = vector.multi_reduction <add>, %add3A_143, %reduce_sum3A_151 [1] : vector<128x256xf32> to vector<128xf32>
    %broadcast_in_dim3A_153 = vector.shape_cast %reduce_sum3A_152 : vector<128xf32> to vector<128x1xf32>
    %div3A_154 = arith.constant 2.560000e+02 : f32
    %div3A_155 = vector.broadcast %div3A_154 : f32 to vector<128x1xf32>
    %div3A_156 = arith.divf %broadcast_in_dim3A_153, %div3A_155 : vector<128x1xf32>
    %sub3A_157 = vector.broadcast %div3A_156 : vector<128x1xf32> to vector<128x256xf32>
    %sub3A_158 = arith.subf %add3A_143, %sub3A_157 : vector<128x256xf32>
    %square3A_159 = arith.mulf %sub3A_158, %sub3A_158 : vector<128x256xf32>
    %convert_element_type3A_160 = arith.sitofp %jit3A_150 : i32 to f32
    %sub3A_161 = arith.constant 2.560000e+02 : f32
    %sub3A_162 = arith.subf %sub3A_161, %convert_element_type3A_160 : f32
    %reduce_sum3A_163 = arith.constant dense<0.000000e+00> : vector<128xf32>
    %reduce_sum3A_164 = vector.multi_reduction <add>, %square3A_159, %reduce_sum3A_163 [1] : vector<128x256xf32> to vector<128xf32>
    %broadcast_in_dim3A_165 = vector.shape_cast %reduce_sum3A_164 : vector<128xf32> to vector<128x1xf32>
    %div3A_166 = vector.broadcast %sub3A_162 : f32 to vector<128x1xf32>
    %div3A_167 = arith.divf %broadcast_in_dim3A_165, %div3A_166 : vector<128x1xf32>
    %gt3A_168 = arith.constant 0.000000e+00 : f32
    %gt3A_169 = arith.cmpf ogt, %sub3A_162, %gt3A_168 : f32
    %jit3A_170 = arith.constant 0x7FC00000 : f32
    %broadcast_in_dim3A_171 = vector.broadcast %jit3A_170 : f32 to vector<128x1xf32>
    %select_n3A_172 = arith.select %gt3A_169, %div3A_167, %broadcast_in_dim3A_171 : vector<128x1xf32>
    %sub3A_173 = vector.broadcast %div3A_149 : vector<128x1xf32> to vector<128x256xf32>
    %sub3A_174 = arith.subf %add3A_143, %sub3A_173 : vector<128x256xf32>
    %add3A_175 = arith.constant 9.99999974E-6 : f32
    %add3A_176 = vector.broadcast %add3A_175 : f32 to vector<128x1xf32>
    %add3A_177 = arith.addf %select_n3A_172, %add3A_176 : vector<128x1xf32>
    %rsqrt3A_178 = math.rsqrt %add3A_177 : vector<128x1xf32>
    %mul3A_179 = vector.broadcast %rsqrt3A_178 : vector<128x1xf32> to vector<128x256xf32>
    %mul3A_180 = arith.mulf %sub3A_174, %mul3A_179 : vector<128x256xf32>
    %swap3A = arith.constant 0 : index
    %swap3A_181 = arith.constant 0 : index
    %swap3A_182 = vector.load %arg14[%swap3A, %swap3A_181] : memref<128x256xf32, #tpu.memory_space<vmem>>, vector<128x256xf32>
    tpu.vector_store %arg14[%swap3A, %swap3A_181], %mul3A_180 {strides = array<i32>} : memref<128x256xf32, #tpu.memory_space<vmem>>, vector<128x256xf32>,
    %swap3A_183 = arith.constant 0 : index
    %swap3A_184 = arith.constant 0 : index
    %swap3A_185 = vector.load %arg15[%swap3A_183, %swap3A_184] : memref<128x256xf32, #tpu.memory_space<vmem>>, vector<128x256xf32>
    tpu.vector_store %arg15[%swap3A_183, %swap3A_184], %add3A_142 {strides = array<i32>} : memref<128x256xf32, #tpu.memory_space<vmem>>, vector<128x256xf32>,
    return
  }
  func.func @transform_0(%arg0: i32) -> (i32, i32) {
    %c0_i32 = arith.constant 0 : i32
    %c0_i32_0 = arith.constant 0 : i32
    return %arg0, %c0_i32 : i32, i32
  }
  func.func @transform_1(%arg0: i32) -> (i32, i32) {
    %c0_i32 = arith.constant 0 : i32
    %c0_i32_0 = arith.constant 0 : i32
    return %arg0, %c0_i32 : i32, i32
  }
  func.func @transform_2(%arg0: i32) -> (i32, i32) {
    %c0_i32 = arith.constant 0 : i32
    %c0_i32_0 = arith.constant 0 : i32
    return %arg0, %c0_i32 : i32, i32
  }
  func.func @transform_3(%arg0: i32) -> (i32, i32) {
    %c0_i32 = arith.constant 0 : i32
    %c0_i32_0 = arith.constant 0 : i32
    return %arg0, %c0_i32 : i32, i32
  }
  func.func @transform_4(%arg0: i32) -> (i32, i32) {
    %c0_i32 = arith.constant 0 : i32
    %c0_i32_0 = arith.constant 0 : i32
    return %arg0, %c0_i32 : i32, i32
  }
  func.func @transform_5(%arg0: i32) -> (i32, i32) {
    %c0_i32 = arith.constant 0 : i32
    %c0_i32_0 = arith.constant 0 : i32
    %c0_i32_1 = arith.constant 0 : i32
    return %c0_i32, %c0_i32_0 : i32, i32
  }
  func.func @transform_6(%arg0: i32) -> (i32, i32) {
    %c0_i32 = arith.constant 0 : i32
    %c0_i32_0 = arith.constant 0 : i32
    %c0_i32_1 = arith.constant 0 : i32
    return %c0_i32, %c0_i32_0 : i32, i32
  }
  func.func @transform_7(%arg0: i32) -> (i32, i32) {
    %c0_i32 = arith.constant 0 : i32
    %c0_i32_0 = arith.constant 0 : i32
    %c0_i32_1 = arith.constant 0 : i32
    return %c0_i32, %c0_i32_0 : i32, i32
  }
  func.func @transform_8(%arg0: i32) -> (i32, i32) {
    %c0_i32 = arith.constant 0 : i32
    %c0_i32_0 = arith.constant 0 : i32
    %c0_i32_1 = arith.constant 0 : i32
    return %c0_i32, %c0_i32_0 : i32, i32
  }
  func.func @transform_9(%arg0: i32) -> (i32, i32) {
    %c0_i32 = arith.constant 0 : i32
    %c0_i32_0 = arith.constant 0 : i32
    %c0_i32_1 = arith.constant 0 : i32
    return %c0_i32, %c0_i32_0 : i32, i32
  }
  func.func @transform_10(%arg0: i32) -> (i32, i32) {
    %c0_i32 = arith.constant 0 : i32
    %c0_i32_0 = arith.constant 0 : i32
    %c0_i32_1 = arith.constant 0 : i32
    return %c0_i32, %c0_i32_0 : i32, i32
  }
  func.func @transform_11(%arg0: i32) -> (i32, i32) {
    %c0_i32 = arith.constant 0 : i32
    %c0_i32_0 = arith.constant 0 : i32
    %c0_i32_1 = arith.constant 0 : i32
    return %c0_i32, %c0_i32_0 : i32, i32
  }
  func.func @transform_12(%arg0: i32) -> (i32, i32) {
    %c0_i32 = arith.constant 0 : i32
    %c0_i32_0 = arith.constant 0 : i32
    %c0_i32_1 = arith.constant 0 : i32
    return %c0_i32, %c0_i32_0 : i32, i32
  }
  func.func @transform_13(%arg0: i32) -> (i32, i32) {
    %c0_i32 = arith.constant 0 : i32
    %c0_i32_0 = arith.constant 0 : i32
    return %arg0, %c0_i32 : i32, i32
  }
  func.func @transform_14(%arg0: i32) -> (i32, i32) {
    %c0_i32 = arith.constant 0 : i32
    %c0_i32_0 = arith.constant 0 : i32
    return %arg0, %c0_i32 : i32, i32
  }
}

module attributes {stable_mosaic.version = 14 : i64} {
  func.func @_attn_body(%arg0: i32, %arg1: memref<128x256xf32, #tpu.memory_space<vmem>>, %arg2: memref<128x256xf32, #tpu.memory_space<vmem>>, %arg3: memref<4096x512xf32, #tpu.memory_space<vmem>>, %arg4: memref<4096x8xf32, #tpu.memory_space<vmem>>, %arg5: memref<128x39xf32, #tpu.memory_space<vmem>>, %arg6: memref<256x256xf32, #tpu.memory_space<vmem>>, %arg7: memref<256x256xf32, #tpu.memory_space<vmem>>, %arg8: memref<39x512xf32, #tpu.memory_space<vmem>>, %arg9: memref<512x256xf32, #tpu.memory_space<vmem>>, %arg10: memref<256x512xf32, #tpu.memory_space<vmem>>, %arg11: memref<256x512xf32, #tpu.memory_space<vmem>>, %arg12: memref<512x256xf32, #tpu.memory_space<vmem>>, %arg13: memref<256x8xf32, #tpu.memory_space<vmem>>, %arg14: memref<128x256xf32, #tpu.memory_space<vmem>>, %arg15: memref<128x256xf32, #tpu.memory_space<vmem>>) attributes {dimension_semantics = [#tpu.dimension_semantics<arbitrary>], iteration_bounds = array<i64: 32>, scalar_prefetch = 0 : i64, scratch_operands = 0 : i64, tpu.core_type = #tpu.core_type<tc>, window_params = [{transform_indices = @transform_0, window_bounds = array<i64: 128, 256>}, {transform_indices = @transform_1, window_bounds = array<i64: 128, 256>}, {transform_indices = @transform_2, window_bounds = array<i64: 4096, 512>}, {transform_indices = @transform_3, window_bounds = array<i64: 4096, 8>}, {transform_indices = @transform_4, window_bounds = array<i64: 128, 39>}, {pipeline_mode = #tpu.pipeline_mode<synchronous>, transform_indices = @transform_5, window_bounds = array<i64: 256, 256>}, {pipeline_mode = #tpu.pipeline_mode<synchronous>, transform_indices = @transform_6, window_bounds = array<i64: 256, 256>}, {pipeline_mode = #tpu.pipeline_mode<synchronous>, transform_indices = @transform_7, window_bounds = array<i64: 39, 512>}, {pipeline_mode = #tpu.pipeline_mode<synchronous>, transform_indices = @transform_8, window_bounds = array<i64: 512, 256>}, {pipeline_mode = #tpu.pipeline_mode<synchronous>, transform_indices = @transform_9, window_bounds = array<i64: 256, 512>}, {pipeline_mode = #tpu.pipeline_mode<synchronous>, transform_indices = @transform_10, window_bounds = array<i64: 256, 512>}, {pipeline_mode = #tpu.pipeline_mode<synchronous>, transform_indices = @transform_11, window_bounds = array<i64: 512, 256>}, {pipeline_mode = #tpu.pipeline_mode<synchronous>, transform_indices = @transform_12, window_bounds = array<i64: 256, 8>}, {transform_indices = @transform_13, window_bounds = array<i64: 128, 256>}, {transform_indices = @transform_14, window_bounds = array<i64: 128, 256>}]} {
    %get3A = arith.constant 0 : index
    %get3A_0 = arith.constant 0 : index
    %get3A_1 = vector.load %arg1[%get3A, %get3A_0] : memref<128x256xf32, #tpu.memory_space<vmem>>, vector<128x256xf32>
    %get3A_2 = arith.constant 0 : index
    %get3A_3 = arith.constant 0 : index
    %get3A_4 = vector.load %arg6[%get3A_2, %get3A_3] : memref<256x256xf32, #tpu.memory_space<vmem>>, vector<256x256xf32>
    %dot_general3A = arith.constant dense<0.000000e+00> : vector<128x256xf32>
    %dot_general3A_5 = tpu.matmul %get3A_1, %get3A_4, %dot_general3A {dimension_numbers = #tpu.dot_dimension_numbers<[1], [0], [0], [1], [0, 0, 1, 1], [], []>, transpose_lhs_hint = false} : vector<128x256xf32>, vector<256x256xf32>, vector<128x256xf32> -> vector<128x256xf32>
    %get3A_6 = arith.constant 0 : index
    %get3A_7 = arith.constant 0 : index
    %get3A_8 = vector.load %arg3[%get3A_6, %get3A_7] : memref<4096x512xf32, #tpu.memory_space<vmem>>, vector<4096x512xf32>
    %slice3A = vector.extract_strided_slice %get3A_8 {offsets = [0, 0], sizes = [4096, 256], strides = [1, 1]} : vector<4096x512xf32> to vector<4096x256xf32>
    %reshape3A = vector.shape_cast %slice3A : vector<4096x256xf32> to vector<128x32x256xf32>
    %slice3A_9 = vector.extract_strided_slice %get3A_8 {offsets = [0, 256], sizes = [4096, 256], strides = [1, 1]} : vector<4096x512xf32> to vector<4096x256xf32>
    %reshape3A_10 = vector.shape_cast %slice3A_9 : vector<4096x256xf32> to vector<128x32x256xf32>
    %broadcast_in_dim3A = vector.shape_cast %dot_general3A_5 : vector<128x256xf32> to vector<128x1x256xf32>
    %mul3A = vector.broadcast %broadcast_in_dim3A : vector<128x1x256xf32> to vector<128x32x256xf32>
    %mul3A_11 = arith.mulf %mul3A, %reshape3A : vector<128x32x256xf32>
    %reshape3A_12 = vector.shape_cast %mul3A_11 : vector<128x32x256xf32> to vector<4096x256xf32>
    %get3A_13 = arith.constant 0 : index
    %get3A_14 = arith.constant 0 : index
    %get3A_15 = vector.load %arg13[%get3A_13, %get3A_14] : memref<256x8xf32, #tpu.memory_space<vmem>>, vector<256x8xf32>
    %dot_general3A_16 = arith.constant dense<0.000000e+00> : vector<4096x8xf32>
    %dot_general3A_17 = tpu.matmul %reshape3A_12, %get3A_15, %dot_general3A_16 {dimension_numbers = #tpu.dot_dimension_numbers<[1], [0], [0], [1], [0, 0, 1, 1], [], []>, transpose_lhs_hint = false} : vector<4096x256xf32>, vector<256x8xf32>, vector<4096x8xf32> -> vector<4096x8xf32>
    %reshape3A_18 = vector.shape_cast %dot_general3A_17 : vector<4096x8xf32> to vector<128x32x8xf32>
    %div3A = arith.constant 5.65685415 : f32
    %div3A_19 = vector.broadcast %div3A : f32 to vector<128x32x8xf32>
    %div3A_20 = arith.divf %reshape3A_18, %div3A_19 : vector<128x32x8xf32>
    %get3A_21 = arith.constant 0 : index
    %get3A_22 = arith.constant 0 : index
    %get3A_23 = vector.load %arg4[%get3A_21, %get3A_22] : memref<4096x8xf32, #tpu.memory_space<vmem>>, vector<4096x8xf32>
    %reshape3A_24 = vector.shape_cast %get3A_23 : vector<4096x8xf32> to vector<128x32x8xf32>
    %add3A = arith.addf %div3A_20, %reshape3A_24 : vector<128x32x8xf32>
    %reduce_max3A = arith.constant dense<0xFF800000> : vector<128x8xf32>
    %reduce_max3A_25 = vector.multi_reduction <maximumf>, %add3A, %reduce_max3A [1] : vector<128x32x8xf32> to vector<128x8xf32>
    %broadcast_in_dim3A_26 = vector.shape_cast %reduce_max3A_25 : vector<128x8xf32> to vector<128x1x8xf32>
    %sub3A = vector.broadcast %broadcast_in_dim3A_26 : vector<128x1x8xf32> to vector<128x32x8xf32>
    %sub3A_27 = arith.subf %add3A, %sub3A : vector<128x32x8xf32>
    %exp3A = math.exp %sub3A_27 : vector<128x32x8xf32>
    %reduce_sum3A = arith.constant dense<0.000000e+00> : vector<128x8xf32>
    %reduce_sum3A_28 = vector.multi_reduction <add>, %exp3A, %reduce_sum3A [1] : vector<128x32x8xf32> to vector<128x8xf32>
    %broadcast_in_dim3A_29 = vector.shape_cast %reduce_sum3A_28 : vector<128x8xf32> to vector<128x1x8xf32>
    %div3A_30 = vector.broadcast %broadcast_in_dim3A_29 : vector<128x1x8xf32> to vector<128x32x8xf32>
    %div3A_31 = arith.divf %exp3A, %div3A_30 : vector<128x32x8xf32>
    %reshape3A_32 = vector.shape_cast %div3A_31 : vector<128x32x8xf32> to vector<4096x8xf32>
    %transpose3A = tpu.transpose %get3A_15, [1, 0] : vector<256x8xf32> -> vector<8x256xf32>
    %dot_general3A_33 = arith.constant dense<0.000000e+00> : vector<4096x256xf32>
    %dot_general3A_34 = tpu.matmul %reshape3A_32, %transpose3A, %dot_general3A_33 {dimension_numbers = #tpu.dot_dimension_numbers<[1], [0], [0], [1], [0, 0, 1, 1], [], []>, transpose_lhs_hint = false} : vector<4096x8xf32>, vector<8x256xf32>, vector<4096x256xf32> -> vector<4096x256xf32>
    %reshape3A_35 = vector.shape_cast %dot_general3A_34 : vector<4096x256xf32> to vector<128x32x256xf32>
    %mul3A_36 = arith.mulf %reshape3A_35, %reshape3A_10 : vector<128x32x256xf32>
    %reduce_sum3A_37 = arith.constant dense<0.000000e+00> : vector<128x256xf32>
    %reduce_sum3A_38 = vector.multi_reduction <add>, %mul3A_36, %reduce_sum3A_37 [1] : vector<128x32x256xf32> to vector<128x256xf32>
    %get3A_39 = arith.constant 0 : index
    %get3A_40 = arith.constant 0 : index
    %get3A_41 = vector.load %arg7[%get3A_39, %get3A_40] : memref<256x256xf32, #tpu.memory_space<vmem>>, vector<256x256xf32>
    %dot_general3A_42 = arith.constant dense<0.000000e+00> : vector<128x256xf32>
    %dot_general3A_43 = tpu.matmul %reduce_sum3A_38, %get3A_41, %dot_general3A_42 {dimension_numbers = #tpu.dot_dimension_numbers<[1], [0], [0], [1], [0, 0, 1, 1], [], []>, transpose_lhs_hint = false} : vector<128x256xf32>, vector<256x256xf32>, vector<128x256xf32> -> vector<128x256xf32>
    %get3A_44 = arith.constant 0 : index
    %get3A_45 = arith.constant 0 : index
    %get3A_46 = vector.load %arg2[%get3A_44, %get3A_45] : memref<128x256xf32, #tpu.memory_space<vmem>>, vector<128x256xf32>
    %add3A_47 = arith.addf %get3A_46, %dot_general3A_43 : vector<128x256xf32>
    %add3A_48 = arith.addf %get3A_1, %dot_general3A_43 : vector<128x256xf32>
    %reduce_sum3A_49 = arith.constant dense<0.000000e+00> : vector<128xf32>
    %reduce_sum3A_50 = vector.multi_reduction <add>, %add3A_48, %reduce_sum3A_49 [1] : vector<128x256xf32> to vector<128xf32>
    %broadcast_in_dim3A_51 = vector.shape_cast %reduce_sum3A_50 : vector<128xf32> to vector<128x1xf32>
    %div3A_52 = arith.constant 2.560000e+02 : f32
    %div3A_53 = vector.broadcast %div3A_52 : f32 to vector<128x1xf32>
    %div3A_54 = arith.divf %broadcast_in_dim3A_51, %div3A_53 : vector<128x1xf32>
    %jit3A = arith.constant 0 : i32
    %reduce_sum3A_55 = arith.constant dense<0.000000e+00> : vector<128xf32>
    %reduce_sum3A_56 = vector.multi_reduction <add>, %add3A_48, %reduce_sum3A_55 [1] : vector<128x256xf32> to vector<128xf32>
    %broadcast_in_dim3A_57 = vector.shape_cast %reduce_sum3A_56 : vector<128xf32> to vector<128x1xf32>
    %div3A_58 = arith.constant 2.560000e+02 : f32
    %div3A_59 = vector.broadcast %div3A_58 : f32 to vector<128x1xf32>
    %div3A_60 = arith.divf %broadcast_in_dim3A_57, %div3A_59 : vector<128x1xf32>
    %sub3A_61 = vector.broadcast %div3A_60 : vector<128x1xf32> to vector<128x256xf32>
    %sub3A_62 = arith.subf %add3A_48, %sub3A_61 : vector<128x256xf32>
    %square3A = arith.mulf %sub3A_62, %sub3A_62 : vector<128x256xf32>
    %convert_element_type3A = arith.sitofp %jit3A : i32 to f32
    %sub3A_63 = arith.constant 2.560000e+02 : f32
    %sub3A_64 = arith.subf %sub3A_63, %convert_element_type3A : f32
    %reduce_sum3A_65 = arith.constant dense<0.000000e+00> : vector<128xf32>
    %reduce_sum3A_66 = vector.multi_reduction <add>, %square3A, %reduce_sum3A_65 [1] : vector<128x256xf32> to vector<128xf32>
    %broadcast_in_dim3A_67 = vector.shape_cast %reduce_sum3A_66 : vector<128xf32> to vector<128x1xf32>
    %div3A_68 = vector.broadcast %sub3A_64 : f32 to vector<128x1xf32>
    %div3A_69 = arith.divf %broadcast_in_dim3A_67, %div3A_68 : vector<128x1xf32>
    %gt3A = arith.constant 0.000000e+00 : f32
    %gt3A_70 = arith.cmpf ogt, %sub3A_64, %gt3A : f32
    %jit3A_71 = arith.constant 0x7FC00000 : f32
    %broadcast_in_dim3A_72 = vector.broadcast %jit3A_71 : f32 to vector<128x1xf32>
    %select_n3A = arith.select %gt3A_70, %div3A_69, %broadcast_in_dim3A_72 : vector<128x1xf32>
    %sub3A_73 = vector.broadcast %div3A_54 : vector<128x1xf32> to vector<128x256xf32>
    %sub3A_74 = arith.subf %add3A_48, %sub3A_73 : vector<128x256xf32>
    %add3A_75 = arith.constant 9.99999974E-6 : f32
    %add3A_76 = vector.broadcast %add3A_75 : f32 to vector<128x1xf32>
    %add3A_77 = arith.addf %select_n3A, %add3A_76 : vector<128x1xf32>
    %rsqrt3A = math.rsqrt %add3A_77 : vector<128x1xf32>
    %mul3A_78 = vector.broadcast %rsqrt3A : vector<128x1xf32> to vector<128x256xf32>
    %mul3A_79 = arith.mulf %sub3A_74, %mul3A_78 : vector<128x256xf32>
    %get3A_80 = arith.constant 0 : index
    %get3A_81 = arith.constant 0 : index
    %get3A_82 = vector.load %arg5[%get3A_80, %get3A_81] : memref<128x39xf32, #tpu.memory_space<vmem>>, vector<128x39xf32>
    %get3A_83 = arith.constant 0 : index
    %get3A_84 = arith.constant 0 : index
    %get3A_85 = vector.load %arg8[%get3A_83, %get3A_84] : memref<39x512xf32, #tpu.memory_space<vmem>>, vector<39x512xf32>
    %dot_general3A_86 = arith.constant dense<0.000000e+00> : vector<128x512xf32>
    %dot_general3A_87 = tpu.matmul %get3A_82, %get3A_85, %dot_general3A_86 {dimension_numbers = #tpu.dot_dimension_numbers<[1], [0], [0], [1], [0, 0, 1, 1], [], []>, transpose_lhs_hint = false} : vector<128x39xf32>, vector<39x512xf32>, vector<128x512xf32> -> vector<128x512xf32>
    %integer_pow3A = arith.mulf %dot_general3A_87, %dot_general3A_87 : vector<128x512xf32>
    %integer_pow3A_88 = arith.mulf %dot_general3A_87, %integer_pow3A : vector<128x512xf32>
    %mul3A_89 = arith.constant 4.471500e-02 : f32
    %mul3A_90 = vector.broadcast %mul3A_89 : f32 to vector<128x512xf32>
    %mul3A_91 = arith.mulf %mul3A_90, %integer_pow3A_88 : vector<128x512xf32>
    %add3A_92 = arith.addf %dot_general3A_87, %mul3A_91 : vector<128x512xf32>
    %mul3A_93 = arith.constant 0.797884583 : f32
    %mul3A_94 = vector.broadcast %mul3A_93 : f32 to vector<128x512xf32>
    %mul3A_95 = arith.mulf %mul3A_94, %add3A_92 : vector<128x512xf32>
    %tanh3A = math.tanh %mul3A_95 : vector<128x512xf32>
    %add3A_96 = arith.constant 1.000000e+00 : f32
    %add3A_97 = vector.broadcast %add3A_96 : f32 to vector<128x512xf32>
    %add3A_98 = arith.addf %add3A_97, %tanh3A : vector<128x512xf32>
    %mul3A_99 = arith.constant 5.000000e-01 : f32
    %mul3A_100 = vector.broadcast %mul3A_99 : f32 to vector<128x512xf32>
    %mul3A_101 = arith.mulf %mul3A_100, %add3A_98 : vector<128x512xf32>
    %mul3A_102 = arith.mulf %dot_general3A_87, %mul3A_101 : vector<128x512xf32>
    %get3A_103 = arith.constant 0 : index
    %get3A_104 = arith.constant 0 : index
    %get3A_105 = vector.load %arg9[%get3A_103, %get3A_104] : memref<512x256xf32, #tpu.memory_space<vmem>>, vector<512x256xf32>
    %dot_general3A_106 = arith.constant dense<0.000000e+00> : vector<128x256xf32>
    %dot_general3A_107 = tpu.matmul %mul3A_102, %get3A_105, %dot_general3A_106 {dimension_numbers = #tpu.dot_dimension_numbers<[1], [0], [0], [1], [0, 0, 1, 1], [], []>, transpose_lhs_hint = false} : vector<128x512xf32>, vector<512x256xf32>, vector<128x256xf32> -> vector<128x256xf32>
    %add3A_108 = arith.addf %mul3A_79, %dot_general3A_107 : vector<128x256xf32>
    %get3A_109 = arith.constant 0 : index
    %get3A_110 = arith.constant 0 : index
    %get3A_111 = vector.load %arg10[%get3A_109, %get3A_110] : memref<256x512xf32, #tpu.memory_space<vmem>>, vector<256x512xf32>
    %dot_general3A_112 = arith.constant dense<0.000000e+00> : vector<128x512xf32>
    %dot_general3A_113 = tpu.matmul %add3A_108, %get3A_111, %dot_general3A_112 {dimension_numbers = #tpu.dot_dimension_numbers<[1], [0], [0], [1], [0, 0, 1, 1], [], []>, transpose_lhs_hint = false} : vector<128x256xf32>, vector<256x512xf32>, vector<128x512xf32> -> vector<128x512xf32>
    %get3A_114 = arith.constant 0 : index
    %get3A_115 = arith.constant 0 : index
    %get3A_116 = vector.load %arg11[%get3A_114, %get3A_115] : memref<256x512xf32, #tpu.memory_space<vmem>>, vector<256x512xf32>
    %dot_general3A_117 = arith.constant dense<0.000000e+00> : vector<128x512xf32>
    %dot_general3A_118 = tpu.matmul %add3A_108, %get3A_116, %dot_general3A_117 {dimension_numbers = #tpu.dot_dimension_numbers<[1], [0], [0], [1], [0, 0, 1, 1], [], []>, transpose_lhs_hint = false} : vector<128x256xf32>, vector<256x512xf32>, vector<128x512xf32> -> vector<128x512xf32>
    %integer_pow3A_119 = arith.mulf %dot_general3A_118, %dot_general3A_118 : vector<128x512xf32>
    %integer_pow3A_120 = arith.mulf %dot_general3A_118, %integer_pow3A_119 : vector<128x512xf32>
    %mul3A_121 = arith.constant 4.471500e-02 : f32
    %mul3A_122 = vector.broadcast %mul3A_121 : f32 to vector<128x512xf32>
    %mul3A_123 = arith.mulf %mul3A_122, %integer_pow3A_120 : vector<128x512xf32>
    %add3A_124 = arith.addf %dot_general3A_118, %mul3A_123 : vector<128x512xf32>
    %mul3A_125 = arith.constant 0.797884583 : f32
    %mul3A_126 = vector.broadcast %mul3A_125 : f32 to vector<128x512xf32>
    %mul3A_127 = arith.mulf %mul3A_126, %add3A_124 : vector<128x512xf32>
    %tanh3A_128 = math.tanh %mul3A_127 : vector<128x512xf32>
    %add3A_129 = arith.constant 1.000000e+00 : f32
    %add3A_130 = vector.broadcast %add3A_129 : f32 to vector<128x512xf32>
    %add3A_131 = arith.addf %add3A_130, %tanh3A_128 : vector<128x512xf32>
    %mul3A_132 = arith.constant 5.000000e-01 : f32
    %mul3A_133 = vector.broadcast %mul3A_132 : f32 to vector<128x512xf32>
    %mul3A_134 = arith.mulf %mul3A_133, %add3A_131 : vector<128x512xf32>
    %mul3A_135 = arith.mulf %dot_general3A_118, %mul3A_134 : vector<128x512xf32>
    %mul3A_136 = arith.mulf %mul3A_135, %dot_general3A_113 : vector<128x512xf32>
    %get3A_137 = arith.constant 0 : index
    %get3A_138 = arith.constant 0 : index
    %get3A_139 = vector.load %arg12[%get3A_137, %get3A_138] : memref<512x256xf32, #tpu.memory_space<vmem>>, vector<512x256xf32>
    %dot_general3A_140 = arith.constant dense<0.000000e+00> : vector<128x256xf32>
    %dot_general3A_141 = tpu.matmul %mul3A_136, %get3A_139, %dot_general3A_140 {dimension_numbers = #tpu.dot_dimension_numbers<[1], [0], [0], [1], [0, 0, 1, 1], [], []>, transpose_lhs_hint = false} : vector<128x512xf32>, vector<512x256xf32>, vector<128x256xf32> -> vector<128x256xf32>
    %add3A_142 = arith.addf %add3A_47, %dot_general3A_141 : vector<128x256xf32>
    %add3A_143 = arith.addf %mul3A_79, %dot_general3A_141 : vector<128x256xf32>
    %reduce_sum3A_144 = arith.constant dense<0.000000e+00> : vector<128xf32>
    %reduce_sum3A_145 = vector.multi_reduction <add>, %add3A_143, %reduce_sum3A_144 [1] : vector<128x256xf32> to vector<128xf32>
    %broadcast_in_dim3A_146 = vector.shape_cast %reduce_sum3A_145 : vector<128xf32> to vector<128x1xf32>
    %div3A_147 = arith.constant 2.560000e+02 : f32
    %div3A_148 = vector.broadcast %div3A_147 : f32 to vector<128x1xf32>
    %div3A_149 = arith.divf %broadcast_in_dim3A_146, %div3A_148 : vector<128x1xf32>
    %jit3A_150 = arith.constant 0 : i32
    %reduce_sum3A_151 = arith.constant dense<0.000000e+00> : vector<128xf32>
    %reduce_sum3A_152 = vector.multi_reduction <add>, %add3A_143, %reduce_sum3A_151 [1] : vector<128x256xf32> to vector<128xf32>
    %broadcast_in_dim3A_153 = vector.shape_cast %reduce_sum3A_152 : vector<128xf32> to vector<128x1xf32>
    %div3A_154 = arith.constant 2.560000e+02 : f32
    %div3A_155 = vector.broadcast %div3A_154 : f32 to vector<128x1xf32>
    %div3A_156 = arith.divf %broadcast_in_dim3A_153, %div3A_155 : vector<128x1xf32>
    %sub3A_157 = vector.broadcast %div3A_156 : vector<128x1xf32> to vector<128x256xf32>
    %sub3A_158 = arith.subf %add3A_143, %sub3A_157 : vector<128x256xf32>
    %square3A_159 = arith.mulf %sub3A_158, %sub3A_158 : vector<128x256xf32>
    %convert_element_type3A_160 = arith.sitofp %jit3A_150 : i32 to f32
    %sub3A_161 = arith.constant 2.560000e+02 : f32
    %sub3A_162 = arith.subf %sub3A_161, %convert_element_type3A_160 : f32
    %reduce_sum3A_163 = arith.constant dense<0.000000e+00> : vector<128xf32>
    %reduce_sum3A_164 = vector.multi_reduction <add>, %square3A_159, %reduce_sum3A_163 [1] : vector<128x256xf32> to vector<128xf32>
    %broadcast_in_dim3A_165 = vector.shape_cast %reduce_sum3A_164 : vector<128xf32> to vector<128x1xf32>
    %div3A_166 = vector.broadcast %sub3A_162 : f32 to vector<128x1xf32>
    %div3A_167 = arith.divf %broadcast_in_dim3A_165, %div3A_166 : vector<128x1xf32>
    %gt3A_168 = arith.constant 0.000000e+00 : f32
    %gt3A_169 = arith.cmpf ogt, %sub3A_162, %gt3A_168 : f32
    %jit3A_170 = arith.constant 0x7FC00000 : f32
    %broadcast_in_dim3A_171 = vector.broadcast %jit3A_170 : f32 to vector<128x1xf32>
    %select_n3A_172 = arith.select %gt3A_169, %div3A_167, %broadcast_in_dim3A_171 : vector<128x1xf32>
    %sub3A_173 = vector.broadcast %div3A_149 : vector<128x1xf32> to vector<128x256xf32>
    %sub3A_174 = arith.subf %add3A_143, %sub3A_173 : vector<128x256xf32>
    %add3A_175 = arith.constant 9.99999974E-6 : f32
    %add3A_176 = vector.broadcast %add3A_175 : f32 to vector<128x1xf32>
    %add3A_177 = arith.addf %select_n3A_172, %add3A_176 : vector<128x1xf32>
    %rsqrt3A_178 = math.rsqrt %add3A_177 : vector<128x1xf32>
    %mul3A_179 = vector.broadcast %rsqrt3A_178 : vector<128x1xf32> to vector<128x256xf32>
    %mul3A_180 = arith.mulf %sub3A_174, %mul3A_179 : vector<128x256xf32>
    %reduce_sum3A_181 = arith.constant dense<0.000000e+00> : vector<128xf32>
    %reduce_sum3A_182 = vector.multi_reduction <add>, %add3A_142, %reduce_sum3A_181 [1] : vector<128x256xf32> to vector<128xf32>
    %broadcast_in_dim3A_183 = vector.shape_cast %reduce_sum3A_182 : vector<128xf32> to vector<128x1xf32>
    %div3A_184 = arith.constant 2.560000e+02 : f32
    %div3A_185 = vector.broadcast %div3A_184 : f32 to vector<128x1xf32>
    %div3A_186 = arith.divf %broadcast_in_dim3A_183, %div3A_185 : vector<128x1xf32>
    %jit3A_187 = arith.constant 0 : i32
    %reduce_sum3A_188 = arith.constant dense<0.000000e+00> : vector<128xf32>
    %reduce_sum3A_189 = vector.multi_reduction <add>, %add3A_142, %reduce_sum3A_188 [1] : vector<128x256xf32> to vector<128xf32>
    %broadcast_in_dim3A_190 = vector.shape_cast %reduce_sum3A_189 : vector<128xf32> to vector<128x1xf32>
    %div3A_191 = arith.constant 2.560000e+02 : f32
    %div3A_192 = vector.broadcast %div3A_191 : f32 to vector<128x1xf32>
    %div3A_193 = arith.divf %broadcast_in_dim3A_190, %div3A_192 : vector<128x1xf32>
    %sub3A_194 = vector.broadcast %div3A_193 : vector<128x1xf32> to vector<128x256xf32>
    %sub3A_195 = arith.subf %add3A_142, %sub3A_194 : vector<128x256xf32>
    %square3A_196 = arith.mulf %sub3A_195, %sub3A_195 : vector<128x256xf32>
    %convert_element_type3A_197 = arith.sitofp %jit3A_187 : i32 to f32
    %sub3A_198 = arith.constant 2.560000e+02 : f32
    %sub3A_199 = arith.subf %sub3A_198, %convert_element_type3A_197 : f32
    %reduce_sum3A_200 = arith.constant dense<0.000000e+00> : vector<128xf32>
    %reduce_sum3A_201 = vector.multi_reduction <add>, %square3A_196, %reduce_sum3A_200 [1] : vector<128x256xf32> to vector<128xf32>
    %broadcast_in_dim3A_202 = vector.shape_cast %reduce_sum3A_201 : vector<128xf32> to vector<128x1xf32>
    %div3A_203 = vector.broadcast %sub3A_199 : f32 to vector<128x1xf32>
    %div3A_204 = arith.divf %broadcast_in_dim3A_202, %div3A_203 : vector<128x1xf32>
    %gt3A_205 = arith.constant 0.000000e+00 : f32
    %gt3A_206 = arith.cmpf ogt, %sub3A_199, %gt3A_205 : f32
    %jit3A_207 = arith.constant 0x7FC00000 : f32
    %broadcast_in_dim3A_208 = vector.broadcast %jit3A_207 : f32 to vector<128x1xf32>
    %select_n3A_209 = arith.select %gt3A_206, %div3A_204, %broadcast_in_dim3A_208 : vector<128x1xf32>
    %sub3A_210 = vector.broadcast %div3A_186 : vector<128x1xf32> to vector<128x256xf32>
    %sub3A_211 = arith.subf %add3A_142, %sub3A_210 : vector<128x256xf32>
    %add3A_212 = arith.constant 9.99999974E-6 : f32
    %add3A_213 = vector.broadcast %add3A_212 : f32 to vector<128x1xf32>
    %add3A_214 = arith.addf %select_n3A_209, %add3A_213 : vector<128x1xf32>
    %rsqrt3A_215 = math.rsqrt %add3A_214 : vector<128x1xf32>
    %mul3A_216 = vector.broadcast %rsqrt3A_215 : vector<128x1xf32> to vector<128x256xf32>
    %mul3A_217 = arith.mulf %sub3A_211, %mul3A_216 : vector<128x256xf32>
    %add3A_218 = arith.addf %mul3A_180, %mul3A_217 : vector<128x256xf32>
    %swap3A = arith.constant 0 : index
    %swap3A_219 = arith.constant 0 : index
    %swap3A_220 = vector.load %arg14[%swap3A, %swap3A_219] : memref<128x256xf32, #tpu.memory_space<vmem>>, vector<128x256xf32>
    tpu.vector_store %arg14[%swap3A, %swap3A_219], %add3A_218 {strides = array<i32>} : memref<128x256xf32, #tpu.memory_space<vmem>>, vector<128x256xf32>,
    %swap3A_221 = arith.constant 0 : index
    %swap3A_222 = arith.constant 0 : index
    %swap3A_223 = vector.load %arg15[%swap3A_221, %swap3A_222] : memref<128x256xf32, #tpu.memory_space<vmem>>, vector<128x256xf32>
    tpu.vector_store %arg15[%swap3A_221, %swap3A_222], %add3A_142 {strides = array<i32>} : memref<128x256xf32, #tpu.memory_space<vmem>>, vector<128x256xf32>,
    return
  }
  func.func @transform_0(%arg0: i32) -> (i32, i32) {
    %c0_i32 = arith.constant 0 : i32
    %c0_i32_0 = arith.constant 0 : i32
    return %arg0, %c0_i32 : i32, i32
  }
  func.func @transform_1(%arg0: i32) -> (i32, i32) {
    %c0_i32 = arith.constant 0 : i32
    %c0_i32_0 = arith.constant 0 : i32
    return %arg0, %c0_i32 : i32, i32
  }
  func.func @transform_2(%arg0: i32) -> (i32, i32) {
    %c0_i32 = arith.constant 0 : i32
    %c0_i32_0 = arith.constant 0 : i32
    return %arg0, %c0_i32 : i32, i32
  }
  func.func @transform_3(%arg0: i32) -> (i32, i32) {
    %c0_i32 = arith.constant 0 : i32
    %c0_i32_0 = arith.constant 0 : i32
    return %arg0, %c0_i32 : i32, i32
  }
  func.func @transform_4(%arg0: i32) -> (i32, i32) {
    %c0_i32 = arith.constant 0 : i32
    %c0_i32_0 = arith.constant 0 : i32
    return %arg0, %c0_i32 : i32, i32
  }
  func.func @transform_5(%arg0: i32) -> (i32, i32) {
    %c0_i32 = arith.constant 0 : i32
    %c0_i32_0 = arith.constant 0 : i32
    %c0_i32_1 = arith.constant 0 : i32
    return %c0_i32, %c0_i32_0 : i32, i32
  }
  func.func @transform_6(%arg0: i32) -> (i32, i32) {
    %c0_i32 = arith.constant 0 : i32
    %c0_i32_0 = arith.constant 0 : i32
    %c0_i32_1 = arith.constant 0 : i32
    return %c0_i32, %c0_i32_0 : i32, i32
  }
  func.func @transform_7(%arg0: i32) -> (i32, i32) {
    %c0_i32 = arith.constant 0 : i32
    %c0_i32_0 = arith.constant 0 : i32
    %c0_i32_1 = arith.constant 0 : i32
    return %c0_i32, %c0_i32_0 : i32, i32
  }
  func.func @transform_8(%arg0: i32) -> (i32, i32) {
    %c0_i32 = arith.constant 0 : i32
    %c0_i32_0 = arith.constant 0 : i32
    %c0_i32_1 = arith.constant 0 : i32
    return %c0_i32, %c0_i32_0 : i32, i32
  }
  func.func @transform_9(%arg0: i32) -> (i32, i32) {
    %c0_i32 = arith.constant 0 : i32
    %c0_i32_0 = arith.constant 0 : i32
    %c0_i32_1 = arith.constant 0 : i32
    return %c0_i32, %c0_i32_0 : i32, i32
  }
  func.func @transform_10(%arg0: i32) -> (i32, i32) {
    %c0_i32 = arith.constant 0 : i32
    %c0_i32_0 = arith.constant 0 : i32
    %c0_i32_1 = arith.constant 0 : i32
    return %c0_i32, %c0_i32_0 : i32, i32
  }
  func.func @transform_11(%arg0: i32) -> (i32, i32) {
    %c0_i32 = arith.constant 0 : i32
    %c0_i32_0 = arith.constant 0 : i32
    %c0_i32_1 = arith.constant 0 : i32
    return %c0_i32, %c0_i32_0 : i32, i32
  }
  func.func @transform_12(%arg0: i32) -> (i32, i32) {
    %c0_i32 = arith.constant 0 : i32
    %c0_i32_0 = arith.constant 0 : i32
    %c0_i32_1 = arith.constant 0 : i32
    return %c0_i32, %c0_i32_0 : i32, i32
  }
  func.func @transform_13(%arg0: i32) -> (i32, i32) {
    %c0_i32 = arith.constant 0 : i32
    %c0_i32_0 = arith.constant 0 : i32
    return %arg0, %c0_i32 : i32, i32
  }
  func.func @transform_14(%arg0: i32) -> (i32, i32) {
    %c0_i32 = arith.constant 0 : i32
    %c0_i32_0 = arith.constant 0 : i32
    return %arg0, %c0_i32 : i32, i32
  }
}

</mosaic_0001>

<sc_bundles>
// kernel: kernel.13.cloned.1.call-start
scs
__scs_entry_jumppad:
0x0: {  	(pc) =	sbr.rel $0x88, $3  }
0x1: {  	(tag) =	ssettag $0x0;
	lr =	simm.s32 $0x1  }
0x2: {  	[smem:$0x3F72] =	sst lr;
	_ =	strace $0xD0000000  }
0x3: {  	_ = 	snop  }
0x4: {  	_ = 	snop  }
0x5: {  	_ = 	snop  }
0x6: {  	_ = 	snop  }
0x7: {  	_ = 	snop  }
__scs_overlays_trampoline_lowered:
0x8: {  	[smem:$0x3F81] =	sst s0  }
0x9: {  	[smem:$0x3F82] =	sst s1  }
0xa: {  	[smem:$0x3F83] =	sst s2  }
0xb: {  	[smem:$0x3F84] =	sst s3  }
0xc: {  	[smem:$0x3F85] =	sst s4  }
0xd: {  	[smem:$0x3F86] =	sst s5  }
0xe: {  	[smem:$0x3F87] =	sst s6  }
0xf: {  	[smem:$0x3F88] =	sst s7  }
0x10: {  	[smem:$0x3F89] =	sst s8  }
0x11: {  	[smem:$0x3F8A] =	sst s9;
	s0 =	simm.s32 @!p0 $0x0  }
0x12: {  	s1 =	sld [smem:$0x3F70];
	s0 =	simm.s32 @p0 $0x1  }
0x13: {  	[smem:$0x3F8B] =	sst s0;
	s0 =	simm.s32 @!p1 $0x0  }
0x14: {  	s2 =	sld [smem:$0x3F6F];
	s0 =	simm.s32 @p1 $0x1  }
0x15: {  	[smem:$0x3F8C] =	sst s0;
	s0 =	simm.s32 @!p2 $0x0  }
0x16: {  	s3 =	sld [smem:$0x3FDB];
	s0 =	simm.s32 @p2 $0x1  }
0x17: {  	s4 =	simm.s32 $0x1BF5;
	[smem:$0x3F8E] =	sst s0  }
0x18: {  	s0 =	sld [smem:$0x3F71];
	_ =	swait.ge [sflag:s4], $0x0  }
0x19: {  	s7 =	sld [smem:$0x3F72]  }
0x1a: {  	s8 =	sadd.s32 $0xFFFFE003, lr  }
0x1b: {  	s9 =	sadd.s32 $0xFFFFFEF7, lr;
	s5 =	simm.s32 $0xFFFFFFFF;
	p2 =	slt.u32 s8, $0xFFFFF086  }
0x1c: {  	p1 =	slt.u32 s9, $0xF7A;
	s5 =	simm.s32 @!p2 $0x0  }
0x1d: {  	s5 =	simm.s32 @p1 $0x1;
	p0 =	seq.s32 s7, s2  }
0x1e: {  	s7 =	smul.u32 @!p0 $0xF7A, s2;
	p2 =	seq.s32 @!p0 s5, $0x0  }
0x1f: {  	s9 =	smul.u32 $0xF7A, s1;
	s8 =	simm.s32 @!p0 $0x1BF5;
	p2 =	por !p2, p0  }
0x20: {  	[sflag:s8] =	ssyncset.s32 @!p0 $0xFFFFF086;
	s6 =	sadd.s32 @!p0 s3, s7;
	s7 =	simm.s32 @!p0 $0x108  }
0x21: {  	s3 =	sadd.s32 s3, s9;
	s6 =	sadd.s32 @!p0 $0x88, s6;
	s7 =	simm.s32 @p2 $0x1082  }
0x22: {  	[simem:s7], [sflag:s8] =	dma.local @!p0 [hbm:s6], $0xF7A  }
0x23: {  	s9 =	sor.u32 $0xD0000000, s2;
	s6 =	simm.s32 $0x108;
	_ =	swait.ge @!p0 [sflag:s8], $0x0  }
0x24: {  	s3 =	sadd.s32 $0x88, s3;
	s6 =	simm.s32 @!p1 $0x1082;
	[sflag:s4] =	ssyncset.s32 $0xFFFFF086  }
0x25: {  	[simem:s6], [sflag:s4] =	dma.local [hbm:s3], $0xF7A  }
0x26: {  	[smem:$0x3F72] =	sst s1;
	(tag) =	ssettag s2;
	_ =	strace s9  }
0x27: {  	s1 =	sld [smem:$0x3F82]  }
0x28: {  	s2 =	sld [smem:$0x3F83]  }
0x29: {  	s4 =	sld [smem:$0x3F85]  }
0x2a: {  	p0 =	seq.s32 s5, $0x0;
	s5 =	sld [smem:$0x3F86]  }
0x2b: {  	s6 =	sld [smem:$0x3F87]  }
0x2c: {  	s7 =	sld [smem:$0x3F88]  }
0x2d: {  	s3 =	simm.s32 $0x108;
	s8 =	sld [smem:$0x3F89]  }
0x2e: {  	s3 =	simm.s32 @!p0 $0x1082;
	s9 =	sld [smem:$0x3F8A]  }
0x2f: {  	lr =	sadd.s32 s0, s3;
	s0 =	sld [smem:$0x3F81]  }
0x30: {  	s3 =	sld [smem:$0x3F84]  }
0x31: {  	[smem:$0x3F8D] =	sst s10  }
0x32: {  	s10 =	sld [smem:$0x3F8B];
	_ =	sdelay $0x3  }
0x33: {  	p0 =	seq.s32 s10, $0x1;
	s10 =	sld [smem:$0x3F8D];
	_ =	sdelay $0x3  }
0x34: {  	[smem:$0x3F8D] =	sst s10  }
0x35: {  	s10 =	sld [smem:$0x3F8C];
	_ =	sdelay $0x3  }
0x36: {  	p1 =	seq.s32 s10, $0x1;
	s10 =	sld [smem:$0x3F8D];
	_ =	sdelay $0x3  }
0x37: {  	[smem:$0x3F8D] =	sst s10  }
0x38: {  	s10 =	sld [smem:$0x3F8E]  }
0x39: {  	_ = 	snop;
	(pc) =	sbr.ind lr, $3  }
0x3a: {  	_ = 	snop  }
0x3b: {  	_ = 	snop  }
0x3c: {  	p2 =	seq.s32 s10, $0x1;
	s10 =	sld [smem:$0x3F8D]  }
0x3d: {  	_ =	shalt  }
0x3e: {  	_ =	shalt  }
0x3f: {  	_ =	shalt  }
0x40: {  	_ =	shalt  }
0x41: {  	_ =	shalt  }
0x42: {  	_ =	shalt  }
0x43: {  	_ =	shalt  }
0x44: {  	_ =	shalt  }
0x45: {  	_ =	shalt  }
0x46: {  	_ =	shalt  }
0x47: {  	_ =	shalt  }
0x48: {  	_ =	shalt  }
0x49: {  	_ =	shalt  }
0x4a: {  	_ =	shalt  }
0x4b: {  	_ =	shalt  }
0x4c: {  	_ =	shalt  }
0x4d: {  	_ =	shalt  }
0x4e: {  	_ =	shalt  }
0x4f: {  	_ =	shalt  }
0x50: {  	_ =	shalt  }
0x51: {  	_ =	shalt  }
0x52: {  	_ =	shalt  }
0x53: {  	_ =	shalt  }
0x54: {  	_ =	shalt  }
0x55: {  	_ =	shalt  }
0x56: {  	_ =	shalt  }
0x57: {  	_ =	shalt  }
0x58: {  	_ =	shalt  }
0x59: {  	_ =	shalt  }
0x5a: {  	_ =	shalt  }
0x5b: {  	_ =	shalt  }
0x5c: {  	_ =	shalt  }
0x5d: {  	_ =	shalt  }
0x5e: {  	_ =	shalt  }
0x5f: {  	_ =	shalt  }
0x60: {  	_ =	shalt  }
0x61: {  	_ =	shalt  }
0x62: {  	_ =	shalt  }
0x63: {  	_ =	shalt  }
0x64: {  	_ =	shalt  }
0x65: {  	_ =	shalt  }
0x66: {  	_ =	shalt  }
0x67: {  	_ =	shalt  }
0x68: {  	_ =	shalt  }
0x69: {  	_ =	shalt  }
0x6a: {  	_ =	shalt  }
0x6b: {  	_ =	shalt  }
0x6c: {  	_ =	shalt  }
0x6d: {  	_ =	shalt  }
0x6e: {  	_ =	shalt  }
0x6f: {  	_ =	shalt  }
0x70: {  	_ =	shalt  }
0x71: {  	_ =	shalt  }
0x72: {  	_ =	shalt  }
0x73: {  	_ =	shalt  }
0x74: {  	_ =	shalt  }
0x75: {  	_ =	shalt  }
0x76: {  	_ =	shalt  }
0x77: {  	_ =	shalt  }
0x78: {  	_ =	shalt  }
0x79: {  	_ =	shalt  }
0x7a: {  	_ =	shalt  }
0x7b: {  	_ =	shalt  }
0x7c: {  	_ =	shalt  }
0x7d: {  	_ =	shalt  }
0x7e: {  	_ =	shalt  }
0x7f: {  	_ =	shalt  }
0x80: {  	_ =	shalt  }
0x81: {  	_ =	shalt  }
0x82: {  	_ =	shalt  }
0x83: {  	_ =	shalt  }
0x84: {  	_ =	shalt  }
0x85: {  	_ =	shalt  }
0x86: {  	_ =	shalt  }
0x87: {  	_ =	shalt  }
.Lfunc_end0:
.L_simem_size_0:
called_computation_lowered:
.L_overlay_start_0:
0x88: {  	s2 =	sld [smem:$0x3FD9]  }
0x89: {  	s3 =	sld [smem:$0x3FFE];
	_ =	sdelay $0x1  }
0x8a: {  	s1 =	srdreg.scid  }
0x8b: {  	s0 =	sand.u32 $0x1, s1  }
0x8c: {  	s16 =	sshll.u32 s0, $0xA;
	s2 =	sadd.s32 s3, s2  }
0x8d: {  	s2 =	sadd.s32 s2, s16  }
0x8e: {  	[smem:$0x3F99] =	sst s2  }
0x8f: {  	_ = 	snop  }
0x90: {  	(tm) =	ssettm $0x1  }
0x91: {  	s17 =	sld [smem:$0x3FFB];
	_ =	sdelay $0x3  }
0x92: {  	_ =	strace s17  }
0x93: {  	s2 =	sld [smem:$0x3FFC];
	_ =	sdelay $0x3  }
0x94: {  	_ =	strace s2  }
0x95: {  	s2 =	sld [smem:$0x3FFD];
	_ =	sdelay $0x3  }
0x96: {  	_ =	strace s2  }
0x97: {  	_ =	strace $0x8FFFFFFF  }
0x98: {  	s18 =	sld [smem:$0x3FDB];
	_ =	sdelay $0x1  }
0x99: {  	s19 =	simm.s32 $_scs_section_size  }
0x9a: {  	s4 =	simm.s32 $_size__tile_overlayer_lowered;
	s5 =	simm.s32 $_tile_overlayer_lowered  }
0x9b: {  	s22 =	simm.s32 $0x1BFF;
	s21 =	sshll.u32 s5, $0x1;
	s2 =	sadd.s32 s19, s18  }
0x9c: {  	s6 =	simm.s32 $0x0;
	s20 =	sshll.u32 s4, $0x1;
	s4 =	sadd.s32 s21, s2  }
0x9d: {  	[timem:s6], [sflag:s22] =	dma.local [hbm:s4], s20  }
0x9e: {  	_ =	swait.ge [sflag:s22], s20  }
0x9f: {  	s3 =	ssub.s32 $0x0, s20;
	[sflag:s22] =	ssyncset.done $0x0  }
0xa0: {  	[sflag:s22] =	ssyncadd.s32 s3;
	_ =	sdelay $0x1  }
0xa1: {  	s23 =	simm.s32 $0x1B8B  }
0xa2: {  	_ =	swait.ge [sflag:s23], $0x1  }
0xa3: {  	[sflag:s23] =	ssyncset.done $0x0  }
0xa4: {  	s25 =	simm.s32 $0x1B8E;
	s24 =	sld [smem:$0x3FFE];
	[sflag:s23] =	ssyncadd.s32 $0xFFFFFFFF  }
0xa5: {  	s26 =	simm.s32 $execute0_lowered;
	[smem:$0x3FD2] =	sst s25  }
0xa6: {  	s4 =	sshll.u32 s26, $0x1;
	_ =	strace $0x80000046;
	[dreg:$0x1] =	wrdreg $0xFFFFFFFF  }
0xa7: {  	s28 =	simm.s32 $_size_execute0_lowered;
	s2 =	sadd.s32 s2, s4;
	[dreg:$0x0] =	wrdreg $0x0  }
0xa8: {  	s4 =	sshll.u32 s28, $0x1;
	[dreg:$0x2] =	wrdreg s2  }
0xa9: {  	[dreg:$0x3] =	wrdreg s4  }
0xaa: {  	[dreg:$0x4] =	wrdreg $0xC0  }
0xab: {  	_ =	task [dreg:s6], $0x5FFFF  }
0xac: {  	[dreg:$0x1] =	wrdreg $0xFFFFFFFF  }
0xad: {  	[dreg:$0x0] =	wrdreg $0x60  }
0xae: {  	[dreg:$0x2] =	wrdreg s24  }
0xaf: {  	[dreg:$0x3] =	wrdreg $0x9  }
0xb0: {  	_ =	task.clear_ibuf [dreg:s6], $0x4FFFF;
	_ =	strace $0x90000046  }
0xb1: {  	s29 =	simm.s32 $0x9;
	_ =	strace $0x80000048  }
0xb2: {  	_ =	swait.ge [sflag:s29], $0x1  }
0xb3: {  	[sflag:s29] =	ssyncadd.s32 $0xFFFFFFFF  }
0xb4: {  	_ =	strace $0x90000048  }
0xb5: {  	_ =	sfence  }
0xb6: {  	s30 =	sld [smem:$0x0];
	_ =	sdelay $0x2  }
0xb7: {  	s31 =	sshll.u32 s1, $0xD;
	s1 =	sshrl.u32 s1, $0x2  }
0xb8: {  	s3 =	sand.u32 $0x4000, s31;
	s1 =	sadd.s32 s1, s30  }
0xb9: {  	s0 =	sor.u32 s3, s0;
	s1 =	sshll.u32 s1, $0x11  }
0xba: {  	s0 =	sor.u32 s1, s0  }
0xbb: {  	s0 =	sadd.s32 $0x8F2B, s0  }
0xbc: {  	[sflag:s0] =	ssyncadd.remote.s32 $0x1  }
0xbd: {  	_ =	sfence.sel $0xFFFF  }
0xbe: {  	[dreg:$0x0] =	wrdreg $0xFFFFFFFF;
	(pc) =	sbr.abs _section_cstart, $3  }
0xbf: {  	[dreg:$0x1] =	wrdreg $0xFFFFFFFF  }
0xc0: {  	_ =	task.clear_ibuf [dreg:s6], $0x2FFFF;
	_ =	strace $0x9FFFFFFF  }
0xc1: {  	(tm) =	ssettm $0x7FFFFFFF  }
tec
execute0_lowered:
.L_overlay_start_1:
0x0: {  	(tag) =	ssettag $0x1  }
0x1: {  	s4 =	rddreg [dreg:$0x0]  }
0x2: {  	s0 =	rddreg [dreg:$0x1];
	s1 =	simm.s32 $0x0  }
0x3: {  	s5 =	srdreg.scid;
	s2 =	stileid.u32;
	s15 =	simm.s32 $0x4100  }
0x4: {  	s16 =	simm.s32 $0x1;
	s17 =	simm.s32 $0x2;
	s18 =	simm.s32 $0x0  }
0x5: {  	[smem:$0x7FF] =	sst s1;
	s3 =	sadd.s32 $0x9E00, s4;
	s10 =	sand.u32 $0x1, s5  }
0x6: {  	s11 =	sadd.s32 $0x39E00, s4;
	s29 =	sshll.u32 s2, $0xD;
	s12 =	sadd.s32 $0x3DE00, s4  }
0x7: {  	s14 =	sshll.u32 s2, $0x11;
	_ =	strace $0x80000047;
	s6 =	sshll.u32 s10, $0xC  }
0x8: {  	s30 =	ssub.s32 $0x2, s10;
	s10 =	sshll.u32 s10, $0x10;
	s13 =	sor.u32 s6, s29  }
0x9: {  	s31 =	sshrl.u32 s30, $0x1;
	s6 =	sshrl.u32 s13, $0x3;
	s7 =	sshll.u32 s13, $0x4  }
0xa: {  	s5 =	ssub.s32 s30, s31;
	s9 =	sor.u32 $0x100, s13;
	s13 =	sor.u32 $0x80, s13  }
0xb: {  	s4 =	sadd.s32 s11, s6;
	s8 =	sadd.s32 s12, s7;
	s5 =	smax.u32 s5, $0x1  }
0xc: {  	s9 =	sshrl.u32 s9, $0x3;
	s12 =	sadd.s32 s14, s12;
	s13 =	sshrl.u32 s13, $0x3  }
0xd: {  	s14 =	simm.s32 $0x100;
	s6 =	sadd.s32 $0x1F0, s4;
	s7 =	sadd.s32 $0xF000, s8  }
0xe: {  	s8 =	sadd.s32 $0xF800, s8;
	s9 =	sadd.s32 s9, s11;
	s10 =	sadd.s32 s10, s12  }
0xf: {  	s11 =	sadd.s32 s13, s11;
	s12 =	simm.s32 $0x3;
	s13 =	simm.s32 $0x80  }
.LBB2_1:
0x10: {  	[tilespmem:s1], [sflag:$0x3] =	stream.linear.gather [hbm4b:s4+s1], $0x80, $0x38;
	[tilespmem:$0x8100] =	vst v63  }
0x11: {  	_ =	swait.ge [sflag:s12], $0x80  }
0x12: {  	[sflag:s12] =	ssyncset.done $0x0  }
0x13: {  	[sflag:s12] =	ssyncadd.s32 $0xFFFFFF80  }
0x14: {  	[tilespmem:s14], [sflag:$0x1] =	stream.indirect.gather [hbm4b:s3+s13], $0x80, s1, s13, $0xb8;
	[tilespmem:$0x8100] =	vst v63  }
0x15: {  	s19 =	sadd.s32 $0x0, s11  }
0x16: {  	[tilespmem:s13], [sflag:$0x3] =	stream.linear.gather [hbm4b:s19+s1], $0x80, $0x38;
	[tilespmem:$0x8100] =	vst v63  }
0x17: {  	_ =	swait.ge [sflag:s12], $0x80  }
0x18: {  	[sflag:s12] =	ssyncset.done $0x0  }
0x19: {  	[sflag:s12] =	ssyncadd.s32 $0xFFFFFF80  }
0x1a: {  	[tilespmem:s15], [sflag:$0x2] =	stream.indirect.gather [hbm4b:s3+s13], $0x80, s13, s13, $0xb8;
	[tilespmem:$0x8100] =	vst v63  }
0x1b: {  	_ =	swait.ge [sflag:s16], $0x4000  }
0x1c: {  	[sflag:s16] =	ssyncset.done $0x0  }
0x1d: {  	[sflag:s16] =	ssyncadd.s32 $0xFFFFC000  }
0x1e: {  	[hbm4b:s10+s1] =	stream.linear.scatter [tilespmem:s14], [sflag:$0x3], $0x4000, $0x38;
	[tilespmem:$0x8100] =	vst v63  }
0x1f: {  	_ =	swait.ge [sflag:s12], $0x4000  }
0x20: {  	[sflag:s12] =	ssyncset.done $0x0  }
0x21: {  	s30 =	sadd.s32 $0x0, s9;
	[sflag:s12] =	ssyncadd.s32 $0xFFFFC000  }
0x22: {  	[tilespmem:s1], [sflag:$0x3] =	stream.linear.gather [hbm4b:s30+s1], $0x80, $0x38;
	[tilespmem:$0x8100] =	vst v63  }
0x23: {  	_ =	swait.ge [sflag:s12], $0x80  }
0x24: {  	[sflag:s12] =	ssyncset.done $0x0  }
0x25: {  	[sflag:s12] =	ssyncadd.s32 $0xFFFFFF80  }
0x26: {  	[tilespmem:s14], [sflag:$0x1] =	stream.indirect.gather [hbm4b:s3+s13], $0x80, s1, s13, $0xb8;
	[tilespmem:$0x8100] =	vst v63  }
0x27: {  	_ =	swait.ge [sflag:s17], $0x4000  }
0x28: {  	[sflag:s17] =	ssyncset.done $0x0  }
0x29: {  	s31 =	sadd.s32 $0x800, s10;
	[sflag:s17] =	ssyncadd.s32 $0xFFFFC000  }
0x2a: {  	[hbm4b:s31+s1] =	stream.linear.scatter [tilespmem:s15], [sflag:$0x3], $0x4000, $0x38;
	[tilespmem:$0x8100] =	vst v63  }
0x2b: {  	s20 =	simm.s32 $0x20;
	_ =	swait.ge [sflag:s12], $0x4000  }
0x2c: {  	s21 =	simm.s32 $0x40;
	s19 =	sadd.s32 $0x1000, s10;
	[sflag:s12] =	ssyncset.done $0x0  }
.LBB2_2:
0x2d: {  	s22 =	sadd.s32 s20, s11  }
0x2e: {  	[sflag:s12] =	ssyncadd.s32 $0xFFFFC000;
	s23 =	smov.u32 s21;
	s24 =	sadd.s32 $0x20, s21  }
0x2f: {  	[tilespmem:s13], [sflag:$0x3] =	stream.linear.gather [hbm4b:s22+s1], $0x80, $0x38;
	[tilespmem:$0x8100] =	vst v63  }
0x30: {  	p0 =	sne.s32 s21, $0x1C0;
	_ =	swait.ge [sflag:s12], $0x80  }
0x31: {  	[sflag:s12] =	ssyncset.done $0x0  }
0x32: {  	[sflag:s12] =	ssyncadd.s32 $0xFFFFFF80  }
0x33: {  	[tilespmem:s15], [sflag:$0x2] =	stream.indirect.gather [hbm4b:s3+s13], $0x80, s13, s13, $0xb8;
	[tilespmem:$0x8100] =	vst v63  }
0x34: {  	_ =	swait.ge [sflag:s16], $0x4000  }
0x35: {  	[sflag:s16] =	ssyncset.done $0x0  }
0x36: {  	[sflag:s16] =	ssyncadd.s32 $0xFFFFC000  }
0x37: {  	[hbm4b:s19+s1] =	stream.linear.scatter [tilespmem:s14], [sflag:$0x3], $0x4000, $0x38;
	[tilespmem:$0x8100] =	vst v63  }
0x38: {  	_ =	swait.ge [sflag:s12], $0x4000  }
0x39: {  	[sflag:s12] =	ssyncset.done $0x0  }
0x3a: {  	s21 =	sadd.s32 s20, s9;
	s20 =	smov.u32 s23;
	[sflag:s12] =	ssyncadd.s32 $0xFFFFC000  }
0x3b: {  	[tilespmem:s1], [sflag:$0x3] =	stream.linear.gather [hbm4b:s21+s1], $0x80, $0x38;
	[tilespmem:$0x8100] =	vst v63  }
0x3c: {  	_ =	swait.ge [sflag:s12], $0x80  }
0x3d: {  	[sflag:s12] =	ssyncset.done $0x0  }
0x3e: {  	[sflag:s12] =	ssyncadd.s32 $0xFFFFFF80  }
0x3f: {  	[tilespmem:s14], [sflag:$0x1] =	stream.indirect.gather [hbm4b:s3+s13], $0x80, s1, s13, $0xb8;
	[tilespmem:$0x8100] =	vst v63  }
0x40: {  	_ =	swait.ge [sflag:s17], $0x4000  }
.Ltmp0:
0x41: {  	[sflag:s17] =	ssyncset.done $0x0;
	(pc) =	sbr.rel @p0 .LBB2_2-.Ltmp0, $4  }
0x42: {  	s21 =	sadd.s32 $0x800, s19;
	[sflag:s17] =	ssyncadd.s32 $0xFFFFC000  }
0x43: {  	[hbm4b:s21+s1] =	stream.linear.scatter [tilespmem:s15], [sflag:$0x3], $0x4000, $0x38;
	[tilespmem:$0x8100] =	vst v63  }
0x44: {  	_ =	swait.ge [sflag:s12], $0x4000  }
0x45: {  	s19 =	sadd.s32 $0x1000, s19;
	s21 =	smov.u32 s24;
	[sflag:s12] =	ssyncset.done $0x0  }
0x46: {  	s21 =	sadd.s32 s20, s11;
	[sflag:s12] =	ssyncadd.s32 $0xFFFFC000  }
0x47: {  	[tilespmem:s13], [sflag:$0x3] =	stream.linear.gather [hbm4b:s21+s1], $0x80, $0x38;
	[tilespmem:$0x8100] =	vst v63  }
0x48: {  	_ =	swait.ge [sflag:s12], $0x80  }
0x49: {  	[sflag:s12] =	ssyncset.done $0x0  }
0x4a: {  	[sflag:s12] =	ssyncadd.s32 $0xFFFFFF80  }
0x4b: {  	[tilespmem:s15], [sflag:$0x2] =	stream.indirect.gather [hbm4b:s3+s13], $0x80, s13, s13, $0xb8;
	[tilespmem:$0x8100] =	vst v63  }
0x4c: {  	_ =	swait.ge [sflag:s16], $0x4000  }
0x4d: {  	[sflag:s16] =	ssyncset.done $0x0  }
0x4e: {  	[sflag:s16] =	ssyncadd.s32 $0xFFFFC000  }
0x4f: {  	[hbm4b:s19+s1] =	stream.linear.scatter [tilespmem:s14], [sflag:$0x3], $0x4000, $0x38;
	[tilespmem:$0x8100] =	vst v63  }
0x50: {  	_ =	swait.ge [sflag:s12], $0x4000  }
0x51: {  	[sflag:s12] =	ssyncset.done $0x0  }
0x52: {  	s30 =	sadd.s32 s20, s9;
	[sflag:s12] =	ssyncadd.s32 $0xFFFFC000  }
0x53: {  	[tilespmem:s1], [sflag:$0x3] =	stream.linear.gather [hbm4b:s30+s1], $0x80, $0x38;
	[tilespmem:$0x8100] =	vst v63  }
0x54: {  	_ =	swait.ge [sflag:s12], $0x80  }
0x55: {  	[sflag:s12] =	ssyncset.done $0x0  }
0x56: {  	[sflag:s12] =	ssyncadd.s32 $0xFFFFFF80  }
0x57: {  	[tilespmem:s14], [sflag:$0x1] =	stream.indirect.gather [hbm4b:s3+s13], $0x80, s1, s13, $0xb8;
	[tilespmem:$0x8100] =	vst v63  }
0x58: {  	_ =	swait.ge [sflag:s17], $0x4000  }
0x59: {  	[sflag:s17] =	ssyncset.done $0x0  }
0x5a: {  	s31 =	sadd.s32 $0x800, s19;
	[sflag:s17] =	ssyncadd.s32 $0xFFFFC000  }
0x5b: {  	[hbm4b:s31+s1] =	stream.linear.scatter [tilespmem:s15], [sflag:$0x3], $0x4000, $0x38;
	[tilespmem:$0x8100] =	vst v63  }
0x5c: {  	_ =	swait.ge [sflag:s12], $0x4000  }
0x5d: {  	[sflag:s12] =	ssyncset.done $0x0  }
0x5e: {  	[sflag:s12] =	ssyncadd.s32 $0xFFFFC000  }
0x5f: {  	[tilespmem:s13], [sflag:$0x3] =	stream.linear.gather [hbm4b:s6+s1], $0x80, $0x38;
	[tilespmem:$0x8100] =	vst v63  }
0x60: {  	_ =	swait.ge [sflag:s12], $0x80  }
0x61: {  	[sflag:s12] =	ssyncset.done $0x0  }
0x62: {  	[sflag:s12] =	ssyncadd.s32 $0xFFFFFF80  }
0x63: {  	[tilespmem:s15], [sflag:$0x2] =	stream.indirect.gather [hbm4b:s3+s13], $0x80, s13, s13, $0xb8;
	[tilespmem:$0x8100] =	vst v63  }
0x64: {  	_ =	swait.ge [sflag:s16], $0x4000  }
0x65: {  	[sflag:s16] =	ssyncset.done $0x0  }
0x66: {  	[sflag:s16] =	ssyncadd.s32 $0xFFFFC000  }
0x67: {  	[hbm4b:s7+s1] =	stream.linear.scatter [tilespmem:s14], [sflag:$0x3], $0x4000, $0x38;
	[tilespmem:$0x8100] =	vst v63  }
0x68: {  	_ =	swait.ge [sflag:s12], $0x4000  }
0x69: {  	[sflag:s12] =	ssyncset.done $0x0  }
0x6a: {  	[sflag:s12] =	ssyncadd.s32 $0xFFFFC000  }
0x6b: {  	s18 =	sadd.s32 $0x1, s18;
	_ =	swait.ge [sflag:s17], $0x4000  }
0x6c: {  	p0 =	sne.s32 s18, s5;
	[sflag:s17] =	ssyncset.done $0x0  }
.Ltmp1:
0x6d: {  	[sflag:s17] =	ssyncadd.s32 $0xFFFFC000;
	(pc) =	sbr.rel @p0 .LBB2_1-.Ltmp1, $4  }
0x6e: {  	[hbm4b:s8+s1] =	stream.linear.scatter [tilespmem:s15], [sflag:$0x3], $0x4000, $0x38;
	[tilespmem:$0x8100] =	vst v63  }
0x6f: {  	_ =	swait.ge [sflag:s12], $0x4000  }
0x70: {  	[sflag:s12] =	ssyncset.done $0x0  }
0x71: {  	[sflag:s12] =	ssyncadd.s32 $0xFFFFC000  }
0x72: {  	_ =	sfence.sel $0x180000  }
0x73: {  	[bflag:$0x0] =	sbarrier.arrive $0xFFFF  }
0x74: {  	p0 =	sne.s32 s2, $0x0;
	_ =	strace $0x90000047  }
0x75: {  	s0 =	sadd.s32 @!p0 $0x100000, s0;
	[bflag:$0x2] =	sbarrier.arrive $0xFFFF  }
0x76: {  	[sflag:s0] =	ssyncadd.tile.s32 @!p0 $0x1;
	_ =	shalt  }
.Lfunc_end2:
_tile_overlayer_lowered:
.L_overlay_start_2:
0x77: {  	(tag) =	ssettag $0x2  }
0x78: {  	s0 =	rddreg [dreg:$0x0];
	s2 =	stileid.u32  }
0x79: {  	s1 =	rddreg [dreg:$0x1];
	p0 =	sne.s32 s2, $0x0  }
0x7a: {  	s3 =	rddreg [dreg:$0x2];
	[bflag:$0x3] =	sbarrier.arrive $0xFFFF;
	s2 =	simm.s32 @!p0 $0x1C03  }
0x7b: {  	[timem:s3], [sflag:s2] =	dma.local @!p0 [hbm:s0], s1  }
0x7c: {  	s0 =	simm.s32 @!p0 $0x3  }
0x7d: {  	_ =	swait.ge @!p0 [sflag:s0], s1  }
0x7e: {  	s1 =	ssub.s32 @!p0 $0x0, s1;
	[sflag:s0] =	ssyncset.done @!p0 $0x0  }
0x7f: {  	[sflag:s0] =	ssyncadd.s32 @!p0 s1  }
0x80: {  	[bflag:$0x3] =	sbarrier.arrive $0xFFFF  }
0x81: {  	_ =	shalt  }

// kernel: kernel.16.cloned.1.call-start
scs
__scs_entry_jumppad:
0x0: {  	(pc) =	sbr.rel $0x88, $3  }
0x1: {  	(tag) =	ssettag $0x0;
	lr =	simm.s32 $0x1  }
0x2: {  	[smem:$0x3F72] =	sst lr;
	_ =	strace $0xD0000000  }
0x3: {  	_ = 	snop  }
0x4: {  	_ = 	snop  }
0x5: {  	_ = 	snop  }
0x6: {  	_ = 	snop  }
0x7: {  	_ = 	snop  }
__scs_overlays_trampoline_lowered:
0x8: {  	[smem:$0x3F81] =	sst s0  }
0x9: {  	[smem:$0x3F82] =	sst s1  }
0xa: {  	[smem:$0x3F83] =	sst s2  }
0xb: {  	[smem:$0x3F84] =	sst s3  }
0xc: {  	[smem:$0x3F85] =	sst s4  }
0xd: {  	[smem:$0x3F86] =	sst s5  }
0xe: {  	[smem:$0x3F87] =	sst s6  }
0xf: {  	[smem:$0x3F88] =	sst s7  }
0x10: {  	[smem:$0x3F89] =	sst s8  }
0x11: {  	[smem:$0x3F8A] =	sst s9;
	s0 =	simm.s32 @!p0 $0x0  }
0x12: {  	s1 =	sld [smem:$0x3F70];
	s0 =	simm.s32 @p0 $0x1  }
0x13: {  	[smem:$0x3F8B] =	sst s0;
	s0 =	simm.s32 @!p1 $0x0  }
0x14: {  	s2 =	sld [smem:$0x3F6F];
	s0 =	simm.s32 @p1 $0x1  }
0x15: {  	[smem:$0x3F8C] =	sst s0;
	s0 =	simm.s32 @!p2 $0x0  }
0x16: {  	s3 =	sld [smem:$0x3FDB];
	s0 =	simm.s32 @p2 $0x1  }
0x17: {  	s4 =	simm.s32 $0x1BF5;
	[smem:$0x3F8E] =	sst s0  }
0x18: {  	s0 =	sld [smem:$0x3F71];
	_ =	swait.ge [sflag:s4], $0x0  }
0x19: {  	s7 =	sld [smem:$0x3F72]  }
0x1a: {  	s8 =	sadd.s32 $0xFFFFE003, lr  }
0x1b: {  	s9 =	sadd.s32 $0xFFFFFEF7, lr;
	s5 =	simm.s32 $0xFFFFFFFF;
	p2 =	slt.u32 s8, $0xFFFFF086  }
0x1c: {  	p1 =	slt.u32 s9, $0xF7A;
	s5 =	simm.s32 @!p2 $0x0  }
0x1d: {  	s5 =	simm.s32 @p1 $0x1;
	p0 =	seq.s32 s7, s2  }
0x1e: {  	s7 =	smul.u32 @!p0 $0xF7A, s2;
	p2 =	seq.s32 @!p0 s5, $0x0  }
0x1f: {  	s9 =	smul.u32 $0xF7A, s1;
	s8 =	simm.s32 @!p0 $0x1BF5;
	p2 =	por !p2, p0  }
0x20: {  	[sflag:s8] =	ssyncset.s32 @!p0 $0xFFFFF086;
	s6 =	sadd.s32 @!p0 s3, s7;
	s7 =	simm.s32 @!p0 $0x108  }
0x21: {  	s3 =	sadd.s32 s3, s9;
	s6 =	sadd.s32 @!p0 $0x88, s6;
	s7 =	simm.s32 @p2 $0x1082  }
0x22: {  	[simem:s7], [sflag:s8] =	dma.local @!p0 [hbm:s6], $0xF7A  }
0x23: {  	s9 =	sor.u32 $0xD0000000, s2;
	s6 =	simm.s32 $0x108;
	_ =	swait.ge @!p0 [sflag:s8], $0x0  }
0x24: {  	s3 =	sadd.s32 $0x88, s3;
	s6 =	simm.s32 @!p1 $0x1082;
	[sflag:s4] =	ssyncset.s32 $0xFFFFF086  }
0x25: {  	[simem:s6], [sflag:s4] =	dma.local [hbm:s3], $0xF7A  }
0x26: {  	[smem:$0x3F72] =	sst s1;
	(tag) =	ssettag s2;
	_ =	strace s9  }
0x27: {  	s1 =	sld [smem:$0x3F82]  }
0x28: {  	s2 =	sld [smem:$0x3F83]  }
0x29: {  	s4 =	sld [smem:$0x3F85]  }
0x2a: {  	p0 =	seq.s32 s5, $0x0;
	s5 =	sld [smem:$0x3F86]  }
0x2b: {  	s6 =	sld [smem:$0x3F87]  }
0x2c: {  	s7 =	sld [smem:$0x3F88]  }
0x2d: {  	s3 =	simm.s32 $0x108;
	s8 =	sld [smem:$0x3F89]  }
0x2e: {  	s3 =	simm.s32 @!p0 $0x1082;
	s9 =	sld [smem:$0x3F8A]  }
0x2f: {  	lr =	sadd.s32 s0, s3;
	s0 =	sld [smem:$0x3F81]  }
0x30: {  	s3 =	sld [smem:$0x3F84]  }
0x31: {  	[smem:$0x3F8D] =	sst s10  }
0x32: {  	s10 =	sld [smem:$0x3F8B];
	_ =	sdelay $0x3  }
0x33: {  	p0 =	seq.s32 s10, $0x1;
	s10 =	sld [smem:$0x3F8D];
	_ =	sdelay $0x3  }
0x34: {  	[smem:$0x3F8D] =	sst s10  }
0x35: {  	s10 =	sld [smem:$0x3F8C];
	_ =	sdelay $0x3  }
0x36: {  	p1 =	seq.s32 s10, $0x1;
	s10 =	sld [smem:$0x3F8D];
	_ =	sdelay $0x3  }
0x37: {  	[smem:$0x3F8D] =	sst s10  }
0x38: {  	s10 =	sld [smem:$0x3F8E]  }
0x39: {  	_ = 	snop;
	(pc) =	sbr.ind lr, $3  }
0x3a: {  	_ = 	snop  }
0x3b: {  	_ = 	snop  }
0x3c: {  	p2 =	seq.s32 s10, $0x1;
	s10 =	sld [smem:$0x3F8D]  }
0x3d: {  	_ =	shalt  }
0x3e: {  	_ =	shalt  }
0x3f: {  	_ =	shalt  }
0x40: {  	_ =	shalt  }
0x41: {  	_ =	shalt  }
0x42: {  	_ =	shalt  }
0x43: {  	_ =	shalt  }
0x44: {  	_ =	shalt  }
0x45: {  	_ =	shalt  }
0x46: {  	_ =	shalt  }
0x47: {  	_ =	shalt  }
0x48: {  	_ =	shalt  }
0x49: {  	_ =	shalt  }
0x4a: {  	_ =	shalt  }
0x4b: {  	_ =	shalt  }
0x4c: {  	_ =	shalt  }
0x4d: {  	_ =	shalt  }
0x4e: {  	_ =	shalt  }
0x4f: {  	_ =	shalt  }
0x50: {  	_ =	shalt  }
0x51: {  	_ =	shalt  }
0x52: {  	_ =	shalt  }
0x53: {  	_ =	shalt  }
0x54: {  	_ =	shalt  }
0x55: {  	_ =	shalt  }
0x56: {  	_ =	shalt  }
0x57: {  	_ =	shalt  }
0x58: {  	_ =	shalt  }
0x59: {  	_ =	shalt  }
0x5a: {  	_ =	shalt  }
0x5b: {  	_ =	shalt  }
0x5c: {  	_ =	shalt  }
0x5d: {  	_ =	shalt  }
0x5e: {  	_ =	shalt  }
0x5f: {  	_ =	shalt  }
0x60: {  	_ =	shalt  }
0x61: {  	_ =	shalt  }
0x62: {  	_ =	shalt  }
0x63: {  	_ =	shalt  }
0x64: {  	_ =	shalt  }
0x65: {  	_ =	shalt  }
0x66: {  	_ =	shalt  }
0x67: {  	_ =	shalt  }
0x68: {  	_ =	shalt  }
0x69: {  	_ =	shalt  }
0x6a: {  	_ =	shalt  }
0x6b: {  	_ =	shalt  }
0x6c: {  	_ =	shalt  }
0x6d: {  	_ =	shalt  }
0x6e: {  	_ =	shalt  }
0x6f: {  	_ =	shalt  }
0x70: {  	_ =	shalt  }
0x71: {  	_ =	shalt  }
0x72: {  	_ =	shalt  }
0x73: {  	_ =	shalt  }
0x74: {  	_ =	shalt  }
0x75: {  	_ =	shalt  }
0x76: {  	_ =	shalt  }
0x77: {  	_ =	shalt  }
0x78: {  	_ =	shalt  }
0x79: {  	_ =	shalt  }
0x7a: {  	_ =	shalt  }
0x7b: {  	_ =	shalt  }
0x7c: {  	_ =	shalt  }
0x7d: {  	_ =	shalt  }
0x7e: {  	_ =	shalt  }
0x7f: {  	_ =	shalt  }
0x80: {  	_ =	shalt  }
0x81: {  	_ =	shalt  }
0x82: {  	_ =	shalt  }
0x83: {  	_ =	shalt  }
0x84: {  	_ =	shalt  }
0x85: {  	_ =	shalt  }
0x86: {  	_ =	shalt  }
0x87: {  	_ =	shalt  }
.Lfunc_end0:
.L_simem_size_0:
called_computation.1_lowered:
.L_overlay_start_0:
0x88: {  	s2 =	sld [smem:$0x3FD9]  }
0x89: {  	s3 =	sld [smem:$0x3FFE];
	_ =	sdelay $0x1  }
0x8a: {  	s1 =	srdreg.scid  }
0x8b: {  	s0 =	sand.u32 $0x1, s1  }
0x8c: {  	s17 =	sshll.u32 s0, $0xA;
	s2 =	sadd.s32 s3, s2  }
0x8d: {  	s2 =	sadd.s32 s2, s17  }
0x8e: {  	[smem:$0x3F99] =	sst s2  }
0x8f: {  	_ = 	snop  }
0x90: {  	(tm) =	ssettm $0x1  }
0x91: {  	s18 =	sld [smem:$0x3FFB];
	_ =	sdelay $0x3  }
0x92: {  	_ =	strace s18  }
0x93: {  	s2 =	sld [smem:$0x3FFC];
	_ =	sdelay $0x3  }
0x94: {  	_ =	strace s2  }
0x95: {  	s2 =	sld [smem:$0x3FFD];
	_ =	sdelay $0x3  }
0x96: {  	_ =	strace s2  }
0x97: {  	_ =	strace $0x8FFFFFFF  }
0x98: {  	s19 =	sld [smem:$0x3FDB];
	_ =	sdelay $0x1  }
0x99: {  	s20 =	simm.s32 $_scs_section_size  }
0x9a: {  	s4 =	simm.s32 $_size__tile_overlayer_lowered;
	s5 =	simm.s32 $_tile_overlayer_lowered  }
0x9b: {  	s6 =	simm.s32 $0x1BFF;
	s21 =	sshll.u32 s5, $0x1;
	s3 =	sadd.s32 s20, s19  }
0x9c: {  	s22 =	simm.s32 $0x0;
	s4 =	sshll.u32 s4, $0x1;
	s5 =	sadd.s32 s21, s3  }
0x9d: {  	[timem:s22], [sflag:s6] =	dma.local [hbm:s5], s4  }
0x9e: {  	_ =	swait.ge [sflag:s6], s4  }
0x9f: {  	s4 =	ssub.s32 $0x0, s4;
	[sflag:s6] =	ssyncset.done $0x0  }
0xa0: {  	[sflag:s6] =	ssyncadd.s32 s4;
	_ =	sdelay $0x1  }
0xa1: {  	s23 =	simm.s32 $0x1B8B  }
0xa2: {  	_ =	swait.ge [sflag:s23], $0x1  }
0xa3: {  	[sflag:s23] =	ssyncset.done $0x0  }
0xa4: {  	[sflag:s23] =	ssyncadd.s32 $0xFFFFFFFF  }
0xa5: {  	s4 =	sld [smem:$0x0]  }
0xa6: {  	s5 =	sand.u32 $0xFFFFFFFE, s1  }
0xa7: {  	p0 =	sne.s32 s1, s5  }
0xa8: {  	s5 =	sshll.u32 @p0 s5, $0xE  }
0xa9: {  	s5 =	sadd.s32 @p0 $0x11B8D, s5;
	s6 =	sshll.u32 @p0 s4, $0x11  }
0xaa: {  	s5 =	sor.u32 @p0 s6, s5  }
0xab: {  	[sflag:s5] =	ssyncadd.remote.s32 @p0 $0x1;
	_ =	sdelay $0x1  }
0xac: {  	s5 =	simm.s32 @p0 $0x1B8D  }
0xad: {  	_ =	swait.eq @p0 [sflag:s5], $0x1  }
0xae: {  	[sflag:s5] =	ssyncadd.s32 @p0 $0xFFFFFFFF  }
0xaf: {  	s6 =	sshll.u32 @!p0 s1, $0xE  }
0xb0: {  	s6 =	sor.u32 @!p0 $0x4000, s6;
	s5 =	simm.s32 @!p0 $0x1B8D  }
0xb1: {  	s4 =	sshll.u32 @!p0 s4, $0x11;
	s6 =	sadd.s32 @!p0 $0x11B8D, s6;
	_ =	swait.eq @!p0 [sflag:s5], $0x1  }
0xb2: {  	s4 =	sor.u32 @!p0 s4, s6;
	[sflag:s5] =	ssyncadd.s32 @!p0 $0xFFFFFFFF  }
0xb3: {  	s25 =	simm.s32 $0x1B8E;
	s24 =	sld [smem:$0x3FFE];
	[sflag:s4] =	ssyncadd.remote.s32 @!p0 $0x1  }
0xb4: {  	s26 =	simm.s32 $execute0_lowered;
	[smem:$0x3FD2] =	sst s25  }
0xb5: {  	s5 =	sshll.u32 s26, $0x1;
	_ =	strace $0x80000049;
	[dreg:$0x1] =	wrdreg $0xFFFFFFFF  }
0xb6: {  	s28 =	simm.s32 $_size_execute0_lowered;
	s3 =	sadd.s32 s3, s5;
	[dreg:$0x0] =	wrdreg $0x0  }
0xb7: {  	s5 =	sshll.u32 s28, $0x1;
	[dreg:$0x2] =	wrdreg s3  }
0xb8: {  	[dreg:$0x3] =	wrdreg s5  }
0xb9: {  	[dreg:$0x4] =	wrdreg $0xC0  }
0xba: {  	_ =	task [dreg:s22], $0x5FFFF  }
0xbb: {  	[dreg:$0x1] =	wrdreg $0xFFFFFFFF  }
0xbc: {  	[dreg:$0x0] =	wrdreg $0x60  }
0xbd: {  	[dreg:$0x2] =	wrdreg s24  }
0xbe: {  	[dreg:$0x3] =	wrdreg $0xA  }
0xbf: {  	_ =	task.clear_ibuf [dreg:s22], $0x4FFFF;
	_ =	strace $0x90000049  }
0xc0: {  	s29 =	simm.s32 $0xA;
	_ =	strace $0x8000004B  }
0xc1: {  	_ =	swait.ge [sflag:s29], $0x1  }
0xc2: {  	[sflag:s29] =	ssyncadd.s32 $0xFFFFFFFF  }
0xc3: {  	_ =	strace $0x9000004B  }
0xc4: {  	_ =	sfence  }
0xc5: {  	s30 =	sld [smem:$0x0];
	_ =	sdelay $0x2  }
0xc6: {  	s31 =	sshll.u32 s1, $0xD;
	s1 =	sshrl.u32 s1, $0x2  }
0xc7: {  	s4 =	sand.u32 $0x4000, s31;
	s1 =	sadd.s32 s1, s30  }
0xc8: {  	s0 =	sor.u32 s4, s0;
	s1 =	sshll.u32 s1, $0x11  }
0xc9: {  	s0 =	sor.u32 s1, s0  }
0xca: {  	s0 =	sadd.s32 $0x8F2B, s0  }
0xcb: {  	[sflag:s0] =	ssyncadd.remote.s32 $0x1  }
0xcc: {  	_ =	sfence.sel $0xFFFF  }
0xcd: {  	[dreg:$0x0] =	wrdreg $0xFFFFFFFF;
	(pc) =	sbr.abs _section_cstart, $3  }
0xce: {  	[dreg:$0x1] =	wrdreg $0xFFFFFFFF  }
0xcf: {  	_ =	task.clear_ibuf [dreg:s22], $0x2FFFF;
	_ =	strace $0x9FFFFFFF  }
0xd0: {  	(tm) =	ssettm $0x7FFFFFFF  }
0xd1: {  	_ =	shalt  }
tec
execute0_lowered:
.L_overlay_start_1:
0x0: {  	(tag) =	ssettag $0x1  }
0x1: {  	s0 =	rddreg [dreg:$0x0]  }
0x2: {  	s2 =	simm.s32 $0x0;
	s1 =	srdreg.scid;
	s8 =	stileid.u32  }
0x3: {  	s11 =	simm.s32 $0x100;
	s28 =	simm.s32 $0x80;
	s29 =	simm.s32 $0x8100  }
0x4: {  	s30 =	simm.s32 $0x8900;
	s31 =	simm.s32 $0x9100;
	s12 =	simm.s32 $0xC100  }
0x5: {  	s13 =	simm.s32 $0xC900;
	s14 =	simm.s32 $0xD100;
	s15 =	simm.s32 $0xD900  }
0x6: {  	s16 =	simm.s32 $0xE100;
	s17 =	simm.s32 $0xE900;
	s18 =	simm.s32 $0xF100  }
0x7: {  	s19 =	simm.s32 $0xF900;
	[smem:$0x7FF] =	sst s2;
	s1 =	sand.u32 $0x1, s1  }
0x8: {  	s3 =	sadd.s32 $0x23DE00, s0;
	s4 =	sshll.u32 s8, $0xD;
	s6 =	sadd.s32 $0x39E00, s0  }
0x9: {  	s20 =	sshll.u32 s8, $0x13;
	s8 =	simm.s32 $0xB900;
	_ =	strace $0x8000004A  }
0xa: {  	s5 =	sshll.u32 s1, $0xC;
	s7 =	ssub.s32 $0x2, s1;
	s10 =	sadd.s32 s20, s0  }
0xb: {  	s1 =	sshll.u32 s1, $0x12;
	s20 =	simm.s32 $0x1;
	s4 =	sor.u32 s5, s4  }
0xc: {  	s21 =	sshrl.u32 s7, $0x1;
	s5 =	sadd.s32 $0x23DF00, s0;
	s25 =	sadd.s32 s1, s10  }
0xd: {  	s10 =	simm.s32 $0x3;
	s1 =	simm.s32 $0xA100;
	s9 =	sshrl.u32 s4, $0x3  }
0xe: {  	s7 =	ssub.s32 s7, s21;
	s24 =	sor.u32 $0x80, s4;
	s4 =	sor.u32 $0x40, s4  }
0xf: {  	s21 =	simm.s32 $0x2;
	s22 =	sadd.s32 s6, s9;
	s23 =	smax.u32 s7, $0x1  }
.Ltmp0:
0x10: {  	s0 =	sshrl.u32 s24, $0x3;
	[dreg:$0x2] =	wrdreg s22;
	(pc) =	sbr.rel .LBB2_1-.Ltmp0, $4  }
0x11: {  	s26 =	sshrl.u32 s4, $0x3;
	s4 =	simm.s32 $0xA900;
	[dreg:$0x3] =	wrdreg s23  }
0x12: {  	v2 =	vlaneseq.u32;
	s7 =	sadd.s32 s0, s6;
	s0 =	sadd.s32 $0x27DE00, s25;
	s9 =	sadd.s32 s26, s6  }
0x13: {  	vm0 =	vmmov $0xffff;
	v1 =	vshrl.u32 v2, $0x3;
	s25 =	simm.s32 $0x7100;
	s26 =	simm.s32 $0x7900;
	s6 =	simm.s32 $0xB100  }
0x14: {  	v0 =	vand.u32 $0x7, v2;
	v2 =	vor.u32 $0x8, v2;
	v1 =	vmul.u32 $0x8, v1;
	s23 =	simm.s32 $0x0;
	[dreg:$0x4] =	wrdreg s0;
	s0 =	simm.s32 $0x9900  }
.LBB2_5:
0x15: {  	s23 =	rddreg [dreg:$0x5]  }
0x16: {  	s22 =	rddreg [dreg:$0x3];
	s23 =	sadd.s32 $0x1, s23  }
0x17: {  	p0 =	sne.s32 s23, s22  }
.Ltmp1:
0x18: {  	_ = 	snop;
	(pc) =	sbr.rel @!p0 .LBB2_6-.Ltmp1, $1  }
0x19: {  	_ =	sdelay $0x3  }
.LBB2_1:
0x1a: {  	[dreg:$0x5] =	wrdreg s23  }
0x1b: {  	s22 =	rddreg [dreg:$0x2]  }
0x1c: {  	[tilespmem:s2], [sflag:$0x3] =	stream.linear.gather [hbm4b:s22+s2], $0x40, $0x38;
	[tilespmem:$0x10100] =	vst v63  }
0x1d: {  	_ =	swait.ge [sflag:s10], $0x40  }
0x1e: {  	[sflag:s10] =	ssyncset.done $0x0  }
0x1f: {  	[sflag:s10] =	ssyncadd.s32 $0xFFFFFFC0  }
0x20: {  	v3 =	vld [tilespmem:$0x0];
	_ =	sdelay $0x4  }
0x21: {  	v4 =	vshll.u32 v3, $0x2  }
0x22: {  	v3 =	vand.u32 $0x7, v3;
	v4 =	vand.u32 $0xFFFFFFE0, v4  }
0x23: {  	v3 =	vor.u32 v3, v4  }
0x24: {  	v4 =	vperm.xlane v3, v0;
	_ =	sdelay $0x1  }
0x25: {  	v4 =	vadd.s32 v1, v4;
	_ =	sdelay $0x1  }
0x26: {  	v3 =	vperm.xlane v3, v2;
	_ =	sdelay $0x1  }
0x27: {  	v3 =	vadd.s32 v1, v3  }
0x28: {  	[tilespmem:s11], [sflag:$0x1] =	stream.indirect_vreg.gather [hbm4b:s3+s2], $0x80, v4, vm0, $0xb8;
	[tilespmem:$0x10100] =	vst v63  }
0x29: {  	s24 =	simm.s32 $0x900  }
0x2a: {  	[tilespmem:s24], [sflag:$0x1] =	stream.indirect_vreg.gather [hbm4b:s5+s2], $0x80, v4, vm0, $0xb8;
	[tilespmem:$0x10100] =	vst v63  }
0x2b: {  	s23 =	simm.s32 $0x1100  }
0x2c: {  	[tilespmem:s23], [sflag:$0x1] =	stream.indirect_vreg.gather [hbm4b:s3+s2], $0x80, v3, vm0, $0xb8;
	[tilespmem:$0x10100] =	vst v63  }
0x2d: {  	s24 =	simm.s32 $0x1900  }
0x2e: {  	[tilespmem:s24], [sflag:$0x1] =	stream.indirect_vreg.gather [hbm4b:s5+s2], $0x80, v3, vm0, $0xb8;
	[tilespmem:$0x10100] =	vst v63  }
0x2f: {  	v3 =	vld [tilespmem:$0x10];
	_ =	sdelay $0x4  }
0x30: {  	v61 =	vshll.u32 v3, $0x2  }
0x31: {  	v3 =	vand.u32 $0x7, v3;
	v4 =	vand.u32 $0xFFFFFFE0, v61  }
0x32: {  	v3 =	vor.u32 v3, v4  }
0x33: {  	v4 =	vperm.xlane v3, v0;
	_ =	sdelay $0x1  }
0x34: {  	v4 =	vadd.s32 v1, v4;
	_ =	sdelay $0x1  }
0x35: {  	v3 =	vperm.xlane v3, v2;
	_ =	sdelay $0x1  }
0x36: {  	s23 =	simm.s32 $0x2100;
	v3 =	vadd.s32 v1, v3  }
0x37: {  	[tilespmem:s23], [sflag:$0x1] =	stream.indirect_vreg.gather [hbm4b:s3+s2], $0x80, v4, vm0, $0xb8;
	[tilespmem:$0x10100] =	vst v63  }
0x38: {  	s24 =	simm.s32 $0x2900  }
0x39: {  	[tilespmem:s24], [sflag:$0x1] =	stream.indirect_vreg.gather [hbm4b:s5+s2], $0x80, v4, vm0, $0xb8;
	[tilespmem:$0x10100] =	vst v63  }
0x3a: {  	s23 =	simm.s32 $0x3100  }
0x3b: {  	[tilespmem:s23], [sflag:$0x1] =	stream.indirect_vreg.gather [hbm4b:s3+s2], $0x80, v3, vm0, $0xb8;
	[tilespmem:$0x10100] =	vst v63  }
0x3c: {  	s24 =	simm.s32 $0x3900  }
0x3d: {  	[tilespmem:s24], [sflag:$0x1] =	stream.indirect_vreg.gather [hbm4b:s5+s2], $0x80, v3, vm0, $0xb8;
	[tilespmem:$0x10100] =	vst v63  }
0x3e: {  	v3 =	vld [tilespmem:$0x20];
	_ =	sdelay $0x4  }
0x3f: {  	v62 =	vshll.u32 v3, $0x2  }
0x40: {  	v3 =	vand.u32 $0x7, v3;
	v4 =	vand.u32 $0xFFFFFFE0, v62  }
0x41: {  	v3 =	vor.u32 v3, v4  }
0x42: {  	v4 =	vperm.xlane v3, v0;
	_ =	sdelay $0x1  }
0x43: {  	v4 =	vadd.s32 v1, v4;
	_ =	sdelay $0x1  }
0x44: {  	v3 =	vperm.xlane v3, v2;
	_ =	sdelay $0x1  }
0x45: {  	s23 =	simm.s32 $0x4100;
	v3 =	vadd.s32 v1, v3  }
0x46: {  	[tilespmem:s23], [sflag:$0x1] =	stream.indirect_vreg.gather [hbm4b:s3+s2], $0x80, v4, vm0, $0xb8;
	[tilespmem:$0x10100] =	vst v63  }
0x47: {  	s24 =	simm.s32 $0x4900  }
0x48: {  	[tilespmem:s24], [sflag:$0x1] =	stream.indirect_vreg.gather [hbm4b:s5+s2], $0x80, v4, vm0, $0xb8;
	[tilespmem:$0x10100] =	vst v63  }
0x49: {  	s23 =	simm.s32 $0x5100  }
0x4a: {  	[tilespmem:s23], [sflag:$0x1] =	stream.indirect_vreg.gather [hbm4b:s3+s2], $0x80, v3, vm0, $0xb8;
	[tilespmem:$0x10100] =	vst v63  }
0x4b: {  	s24 =	simm.s32 $0x5900  }
0x4c: {  	[tilespmem:s24], [sflag:$0x1] =	stream.indirect_vreg.gather [hbm4b:s5+s2], $0x80, v3, vm0, $0xb8;
	[tilespmem:$0x10100] =	vst v63  }
0x4d: {  	v3 =	vld [tilespmem:$0x30];
	_ =	sdelay $0x4  }
0x4e: {  	v63 =	vshll.u32 v3, $0x2  }
0x4f: {  	v3 =	vand.u32 $0x7, v3;
	v4 =	vand.u32 $0xFFFFFFE0, v63  }
0x50: {  	v3 =	vor.u32 v3, v4  }
0x51: {  	v4 =	vperm.xlane v3, v0;
	_ =	sdelay $0x1  }
0x52: {  	v4 =	vadd.s32 v1, v4;
	_ =	sdelay $0x2  }
0x53: {  	v3 =	vperm.xlane v3, v2  }
0x54: {  	s23 =	simm.s32 $0x6100  }
0x55: {  	v3 =	vadd.s32 v1, v3;
	[tilespmem:s23], [sflag:$0x1] =	stream.indirect_vreg.gather [hbm4b:s3+s2], $0x80, v4, vm0, $0xb8;
	[tilespmem:$0x10100] =	vst v63  }
0x56: {  	s24 =	simm.s32 $0x6900  }
0x57: {  	[tilespmem:s24], [sflag:$0x1] =	stream.indirect_vreg.gather [hbm4b:s5+s2], $0x80, v4, vm0, $0xb8;
	[tilespmem:$0x10100] =	vst v63  }
.Ltmp2:
0x58: {  	_ = 	snop;
	(pc) =	sbr.rel .LBB2_2-.Ltmp2, $4  }
0x59: {  	_ = 	snop  }
0x5a: {  	[tilespmem:s25], [sflag:$0x1] =	stream.indirect_vreg.gather [hbm4b:s3+s2], $0x80, v3, vm0, $0xb8;
	[tilespmem:$0x10100] =	vst v63  }
0x5b: {  	s22 =	rddreg [dreg:$0x4];
	s23 =	simm.s32 $0x0  }
0x5c: {  	[tilespmem:s26], [sflag:$0x1] =	stream.indirect_vreg.gather [hbm4b:s5+s2], $0x80, v3, vm0, $0xb8;
	[tilespmem:$0x10100] =	vst v63  }
.LBB2_4:
0x5d: {  	_ =	swait.ge [sflag:s21], $0x8000;
	s23 =	sadd.s32 $0x10, s23  }
0x5e: {  	[sflag:s21] =	ssyncset.done $0x0;
	p0 =	sne.s32 s23, $0x200  }
.Ltmp3:
0x5f: {  	s24 =	sadd.s32 $0x1000, s22;
	[sflag:s21] =	ssyncadd.s32 $0xFFFF8000;
	(pc) =	sbr.rel @!p0 .LBB2_5-.Ltmp3, $4  }
0x60: {  	[hbm4b:s24+s2] =	stream.linear.scatter [tilespmem:s29], [sflag:$0x3], $0x8000, $0x38;
	[tilespmem:$0x10100] =	vst v63  }
0x61: {  	_ =	swait.ge [sflag:s10], $0x8000  }
0x62: {  	[sflag:s10] =	ssyncset.done $0x0  }
0x63: {  	s22 =	sadd.s32 $0x2000, s22;
	[sflag:s10] =	ssyncadd.s32 $0xFFFF8000  }
.LBB2_2:
0x64: {  	s24 =	sadd.s32 s23, s9  }
0x65: {  	[tilespmem:s28], [sflag:$0x3] =	stream.linear.gather [hbm4b:s24+s2], $0x40, $0x38;
	[tilespmem:$0x10100] =	vst v63  }
0x66: {  	_ =	swait.ge [sflag:s10], $0x40  }
0x67: {  	[sflag:s10] =	ssyncset.done $0x0  }
0x68: {  	[sflag:s10] =	ssyncadd.s32 $0xFFFFFFC0  }
0x69: {  	v3 =	vld [tilespmem:$0x80];
	_ =	sdelay $0x4  }
0x6a: {  	v4 =	vshll.u32 v3, $0x2  }
0x6b: {  	v3 =	vand.u32 $0x7, v3;
	v4 =	vand.u32 $0xFFFFFFE0, v4  }
0x6c: {  	v3 =	vor.u32 v3, v4  }
0x6d: {  	v4 =	vperm.xlane v3, v0;
	_ =	sdelay $0x1  }
0x6e: {  	v4 =	vadd.s32 v1, v4;
	_ =	sdelay $0x1  }
0x6f: {  	v3 =	vperm.xlane v3, v2;
	_ =	sdelay $0x1  }
0x70: {  	v3 =	vadd.s32 v1, v3  }
0x71: {  	[tilespmem:s29], [sflag:$0x2] =	stream.indirect_vreg.gather [hbm4b:s3+s2], $0x80, v4, vm0, $0xb8;
	[tilespmem:$0x10100] =	vst v63  }
0x72: {  	_ = 	snop  }
0x73: {  	[tilespmem:s30], [sflag:$0x2] =	stream.indirect_vreg.gather [hbm4b:s5+s2], $0x80, v4, vm0, $0xb8;
	[tilespmem:$0x10100] =	vst v63  }
0x74: {  	_ = 	snop  }
0x75: {  	[tilespmem:s31], [sflag:$0x2] =	stream.indirect_vreg.gather [hbm4b:s3+s2], $0x80, v3, vm0, $0xb8;
	[tilespmem:$0x10100] =	vst v63  }
0x76: {  	_ = 	snop  }
0x77: {  	[tilespmem:s0], [sflag:$0x2] =	stream.indirect_vreg.gather [hbm4b:s5+s2], $0x80, v3, vm0, $0xb8;
	[tilespmem:$0x10100] =	vst v63  }
0x78: {  	v3 =	vld [tilespmem:$0x90];
	_ =	sdelay $0x4  }
0x79: {  	v61 =	vshll.u32 v3, $0x2  }
0x7a: {  	v3 =	vand.u32 $0x7, v3;
	v4 =	vand.u32 $0xFFFFFFE0, v61  }
0x7b: {  	v3 =	vor.u32 v3, v4  }
0x7c: {  	v4 =	vperm.xlane v3, v0;
	_ =	sdelay $0x1  }
0x7d: {  	v4 =	vadd.s32 v1, v4;
	_ =	sdelay $0x1  }
0x7e: {  	v3 =	vperm.xlane v3, v2;
	_ =	sdelay $0x1  }
0x7f: {  	v3 =	vadd.s32 v1, v3  }
0x80: {  	[tilespmem:s1], [sflag:$0x2] =	stream.indirect_vreg.gather [hbm4b:s3+s2], $0x80, v4, vm0, $0xb8;
	[tilespmem:$0x10100] =	vst v63  }
0x81: {  	_ = 	snop  }
0x82: {  	[tilespmem:s4], [sflag:$0x2] =	stream.indirect_vreg.gather [hbm4b:s5+s2], $0x80, v4, vm0, $0xb8;
	[tilespmem:$0x10100] =	vst v63  }
0x83: {  	_ = 	snop  }
0x84: {  	[tilespmem:s6], [sflag:$0x2] =	stream.indirect_vreg.gather [hbm4b:s3+s2], $0x80, v3, vm0, $0xb8;
	[tilespmem:$0x10100] =	vst v63  }
0x85: {  	_ = 	snop  }
0x86: {  	[tilespmem:s8], [sflag:$0x2] =	stream.indirect_vreg.gather [hbm4b:s5+s2], $0x80, v3, vm0, $0xb8;
	[tilespmem:$0x10100] =	vst v63  }
0x87: {  	v3 =	vld [tilespmem:$0xA0];
	_ =	sdelay $0x4  }
0x88: {  	v62 =	vshll.u32 v3, $0x2  }
0x89: {  	v3 =	vand.u32 $0x7, v3;
	v4 =	vand.u32 $0xFFFFFFE0, v62  }
0x8a: {  	v3 =	vor.u32 v3, v4  }
0x8b: {  	v4 =	vperm.xlane v3, v0;
	_ =	sdelay $0x1  }
0x8c: {  	v4 =	vadd.s32 v1, v4;
	_ =	sdelay $0x1  }
0x8d: {  	v3 =	vperm.xlane v3, v2;
	_ =	sdelay $0x1  }
0x8e: {  	v3 =	vadd.s32 v1, v3  }
0x8f: {  	[tilespmem:s12], [sflag:$0x2] =	stream.indirect_vreg.gather [hbm4b:s3+s2], $0x80, v4, vm0, $0xb8;
	[tilespmem:$0x10100] =	vst v63  }
0x90: {  	_ = 	snop  }
0x91: {  	[tilespmem:s13], [sflag:$0x2] =	stream.indirect_vreg.gather [hbm4b:s5+s2], $0x80, v4, vm0, $0xb8;
	[tilespmem:$0x10100] =	vst v63  }
0x92: {  	_ = 	snop  }
0x93: {  	[tilespmem:s14], [sflag:$0x2] =	stream.indirect_vreg.gather [hbm4b:s3+s2], $0x80, v3, vm0, $0xb8;
	[tilespmem:$0x10100] =	vst v63  }
0x94: {  	_ = 	snop  }
0x95: {  	[tilespmem:s15], [sflag:$0x2] =	stream.indirect_vreg.gather [hbm4b:s5+s2], $0x80, v3, vm0, $0xb8;
	[tilespmem:$0x10100] =	vst v63  }
0x96: {  	v3 =	vld [tilespmem:$0xB0];
	_ =	sdelay $0x4  }
0x97: {  	v63 =	vshll.u32 v3, $0x2  }
0x98: {  	v3 =	vand.u32 $0x7, v3;
	v4 =	vand.u32 $0xFFFFFFE0, v63  }
0x99: {  	v3 =	vor.u32 v3, v4  }
0x9a: {  	v4 =	vperm.xlane v3, v0;
	_ =	sdelay $0x1  }
0x9b: {  	v4 =	vadd.s32 v1, v4;
	_ =	sdelay $0x1  }
0x9c: {  	v3 =	vperm.xlane v3, v2;
	_ =	sdelay $0x1  }
0x9d: {  	v3 =	vadd.s32 v1, v3  }
0x9e: {  	[tilespmem:s16], [sflag:$0x2] =	stream.indirect_vreg.gather [hbm4b:s3+s2], $0x80, v4, vm0, $0xb8;
	[tilespmem:$0x10100] =	vst v63  }
0x9f: {  	_ = 	snop  }
0xa0: {  	[tilespmem:s17], [sflag:$0x2] =	stream.indirect_vreg.gather [hbm4b:s5+s2], $0x80, v4, vm0, $0xb8;
	[tilespmem:$0x10100] =	vst v63  }
0xa1: {  	_ = 	snop  }
0xa2: {  	[tilespmem:s18], [sflag:$0x2] =	stream.indirect_vreg.gather [hbm4b:s3+s2], $0x80, v3, vm0, $0xb8;
	[tilespmem:$0x10100] =	vst v63  }
0xa3: {  	_ = 	snop  }
0xa4: {  	[tilespmem:s19], [sflag:$0x2] =	stream.indirect_vreg.gather [hbm4b:s5+s2], $0x80, v3, vm0, $0xb8;
	[tilespmem:$0x10100] =	vst v63  }
0xa5: {  	_ =	swait.ge [sflag:s20], $0x8000  }
0xa6: {  	p0 =	seq.s32 s23, $0x1F0;
	[sflag:s20] =	ssyncset.done $0x0  }
.Ltmp4:
0xa7: {  	[sflag:s20] =	ssyncadd.s32 $0xFFFF8000;
	(pc) =	sbr.rel @p0 .LBB2_4-.Ltmp4, $4  }
0xa8: {  	[hbm4b:s22+s2] =	stream.linear.scatter [tilespmem:s11], [sflag:$0x3], $0x8000, $0x38;
	[tilespmem:$0x10100] =	vst v63  }
0xa9: {  	_ =	swait.ge [sflag:s10], $0x8000  }
0xaa: {  	[sflag:s10] =	ssyncset.done $0x0  }
0xab: {  	[sflag:s10] =	ssyncadd.s32 $0xFFFF8000  }
0xac: {  	s24 =	sadd.s32 s23, s7  }
0xad: {  	[tilespmem:s2], [sflag:$0x3] =	stream.linear.gather [hbm4b:s24+s2], $0x40, $0x38;
	[tilespmem:$0x10100] =	vst v63  }
0xae: {  	_ =	swait.ge [sflag:s10], $0x40  }
0xaf: {  	[sflag:s10] =	ssyncset.done $0x0  }
0xb0: {  	[sflag:s10] =	ssyncadd.s32 $0xFFFFFFC0  }
0xb1: {  	v3 =	vld [tilespmem:$0x0];
	_ =	sdelay $0x4  }
0xb2: {  	v4 =	vshll.u32 v3, $0x2  }
0xb3: {  	v3 =	vand.u32 $0x7, v3;
	v4 =	vand.u32 $0xFFFFFFE0, v4  }
0xb4: {  	v3 =	vor.u32 v3, v4  }
0xb5: {  	v4 =	vperm.xlane v3, v0;
	_ =	sdelay $0x1  }
0xb6: {  	v4 =	vadd.s32 v1, v4;
	_ =	sdelay $0x1  }
0xb7: {  	v3 =	vperm.xlane v3, v2;
	_ =	sdelay $0x1  }
0xb8: {  	v3 =	vadd.s32 v1, v3  }
0xb9: {  	[tilespmem:s11], [sflag:$0x1] =	stream.indirect_vreg.gather [hbm4b:s3+s2], $0x80, v4, vm0, $0xb8;
	[tilespmem:$0x10100] =	vst v63  }
0xba: {  	s24 =	simm.s32 $0x900  }
0xbb: {  	[tilespmem:s24], [sflag:$0x1] =	stream.indirect_vreg.gather [hbm4b:s5+s2], $0x80, v4, vm0, $0xb8;
	[tilespmem:$0x10100] =	vst v63  }
0xbc: {  	s24 =	simm.s32 $0x1100  }
0xbd: {  	[tilespmem:s24], [sflag:$0x1] =	stream.indirect_vreg.gather [hbm4b:s3+s2], $0x80, v3, vm0, $0xb8;
	[tilespmem:$0x10100] =	vst v63  }
0xbe: {  	s24 =	simm.s32 $0x1900  }
0xbf: {  	[tilespmem:s24], [sflag:$0x1] =	stream.indirect_vreg.gather [hbm4b:s5+s2], $0x80, v3, vm0, $0xb8;
	[tilespmem:$0x10100] =	vst v63  }
0xc0: {  	v3 =	vld [tilespmem:$0x10];
	_ =	sdelay $0x4  }
0xc1: {  	v61 =	vshll.u32 v3, $0x2  }
0xc2: {  	v3 =	vand.u32 $0x7, v3;
	v4 =	vand.u32 $0xFFFFFFE0, v61  }
0xc3: {  	v3 =	vor.u32 v3, v4  }
0xc4: {  	v4 =	vperm.xlane v3, v0;
	_ =	sdelay $0x1  }
0xc5: {  	v4 =	vadd.s32 v1, v4;
	_ =	sdelay $0x1  }
0xc6: {  	v3 =	vperm.xlane v3, v2;
	_ =	sdelay $0x1  }
0xc7: {  	s24 =	simm.s32 $0x2100;
	v3 =	vadd.s32 v1, v3  }
0xc8: {  	[tilespmem:s24], [sflag:$0x1] =	stream.indirect_vreg.gather [hbm4b:s3+s2], $0x80, v4, vm0, $0xb8;
	[tilespmem:$0x10100] =	vst v63  }
0xc9: {  	s24 =	simm.s32 $0x2900  }
0xca: {  	[tilespmem:s24], [sflag:$0x1] =	stream.indirect_vreg.gather [hbm4b:s5+s2], $0x80, v4, vm0, $0xb8;
	[tilespmem:$0x10100] =	vst v63  }
0xcb: {  	s24 =	simm.s32 $0x3100  }
0xcc: {  	[tilespmem:s24], [sflag:$0x1] =	stream.indirect_vreg.gather [hbm4b:s3+s2], $0x80, v3, vm0, $0xb8;
	[tilespmem:$0x10100] =	vst v63  }
0xcd: {  	s24 =	simm.s32 $0x3900  }
0xce: {  	[tilespmem:s24], [sflag:$0x1] =	stream.indirect_vreg.gather [hbm4b:s5+s2], $0x80, v3, vm0, $0xb8;
	[tilespmem:$0x10100] =	vst v63  }
0xcf: {  	v3 =	vld [tilespmem:$0x20];
	_ =	sdelay $0x4  }
0xd0: {  	v62 =	vshll.u32 v3, $0x2  }
0xd1: {  	v3 =	vand.u32 $0x7, v3;
	v4 =	vand.u32 $0xFFFFFFE0, v62  }
0xd2: {  	v3 =	vor.u32 v3, v4  }
0xd3: {  	v4 =	vperm.xlane v3, v0;
	_ =	sdelay $0x1  }
0xd4: {  	v4 =	vadd.s32 v1, v4;
	_ =	sdelay $0x1  }
0xd5: {  	v3 =	vperm.xlane v3, v2;
	_ =	sdelay $0x1  }
0xd6: {  	s24 =	simm.s32 $0x4100;
	v3 =	vadd.s32 v1, v3  }
0xd7: {  	[tilespmem:s24], [sflag:$0x1] =	stream.indirect_vreg.gather [hbm4b:s3+s2], $0x80, v4, vm0, $0xb8;
	[tilespmem:$0x10100] =	vst v63  }
0xd8: {  	s24 =	simm.s32 $0x4900  }
0xd9: {  	[tilespmem:s24], [sflag:$0x1] =	stream.indirect_vreg.gather [hbm4b:s5+s2], $0x80, v4, vm0, $0xb8;
	[tilespmem:$0x10100] =	vst v63  }
0xda: {  	s24 =	simm.s32 $0x5100  }
0xdb: {  	[tilespmem:s24], [sflag:$0x1] =	stream.indirect_vreg.gather [hbm4b:s3+s2], $0x80, v3, vm0, $0xb8;
	[tilespmem:$0x10100] =	vst v63  }
0xdc: {  	s24 =	simm.s32 $0x5900  }
0xdd: {  	[tilespmem:s24], [sflag:$0x1] =	stream.indirect_vreg.gather [hbm4b:s5+s2], $0x80, v3, vm0, $0xb8;
	[tilespmem:$0x10100] =	vst v63  }
0xde: {  	v3 =	vld [tilespmem:$0x30];
	_ =	sdelay $0x4  }
0xdf: {  	v63 =	vshll.u32 v3, $0x2  }
0xe0: {  	v3 =	vand.u32 $0x7, v3;
	v4 =	vand.u32 $0xFFFFFFE0, v63  }
0xe1: {  	v3 =	vor.u32 v3, v4  }
0xe2: {  	v4 =	vperm.xlane v3, v0;
	_ =	sdelay $0x1  }
0xe3: {  	v4 =	vadd.s32 v1, v4;
	_ =	sdelay $0x2  }
0xe4: {  	v3 =	vperm.xlane v3, v2  }
0xe5: {  	s24 =	simm.s32 $0x6100  }
0xe6: {  	v3 =	vadd.s32 v1, v3;
	[tilespmem:s24], [sflag:$0x1] =	stream.indirect_vreg.gather [hbm4b:s3+s2], $0x80, v4, vm0, $0xb8;
	[tilespmem:$0x10100] =	vst v63  }
0xe7: {  	s24 =	simm.s32 $0x6900  }
0xe8: {  	[tilespmem:s24], [sflag:$0x1] =	stream.indirect_vreg.gather [hbm4b:s5+s2], $0x80, v4, vm0, $0xb8;
	[tilespmem:$0x10100] =	vst v63  }
.Ltmp5:
0xe9: {  	_ = 	snop;
	(pc) =	sbr.rel .LBB2_4-.Ltmp5, $4  }
0xea: {  	_ = 	snop  }
0xeb: {  	[tilespmem:s25], [sflag:$0x1] =	stream.indirect_vreg.gather [hbm4b:s3+s2], $0x80, v3, vm0, $0xb8;
	[tilespmem:$0x10100] =	vst v63  }
0xec: {  	_ = 	snop  }
0xed: {  	[tilespmem:s26], [sflag:$0x1] =	stream.indirect_vreg.gather [hbm4b:s5+s2], $0x80, v3, vm0, $0xb8;
	[tilespmem:$0x10100] =	vst v63  }
.LBB2_6:
0xee: {  	_ =	sfence.sel $0x180000  }
0xef: {  	[bflag:$0x0] =	sbarrier.arrive $0xFFFF  }
0xf0: {  	_ =	strace $0x9000004A  }
0xf1: {  	s0 =	stileid.u32;
	[bflag:$0x2] =	sbarrier.arrive $0xFFFF  }
0xf2: {  	p0 =	sne.s32 s0, $0x0;
	s0 =	rddreg [dreg:$0x1]  }
0xf3: {  	s0 =	sadd.s32 @!p0 $0x100000, s0  }
0xf4: {  	[sflag:s0] =	ssyncadd.tile.s32 @!p0 $0x1;
	_ =	shalt  }
.Lfunc_end2:
_tile_overlayer_lowered:
.L_overlay_start_2:
0xf5: {  	(tag) =	ssettag $0x2  }
0xf6: {  	s0 =	rddreg [dreg:$0x0];
	s2 =	stileid.u32  }
0xf7: {  	s1 =	rddreg [dreg:$0x1];
	p0 =	sne.s32 s2, $0x0  }
0xf8: {  	s3 =	rddreg [dreg:$0x2];
	[bflag:$0x3] =	sbarrier.arrive $0xFFFF;
	s2 =	simm.s32 @!p0 $0x1C03  }
0xf9: {  	[timem:s3], [sflag:s2] =	dma.local @!p0 [hbm:s0], s1  }
0xfa: {  	s0 =	simm.s32 @!p0 $0x3  }
0xfb: {  	_ =	swait.ge @!p0 [sflag:s0], s1  }
0xfc: {  	s1 =	ssub.s32 @!p0 $0x0, s1;
	[sflag:s0] =	ssyncset.done @!p0 $0x0  }
0xfd: {  	[sflag:s0] =	ssyncadd.s32 @!p0 s1  }
0xfe: {  	[bflag:$0x3] =	sbarrier.arrive $0xFFFF  }
0xff: {  	_ =	shalt  }

// kernel: kernel.19.cloned.1.call-start
scs
__scs_entry_jumppad:
0x0: {  	(pc) =	sbr.rel $0x88, $3  }
0x1: {  	(tag) =	ssettag $0x0;
	lr =	simm.s32 $0x1  }
0x2: {  	[smem:$0x3F72] =	sst lr;
	_ =	strace $0xD0000000  }
0x3: {  	_ = 	snop  }
0x4: {  	_ = 	snop  }
0x5: {  	_ = 	snop  }
0x6: {  	_ = 	snop  }
0x7: {  	_ = 	snop  }
__scs_overlays_trampoline_lowered:
0x8: {  	[smem:$0x3F81] =	sst s0  }
0x9: {  	[smem:$0x3F82] =	sst s1  }
0xa: {  	[smem:$0x3F83] =	sst s2  }
0xb: {  	[smem:$0x3F84] =	sst s3  }
0xc: {  	[smem:$0x3F85] =	sst s4  }
0xd: {  	[smem:$0x3F86] =	sst s5  }
0xe: {  	[smem:$0x3F87] =	sst s6  }
0xf: {  	[smem:$0x3F88] =	sst s7  }
0x10: {  	[smem:$0x3F89] =	sst s8  }
0x11: {  	[smem:$0x3F8A] =	sst s9;
	s0 =	simm.s32 @!p0 $0x0  }
0x12: {  	s1 =	sld [smem:$0x3F70];
	s0 =	simm.s32 @p0 $0x1  }
0x13: {  	[smem:$0x3F8B] =	sst s0;
	s0 =	simm.s32 @!p1 $0x0  }
0x14: {  	s2 =	sld [smem:$0x3F6F];
	s0 =	simm.s32 @p1 $0x1  }
0x15: {  	[smem:$0x3F8C] =	sst s0;
	s0 =	simm.s32 @!p2 $0x0  }
0x16: {  	s3 =	sld [smem:$0x3FDB];
	s0 =	simm.s32 @p2 $0x1  }
0x17: {  	s4 =	simm.s32 $0x1BF5;
	[smem:$0x3F8E] =	sst s0  }
0x18: {  	s0 =	sld [smem:$0x3F71];
	_ =	swait.ge [sflag:s4], $0x0  }
0x19: {  	s7 =	sld [smem:$0x3F72]  }
0x1a: {  	s8 =	sadd.s32 $0xFFFFE003, lr  }
0x1b: {  	s9 =	sadd.s32 $0xFFFFFEF7, lr;
	s5 =	simm.s32 $0xFFFFFFFF;
	p2 =	slt.u32 s8, $0xFFFFF086  }
0x1c: {  	p1 =	slt.u32 s9, $0xF7A;
	s5 =	simm.s32 @!p2 $0x0  }
0x1d: {  	s5 =	simm.s32 @p1 $0x1;
	p0 =	seq.s32 s7, s2  }
0x1e: {  	s7 =	smul.u32 @!p0 $0xF7A, s2;
	p2 =	seq.s32 @!p0 s5, $0x0  }
0x1f: {  	s9 =	smul.u32 $0xF7A, s1;
	s8 =	simm.s32 @!p0 $0x1BF5;
	p2 =	por !p2, p0  }
0x20: {  	[sflag:s8] =	ssyncset.s32 @!p0 $0xFFFFF086;
	s6 =	sadd.s32 @!p0 s3, s7;
	s7 =	simm.s32 @!p0 $0x108  }
0x21: {  	s3 =	sadd.s32 s3, s9;
	s6 =	sadd.s32 @!p0 $0x88, s6;
	s7 =	simm.s32 @p2 $0x1082  }
0x22: {  	[simem:s7], [sflag:s8] =	dma.local @!p0 [hbm:s6], $0xF7A  }
0x23: {  	s9 =	sor.u32 $0xD0000000, s2;
	s6 =	simm.s32 $0x108;
	_ =	swait.ge @!p0 [sflag:s8], $0x0  }
0x24: {  	s3 =	sadd.s32 $0x88, s3;
	s6 =	simm.s32 @!p1 $0x1082;
	[sflag:s4] =	ssyncset.s32 $0xFFFFF086  }
0x25: {  	[simem:s6], [sflag:s4] =	dma.local [hbm:s3], $0xF7A  }
0x26: {  	[smem:$0x3F72] =	sst s1;
	(tag) =	ssettag s2;
	_ =	strace s9  }
0x27: {  	s1 =	sld [smem:$0x3F82]  }
0x28: {  	s2 =	sld [smem:$0x3F83]  }
0x29: {  	s4 =	sld [smem:$0x3F85]  }
0x2a: {  	p0 =	seq.s32 s5, $0x0;
	s5 =	sld [smem:$0x3F86]  }
0x2b: {  	s6 =	sld [smem:$0x3F87]  }
0x2c: {  	s7 =	sld [smem:$0x3F88]  }
0x2d: {  	s3 =	simm.s32 $0x108;
	s8 =	sld [smem:$0x3F89]  }
0x2e: {  	s3 =	simm.s32 @!p0 $0x1082;
	s9 =	sld [smem:$0x3F8A]  }
0x2f: {  	lr =	sadd.s32 s0, s3;
	s0 =	sld [smem:$0x3F81]  }
0x30: {  	s3 =	sld [smem:$0x3F84]  }
0x31: {  	[smem:$0x3F8D] =	sst s10  }
0x32: {  	s10 =	sld [smem:$0x3F8B];
	_ =	sdelay $0x3  }
0x33: {  	p0 =	seq.s32 s10, $0x1;
	s10 =	sld [smem:$0x3F8D];
	_ =	sdelay $0x3  }
0x34: {  	[smem:$0x3F8D] =	sst s10  }
0x35: {  	s10 =	sld [smem:$0x3F8C];
	_ =	sdelay $0x3  }
0x36: {  	p1 =	seq.s32 s10, $0x1;
	s10 =	sld [smem:$0x3F8D];
	_ =	sdelay $0x3  }
0x37: {  	[smem:$0x3F8D] =	sst s10  }
0x38: {  	s10 =	sld [smem:$0x3F8E]  }
0x39: {  	_ = 	snop;
	(pc) =	sbr.ind lr, $3  }
0x3a: {  	_ = 	snop  }
0x3b: {  	_ = 	snop  }
0x3c: {  	p2 =	seq.s32 s10, $0x1;
	s10 =	sld [smem:$0x3F8D]  }
0x3d: {  	_ =	shalt  }
0x3e: {  	_ =	shalt  }
0x3f: {  	_ =	shalt  }
0x40: {  	_ =	shalt  }
0x41: {  	_ =	shalt  }
0x42: {  	_ =	shalt  }
0x43: {  	_ =	shalt  }
0x44: {  	_ =	shalt  }
0x45: {  	_ =	shalt  }
0x46: {  	_ =	shalt  }
0x47: {  	_ =	shalt  }
0x48: {  	_ =	shalt  }
0x49: {  	_ =	shalt  }
0x4a: {  	_ =	shalt  }
0x4b: {  	_ =	shalt  }
0x4c: {  	_ =	shalt  }
0x4d: {  	_ =	shalt  }
0x4e: {  	_ =	shalt  }
0x4f: {  	_ =	shalt  }
0x50: {  	_ =	shalt  }
0x51: {  	_ =	shalt  }
0x52: {  	_ =	shalt  }
0x53: {  	_ =	shalt  }
0x54: {  	_ =	shalt  }
0x55: {  	_ =	shalt  }
0x56: {  	_ =	shalt  }
0x57: {  	_ =	shalt  }
0x58: {  	_ =	shalt  }
0x59: {  	_ =	shalt  }
0x5a: {  	_ =	shalt  }
0x5b: {  	_ =	shalt  }
0x5c: {  	_ =	shalt  }
0x5d: {  	_ =	shalt  }
0x5e: {  	_ =	shalt  }
0x5f: {  	_ =	shalt  }
0x60: {  	_ =	shalt  }
0x61: {  	_ =	shalt  }
0x62: {  	_ =	shalt  }
0x63: {  	_ =	shalt  }
0x64: {  	_ =	shalt  }
0x65: {  	_ =	shalt  }
0x66: {  	_ =	shalt  }
0x67: {  	_ =	shalt  }
0x68: {  	_ =	shalt  }
0x69: {  	_ =	shalt  }
0x6a: {  	_ =	shalt  }
0x6b: {  	_ =	shalt  }
0x6c: {  	_ =	shalt  }
0x6d: {  	_ =	shalt  }
0x6e: {  	_ =	shalt  }
0x6f: {  	_ =	shalt  }
0x70: {  	_ =	shalt  }
0x71: {  	_ =	shalt  }
0x72: {  	_ =	shalt  }
0x73: {  	_ =	shalt  }
0x74: {  	_ =	shalt  }
0x75: {  	_ =	shalt  }
0x76: {  	_ =	shalt  }
0x77: {  	_ =	shalt  }
0x78: {  	_ =	shalt  }
0x79: {  	_ =	shalt  }
0x7a: {  	_ =	shalt  }
0x7b: {  	_ =	shalt  }
0x7c: {  	_ =	shalt  }
0x7d: {  	_ =	shalt  }
0x7e: {  	_ =	shalt  }
0x7f: {  	_ =	shalt  }
0x80: {  	_ =	shalt  }
0x81: {  	_ =	shalt  }
0x82: {  	_ =	shalt  }
0x83: {  	_ =	shalt  }
0x84: {  	_ =	shalt  }
0x85: {  	_ =	shalt  }
0x86: {  	_ =	shalt  }
0x87: {  	_ =	shalt  }
.Lfunc_end0:
.L_simem_size_0:
called_computation.2_lowered:
.L_overlay_start_0:
0x88: {  	s2 =	sld [smem:$0x3FD9]  }
0x89: {  	s3 =	sld [smem:$0x3FFE];
	_ =	sdelay $0x1  }
0x8a: {  	s1 =	srdreg.scid  }
0x8b: {  	s0 =	sand.u32 $0x1, s1  }
0x8c: {  	s16 =	sshll.u32 s0, $0xA;
	s2 =	sadd.s32 s3, s2  }
0x8d: {  	s2 =	sadd.s32 s2, s16  }
0x8e: {  	[smem:$0x3F99] =	sst s2  }
0x8f: {  	_ = 	snop  }
0x90: {  	(tm) =	ssettm $0x1  }
0x91: {  	s17 =	sld [smem:$0x3FFB];
	_ =	sdelay $0x3  }
0x92: {  	_ =	strace s17  }
0x93: {  	s2 =	sld [smem:$0x3FFC];
	_ =	sdelay $0x3  }
0x94: {  	_ =	strace s2  }
0x95: {  	s2 =	sld [smem:$0x3FFD];
	_ =	sdelay $0x3  }
0x96: {  	_ =	strace s2  }
0x97: {  	_ =	strace $0x8FFFFFFF  }
0x98: {  	s18 =	sld [smem:$0x3FDB];
	_ =	sdelay $0x1  }
0x99: {  	s19 =	simm.s32 $_scs_section_size  }
0x9a: {  	s4 =	simm.s32 $_size__tile_overlayer_lowered;
	s5 =	simm.s32 $_tile_overlayer_lowered  }
0x9b: {  	s22 =	simm.s32 $0x1BFF;
	s21 =	sshll.u32 s5, $0x1;
	s2 =	sadd.s32 s19, s18  }
0x9c: {  	s6 =	simm.s32 $0x0;
	s20 =	sshll.u32 s4, $0x1;
	s4 =	sadd.s32 s21, s2  }
0x9d: {  	[timem:s6], [sflag:s22] =	dma.local [hbm:s4], s20  }
0x9e: {  	_ =	swait.ge [sflag:s22], s20  }
0x9f: {  	s3 =	ssub.s32 $0x0, s20;
	[sflag:s22] =	ssyncset.done $0x0  }
0xa0: {  	[sflag:s22] =	ssyncadd.s32 s3;
	_ =	sdelay $0x1  }
0xa1: {  	s23 =	simm.s32 $0x1B8B  }
0xa2: {  	_ =	swait.ge [sflag:s23], $0x1  }
0xa3: {  	[sflag:s23] =	ssyncset.done $0x0  }
0xa4: {  	s25 =	simm.s32 $0x1B8E;
	s24 =	sld [smem:$0x3FFE];
	[sflag:s23] =	ssyncadd.s32 $0xFFFFFFFF  }
0xa5: {  	s26 =	simm.s32 $execute0_lowered;
	[smem:$0x3FD2] =	sst s25  }
0xa6: {  	s4 =	sshll.u32 s26, $0x1;
	_ =	strace $0x8000004C;
	[dreg:$0x1] =	wrdreg $0xFFFFFFFF  }
0xa7: {  	s28 =	simm.s32 $_size_execute0_lowered;
	s2 =	sadd.s32 s2, s4;
	[dreg:$0x0] =	wrdreg $0x0  }
0xa8: {  	s4 =	sshll.u32 s28, $0x1;
	[dreg:$0x2] =	wrdreg s2  }
0xa9: {  	[dreg:$0x3] =	wrdreg s4  }
0xaa: {  	[dreg:$0x4] =	wrdreg $0xC0  }
0xab: {  	_ =	task [dreg:s6], $0x5FFFF  }
0xac: {  	[dreg:$0x1] =	wrdreg $0xFFFFFFFF  }
0xad: {  	[dreg:$0x0] =	wrdreg $0x60  }
0xae: {  	[dreg:$0x2] =	wrdreg s24  }
0xaf: {  	[dreg:$0x3] =	wrdreg $0x9  }
0xb0: {  	_ =	task.clear_ibuf [dreg:s6], $0x4FFFF;
	_ =	strace $0x9000004C  }
0xb1: {  	s29 =	simm.s32 $0x9;
	_ =	strace $0x8000004E  }
0xb2: {  	_ =	swait.ge [sflag:s29], $0x1  }
0xb3: {  	[sflag:s29] =	ssyncadd.s32 $0xFFFFFFFF  }
0xb4: {  	_ =	strace $0x9000004E  }
0xb5: {  	_ =	sfence  }
0xb6: {  	s30 =	sld [smem:$0x0];
	_ =	sdelay $0x2  }
0xb7: {  	s31 =	sshll.u32 s1, $0xD;
	s1 =	sshrl.u32 s1, $0x2  }
0xb8: {  	s3 =	sand.u32 $0x4000, s31;
	s1 =	sadd.s32 s1, s30  }
0xb9: {  	s0 =	sor.u32 s3, s0;
	s1 =	sshll.u32 s1, $0x11  }
0xba: {  	s0 =	sor.u32 s1, s0  }
0xbb: {  	s0 =	sadd.s32 $0x8F2B, s0  }
0xbc: {  	[sflag:s0] =	ssyncadd.remote.s32 $0x1  }
0xbd: {  	_ =	sfence.sel $0xFFFF  }
0xbe: {  	[dreg:$0x0] =	wrdreg $0xFFFFFFFF;
	(pc) =	sbr.abs _section_cstart, $3  }
0xbf: {  	[dreg:$0x1] =	wrdreg $0xFFFFFFFF  }
0xc0: {  	_ =	task.clear_ibuf [dreg:s6], $0x2FFFF;
	_ =	strace $0x9FFFFFFF  }
0xc1: {  	(tm) =	ssettm $0x7FFFFFFF  }
tec
execute0_lowered:
.L_overlay_start_1:
0x0: {  	(tag) =	ssettag $0x1  }
0x1: {  	s0 =	rddreg [dreg:$0x0]  }
0x2: {  	s2 =	simm.s32 $0x0;
	s1 =	srdreg.scid;
	s8 =	stileid.u32  }
0x3: {  	s11 =	simm.s32 $0x100;
	s28 =	simm.s32 $0x80;
	s29 =	simm.s32 $0x8100  }
0x4: {  	s30 =	simm.s32 $0x8900;
	s31 =	simm.s32 $0x9100;
	s12 =	simm.s32 $0xC100  }
0x5: {  	s13 =	simm.s32 $0xC900;
	s14 =	simm.s32 $0xD100;
	s15 =	simm.s32 $0xD900  }
0x6: {  	s16 =	simm.s32 $0xE100;
	s17 =	simm.s32 $0xE900;
	s18 =	simm.s32 $0xF100  }
0x7: {  	s19 =	simm.s32 $0xF900;
	[smem:$0x7FF] =	sst s2;
	s1 =	sand.u32 $0x1, s1  }
0x8: {  	s3 =	sadd.s32 $0x5DE00, s0;
	s4 =	sshll.u32 s8, $0xD;
	s6 =	sadd.s32 $0x39E00, s0  }
0x9: {  	s20 =	sshll.u32 s8, $0x13;
	s8 =	simm.s32 $0xB900;
	_ =	strace $0x8000004D  }
0xa: {  	s5 =	sshll.u32 s1, $0xC;
	s7 =	ssub.s32 $0x2, s1;
	s10 =	sadd.s32 s20, s0  }
0xb: {  	s1 =	sshll.u32 s1, $0x12;
	s20 =	simm.s32 $0x1;
	s4 =	sor.u32 s5, s4  }
0xc: {  	s21 =	sshrl.u32 s7, $0x1;
	s5 =	sadd.s32 $0x5DF00, s0;
	s25 =	sadd.s32 s1, s10  }
0xd: {  	s10 =	simm.s32 $0x3;
	s1 =	simm.s32 $0xA100;
	s9 =	sshrl.u32 s4, $0x3  }
0xe: {  	s7 =	ssub.s32 s7, s21;
	s24 =	sor.u32 $0x80, s4;
	s4 =	sor.u32 $0x40, s4  }
0xf: {  	s21 =	simm.s32 $0x2;
	s22 =	sadd.s32 s6, s9;
	s23 =	smax.u32 s7, $0x1  }
.Ltmp0:
0x10: {  	s0 =	sshrl.u32 s24, $0x3;
	[dreg:$0x2] =	wrdreg s22;
	(pc) =	sbr.rel .LBB2_1-.Ltmp0, $4  }
0x11: {  	s26 =	sshrl.u32 s4, $0x3;
	s4 =	simm.s32 $0xA900;
	[dreg:$0x3] =	wrdreg s23  }
0x12: {  	v2 =	vlaneseq.u32;
	s7 =	sadd.s32 s0, s6;
	s0 =	sadd.s32 $0x9DE00, s25;
	s9 =	sadd.s32 s26, s6  }
0x13: {  	vm0 =	vmmov $0xffff;
	v1 =	vshrl.u32 v2, $0x3;
	s25 =	simm.s32 $0x7100;
	s26 =	simm.s32 $0x7900;
	s6 =	simm.s32 $0xB100  }
0x14: {  	v0 =	vand.u32 $0x7, v2;
	v2 =	vor.u32 $0x8, v2;
	v1 =	vmul.u32 $0x8, v1;
	s23 =	simm.s32 $0x0;
	[dreg:$0x4] =	wrdreg s0;
	s0 =	simm.s32 $0x9900  }
.LBB2_5:
0x15: {  	s23 =	rddreg [dreg:$0x5]  }
0x16: {  	s22 =	rddreg [dreg:$0x3];
	s23 =	sadd.s32 $0x1, s23  }
0x17: {  	p0 =	sne.s32 s23, s22  }
.Ltmp1:
0x18: {  	_ = 	snop;
	(pc) =	sbr.rel @!p0 .LBB2_6-.Ltmp1, $1  }
0x19: {  	_ =	sdelay $0x3  }
.LBB2_1:
0x1a: {  	[dreg:$0x5] =	wrdreg s23  }
0x1b: {  	s22 =	rddreg [dreg:$0x2]  }
0x1c: {  	[tilespmem:s2], [sflag:$0x3] =	stream.linear.gather [hbm4b:s22+s2], $0x40, $0x38;
	[tilespmem:$0x10100] =	vst v63  }
0x1d: {  	_ =	swait.ge [sflag:s10], $0x40  }
0x1e: {  	[sflag:s10] =	ssyncset.done $0x0  }
0x1f: {  	[sflag:s10] =	ssyncadd.s32 $0xFFFFFFC0  }
0x20: {  	v3 =	vld [tilespmem:$0x0];
	_ =	sdelay $0x4  }
0x21: {  	v4 =	vshll.u32 v3, $0x2  }
0x22: {  	v3 =	vand.u32 $0x7, v3;
	v4 =	vand.u32 $0xFFFFFFE0, v4  }
0x23: {  	v3 =	vor.u32 v3, v4  }
0x24: {  	v4 =	vperm.xlane v3, v0;
	_ =	sdelay $0x1  }
0x25: {  	v4 =	vadd.s32 v1, v4;
	_ =	sdelay $0x1  }
0x26: {  	v3 =	vperm.xlane v3, v2;
	_ =	sdelay $0x1  }
0x27: {  	v3 =	vadd.s32 v1, v3  }
0x28: {  	[tilespmem:s11], [sflag:$0x1] =	stream.indirect_vreg.gather [hbm4b:s3+s2], $0x80, v4, vm0, $0xb8;
	[tilespmem:$0x10100] =	vst v63  }
0x29: {  	s24 =	simm.s32 $0x900  }
0x2a: {  	[tilespmem:s24], [sflag:$0x1] =	stream.indirect_vreg.gather [hbm4b:s5+s2], $0x80, v4, vm0, $0xb8;
	[tilespmem:$0x10100] =	vst v63  }
0x2b: {  	s23 =	simm.s32 $0x1100  }
0x2c: {  	[tilespmem:s23], [sflag:$0x1] =	stream.indirect_vreg.gather [hbm4b:s3+s2], $0x80, v3, vm0, $0xb8;
	[tilespmem:$0x10100] =	vst v63  }
0x2d: {  	s24 =	simm.s32 $0x1900  }
0x2e: {  	[tilespmem:s24], [sflag:$0x1] =	stream.indirect_vreg.gather [hbm4b:s5+s2], $0x80, v3, vm0, $0xb8;
	[tilespmem:$0x10100] =	vst v63  }
0x2f: {  	v3 =	vld [tilespmem:$0x10];
	_ =	sdelay $0x4  }
0x30: {  	v61 =	vshll.u32 v3, $0x2  }
0x31: {  	v3 =	vand.u32 $0x7, v3;
	v4 =	vand.u32 $0xFFFFFFE0, v61  }
0x32: {  	v3 =	vor.u32 v3, v4  }
0x33: {  	v4 =	vperm.xlane v3, v0;
	_ =	sdelay $0x1  }
0x34: {  	v4 =	vadd.s32 v1, v4;
	_ =	sdelay $0x1  }
0x35: {  	v3 =	vperm.xlane v3, v2;
	_ =	sdelay $0x1  }
0x36: {  	s23 =	simm.s32 $0x2100;
	v3 =	vadd.s32 v1, v3  }
0x37: {  	[tilespmem:s23], [sflag:$0x1] =	stream.indirect_vreg.gather [hbm4b:s3+s2], $0x80, v4, vm0, $0xb8;
	[tilespmem:$0x10100] =	vst v63  }
0x38: {  	s24 =	simm.s32 $0x2900  }
0x39: {  	[tilespmem:s24], [sflag:$0x1] =	stream.indirect_vreg.gather [hbm4b:s5+s2], $0x80, v4, vm0, $0xb8;
	[tilespmem:$0x10100] =	vst v63  }
0x3a: {  	s23 =	simm.s32 $0x3100  }
0x3b: {  	[tilespmem:s23], [sflag:$0x1] =	stream.indirect_vreg.gather [hbm4b:s3+s2], $0x80, v3, vm0, $0xb8;
	[tilespmem:$0x10100] =	vst v63  }
0x3c: {  	s24 =	simm.s32 $0x3900  }
0x3d: {  	[tilespmem:s24], [sflag:$0x1] =	stream.indirect_vreg.gather [hbm4b:s5+s2], $0x80, v3, vm0, $0xb8;
	[tilespmem:$0x10100] =	vst v63  }
0x3e: {  	v3 =	vld [tilespmem:$0x20];
	_ =	sdelay $0x4  }
0x3f: {  	v62 =	vshll.u32 v3, $0x2  }
0x40: {  	v3 =	vand.u32 $0x7, v3;
	v4 =	vand.u32 $0xFFFFFFE0, v62  }
0x41: {  	v3 =	vor.u32 v3, v4  }
0x42: {  	v4 =	vperm.xlane v3, v0;
	_ =	sdelay $0x1  }
0x43: {  	v4 =	vadd.s32 v1, v4;
	_ =	sdelay $0x1  }
0x44: {  	v3 =	vperm.xlane v3, v2;
	_ =	sdelay $0x1  }
0x45: {  	s23 =	simm.s32 $0x4100;
	v3 =	vadd.s32 v1, v3  }
0x46: {  	[tilespmem:s23], [sflag:$0x1] =	stream.indirect_vreg.gather [hbm4b:s3+s2], $0x80, v4, vm0, $0xb8;
	[tilespmem:$0x10100] =	vst v63  }
0x47: {  	s24 =	simm.s32 $0x4900  }
0x48: {  	[tilespmem:s24], [sflag:$0x1] =	stream.indirect_vreg.gather [hbm4b:s5+s2], $0x80, v4, vm0, $0xb8;
	[tilespmem:$0x10100] =	vst v63  }
0x49: {  	s23 =	simm.s32 $0x5100  }
0x4a: {  	[tilespmem:s23], [sflag:$0x1] =	stream.indirect_vreg.gather [hbm4b:s3+s2], $0x80, v3, vm0, $0xb8;
	[tilespmem:$0x10100] =	vst v63  }
0x4b: {  	s24 =	simm.s32 $0x5900  }
0x4c: {  	[tilespmem:s24], [sflag:$0x1] =	stream.indirect_vreg.gather [hbm4b:s5+s2], $0x80, v3, vm0, $0xb8;
	[tilespmem:$0x10100] =	vst v63  }
0x4d: {  	v3 =	vld [tilespmem:$0x30];
	_ =	sdelay $0x4  }
0x4e: {  	v63 =	vshll.u32 v3, $0x2  }
0x4f: {  	v3 =	vand.u32 $0x7, v3;
	v4 =	vand.u32 $0xFFFFFFE0, v63  }
0x50: {  	v3 =	vor.u32 v3, v4  }
0x51: {  	v4 =	vperm.xlane v3, v0;
	_ =	sdelay $0x1  }
0x52: {  	v4 =	vadd.s32 v1, v4;
	_ =	sdelay $0x2  }
0x53: {  	v3 =	vperm.xlane v3, v2  }
0x54: {  	s23 =	simm.s32 $0x6100  }
0x55: {  	v3 =	vadd.s32 v1, v3;
	[tilespmem:s23], [sflag:$0x1] =	stream.indirect_vreg.gather [hbm4b:s3+s2], $0x80, v4, vm0, $0xb8;
	[tilespmem:$0x10100] =	vst v63  }
0x56: {  	s24 =	simm.s32 $0x6900  }
0x57: {  	[tilespmem:s24], [sflag:$0x1] =	stream.indirect_vreg.gather [hbm4b:s5+s2], $0x80, v4, vm0, $0xb8;
	[tilespmem:$0x10100] =	vst v63  }
.Ltmp2:
0x58: {  	_ = 	snop;
	(pc) =	sbr.rel .LBB2_2-.Ltmp2, $4  }
0x59: {  	_ = 	snop  }
0x5a: {  	[tilespmem:s25], [sflag:$0x1] =	stream.indirect_vreg.gather [hbm4b:s3+s2], $0x80, v3, vm0, $0xb8;
	[tilespmem:$0x10100] =	vst v63  }
0x5b: {  	s22 =	rddreg [dreg:$0x4];
	s23 =	simm.s32 $0x0  }
0x5c: {  	[tilespmem:s26], [sflag:$0x1] =	stream.indirect_vreg.gather [hbm4b:s5+s2], $0x80, v3, vm0, $0xb8;
	[tilespmem:$0x10100] =	vst v63  }
.LBB2_4:
0x5d: {  	_ =	swait.ge [sflag:s21], $0x8000;
	s23 =	sadd.s32 $0x10, s23  }
0x5e: {  	[sflag:s21] =	ssyncset.done $0x0;
	p0 =	sne.s32 s23, $0x200  }
.Ltmp3:
0x5f: {  	s24 =	sadd.s32 $0x1000, s22;
	[sflag:s21] =	ssyncadd.s32 $0xFFFF8000;
	(pc) =	sbr.rel @!p0 .LBB2_5-.Ltmp3, $4  }
0x60: {  	[hbm4b:s24+s2] =	stream.linear.scatter [tilespmem:s29], [sflag:$0x3], $0x8000, $0x38;
	[tilespmem:$0x10100] =	vst v63  }
0x61: {  	_ =	swait.ge [sflag:s10], $0x8000  }
0x62: {  	[sflag:s10] =	ssyncset.done $0x0  }
0x63: {  	s22 =	sadd.s32 $0x2000, s22;
	[sflag:s10] =	ssyncadd.s32 $0xFFFF8000  }
.LBB2_2:
0x64: {  	s24 =	sadd.s32 s23, s9  }
0x65: {  	[tilespmem:s28], [sflag:$0x3] =	stream.linear.gather [hbm4b:s24+s2], $0x40, $0x38;
	[tilespmem:$0x10100] =	vst v63  }
0x66: {  	_ =	swait.ge [sflag:s10], $0x40  }
0x67: {  	[sflag:s10] =	ssyncset.done $0x0  }
0x68: {  	[sflag:s10] =	ssyncadd.s32 $0xFFFFFFC0  }
0x69: {  	v3 =	vld [tilespmem:$0x80];
	_ =	sdelay $0x4  }
0x6a: {  	v4 =	vshll.u32 v3, $0x2  }
0x6b: {  	v3 =	vand.u32 $0x7, v3;
	v4 =	vand.u32 $0xFFFFFFE0, v4  }
0x6c: {  	v3 =	vor.u32 v3, v4  }
0x6d: {  	v4 =	vperm.xlane v3, v0;
	_ =	sdelay $0x1  }
0x6e: {  	v4 =	vadd.s32 v1, v4;
	_ =	sdelay $0x1  }
0x6f: {  	v3 =	vperm.xlane v3, v2;
	_ =	sdelay $0x1  }
0x70: {  	v3 =	vadd.s32 v1, v3  }
0x71: {  	[tilespmem:s29], [sflag:$0x2] =	stream.indirect_vreg.gather [hbm4b:s3+s2], $0x80, v4, vm0, $0xb8;
	[tilespmem:$0x10100] =	vst v63  }
0x72: {  	_ = 	snop  }
0x73: {  	[tilespmem:s30], [sflag:$0x2] =	stream.indirect_vreg.gather [hbm4b:s5+s2], $0x80, v4, vm0, $0xb8;
	[tilespmem:$0x10100] =	vst v63  }
0x74: {  	_ = 	snop  }
0x75: {  	[tilespmem:s31], [sflag:$0x2] =	stream.indirect_vreg.gather [hbm4b:s3+s2], $0x80, v3, vm0, $0xb8;
	[tilespmem:$0x10100] =	vst v63  }
0x76: {  	_ = 	snop  }
0x77: {  	[tilespmem:s0], [sflag:$0x2] =	stream.indirect_vreg.gather [hbm4b:s5+s2], $0x80, v3, vm0, $0xb8;
	[tilespmem:$0x10100] =	vst v63  }
0x78: {  	v3 =	vld [tilespmem:$0x90];
	_ =	sdelay $0x4  }
0x79: {  	v61 =	vshll.u32 v3, $0x2  }
0x7a: {  	v3 =	vand.u32 $0x7, v3;
	v4 =	vand.u32 $0xFFFFFFE0, v61  }
0x7b: {  	v3 =	vor.u32 v3, v4  }
0x7c: {  	v4 =	vperm.xlane v3, v0;
	_ =	sdelay $0x1  }
0x7d: {  	v4 =	vadd.s32 v1, v4;
	_ =	sdelay $0x1  }
0x7e: {  	v3 =	vperm.xlane v3, v2;
	_ =	sdelay $0x1  }
0x7f: {  	v3 =	vadd.s32 v1, v3  }
0x80: {  	[tilespmem:s1], [sflag:$0x2] =	stream.indirect_vreg.gather [hbm4b:s3+s2], $0x80, v4, vm0, $0xb8;
	[tilespmem:$0x10100] =	vst v63  }
0x81: {  	_ = 	snop  }
0x82: {  	[tilespmem:s4], [sflag:$0x2] =	stream.indirect_vreg.gather [hbm4b:s5+s2], $0x80, v4, vm0, $0xb8;
	[tilespmem:$0x10100] =	vst v63  }
0x83: {  	_ = 	snop  }
0x84: {  	[tilespmem:s6], [sflag:$0x2] =	stream.indirect_vreg.gather [hbm4b:s3+s2], $0x80, v3, vm0, $0xb8;
	[tilespmem:$0x10100] =	vst v63  }
0x85: {  	_ = 	snop  }
0x86: {  	[tilespmem:s8], [sflag:$0x2] =	stream.indirect_vreg.gather [hbm4b:s5+s2], $0x80, v3, vm0, $0xb8;
	[tilespmem:$0x10100] =	vst v63  }
0x87: {  	v3 =	vld [tilespmem:$0xA0];
	_ =	sdelay $0x4  }
0x88: {  	v62 =	vshll.u32 v3, $0x2  }
0x89: {  	v3 =	vand.u32 $0x7, v3;
	v4 =	vand.u32 $0xFFFFFFE0, v62  }
0x8a: {  	v3 =	vor.u32 v3, v4  }
0x8b: {  	v4 =	vperm.xlane v3, v0;
	_ =	sdelay $0x1  }
0x8c: {  	v4 =	vadd.s32 v1, v4;
	_ =	sdelay $0x1  }
0x8d: {  	v3 =	vperm.xlane v3, v2;
	_ =	sdelay $0x1  }
0x8e: {  	v3 =	vadd.s32 v1, v3  }
0x8f: {  	[tilespmem:s12], [sflag:$0x2] =	stream.indirect_vreg.gather [hbm4b:s3+s2], $0x80, v4, vm0, $0xb8;
	[tilespmem:$0x10100] =	vst v63  }
0x90: {  	_ = 	snop  }
0x91: {  	[tilespmem:s13], [sflag:$0x2] =	stream.indirect_vreg.gather [hbm4b:s5+s2], $0x80, v4, vm0, $0xb8;
	[tilespmem:$0x10100] =	vst v63  }
0x92: {  	_ = 	snop  }
0x93: {  	[tilespmem:s14], [sflag:$0x2] =	stream.indirect_vreg.gather [hbm4b:s3+s2], $0x80, v3, vm0, $0xb8;
	[tilespmem:$0x10100] =	vst v63  }
0x94: {  	_ = 	snop  }
0x95: {  	[tilespmem:s15], [sflag:$0x2] =	stream.indirect_vreg.gather [hbm4b:s5+s2], $0x80, v3, vm0, $0xb8;
	[tilespmem:$0x10100] =	vst v63  }
0x96: {  	v3 =	vld [tilespmem:$0xB0];
	_ =	sdelay $0x4  }
0x97: {  	v63 =	vshll.u32 v3, $0x2  }
0x98: {  	v3 =	vand.u32 $0x7, v3;
	v4 =	vand.u32 $0xFFFFFFE0, v63  }
0x99: {  	v3 =	vor.u32 v3, v4  }
0x9a: {  	v4 =	vperm.xlane v3, v0;
	_ =	sdelay $0x1  }
0x9b: {  	v4 =	vadd.s32 v1, v4;
	_ =	sdelay $0x1  }
0x9c: {  	v3 =	vperm.xlane v3, v2;
	_ =	sdelay $0x1  }
0x9d: {  	v3 =	vadd.s32 v1, v3  }
0x9e: {  	[tilespmem:s16], [sflag:$0x2] =	stream.indirect_vreg.gather [hbm4b:s3+s2], $0x80, v4, vm0, $0xb8;
	[tilespmem:$0x10100] =	vst v63  }
0x9f: {  	_ = 	snop  }
0xa0: {  	[tilespmem:s17], [sflag:$0x2] =	stream.indirect_vreg.gather [hbm4b:s5+s2], $0x80, v4, vm0, $0xb8;
	[tilespmem:$0x10100] =	vst v63  }
0xa1: {  	_ = 	snop  }
0xa2: {  	[tilespmem:s18], [sflag:$0x2] =	stream.indirect_vreg.gather [hbm4b:s3+s2], $0x80, v3, vm0, $0xb8;
	[tilespmem:$0x10100] =	vst v63  }
0xa3: {  	_ = 	snop  }
0xa4: {  	[tilespmem:s19], [sflag:$0x2] =	stream.indirect_vreg.gather [hbm4b:s5+s2], $0x80, v3, vm0, $0xb8;
	[tilespmem:$0x10100] =	vst v63  }
0xa5: {  	_ =	swait.ge [sflag:s20], $0x8000  }
0xa6: {  	p0 =	seq.s32 s23, $0x1F0;
	[sflag:s20] =	ssyncset.done $0x0  }
.Ltmp4:
0xa7: {  	[sflag:s20] =	ssyncadd.s32 $0xFFFF8000;
	(pc) =	sbr.rel @p0 .LBB2_4-.Ltmp4, $4  }
0xa8: {  	[hbm4b:s22+s2] =	stream.linear.scatter [tilespmem:s11], [sflag:$0x3], $0x8000, $0x38;
	[tilespmem:$0x10100] =	vst v63  }
0xa9: {  	_ =	swait.ge [sflag:s10], $0x8000  }
0xaa: {  	[sflag:s10] =	ssyncset.done $0x0  }
0xab: {  	[sflag:s10] =	ssyncadd.s32 $0xFFFF8000  }
0xac: {  	s24 =	sadd.s32 s23, s7  }
0xad: {  	[tilespmem:s2], [sflag:$0x3] =	stream.linear.gather [hbm4b:s24+s2], $0x40, $0x38;
	[tilespmem:$0x10100] =	vst v63  }
0xae: {  	_ =	swait.ge [sflag:s10], $0x40  }
0xaf: {  	[sflag:s10] =	ssyncset.done $0x0  }
0xb0: {  	[sflag:s10] =	ssyncadd.s32 $0xFFFFFFC0  }
0xb1: {  	v3 =	vld [tilespmem:$0x0];
	_ =	sdelay $0x4  }
0xb2: {  	v4 =	vshll.u32 v3, $0x2  }
0xb3: {  	v3 =	vand.u32 $0x7, v3;
	v4 =	vand.u32 $0xFFFFFFE0, v4  }
0xb4: {  	v3 =	vor.u32 v3, v4  }
0xb5: {  	v4 =	vperm.xlane v3, v0;
	_ =	sdelay $0x1  }
0xb6: {  	v4 =	vadd.s32 v1, v4;
	_ =	sdelay $0x1  }
0xb7: {  	v3 =	vperm.xlane v3, v2;
	_ =	sdelay $0x1  }
0xb8: {  	v3 =	vadd.s32 v1, v3  }
0xb9: {  	[tilespmem:s11], [sflag:$0x1] =	stream.indirect_vreg.gather [hbm4b:s3+s2], $0x80, v4, vm0, $0xb8;
	[tilespmem:$0x10100] =	vst v63  }
0xba: {  	s24 =	simm.s32 $0x900  }
0xbb: {  	[tilespmem:s24], [sflag:$0x1] =	stream.indirect_vreg.gather [hbm4b:s5+s2], $0x80, v4, vm0, $0xb8;
	[tilespmem:$0x10100] =	vst v63  }
0xbc: {  	s24 =	simm.s32 $0x1100  }
0xbd: {  	[tilespmem:s24], [sflag:$0x1] =	stream.indirect_vreg.gather [hbm4b:s3+s2], $0x80, v3, vm0, $0xb8;
	[tilespmem:$0x10100] =	vst v63  }
0xbe: {  	s24 =	simm.s32 $0x1900  }
0xbf: {  	[tilespmem:s24], [sflag:$0x1] =	stream.indirect_vreg.gather [hbm4b:s5+s2], $0x80, v3, vm0, $0xb8;
	[tilespmem:$0x10100] =	vst v63  }
0xc0: {  	v3 =	vld [tilespmem:$0x10];
	_ =	sdelay $0x4  }
0xc1: {  	v61 =	vshll.u32 v3, $0x2  }
0xc2: {  	v3 =	vand.u32 $0x7, v3;
	v4 =	vand.u32 $0xFFFFFFE0, v61  }
0xc3: {  	v3 =	vor.u32 v3, v4  }
0xc4: {  	v4 =	vperm.xlane v3, v0;
	_ =	sdelay $0x1  }
0xc5: {  	v4 =	vadd.s32 v1, v4;
	_ =	sdelay $0x1  }
0xc6: {  	v3 =	vperm.xlane v3, v2;
	_ =	sdelay $0x1  }
0xc7: {  	s24 =	simm.s32 $0x2100;
	v3 =	vadd.s32 v1, v3  }
0xc8: {  	[tilespmem:s24], [sflag:$0x1] =	stream.indirect_vreg.gather [hbm4b:s3+s2], $0x80, v4, vm0, $0xb8;
	[tilespmem:$0x10100] =	vst v63  }
0xc9: {  	s24 =	simm.s32 $0x2900  }
0xca: {  	[tilespmem:s24], [sflag:$0x1] =	stream.indirect_vreg.gather [hbm4b:s5+s2], $0x80, v4, vm0, $0xb8;
	[tilespmem:$0x10100] =	vst v63  }
0xcb: {  	s24 =	simm.s32 $0x3100  }
0xcc: {  	[tilespmem:s24], [sflag:$0x1] =	stream.indirect_vreg.gather [hbm4b:s3+s2], $0x80, v3, vm0, $0xb8;
	[tilespmem:$0x10100] =	vst v63  }
0xcd: {  	s24 =	simm.s32 $0x3900  }
0xce: {  	[tilespmem:s24], [sflag:$0x1] =	stream.indirect_vreg.gather [hbm4b:s5+s2], $0x80, v3, vm0, $0xb8;
	[tilespmem:$0x10100] =	vst v63  }
0xcf: {  	v3 =	vld [tilespmem:$0x20];
	_ =	sdelay $0x4  }
0xd0: {  	v62 =	vshll.u32 v3, $0x2  }
0xd1: {  	v3 =	vand.u32 $0x7, v3;
	v4 =	vand.u32 $0xFFFFFFE0, v62  }
0xd2: {  	v3 =	vor.u32 v3, v4  }
0xd3: {  	v4 =	vperm.xlane v3, v0;
	_ =	sdelay $0x1  }
0xd4: {  	v4 =	vadd.s32 v1, v4;
	_ =	sdelay $0x1  }
0xd5: {  	v3 =	vperm.xlane v3, v2;
	_ =	sdelay $0x1  }
0xd6: {  	s24 =	simm.s32 $0x4100;
	v3 =	vadd.s32 v1, v3  }
0xd7: {  	[tilespmem:s24], [sflag:$0x1] =	stream.indirect_vreg.gather [hbm4b:s3+s2], $0x80, v4, vm0, $0xb8;
	[tilespmem:$0x10100] =	vst v63  }
0xd8: {  	s24 =	simm.s32 $0x4900  }
0xd9: {  	[tilespmem:s24], [sflag:$0x1] =	stream.indirect_vreg.gather [hbm4b:s5+s2], $0x80, v4, vm0, $0xb8;
	[tilespmem:$0x10100] =	vst v63  }
0xda: {  	s24 =	simm.s32 $0x5100  }
0xdb: {  	[tilespmem:s24], [sflag:$0x1] =	stream.indirect_vreg.gather [hbm4b:s3+s2], $0x80, v3, vm0, $0xb8;
	[tilespmem:$0x10100] =	vst v63  }
0xdc: {  	s24 =	simm.s32 $0x5900  }
0xdd: {  	[tilespmem:s24], [sflag:$0x1] =	stream.indirect_vreg.gather [hbm4b:s5+s2], $0x80, v3, vm0, $0xb8;
	[tilespmem:$0x10100] =	vst v63  }
0xde: {  	v3 =	vld [tilespmem:$0x30];
	_ =	sdelay $0x4  }
0xdf: {  	v63 =	vshll.u32 v3, $0x2  }
0xe0: {  	v3 =	vand.u32 $0x7, v3;
	v4 =	vand.u32 $0xFFFFFFE0, v63  }
0xe1: {  	v3 =	vor.u32 v3, v4  }
0xe2: {  	v4 =	vperm.xlane v3, v0;
	_ =	sdelay $0x1  }
0xe3: {  	v4 =	vadd.s32 v1, v4;
	_ =	sdelay $0x2  }
0xe4: {  	v3 =	vperm.xlane v3, v2  }
0xe5: {  	s24 =	simm.s32 $0x6100  }
0xe6: {  	v3 =	vadd.s32 v1, v3;
	[tilespmem:s24], [sflag:$0x1] =	stream.indirect_vreg.gather [hbm4b:s3+s2], $0x80, v4, vm0, $0xb8;
	[tilespmem:$0x10100] =	vst v63  }
0xe7: {  	s24 =	simm.s32 $0x6900  }
0xe8: {  	[tilespmem:s24], [sflag:$0x1] =	stream.indirect_vreg.gather [hbm4b:s5+s2], $0x80, v4, vm0, $0xb8;
	[tilespmem:$0x10100] =	vst v63  }
.Ltmp5:
0xe9: {  	_ = 	snop;
	(pc) =	sbr.rel .LBB2_4-.Ltmp5, $4  }
0xea: {  	_ = 	snop  }
0xeb: {  	[tilespmem:s25], [sflag:$0x1] =	stream.indirect_vreg.gather [hbm4b:s3+s2], $0x80, v3, vm0, $0xb8;
	[tilespmem:$0x10100] =	vst v63  }
0xec: {  	_ = 	snop  }
0xed: {  	[tilespmem:s26], [sflag:$0x1] =	stream.indirect_vreg.gather [hbm4b:s5+s2], $0x80, v3, vm0, $0xb8;
	[tilespmem:$0x10100] =	vst v63  }
.LBB2_6:
0xee: {  	_ =	sfence.sel $0x180000  }
0xef: {  	[bflag:$0x0] =	sbarrier.arrive $0xFFFF  }
0xf0: {  	_ =	strace $0x9000004D  }
0xf1: {  	s0 =	stileid.u32;
	[bflag:$0x2] =	sbarrier.arrive $0xFFFF  }
0xf2: {  	p0 =	sne.s32 s0, $0x0;
	s0 =	rddreg [dreg:$0x1]  }
0xf3: {  	s0 =	sadd.s32 @!p0 $0x100000, s0  }
0xf4: {  	[sflag:s0] =	ssyncadd.tile.s32 @!p0 $0x1;
	_ =	shalt  }
.Lfunc_end2:
_tile_overlayer_lowered:
.L_overlay_start_2:
0xf5: {  	(tag) =	ssettag $0x2  }
0xf6: {  	s0 =	rddreg [dreg:$0x0];
	s2 =	stileid.u32  }
0xf7: {  	s1 =	rddreg [dreg:$0x1];
	p0 =	sne.s32 s2, $0x0  }
0xf8: {  	s3 =	rddreg [dreg:$0x2];
	[bflag:$0x3] =	sbarrier.arrive $0xFFFF;
	s2 =	simm.s32 @!p0 $0x1C03  }
0xf9: {  	[timem:s3], [sflag:s2] =	dma.local @!p0 [hbm:s0], s1  }
0xfa: {  	s0 =	simm.s32 @!p0 $0x3  }
0xfb: {  	_ =	swait.ge @!p0 [sflag:s0], s1  }
0xfc: {  	s1 =	ssub.s32 @!p0 $0x0, s1;
	[sflag:s0] =	ssyncset.done @!p0 $0x0  }
0xfd: {  	[sflag:s0] =	ssyncadd.s32 @!p0 s1  }
0xfe: {  	[bflag:$0x3] =	sbarrier.arrive $0xFFFF  }
0xff: {  	_ =	shalt  }

</sc_bundles>
